<compile_context>
chip_gen: v7x
topology: tpu7x:2x2x1
jax: 0.10.2.dev20260603
libtpu: 0.0.44.dev20260713+nightly
codegen_flags: <defaults>
</compile_context>

<pallas_src>
import functools

import jax
import jax.numpy as jnp
from jax import lax
from jax.experimental import pallas as pl
from jax.experimental.pallas import tpu as pltpu
from jax.experimental.pallas import tpu_sc as plsc

N = 10000
E = 320000
NC = 2
NS = 16
NW = NC * NS
EPW = E // NW
K = 100
CH = EPW // K
RPT = N // NS


def _make_segsum(D, NB, const_table=False):
  mesh = plsc.VectorSubcoreMesh(core_axis_name="c", subcore_axis_name="s",
                                num_cores=NC, num_subcores=NS)

  @functools.partial(
      pl.kernel,
      out_type=jax.ShapeDtypeStruct((NC, N, D), jnp.float32),
      mesh=mesh,
      scratch_types=[
          pltpu.VMEM((CH, K), jnp.int32),
          pltpu.VMEM((CH, K), jnp.int32),
          [pltpu.VMEM((K, D), jnp.float32) for _ in range(NB)],
          pltpu.VMEM_SHARED((N, D), jnp.float32),
          [pltpu.SemaphoreType.DMA for _ in range(NB)],
      ],
      compiler_params=pltpu.CompilerParams(use_tc_tiling_on_sc=False),
  )
  def seg(table, gidx, sidx, zeros, out, gbuf, sbuf, rows, acc, sems):
    c = lax.axis_index("c")
    s = lax.axis_index("s")
    w = c * NS + s
    pltpu.sync_copy(gidx.at[w], gbuf)
    pltpu.sync_copy(sidx.at[w], sbuf)
    if const_table:
      pltpu.async_copy(table.at[gbuf.at[0]], rows[0], sems[0])
    else:
      for b in range(NB):
        pltpu.async_copy(table.at[gbuf.at[b]], rows[b], sems[b])
    pltpu.sync_copy(zeros, acc.at[pl.ds(s * RPT, RPT)])
    plsc.subcore_barrier()

    if const_table:
      pltpu.make_async_copy(table.at[gbuf.at[0]], rows[0], sems[0]).wait()

      def body(i, carry):
        j0 = i * NB
        for b in range(NB):
          pltpu.async_copy(rows[0], acc.at[sbuf.at[j0 + b]], sems[1], add=True)
        for b in range(NB):
          pltpu.make_async_copy(rows[0], acc.at[sbuf.at[j0]], sems[1]).wait()
        return carry

      lax.fori_loop(0, CH // NB, body, 0)
    else:
      def body(i, carry):
        j0 = i * NB
        for b in range(NB):
          j = j0 + b
          pltpu.make_async_copy(table.at[gbuf.at[j]], rows[b], sems[b]).wait()
          pltpu.sync_copy(rows[b], acc.at[sbuf.at[j]], add=True)
          pltpu.async_copy(table.at[gbuf.at[j + NB]], rows[b], sems[b])
        return carry

      lax.fori_loop(0, CH // NB - 1, body, 0)
      for b in range(NB):
        j = CH - NB + b
        pltpu.make_async_copy(table.at[gbuf.at[j]], rows[b], sems[b]).wait()
        pltpu.sync_copy(rows[b], acc.at[sbuf.at[j]], add=True)

    plsc.subcore_barrier()
    pltpu.sync_copy(acc.at[pl.ds(s * RPT, RPT)],
                    out.at[c].at[pl.ds(s * RPT, RPT)])

  return seg


_segsum128 = _make_segsum(128, NB=2)
_segsum8 = _make_segsum(8, NB=10)
_segsum8_ones = _make_segsum(8, NB=10, const_table=True)




R = 1000
G = N // R


def _dinv_block(deg_ref):
  d = deg_ref[0][:, 0:1] + deg_ref[1][:, 0:1] + 1.0
  return lax.rsqrt(jnp.maximum(d, 1e-12))


def _tc1_body(f_ref, w_ref, deg_ref, out_ref):
  dinv = _dinv_block(deg_ref)
  out_ref[...] = jnp.dot(f_ref[...], w_ref[...],
                         preferred_element_type=jnp.float32) * dinv


def _tc2_body(q_ref, p_ref, deg_ref, b_ref, w_ref, out_ref):
  dinv = _dinv_block(deg_ref)
  q = q_ref[0] + q_ref[1] + p_ref[...]
  x1 = jnp.maximum(q * dinv + b_ref[...], 0.0)
  out_ref[...] = jnp.dot(x1, w_ref[...],
                         preferred_element_type=jnp.float32) * dinv


def _tc3_body(q_ref, p_ref, deg_ref, b2_ref, w3_ref, b3_ref, w4_ref, b4_ref,
              a8_ref, gf_ref):
  i = pl.program_id(0)
  dinv = _dinv_block(deg_ref)
  nf2 = (q_ref[0] + q_ref[1] + p_ref[...]) * dinv + b2_ref[...]
  t = jnp.tanh(jnp.dot(nf2, w3_ref[...],
                       preferred_element_type=jnp.float32) + b3_ref[...])
  l8 = jnp.dot(t, w4_ref[...], preferred_element_type=jnp.float32) + b4_ref[...]
  m = jnp.max(l8, axis=1, keepdims=True)
  e = jnp.exp(l8 - m)
  a8 = e / jnp.sum(e, axis=1, keepdims=True)
  a8_ref[...] = a8
  contrib = lax.dot_general(a8, nf2, (((0,), (0,)), ((), ())))

  @pl.when(i == 0)
  def _():
    gf_ref[...] = contrib

  @pl.when(i > 0)
  def _():
    gf_ref[...] += contrib


def _tc4_body(a8_ref, m8_ref, gf_ref, ge_ref, po_ref, ne_ref, pen_ref, acc_ref):
  i = pl.program_id(0)

  @pl.when(i == 0)
  def _():
    acc_ref[...] = jnp.zeros((8, 8), jnp.float32)

  msum = m8_ref[0] + m8_ref[1]
  acc_ref[...] += lax.dot_general(a8_ref[...], msum, (((0,), (0,)), ((), ())))

  @pl.when(i == G - 1)
  def _():
    na = acc_ref[...]
    gf = gf_ref[...]
    ge_ref[...] = (gf[0:1] + gf[1:2]) * 0.5
    po_ref[...] = jnp.clip(gf[0:1], -100.0, 100.0)
    ne_ref[...] = jnp.clip(gf[1:2], -100.0, 100.0)
    rn = jnp.maximum(jnp.sum(jnp.abs(na), axis=1, keepdims=True), 1e-12)
    rows_i = lax.broadcasted_iota(jnp.int32, (8, 8), 0)
    cols_i = lax.broadcasted_iota(jnp.int32, (8, 8), 1)
    nd = jnp.sum(jnp.where(rows_i == cols_i, na / rn, 0.0),
                 axis=1, keepdims=True)
    sq = jnp.where(lax.broadcasted_iota(jnp.int32, (8, 1), 0) < 2,
                   (nd - 1.0) ** 2, 0.0)
    pen_ref[...] = (jnp.sum(sq) * 0.5)[None, None]


def _f32(*shape):
  return jax.ShapeDtypeStruct(shape, jnp.float32)


def kernel(features, edges, W1, b1, W2, b2, W3, b3, W4, b4):
  src = edges[0].reshape(NW, CH, K)
  dst = edges[1].reshape(NW, CH, K)
  ones_tbl = jnp.ones((N, 8), jnp.float32)
  zeros8 = jnp.zeros((RPT, 8), jnp.float32)
  zeros128 = jnp.zeros((RPT, 128), jnp.float32)
  b1r = b1.reshape(1, 128)
  b2r = b2.reshape(1, 128)
  b3r = b3.reshape(1, 64)
  w4p = jnp.concatenate([W4, jnp.zeros((64, 6), jnp.float32)], axis=1)
  b4p = jnp.concatenate([b4, jnp.full((6,), -1e30, jnp.float32)]).reshape(1, 8)

  deg8 = _segsum8_ones(ones_tbl, src, dst, zeros8)

  p1 = pl.pallas_call(
      _tc1_body,
      grid=(G,),
      in_specs=[
          pl.BlockSpec((R, 128), lambda i: (i, 0)),
          pl.BlockSpec((128, 128), lambda i: (0, 0)),
          pl.BlockSpec((2, R, 8), lambda i: (0, i, 0)),
      ],
      out_specs=pl.BlockSpec((R, 128), lambda i: (i, 0)),
      out_shape=_f32(N, 128),
  )(features, W1, deg8)

  q1 = _segsum128(p1, src, dst, zeros128)

  p2 = pl.pallas_call(
      _tc2_body,
      grid=(G,),
      in_specs=[
          pl.BlockSpec((2, R, 128), lambda i: (0, i, 0)),
          pl.BlockSpec((R, 128), lambda i: (i, 0)),
          pl.BlockSpec((2, R, 8), lambda i: (0, i, 0)),
          pl.BlockSpec((1, 128), lambda i: (0, 0)),
          pl.BlockSpec((128, 128), lambda i: (0, 0)),
      ],
      out_specs=pl.BlockSpec((R, 128), lambda i: (i, 0)),
      out_shape=_f32(N, 128),
  )(q1, p1, deg8, b1r, W2)

  q2 = _segsum128(p2, src, dst, zeros128)

  a8, gf8 = pl.pallas_call(
      _tc3_body,
      grid=(G,),
      in_specs=[
          pl.BlockSpec((2, R, 128), lambda i: (0, i, 0)),
          pl.BlockSpec((R, 128), lambda i: (i, 0)),
          pl.BlockSpec((2, R, 8), lambda i: (0, i, 0)),
          pl.BlockSpec((1, 128), lambda i: (0, 0)),
          pl.BlockSpec((128, 64), lambda i: (0, 0)),
          pl.BlockSpec((1, 64), lambda i: (0, 0)),
          pl.BlockSpec((64, 8), lambda i: (0, 0)),
          pl.BlockSpec((1, 8), lambda i: (0, 0)),
      ],
      out_specs=[
          pl.BlockSpec((R, 8), lambda i: (i, 0)),
          pl.BlockSpec((8, 128), lambda i: (0, 0)),
      ],
      out_shape=[_f32(N, 8), _f32(8, 128)],
  )(q2, p2, deg8, b2r, W3, b3r, w4p, b4p)

  m8 = _segsum8(a8, dst, src, zeros8)

  ge, po, ne, pen = pl.pallas_call(
      _tc4_body,
      grid=(G,),
      in_specs=[
          pl.BlockSpec((R, 8), lambda i: (i, 0)),
          pl.BlockSpec((2, R, 8), lambda i: (0, i, 0)),
          pl.BlockSpec((8, 128), lambda i: (0, 0)),
      ],
      out_specs=[
          pl.BlockSpec((1, 128), lambda i: (0, 0)),
          pl.BlockSpec((1, 128), lambda i: (0, 0)),
          pl.BlockSpec((1, 128), lambda i: (0, 0)),
          pl.BlockSpec((1, 1), lambda i: (0, 0)),
      ],
      out_shape=[_f32(1, 128), _f32(1, 128), _f32(1, 128), _f32(1, 1)],
      scratch_shapes=[pltpu.VMEM((8, 8), jnp.float32)],
  )(a8, m8, gf8)

  return ge, po, ne, pen[0, 0]

# --- scband reference (transcript-rebuilt; emitter-appended) ---
"""Pipeline reference for scband-gib-33809982554184 (READ-ONLY COPY).

The authoritative reference and input builder live on the scoring server;
editing this copy changes nothing except your own understanding.
"""

import jax, jax.numpy as jnp
import numpy as np

N = 10000
E = 320000
D_IN = 128
D1 = 128
D2 = 128
H1 = 64
H2 = 2


def setup_inputs(seed: int = 0) -> dict:
    key = jax.random.key(seed)
    ks = jax.random.split(key, 12)
    features = jax.random.normal(ks[0], (N, D_IN), dtype=jnp.float32)
    edges = jax.random.randint(ks[1], (2, E), 0, N, dtype=jnp.int32)
    W1 = jax.random.normal(ks[2], (D_IN, D1), dtype=jnp.float32) * (1.0 / np.sqrt(D_IN))
    b1 = jnp.zeros((D1,), dtype=jnp.float32)
    W2 = jax.random.normal(ks[3], (D1, D2), dtype=jnp.float32) * (1.0 / np.sqrt(D1))
    b2 = jnp.zeros((D2,), dtype=jnp.float32)
    W3 = jax.random.normal(ks[4], (D2, H1), dtype=jnp.float32) * (1.0 / np.sqrt(D2))
    b3 = jnp.zeros((H1,), dtype=jnp.float32)
    W4 = jax.random.normal(ks[5], (H1, H2), dtype=jnp.float32) * (1.0 / np.sqrt(H1))
    b4 = jnp.zeros((H2,), dtype=jnp.float32)
    return {"features": features, "edges": edges, "W1": W1, "b1": b1, "W2": W2, "b2": b2, "W3": W3, "b3": b3, "W4": W4, "b4": b4}


def gcn_conv(x, src, dst, W, b, num_nodes):
    # PyG GCNConv: add self loops, symmetric deg^{-1/2} normalization
    loop = jnp.arange(num_nodes, dtype=src.dtype)
    s = jnp.concatenate([src, loop])
    d = jnp.concatenate([dst, loop])
    deg = jax.ops.segment_sum(jnp.ones(s.shape, dtype=x.dtype), d, num_segments=num_nodes)
    dinv = jax.lax.rsqrt(jnp.maximum(deg, 1e-12))
    h = x @ W
    norm = dinv[s] * dinv[d]
    msg = h[s] * norm[:, None]
    out = jax.ops.segment_sum(msg, d, num_segments=num_nodes)
    return out + b


def reference(features, edges, W1, b1, W2, b2, W3, b3, W4, b4):
    src = edges[0]
    dst = edges[1]
    node_features_1 = jax.nn.relu(gcn_conv(features, src, dst, W1, b1, N))
    node_features_2 = gcn_conv(node_features_1, src, dst, W2, b2, N)
    abstract_features_1 = jnp.tanh(node_features_2 @ W3 + b3)
    assignment = jax.nn.softmax(abstract_features_1 @ W4 + b4, axis=1)
    group_features = assignment.T @ node_features_2
    EYE = jnp.ones((2,), dtype=jnp.float32)
    Adj = jnp.zeros((N, N), dtype=jnp.float32).at[src, dst].add(1.0)
    new_adj = assignment.T @ Adj
    new_adj = new_adj @ assignment
    positive = jnp.clip(group_features[0][None, :], -100.0, 100.0)
    negative = jnp.clip(group_features[1][None, :], -100.0, 100.0)
    row_norm = jnp.maximum(jnp.sum(jnp.abs(new_adj), axis=1, keepdims=True), 1e-12)
    normalize_new_adj = new_adj / row_norm
    norm_diag = jnp.diagonal(normalize_new_adj)
    pos_penalty = jnp.mean((norm_diag - EYE) ** 2)
    graph_embedding = assignment.T @ node_features_2
    graph_embedding = jnp.mean(graph_embedding, axis=0, keepdims=True)
    return (graph_embedding, positive, negative, pos_penalty)

if __name__ == "__main__":
    import jax
    _d = setup_inputs()
    print(jax.jit(kernel)(*tuple(_d.values())))

</pallas_src>

<mosaic_0001>
#map = affine_map<(d0, d1) -> (0, 0)>
#map1 = affine_map<(d0, d1) -> (0, 0, 0)>
module attributes {stable_mosaic.version = 14 : i64} {
  func.func @seg(%arg0: i32, %arg1: i32, %arg2: memref<10000x8xf32, #tpu.memory_space<hbm>>, %arg3: memref<32x100x100xi32, #tpu.memory_space<hbm>>, %arg4: memref<32x100x100xi32, #tpu.memory_space<hbm>>, %arg5: memref<625x8xf32, #tpu.memory_space<hbm>>, %arg6: memref<2x10000x8xf32, #tpu.memory_space<hbm>>, %arg7: memref<100x100xi32, #tpu.memory_space<vmem>>, %arg8: memref<100x100xi32, #tpu.memory_space<vmem>>, %arg9: memref<100x8xf32, #tpu.memory_space<vmem>>, %arg10: memref<100x8xf32, #tpu.memory_space<vmem>>, %arg11: memref<100x8xf32, #tpu.memory_space<vmem>>, %arg12: memref<100x8xf32, #tpu.memory_space<vmem>>, %arg13: memref<100x8xf32, #tpu.memory_space<vmem>>, %arg14: memref<100x8xf32, #tpu.memory_space<vmem>>, %arg15: memref<100x8xf32, #tpu.memory_space<vmem>>, %arg16: memref<100x8xf32, #tpu.memory_space<vmem>>, %arg17: memref<100x8xf32, #tpu.memory_space<vmem>>, %arg18: memref<100x8xf32, #tpu.memory_space<vmem>>, %arg19: memref<10000x8xf32, #tpu.memory_space<vmem_shared>>, %arg20: memref<!tpu.dma_semaphore, #tpu.memory_space<semaphore_mem>>, %arg21: memref<!tpu.dma_semaphore, #tpu.memory_space<semaphore_mem>>, %arg22: memref<!tpu.dma_semaphore, #tpu.memory_space<semaphore_mem>>, %arg23: memref<!tpu.dma_semaphore, #tpu.memory_space<semaphore_mem>>, %arg24: memref<!tpu.dma_semaphore, #tpu.memory_space<semaphore_mem>>, %arg25: memref<!tpu.dma_semaphore, #tpu.memory_space<semaphore_mem>>, %arg26: memref<!tpu.dma_semaphore, #tpu.memory_space<semaphore_mem>>, %arg27: memref<!tpu.dma_semaphore, #tpu.memory_space<semaphore_mem>>, %arg28: memref<!tpu.dma_semaphore, #tpu.memory_space<semaphore_mem>>, %arg29: memref<!tpu.dma_semaphore, #tpu.memory_space<semaphore_mem>>) attributes {dimension_semantics = [#tpu.dimension_semantics<core_parallel>, #tpu.dimension_semantics<subcore_parallel>], iteration_bounds = array<i64: 2, 16>, scalar_prefetch = 0 : i64, scratch_operands = 23 : i64, tpu.core_type = #tpu.core_type<sc_vector_subcore>, window_params = [{transform_indices = #map}, {transform_indices = #map1}, {transform_indices = #map1}, {transform_indices = #map}, {transform_indices = #map1}]} {
    %mul3A = arith.constant 16 : i32
    %mul3A_0 = arith.muli %arg0, %mul3A : i32
    %add3A = arith.addi %mul3A_0, %arg1 : i32
    "tpu.region"() ({
      %run_scoped3A = tpu.sem_alloc : memref<!tpu.dma_semaphore, #tpu.memory_space<semaphore_mem>>
      %dma_start3A_25 = arith.constant 0 : i32
      %dma_start3A_26 = arith.constant 0 : i32
      %dma_start3A_27 = tpu.memref_slice %arg3[%add3A, %dma_start3A_25, %dma_start3A_26] : memref<32x100x100xi32, #tpu.memory_space<hbm>> -> memref<1x100x100xi32, #tpu.memory_space<hbm>>
      %dma_start3A_28 = tpu.memref_squeeze %dma_start3A_27 : memref<1x100x100xi32, #tpu.memory_space<hbm>> -> memref<100x100xi32, #tpu.memory_space<hbm>>
      %dma_start3A_29 = arith.constant 0 : i32
      %dma_start3A_30 = arith.constant 0 : i32
      %dma_start3A_31 = tpu.memref_slice %arg3[%add3A, %dma_start3A_29, %dma_start3A_30] : memref<32x100x100xi32, #tpu.memory_space<hbm>> -> memref<1x100x100xi32, #tpu.memory_space<hbm>>
      %dma_start3A_32 = tpu.memref_squeeze %dma_start3A_31 : memref<1x100x100xi32, #tpu.memory_space<hbm>> -> memref<100x100xi32, #tpu.memory_space<hbm>>
      tpu.enqueue_dma source(%dma_start3A_32 : memref<100x100xi32, #tpu.memory_space<hbm>>) target(%arg7 : memref<100x100xi32, #tpu.memory_space<vmem>>) target_semaphore(%run_scoped3A : memref<!tpu.dma_semaphore, #tpu.memory_space<semaphore_mem>>)
      %dma_wait3A_33 = arith.constant 0 : i32
      %dma_wait3A_34 = arith.constant 0 : i32
      %dma_wait3A_35 = tpu.memref_slice %arg3[%add3A, %dma_wait3A_33, %dma_wait3A_34] : memref<32x100x100xi32, #tpu.memory_space<hbm>> -> memref<1x100x100xi32, #tpu.memory_space<hbm>>
      %dma_wait3A_36 = tpu.memref_squeeze %dma_wait3A_35 : memref<1x100x100xi32, #tpu.memory_space<hbm>> -> memref<100x100xi32, #tpu.memory_space<hbm>>
      %dma_wait3A_37 = arith.constant 0 : i32
      %dma_wait3A_38 = arith.constant 0 : i32
      %dma_wait3A_39 = tpu.memref_slice %arg3[%add3A, %dma_wait3A_37, %dma_wait3A_38] : memref<32x100x100xi32, #tpu.memory_space<hbm>> -> memref<1x100x100xi32, #tpu.memory_space<hbm>>
      %dma_wait3A_40 = tpu.memref_squeeze %dma_wait3A_39 : memref<1x100x100xi32, #tpu.memory_space<hbm>> -> memref<100x100xi32, #tpu.memory_space<hbm>>
      tpu.wait_dma2 semaphore(%run_scoped3A : memref<!tpu.dma_semaphore, #tpu.memory_space<semaphore_mem>>) src(%dma_wait3A_40 : memref<100x100xi32, #tpu.memory_space<hbm>>) dst(%arg7 : memref<100x100xi32, #tpu.memory_space<vmem>>)
      tpu.yield
    }) : () -> ()
    "tpu.region"() ({
      %run_scoped3A = tpu.sem_alloc : memref<!tpu.dma_semaphore, #tpu.memory_space<semaphore_mem>>
      %dma_start3A_25 = arith.constant 0 : i32
      %dma_start3A_26 = arith.constant 0 : i32
      %dma_start3A_27 = tpu.memref_slice %arg4[%add3A, %dma_start3A_25, %dma_start3A_26] : memref<32x100x100xi32, #tpu.memory_space<hbm>> -> memref<1x100x100xi32, #tpu.memory_space<hbm>>
      %dma_start3A_28 = tpu.memref_squeeze %dma_start3A_27 : memref<1x100x100xi32, #tpu.memory_space<hbm>> -> memref<100x100xi32, #tpu.memory_space<hbm>>
      %dma_start3A_29 = arith.constant 0 : i32
      %dma_start3A_30 = arith.constant 0 : i32
      %dma_start3A_31 = tpu.memref_slice %arg4[%add3A, %dma_start3A_29, %dma_start3A_30] : memref<32x100x100xi32, #tpu.memory_space<hbm>> -> memref<1x100x100xi32, #tpu.memory_space<hbm>>
      %dma_start3A_32 = tpu.memref_squeeze %dma_start3A_31 : memref<1x100x100xi32, #tpu.memory_space<hbm>> -> memref<100x100xi32, #tpu.memory_space<hbm>>
      tpu.enqueue_dma source(%dma_start3A_32 : memref<100x100xi32, #tpu.memory_space<hbm>>) target(%arg8 : memref<100x100xi32, #tpu.memory_space<vmem>>) target_semaphore(%run_scoped3A : memref<!tpu.dma_semaphore, #tpu.memory_space<semaphore_mem>>)
      %dma_wait3A_33 = arith.constant 0 : i32
      %dma_wait3A_34 = arith.constant 0 : i32
      %dma_wait3A_35 = tpu.memref_slice %arg4[%add3A, %dma_wait3A_33, %dma_wait3A_34] : memref<32x100x100xi32, #tpu.memory_space<hbm>> -> memref<1x100x100xi32, #tpu.memory_space<hbm>>
      %dma_wait3A_36 = tpu.memref_squeeze %dma_wait3A_35 : memref<1x100x100xi32, #tpu.memory_space<hbm>> -> memref<100x100xi32, #tpu.memory_space<hbm>>
      %dma_wait3A_37 = arith.constant 0 : i32
      %dma_wait3A_38 = arith.constant 0 : i32
      %dma_wait3A_39 = tpu.memref_slice %arg4[%add3A, %dma_wait3A_37, %dma_wait3A_38] : memref<32x100x100xi32, #tpu.memory_space<hbm>> -> memref<1x100x100xi32, #tpu.memory_space<hbm>>
      %dma_wait3A_40 = tpu.memref_squeeze %dma_wait3A_39 : memref<1x100x100xi32, #tpu.memory_space<hbm>> -> memref<100x100xi32, #tpu.memory_space<hbm>>
      tpu.wait_dma2 semaphore(%run_scoped3A : memref<!tpu.dma_semaphore, #tpu.memory_space<semaphore_mem>>) src(%dma_wait3A_40 : memref<100x100xi32, #tpu.memory_space<hbm>>) dst(%arg8 : memref<100x100xi32, #tpu.memory_space<vmem>>)
      tpu.yield
    }) : () -> ()
    %dma_start3A = arith.constant 0 : i32
    %dma_start3A_1 = arith.constant 0 : i32
    %dma_start3A_2 = tpu.memref_slice %arg7[%dma_start3A, %dma_start3A_1] : memref<100x100xi32, #tpu.memory_space<vmem>> -> memref<1x100xi32, #tpu.memory_space<vmem>>
    %dma_start3A_3 = tpu.memref_squeeze %dma_start3A_2 : memref<1x100xi32, #tpu.memory_space<vmem>> -> memref<100xi32, #tpu.memory_space<vmem>>
    %dma_start3A_4 = arith.constant 0 : i32
    %dma_start3A_5 = arith.constant 0 : i32
    %dma_start3A_6 = tpu.memref_slice %arg2[%dma_start3A_4, %dma_start3A_5] : memref<10000x8xf32, #tpu.memory_space<hbm>> -> memref<10000x8xf32, #tpu.memory_space<hbm>>
    tpu.enqueue_indirect_dma source(%dma_start3A_6 : memref<10000x8xf32, #tpu.memory_space<hbm>>) target(%arg9 : memref<100x8xf32, #tpu.memory_space<vmem>>) offsets(%dma_start3A_3 : memref<100xi32, #tpu.memory_space<vmem>>) semaphore(%arg20 : memref<!tpu.dma_semaphore, #tpu.memory_space<semaphore_mem>>)
    %mul3A_7 = arith.constant 625 : i32
    %mul3A_8 = arith.muli %arg1, %mul3A_7 : i32
    "tpu.region"() ({
      %run_scoped3A = tpu.sem_alloc : memref<!tpu.dma_semaphore, #tpu.memory_space<semaphore_mem>>
      %dma_start3A_25 = arith.constant 0 : i32
      %dma_start3A_26 = tpu.memref_slice %arg19[%mul3A_8, %dma_start3A_25] : memref<10000x8xf32, #tpu.memory_space<vmem_shared>> -> memref<625x8xf32, #tpu.memory_space<vmem_shared>>
      tpu.enqueue_dma source(%arg5 : memref<625x8xf32, #tpu.memory_space<hbm>>) target(%dma_start3A_26 : memref<625x8xf32, #tpu.memory_space<vmem_shared>>) target_semaphore(%run_scoped3A : memref<!tpu.dma_semaphore, #tpu.memory_space<semaphore_mem>>)
      %dma_wait3A_27 = arith.constant 0 : i32
      %dma_wait3A_28 = tpu.memref_slice %arg19[%mul3A_8, %dma_wait3A_27] : memref<10000x8xf32, #tpu.memory_space<vmem_shared>> -> memref<625x8xf32, #tpu.memory_space<vmem_shared>>
      tpu.wait_dma2 semaphore(%run_scoped3A : memref<!tpu.dma_semaphore, #tpu.memory_space<semaphore_mem>>) src(%arg5 : memref<625x8xf32, #tpu.memory_space<hbm>>) dst(%dma_wait3A_28 : memref<625x8xf32, #tpu.memory_space<vmem_shared>>)
      tpu.yield
    }) : () -> ()
    %barrier3A = arith.constant 0 : index
    tpu.barrier barrier_id(%barrier3A)
    %dma_wait3A = arith.constant 0 : i32
    %dma_wait3A_9 = arith.constant 0 : i32
    %dma_wait3A_10 = tpu.memref_slice %arg7[%dma_wait3A, %dma_wait3A_9] : memref<100x100xi32, #tpu.memory_space<vmem>> -> memref<1x100xi32, #tpu.memory_space<vmem>>
    %dma_wait3A_11 = tpu.memref_squeeze %dma_wait3A_10 : memref<1x100xi32, #tpu.memory_space<vmem>> -> memref<100xi32, #tpu.memory_space<vmem>>
    %dma_wait3A_12 = arith.constant 0 : i32
    %dma_wait3A_13 = arith.constant 0 : i32
    %dma_wait3A_14 = tpu.memref_slice %arg2[%dma_wait3A_12, %dma_wait3A_13] : memref<10000x8xf32, #tpu.memory_space<hbm>> -> memref<10000x8xf32, #tpu.memory_space<hbm>>
    tpu.wait_indirect_dma semaphore(%arg20 : memref<!tpu.dma_semaphore, #tpu.memory_space<semaphore_mem>>) src(%dma_wait3A_14 : memref<10000x8xf32, #tpu.memory_space<hbm>>) dst(%arg9 : memref<100x8xf32, #tpu.memory_space<vmem>>)
    %scan3A = arith.constant 0 : i32
    %scan3A_15 = arith.constant 0 : i32
    %scan3A_16 = arith.constant 10 : i32
    %scan3A_17 = arith.addi %scan3A_15, %scan3A_16 : i32
    %scan3A_18 = arith.constant 1 : i32
    scf.for %scan3A_25 = %scan3A_15 to %scan3A_17 step %scan3A_18  : i32 {
      %mul3A_26 = arith.constant 10 : i32
      %mul3A_27 = arith.muli %scan3A_25, %mul3A_26 : i32
      %add3A_28 = arith.constant 0 : i32
      %add3A_29 = arith.addi %mul3A_27, %add3A_28 : i32
      %dma_start3A_30 = arith.constant 0 : i32
      %dma_start3A_31 = tpu.memref_slice %arg8[%add3A_29, %dma_start3A_30] : memref<100x100xi32, #tpu.memory_space<vmem>> -> memref<1x100xi32, #tpu.memory_space<vmem>>
      %dma_start3A_32 = tpu.memref_squeeze %dma_start3A_31 : memref<1x100xi32, #tpu.memory_space<vmem>> -> memref<100xi32, #tpu.memory_space<vmem>>
      %dma_start3A_33 = arith.constant 0 : i32
      %dma_start3A_34 = arith.constant 0 : i32
      %dma_start3A_35 = tpu.memref_slice %arg19[%dma_start3A_33, %dma_start3A_34] : memref<10000x8xf32, #tpu.memory_space<vmem_shared>> -> memref<10000x8xf32, #tpu.memory_space<vmem_shared>>
      tpu.enqueue_indirect_dma source(%arg9 : memref<100x8xf32, #tpu.memory_space<vmem>>) target(%dma_start3A_35 : memref<10000x8xf32, #tpu.memory_space<vmem_shared>>) offsets(%dma_start3A_32 : memref<100xi32, #tpu.memory_space<vmem>>) semaphore(%arg21 : memref<!tpu.dma_semaphore, #tpu.memory_space<semaphore_mem>>) {add = true}
      %add3A_36 = arith.constant 1 : i32
      %add3A_37 = arith.addi %mul3A_27, %add3A_36 : i32
      %dma_start3A_38 = arith.constant 0 : i32
      %dma_start3A_39 = tpu.memref_slice %arg8[%add3A_37, %dma_start3A_38] : memref<100x100xi32, #tpu.memory_space<vmem>> -> memref<1x100xi32, #tpu.memory_space<vmem>>
      %dma_start3A_40 = tpu.memref_squeeze %dma_start3A_39 : memref<1x100xi32, #tpu.memory_space<vmem>> -> memref<100xi32, #tpu.memory_space<vmem>>
      %dma_start3A_41 = arith.constant 0 : i32
      %dma_start3A_42 = arith.constant 0 : i32
      %dma_start3A_43 = tpu.memref_slice %arg19[%dma_start3A_41, %dma_start3A_42] : memref<10000x8xf32, #tpu.memory_space<vmem_shared>> -> memref<10000x8xf32, #tpu.memory_space<vmem_shared>>
      tpu.enqueue_indirect_dma source(%arg9 : memref<100x8xf32, #tpu.memory_space<vmem>>) target(%dma_start3A_43 : memref<10000x8xf32, #tpu.memory_space<vmem_shared>>) offsets(%dma_start3A_40 : memref<100xi32, #tpu.memory_space<vmem>>) semaphore(%arg21 : memref<!tpu.dma_semaphore, #tpu.memory_space<semaphore_mem>>) {add = true}
      %add3A_44 = arith.constant 2 : i32
      %add3A_45 = arith.addi %mul3A_27, %add3A_44 : i32
      %dma_start3A_46 = arith.constant 0 : i32
      %dma_start3A_47 = tpu.memref_slice %arg8[%add3A_45, %dma_start3A_46] : memref<100x100xi32, #tpu.memory_space<vmem>> -> memref<1x100xi32, #tpu.memory_space<vmem>>
      %dma_start3A_48 = tpu.memref_squeeze %dma_start3A_47 : memref<1x100xi32, #tpu.memory_space<vmem>> -> memref<100xi32, #tpu.memory_space<vmem>>
      %dma_start3A_49 = arith.constant 0 : i32
      %dma_start3A_50 = arith.constant 0 : i32
      %dma_start3A_51 = tpu.memref_slice %arg19[%dma_start3A_49, %dma_start3A_50] : memref<10000x8xf32, #tpu.memory_space<vmem_shared>> -> memref<10000x8xf32, #tpu.memory_space<vmem_shared>>
      tpu.enqueue_indirect_dma source(%arg9 : memref<100x8xf32, #tpu.memory_space<vmem>>) target(%dma_start3A_51 : memref<10000x8xf32, #tpu.memory_space<vmem_shared>>) offsets(%dma_start3A_48 : memref<100xi32, #tpu.memory_space<vmem>>) semaphore(%arg21 : memref<!tpu.dma_semaphore, #tpu.memory_space<semaphore_mem>>) {add = true}
      %add3A_52 = arith.constant 3 : i32
      %add3A_53 = arith.addi %mul3A_27, %add3A_52 : i32
      %dma_start3A_54 = arith.constant 0 : i32
      %dma_start3A_55 = tpu.memref_slice %arg8[%add3A_53, %dma_start3A_54] : memref<100x100xi32, #tpu.memory_space<vmem>> -> memref<1x100xi32, #tpu.memory_space<vmem>>
      %dma_start3A_56 = tpu.memref_squeeze %dma_start3A_55 : memref<1x100xi32, #tpu.memory_space<vmem>> -> memref<100xi32, #tpu.memory_space<vmem>>
      %dma_start3A_57 = arith.constant 0 : i32
      %dma_start3A_58 = arith.constant 0 : i32
      %dma_start3A_59 = tpu.memref_slice %arg19[%dma_start3A_57, %dma_start3A_58] : memref<10000x8xf32, #tpu.memory_space<vmem_shared>> -> memref<10000x8xf32, #tpu.memory_space<vmem_shared>>
      tpu.enqueue_indirect_dma source(%arg9 : memref<100x8xf32, #tpu.memory_space<vmem>>) target(%dma_start3A_59 : memref<10000x8xf32, #tpu.memory_space<vmem_shared>>) offsets(%dma_start3A_56 : memref<100xi32, #tpu.memory_space<vmem>>) semaphore(%arg21 : memref<!tpu.dma_semaphore, #tpu.memory_space<semaphore_mem>>) {add = true}
      %add3A_60 = arith.constant 4 : i32
      %add3A_61 = arith.addi %mul3A_27, %add3A_60 : i32
      %dma_start3A_62 = arith.constant 0 : i32
      %dma_start3A_63 = tpu.memref_slice %arg8[%add3A_61, %dma_start3A_62] : memref<100x100xi32, #tpu.memory_space<vmem>> -> memref<1x100xi32, #tpu.memory_space<vmem>>
      %dma_start3A_64 = tpu.memref_squeeze %dma_start3A_63 : memref<1x100xi32, #tpu.memory_space<vmem>> -> memref<100xi32, #tpu.memory_space<vmem>>
      %dma_start3A_65 = arith.constant 0 : i32
      %dma_start3A_66 = arith.constant 0 : i32
      %dma_start3A_67 = tpu.memref_slice %arg19[%dma_start3A_65, %dma_start3A_66] : memref<10000x8xf32, #tpu.memory_space<vmem_shared>> -> memref<10000x8xf32, #tpu.memory_space<vmem_shared>>
      tpu.enqueue_indirect_dma source(%arg9 : memref<100x8xf32, #tpu.memory_space<vmem>>) target(%dma_start3A_67 : memref<10000x8xf32, #tpu.memory_space<vmem_shared>>) offsets(%dma_start3A_64 : memref<100xi32, #tpu.memory_space<vmem>>) semaphore(%arg21 : memref<!tpu.dma_semaphore, #tpu.memory_space<semaphore_mem>>) {add = true}
      %add3A_68 = arith.constant 5 : i32
      %add3A_69 = arith.addi %mul3A_27, %add3A_68 : i32
      %dma_start3A_70 = arith.constant 0 : i32
      %dma_start3A_71 = tpu.memref_slice %arg8[%add3A_69, %dma_start3A_70] : memref<100x100xi32, #tpu.memory_space<vmem>> -> memref<1x100xi32, #tpu.memory_space<vmem>>
      %dma_start3A_72 = tpu.memref_squeeze %dma_start3A_71 : memref<1x100xi32, #tpu.memory_space<vmem>> -> memref<100xi32, #tpu.memory_space<vmem>>
      %dma_start3A_73 = arith.constant 0 : i32
      %dma_start3A_74 = arith.constant 0 : i32
      %dma_start3A_75 = tpu.memref_slice %arg19[%dma_start3A_73, %dma_start3A_74] : memref<10000x8xf32, #tpu.memory_space<vmem_shared>> -> memref<10000x8xf32, #tpu.memory_space<vmem_shared>>
      tpu.enqueue_indirect_dma source(%arg9 : memref<100x8xf32, #tpu.memory_space<vmem>>) target(%dma_start3A_75 : memref<10000x8xf32, #tpu.memory_space<vmem_shared>>) offsets(%dma_start3A_72 : memref<100xi32, #tpu.memory_space<vmem>>) semaphore(%arg21 : memref<!tpu.dma_semaphore, #tpu.memory_space<semaphore_mem>>) {add = true}
      %add3A_76 = arith.constant 6 : i32
      %add3A_77 = arith.addi %mul3A_27, %add3A_76 : i32
      %dma_start3A_78 = arith.constant 0 : i32
      %dma_start3A_79 = tpu.memref_slice %arg8[%add3A_77, %dma_start3A_78] : memref<100x100xi32, #tpu.memory_space<vmem>> -> memref<1x100xi32, #tpu.memory_space<vmem>>
      %dma_start3A_80 = tpu.memref_squeeze %dma_start3A_79 : memref<1x100xi32, #tpu.memory_space<vmem>> -> memref<100xi32, #tpu.memory_space<vmem>>
      %dma_start3A_81 = arith.constant 0 : i32
      %dma_start3A_82 = arith.constant 0 : i32
      %dma_start3A_83 = tpu.memref_slice %arg19[%dma_start3A_81, %dma_start3A_82] : memref<10000x8xf32, #tpu.memory_space<vmem_shared>> -> memref<10000x8xf32, #tpu.memory_space<vmem_shared>>
      tpu.enqueue_indirect_dma source(%arg9 : memref<100x8xf32, #tpu.memory_space<vmem>>) target(%dma_start3A_83 : memref<10000x8xf32, #tpu.memory_space<vmem_shared>>) offsets(%dma_start3A_80 : memref<100xi32, #tpu.memory_space<vmem>>) semaphore(%arg21 : memref<!tpu.dma_semaphore, #tpu.memory_space<semaphore_mem>>) {add = true}
      %add3A_84 = arith.constant 7 : i32
      %add3A_85 = arith.addi %mul3A_27, %add3A_84 : i32
      %dma_start3A_86 = arith.constant 0 : i32
      %dma_start3A_87 = tpu.memref_slice %arg8[%add3A_85, %dma_start3A_86] : memref<100x100xi32, #tpu.memory_space<vmem>> -> memref<1x100xi32, #tpu.memory_space<vmem>>
      %dma_start3A_88 = tpu.memref_squeeze %dma_start3A_87 : memref<1x100xi32, #tpu.memory_space<vmem>> -> memref<100xi32, #tpu.memory_space<vmem>>
      %dma_start3A_89 = arith.constant 0 : i32
      %dma_start3A_90 = arith.constant 0 : i32
      %dma_start3A_91 = tpu.memref_slice %arg19[%dma_start3A_89, %dma_start3A_90] : memref<10000x8xf32, #tpu.memory_space<vmem_shared>> -> memref<10000x8xf32, #tpu.memory_space<vmem_shared>>
      tpu.enqueue_indirect_dma source(%arg9 : memref<100x8xf32, #tpu.memory_space<vmem>>) target(%dma_start3A_91 : memref<10000x8xf32, #tpu.memory_space<vmem_shared>>) offsets(%dma_start3A_88 : memref<100xi32, #tpu.memory_space<vmem>>) semaphore(%arg21 : memref<!tpu.dma_semaphore, #tpu.memory_space<semaphore_mem>>) {add = true}
      %add3A_92 = arith.constant 8 : i32
      %add3A_93 = arith.addi %mul3A_27, %add3A_92 : i32
      %dma_start3A_94 = arith.constant 0 : i32
      %dma_start3A_95 = tpu.memref_slice %arg8[%add3A_93, %dma_start3A_94] : memref<100x100xi32, #tpu.memory_space<vmem>> -> memref<1x100xi32, #tpu.memory_space<vmem>>
      %dma_start3A_96 = tpu.memref_squeeze %dma_start3A_95 : memref<1x100xi32, #tpu.memory_space<vmem>> -> memref<100xi32, #tpu.memory_space<vmem>>
      %dma_start3A_97 = arith.constant 0 : i32
      %dma_start3A_98 = arith.constant 0 : i32
      %dma_start3A_99 = tpu.memref_slice %arg19[%dma_start3A_97, %dma_start3A_98] : memref<10000x8xf32, #tpu.memory_space<vmem_shared>> -> memref<10000x8xf32, #tpu.memory_space<vmem_shared>>
      tpu.enqueue_indirect_dma source(%arg9 : memref<100x8xf32, #tpu.memory_space<vmem>>) target(%dma_start3A_99 : memref<10000x8xf32, #tpu.memory_space<vmem_shared>>) offsets(%dma_start3A_96 : memref<100xi32, #tpu.memory_space<vmem>>) semaphore(%arg21 : memref<!tpu.dma_semaphore, #tpu.memory_space<semaphore_mem>>) {add = true}
      %add3A_100 = arith.constant 9 : i32
      %add3A_101 = arith.addi %mul3A_27, %add3A_100 : i32
      %dma_start3A_102 = arith.constant 0 : i32
      %dma_start3A_103 = tpu.memref_slice %arg8[%add3A_101, %dma_start3A_102] : memref<100x100xi32, #tpu.memory_space<vmem>> -> memref<1x100xi32, #tpu.memory_space<vmem>>
      %dma_start3A_104 = tpu.memref_squeeze %dma_start3A_103 : memref<1x100xi32, #tpu.memory_space<vmem>> -> memref<100xi32, #tpu.memory_space<vmem>>
      %dma_start3A_105 = arith.constant 0 : i32
      %dma_start3A_106 = arith.constant 0 : i32
      %dma_start3A_107 = tpu.memref_slice %arg19[%dma_start3A_105, %dma_start3A_106] : memref<10000x8xf32, #tpu.memory_space<vmem_shared>> -> memref<10000x8xf32, #tpu.memory_space<vmem_shared>>
      tpu.enqueue_indirect_dma source(%arg9 : memref<100x8xf32, #tpu.memory_space<vmem>>) target(%dma_start3A_107 : memref<10000x8xf32, #tpu.memory_space<vmem_shared>>) offsets(%dma_start3A_104 : memref<100xi32, #tpu.memory_space<vmem>>) semaphore(%arg21 : memref<!tpu.dma_semaphore, #tpu.memory_space<semaphore_mem>>) {add = true}
      %dma_wait3A_108 = arith.constant 0 : i32
      %dma_wait3A_109 = tpu.memref_slice %arg8[%mul3A_27, %dma_wait3A_108] : memref<100x100xi32, #tpu.memory_space<vmem>> -> memref<1x100xi32, #tpu.memory_space<vmem>>
      %dma_wait3A_110 = tpu.memref_squeeze %dma_wait3A_109 : memref<1x100xi32, #tpu.memory_space<vmem>> -> memref<100xi32, #tpu.memory_space<vmem>>
      %dma_wait3A_111 = arith.constant 0 : i32
      %dma_wait3A_112 = arith.constant 0 : i32
      %dma_wait3A_113 = tpu.memref_slice %arg19[%dma_wait3A_111, %dma_wait3A_112] : memref<10000x8xf32, #tpu.memory_space<vmem_shared>> -> memref<10000x8xf32, #tpu.memory_space<vmem_shared>>
      tpu.wait_indirect_dma semaphore(%arg21 : memref<!tpu.dma_semaphore, #tpu.memory_space<semaphore_mem>>) src(%arg9 : memref<100x8xf32, #tpu.memory_space<vmem>>) dst(%dma_wait3A_113 : memref<10000x8xf32, #tpu.memory_space<vmem_shared>>)
      %dma_wait3A_114 = arith.constant 0 : i32
      %dma_wait3A_115 = tpu.memref_slice %arg8[%mul3A_27, %dma_wait3A_114] : memref<100x100xi32, #tpu.memory_space<vmem>> -> memref<1x100xi32, #tpu.memory_space<vmem>>
      %dma_wait3A_116 = tpu.memref_squeeze %dma_wait3A_115 : memref<1x100xi32, #tpu.memory_space<vmem>> -> memref<100xi32, #tpu.memory_space<vmem>>
      %dma_wait3A_117 = arith.constant 0 : i32
      %dma_wait3A_118 = arith.constant 0 : i32
      %dma_wait3A_119 = tpu.memref_slice %arg19[%dma_wait3A_117, %dma_wait3A_118] : memref<10000x8xf32, #tpu.memory_space<vmem_shared>> -> memref<10000x8xf32, #tpu.memory_space<vmem_shared>>
      tpu.wait_indirect_dma semaphore(%arg21 : memref<!tpu.dma_semaphore, #tpu.memory_space<semaphore_mem>>) src(%arg9 : memref<100x8xf32, #tpu.memory_space<vmem>>) dst(%dma_wait3A_119 : memref<10000x8xf32, #tpu.memory_space<vmem_shared>>)
      %dma_wait3A_120 = arith.constant 0 : i32
      %dma_wait3A_121 = tpu.memref_slice %arg8[%mul3A_27, %dma_wait3A_120] : memref<100x100xi32, #tpu.memory_space<vmem>> -> memref<1x100xi32, #tpu.memory_space<vmem>>
      %dma_wait3A_122 = tpu.memref_squeeze %dma_wait3A_121 : memref<1x100xi32, #tpu.memory_space<vmem>> -> memref<100xi32, #tpu.memory_space<vmem>>
      %dma_wait3A_123 = arith.constant 0 : i32
      %dma_wait3A_124 = arith.constant 0 : i32
      %dma_wait3A_125 = tpu.memref_slice %arg19[%dma_wait3A_123, %dma_wait3A_124] : memref<10000x8xf32, #tpu.memory_space<vmem_shared>> -> memref<10000x8xf32, #tpu.memory_space<vmem_shared>>
      tpu.wait_indirect_dma semaphore(%arg21 : memref<!tpu.dma_semaphore, #tpu.memory_space<semaphore_mem>>) src(%arg9 : memref<100x8xf32, #tpu.memory_space<vmem>>) dst(%dma_wait3A_125 : memref<10000x8xf32, #tpu.memory_space<vmem_shared>>)
      %dma_wait3A_126 = arith.constant 0 : i32
      %dma_wait3A_127 = tpu.memref_slice %arg8[%mul3A_27, %dma_wait3A_126] : memref<100x100xi32, #tpu.memory_space<vmem>> -> memref<1x100xi32, #tpu.memory_space<vmem>>
      %dma_wait3A_128 = tpu.memref_squeeze %dma_wait3A_127 : memref<1x100xi32, #tpu.memory_space<vmem>> -> memref<100xi32, #tpu.memory_space<vmem>>
      %dma_wait3A_129 = arith.constant 0 : i32
      %dma_wait3A_130 = arith.constant 0 : i32
      %dma_wait3A_131 = tpu.memref_slice %arg19[%dma_wait3A_129, %dma_wait3A_130] : memref<10000x8xf32, #tpu.memory_space<vmem_shared>> -> memref<10000x8xf32, #tpu.memory_space<vmem_shared>>
      tpu.wait_indirect_dma semaphore(%arg21 : memref<!tpu.dma_semaphore, #tpu.memory_space<semaphore_mem>>) src(%arg9 : memref<100x8xf32, #tpu.memory_space<vmem>>) dst(%dma_wait3A_131 : memref<10000x8xf32, #tpu.memory_space<vmem_shared>>)
      %dma_wait3A_132 = arith.constant 0 : i32
      %dma_wait3A_133 = tpu.memref_slice %arg8[%mul3A_27, %dma_wait3A_132] : memref<100x100xi32, #tpu.memory_space<vmem>> -> memref<1x100xi32, #tpu.memory_space<vmem>>
      %dma_wait3A_134 = tpu.memref_squeeze %dma_wait3A_133 : memref<1x100xi32, #tpu.memory_space<vmem>> -> memref<100xi32, #tpu.memory_space<vmem>>
      %dma_wait3A_135 = arith.constant 0 : i32
      %dma_wait3A_136 = arith.constant 0 : i32
      %dma_wait3A_137 = tpu.memref_slice %arg19[%dma_wait3A_135, %dma_wait3A_136] : memref<10000x8xf32, #tpu.memory_space<vmem_shared>> -> memref<10000x8xf32, #tpu.memory_space<vmem_shared>>
      tpu.wait_indirect_dma semaphore(%arg21 : memref<!tpu.dma_semaphore, #tpu.memory_space<semaphore_mem>>) src(%arg9 : memref<100x8xf32, #tpu.memory_space<vmem>>) dst(%dma_wait3A_137 : memref<10000x8xf32, #tpu.memory_space<vmem_shared>>)
      %dma_wait3A_138 = arith.constant 0 : i32
      %dma_wait3A_139 = tpu.memref_slice %arg8[%mul3A_27, %dma_wait3A_138] : memref<100x100xi32, #tpu.memory_space<vmem>> -> memref<1x100xi32, #tpu.memory_space<vmem>>
      %dma_wait3A_140 = tpu.memref_squeeze %dma_wait3A_139 : memref<1x100xi32, #tpu.memory_space<vmem>> -> memref<100xi32, #tpu.memory_space<vmem>>
      %dma_wait3A_141 = arith.constant 0 : i32
      %dma_wait3A_142 = arith.constant 0 : i32
      %dma_wait3A_143 = tpu.memref_slice %arg19[%dma_wait3A_141, %dma_wait3A_142] : memref<10000x8xf32, #tpu.memory_space<vmem_shared>> -> memref<10000x8xf32, #tpu.memory_space<vmem_shared>>
      tpu.wait_indirect_dma semaphore(%arg21 : memref<!tpu.dma_semaphore, #tpu.memory_space<semaphore_mem>>) src(%arg9 : memref<100x8xf32, #tpu.memory_space<vmem>>) dst(%dma_wait3A_143 : memref<10000x8xf32, #tpu.memory_space<vmem_shared>>)
      %dma_wait3A_144 = arith.constant 0 : i32
      %dma_wait3A_145 = tpu.memref_slice %arg8[%mul3A_27, %dma_wait3A_144] : memref<100x100xi32, #tpu.memory_space<vmem>> -> memref<1x100xi32, #tpu.memory_space<vmem>>
      %dma_wait3A_146 = tpu.memref_squeeze %dma_wait3A_145 : memref<1x100xi32, #tpu.memory_space<vmem>> -> memref<100xi32, #tpu.memory_space<vmem>>
      %dma_wait3A_147 = arith.constant 0 : i32
      %dma_wait3A_148 = arith.constant 0 : i32
      %dma_wait3A_149 = tpu.memref_slice %arg19[%dma_wait3A_147, %dma_wait3A_148] : memref<10000x8xf32, #tpu.memory_space<vmem_shared>> -> memref<10000x8xf32, #tpu.memory_space<vmem_shared>>
      tpu.wait_indirect_dma semaphore(%arg21 : memref<!tpu.dma_semaphore, #tpu.memory_space<semaphore_mem>>) src(%arg9 : memref<100x8xf32, #tpu.memory_space<vmem>>) dst(%dma_wait3A_149 : memref<10000x8xf32, #tpu.memory_space<vmem_shared>>)
      %dma_wait3A_150 = arith.constant 0 : i32
      %dma_wait3A_151 = tpu.memref_slice %arg8[%mul3A_27, %dma_wait3A_150] : memref<100x100xi32, #tpu.memory_space<vmem>> -> memref<1x100xi32, #tpu.memory_space<vmem>>
      %dma_wait3A_152 = tpu.memref_squeeze %dma_wait3A_151 : memref<1x100xi32, #tpu.memory_space<vmem>> -> memref<100xi32, #tpu.memory_space<vmem>>
      %dma_wait3A_153 = arith.constant 0 : i32
      %dma_wait3A_154 = arith.constant 0 : i32
      %dma_wait3A_155 = tpu.memref_slice %arg19[%dma_wait3A_153, %dma_wait3A_154] : memref<10000x8xf32, #tpu.memory_space<vmem_shared>> -> memref<10000x8xf32, #tpu.memory_space<vmem_shared>>
      tpu.wait_indirect_dma semaphore(%arg21 : memref<!tpu.dma_semaphore, #tpu.memory_space<semaphore_mem>>) src(%arg9 : memref<100x8xf32, #tpu.memory_space<vmem>>) dst(%dma_wait3A_155 : memref<10000x8xf32, #tpu.memory_space<vmem_shared>>)
      %dma_wait3A_156 = arith.constant 0 : i32
      %dma_wait3A_157 = tpu.memref_slice %arg8[%mul3A_27, %dma_wait3A_156] : memref<100x100xi32, #tpu.memory_space<vmem>> -> memref<1x100xi32, #tpu.memory_space<vmem>>
      %dma_wait3A_158 = tpu.memref_squeeze %dma_wait3A_157 : memref<1x100xi32, #tpu.memory_space<vmem>> -> memref<100xi32, #tpu.memory_space<vmem>>
      %dma_wait3A_159 = arith.constant 0 : i32
      %dma_wait3A_160 = arith.constant 0 : i32
      %dma_wait3A_161 = tpu.memref_slice %arg19[%dma_wait3A_159, %dma_wait3A_160] : memref<10000x8xf32, #tpu.memory_space<vmem_shared>> -> memref<10000x8xf32, #tpu.memory_space<vmem_shared>>
      tpu.wait_indirect_dma semaphore(%arg21 : memref<!tpu.dma_semaphore, #tpu.memory_space<semaphore_mem>>) src(%arg9 : memref<100x8xf32, #tpu.memory_space<vmem>>) dst(%dma_wait3A_161 : memref<10000x8xf32, #tpu.memory_space<vmem_shared>>)
      %dma_wait3A_162 = arith.constant 0 : i32
      %dma_wait3A_163 = tpu.memref_slice %arg8[%mul3A_27, %dma_wait3A_162] : memref<100x100xi32, #tpu.memory_space<vmem>> -> memref<1x100xi32, #tpu.memory_space<vmem>>
      %dma_wait3A_164 = tpu.memref_squeeze %dma_wait3A_163 : memref<1x100xi32, #tpu.memory_space<vmem>> -> memref<100xi32, #tpu.memory_space<vmem>>
      %dma_wait3A_165 = arith.constant 0 : i32
      %dma_wait3A_166 = arith.constant 0 : i32
      %dma_wait3A_167 = tpu.memref_slice %arg19[%dma_wait3A_165, %dma_wait3A_166] : memref<10000x8xf32, #tpu.memory_space<vmem_shared>> -> memref<10000x8xf32, #tpu.memory_space<vmem_shared>>
      tpu.wait_indirect_dma semaphore(%arg21 : memref<!tpu.dma_semaphore, #tpu.memory_space<semaphore_mem>>) src(%arg9 : memref<100x8xf32, #tpu.memory_space<vmem>>) dst(%dma_wait3A_167 : memref<10000x8xf32, #tpu.memory_space<vmem_shared>>)
    }
    %scan3A_19 = arith.constant 10 : i32
    %barrier3A_20 = arith.constant 0 : index
    tpu.barrier barrier_id(%barrier3A_20)
    %mul3A_21 = arith.constant 625 : i32
    %mul3A_22 = arith.muli %arg1, %mul3A_21 : i32
    %mul3A_23 = arith.constant 625 : i32
    %mul3A_24 = arith.muli %arg1, %mul3A_23 : i32
    "tpu.region"() ({
      %run_scoped3A = tpu.sem_alloc : memref<!tpu.dma_semaphore, #tpu.memory_space<semaphore_mem>>
      %dma_start3A_25 = arith.constant 0 : i32
      %dma_start3A_26 = arith.constant 0 : i32
      %dma_start3A_27 = tpu.memref_slice %arg6[%arg0, %dma_start3A_25, %dma_start3A_26] : memref<2x10000x8xf32, #tpu.memory_space<hbm>> -> memref<1x10000x8xf32, #tpu.memory_space<hbm>>
      %dma_start3A_28 = tpu.memref_squeeze %dma_start3A_27 : memref<1x10000x8xf32, #tpu.memory_space<hbm>> -> memref<10000x8xf32, #tpu.memory_space<hbm>>
      %dma_start3A_29 = arith.constant 0 : i32
      %dma_start3A_30 = tpu.memref_slice %dma_start3A_28[%mul3A_24, %dma_start3A_29] : memref<10000x8xf32, #tpu.memory_space<hbm>> -> memref<625x8xf32, #tpu.memory_space<hbm>>
      %dma_start3A_31 = arith.constant 0 : i32
      %dma_start3A_32 = tpu.memref_slice %arg19[%mul3A_22, %dma_start3A_31] : memref<10000x8xf32, #tpu.memory_space<vmem_shared>> -> memref<625x8xf32, #tpu.memory_space<vmem_shared>>
      tpu.enqueue_dma source(%dma_start3A_32 : memref<625x8xf32, #tpu.memory_space<vmem_shared>>) target(%dma_start3A_30 : memref<625x8xf32, #tpu.memory_space<hbm>>) target_semaphore(%run_scoped3A : memref<!tpu.dma_semaphore, #tpu.memory_space<semaphore_mem>>)
      %dma_wait3A_33 = arith.constant 0 : i32
      %dma_wait3A_34 = arith.constant 0 : i32
      %dma_wait3A_35 = tpu.memref_slice %arg6[%arg0, %dma_wait3A_33, %dma_wait3A_34] : memref<2x10000x8xf32, #tpu.memory_space<hbm>> -> memref<1x10000x8xf32, #tpu.memory_space<hbm>>
      %dma_wait3A_36 = tpu.memref_squeeze %dma_wait3A_35 : memref<1x10000x8xf32, #tpu.memory_space<hbm>> -> memref<10000x8xf32, #tpu.memory_space<hbm>>
      %dma_wait3A_37 = arith.constant 0 : i32
      %dma_wait3A_38 = tpu.memref_slice %dma_wait3A_36[%mul3A_24, %dma_wait3A_37] : memref<10000x8xf32, #tpu.memory_space<hbm>> -> memref<625x8xf32, #tpu.memory_space<hbm>>
      %dma_wait3A_39 = arith.constant 0 : i32
      %dma_wait3A_40 = tpu.memref_slice %arg19[%mul3A_22, %dma_wait3A_39] : memref<10000x8xf32, #tpu.memory_space<vmem_shared>> -> memref<625x8xf32, #tpu.memory_space<vmem_shared>>
      tpu.wait_dma2 semaphore(%run_scoped3A : memref<!tpu.dma_semaphore, #tpu.memory_space<semaphore_mem>>) src(%dma_wait3A_40 : memref<625x8xf32, #tpu.memory_space<vmem_shared>>) dst(%dma_wait3A_38 : memref<625x8xf32, #tpu.memory_space<hbm>>)
      tpu.yield
    }) : () -> ()
    return
  }
}

#map = affine_map<(d0, d1) -> (0, 0)>
#map1 = affine_map<(d0, d1) -> (0, 0, 0)>
module attributes {stable_mosaic.version = 14 : i64} {
  func.func @seg(%arg0: i32, %arg1: i32, %arg2: memref<10000x8xf32, #tpu.memory_space<hbm>>, %arg3: memref<32x100x100xi32, #tpu.memory_space<hbm>>, %arg4: memref<32x100x100xi32, #tpu.memory_space<hbm>>, %arg5: memref<625x8xf32, #tpu.memory_space<hbm>>, %arg6: memref<2x10000x8xf32, #tpu.memory_space<hbm>>, %arg7: memref<100x100xi32, #tpu.memory_space<vmem>>, %arg8: memref<100x100xi32, #tpu.memory_space<vmem>>, %arg9: memref<100x8xf32, #tpu.memory_space<vmem>>, %arg10: memref<100x8xf32, #tpu.memory_space<vmem>>, %arg11: memref<100x8xf32, #tpu.memory_space<vmem>>, %arg12: memref<100x8xf32, #tpu.memory_space<vmem>>, %arg13: memref<100x8xf32, #tpu.memory_space<vmem>>, %arg14: memref<100x8xf32, #tpu.memory_space<vmem>>, %arg15: memref<100x8xf32, #tpu.memory_space<vmem>>, %arg16: memref<100x8xf32, #tpu.memory_space<vmem>>, %arg17: memref<100x8xf32, #tpu.memory_space<vmem>>, %arg18: memref<100x8xf32, #tpu.memory_space<vmem>>, %arg19: memref<10000x8xf32, #tpu.memory_space<vmem_shared>>, %arg20: memref<!tpu.dma_semaphore, #tpu.memory_space<semaphore_mem>>, %arg21: memref<!tpu.dma_semaphore, #tpu.memory_space<semaphore_mem>>, %arg22: memref<!tpu.dma_semaphore, #tpu.memory_space<semaphore_mem>>, %arg23: memref<!tpu.dma_semaphore, #tpu.memory_space<semaphore_mem>>, %arg24: memref<!tpu.dma_semaphore, #tpu.memory_space<semaphore_mem>>, %arg25: memref<!tpu.dma_semaphore, #tpu.memory_space<semaphore_mem>>, %arg26: memref<!tpu.dma_semaphore, #tpu.memory_space<semaphore_mem>>, %arg27: memref<!tpu.dma_semaphore, #tpu.memory_space<semaphore_mem>>, %arg28: memref<!tpu.dma_semaphore, #tpu.memory_space<semaphore_mem>>, %arg29: memref<!tpu.dma_semaphore, #tpu.memory_space<semaphore_mem>>) attributes {dimension_semantics = [#tpu.dimension_semantics<core_parallel>, #tpu.dimension_semantics<subcore_parallel>], iteration_bounds = array<i64: 2, 16>, scalar_prefetch = 0 : i64, scratch_operands = 23 : i64, tpu.core_type = #tpu.core_type<sc_vector_subcore>, window_params = [{transform_indices = #map}, {transform_indices = #map1}, {transform_indices = #map1}, {transform_indices = #map}, {transform_indices = #map1}]} {
    %mul3A = arith.constant 16 : i32
    %mul3A_0 = arith.muli %arg0, %mul3A : i32
    %add3A = arith.addi %mul3A_0, %arg1 : i32
    "tpu.region"() ({
      %run_scoped3A_160 = tpu.sem_alloc : memref<!tpu.dma_semaphore, #tpu.memory_space<semaphore_mem>>
      %dma_start3A_161 = arith.constant 0 : i32
      %dma_start3A_162 = arith.constant 0 : i32
      %dma_start3A_163 = tpu.memref_slice %arg3[%add3A, %dma_start3A_161, %dma_start3A_162] : memref<32x100x100xi32, #tpu.memory_space<hbm>> -> memref<1x100x100xi32, #tpu.memory_space<hbm>>
      %dma_start3A_164 = tpu.memref_squeeze %dma_start3A_163 : memref<1x100x100xi32, #tpu.memory_space<hbm>> -> memref<100x100xi32, #tpu.memory_space<hbm>>
      %dma_start3A_165 = arith.constant 0 : i32
      %dma_start3A_166 = arith.constant 0 : i32
      %dma_start3A_167 = tpu.memref_slice %arg3[%add3A, %dma_start3A_165, %dma_start3A_166] : memref<32x100x100xi32, #tpu.memory_space<hbm>> -> memref<1x100x100xi32, #tpu.memory_space<hbm>>
      %dma_start3A_168 = tpu.memref_squeeze %dma_start3A_167 : memref<1x100x100xi32, #tpu.memory_space<hbm>> -> memref<100x100xi32, #tpu.memory_space<hbm>>
      tpu.enqueue_dma source(%dma_start3A_168 : memref<100x100xi32, #tpu.memory_space<hbm>>) target(%arg7 : memref<100x100xi32, #tpu.memory_space<vmem>>) target_semaphore(%run_scoped3A_160 : memref<!tpu.dma_semaphore, #tpu.memory_space<semaphore_mem>>)
      %dma_wait3A_169 = arith.constant 0 : i32
      %dma_wait3A_170 = arith.constant 0 : i32
      %dma_wait3A_171 = tpu.memref_slice %arg3[%add3A, %dma_wait3A_169, %dma_wait3A_170] : memref<32x100x100xi32, #tpu.memory_space<hbm>> -> memref<1x100x100xi32, #tpu.memory_space<hbm>>
      %dma_wait3A_172 = tpu.memref_squeeze %dma_wait3A_171 : memref<1x100x100xi32, #tpu.memory_space<hbm>> -> memref<100x100xi32, #tpu.memory_space<hbm>>
      %dma_wait3A_173 = arith.constant 0 : i32
      %dma_wait3A_174 = arith.constant 0 : i32
      %dma_wait3A_175 = tpu.memref_slice %arg3[%add3A, %dma_wait3A_173, %dma_wait3A_174] : memref<32x100x100xi32, #tpu.memory_space<hbm>> -> memref<1x100x100xi32, #tpu.memory_space<hbm>>
      %dma_wait3A_176 = tpu.memref_squeeze %dma_wait3A_175 : memref<1x100x100xi32, #tpu.memory_space<hbm>> -> memref<100x100xi32, #tpu.memory_space<hbm>>
      tpu.wait_dma2 semaphore(%run_scoped3A_160 : memref<!tpu.dma_semaphore, #tpu.memory_space<semaphore_mem>>) src(%dma_wait3A_176 : memref<100x100xi32, #tpu.memory_space<hbm>>) dst(%arg7 : memref<100x100xi32, #tpu.memory_space<vmem>>)
      tpu.yield
    }) : () -> ()
    "tpu.region"() ({
      %run_scoped3A_160 = tpu.sem_alloc : memref<!tpu.dma_semaphore, #tpu.memory_space<semaphore_mem>>
      %dma_start3A_161 = arith.constant 0 : i32
      %dma_start3A_162 = arith.constant 0 : i32
      %dma_start3A_163 = tpu.memref_slice %arg4[%add3A, %dma_start3A_161, %dma_start3A_162] : memref<32x100x100xi32, #tpu.memory_space<hbm>> -> memref<1x100x100xi32, #tpu.memory_space<hbm>>
      %dma_start3A_164 = tpu.memref_squeeze %dma_start3A_163 : memref<1x100x100xi32, #tpu.memory_space<hbm>> -> memref<100x100xi32, #tpu.memory_space<hbm>>
      %dma_start3A_165 = arith.constant 0 : i32
      %dma_start3A_166 = arith.constant 0 : i32
      %dma_start3A_167 = tpu.memref_slice %arg4[%add3A, %dma_start3A_165, %dma_start3A_166] : memref<32x100x100xi32, #tpu.memory_space<hbm>> -> memref<1x100x100xi32, #tpu.memory_space<hbm>>
      %dma_start3A_168 = tpu.memref_squeeze %dma_start3A_167 : memref<1x100x100xi32, #tpu.memory_space<hbm>> -> memref<100x100xi32, #tpu.memory_space<hbm>>
      tpu.enqueue_dma source(%dma_start3A_168 : memref<100x100xi32, #tpu.memory_space<hbm>>) target(%arg8 : memref<100x100xi32, #tpu.memory_space<vmem>>) target_semaphore(%run_scoped3A_160 : memref<!tpu.dma_semaphore, #tpu.memory_space<semaphore_mem>>)
      %dma_wait3A_169 = arith.constant 0 : i32
      %dma_wait3A_170 = arith.constant 0 : i32
      %dma_wait3A_171 = tpu.memref_slice %arg4[%add3A, %dma_wait3A_169, %dma_wait3A_170] : memref<32x100x100xi32, #tpu.memory_space<hbm>> -> memref<1x100x100xi32, #tpu.memory_space<hbm>>
      %dma_wait3A_172 = tpu.memref_squeeze %dma_wait3A_171 : memref<1x100x100xi32, #tpu.memory_space<hbm>> -> memref<100x100xi32, #tpu.memory_space<hbm>>
      %dma_wait3A_173 = arith.constant 0 : i32
      %dma_wait3A_174 = arith.constant 0 : i32
      %dma_wait3A_175 = tpu.memref_slice %arg4[%add3A, %dma_wait3A_173, %dma_wait3A_174] : memref<32x100x100xi32, #tpu.memory_space<hbm>> -> memref<1x100x100xi32, #tpu.memory_space<hbm>>
      %dma_wait3A_176 = tpu.memref_squeeze %dma_wait3A_175 : memref<1x100x100xi32, #tpu.memory_space<hbm>> -> memref<100x100xi32, #tpu.memory_space<hbm>>
      tpu.wait_dma2 semaphore(%run_scoped3A_160 : memref<!tpu.dma_semaphore, #tpu.memory_space<semaphore_mem>>) src(%dma_wait3A_176 : memref<100x100xi32, #tpu.memory_space<hbm>>) dst(%arg8 : memref<100x100xi32, #tpu.memory_space<vmem>>)
      tpu.yield
    }) : () -> ()
    %dma_start3A = arith.constant 0 : i32
    %dma_start3A_1 = arith.constant 0 : i32
    %dma_start3A_2 = tpu.memref_slice %arg7[%dma_start3A, %dma_start3A_1] : memref<100x100xi32, #tpu.memory_space<vmem>> -> memref<1x100xi32, #tpu.memory_space<vmem>>
    %dma_start3A_3 = tpu.memref_squeeze %dma_start3A_2 : memref<1x100xi32, #tpu.memory_space<vmem>> -> memref<100xi32, #tpu.memory_space<vmem>>
    %dma_start3A_4 = arith.constant 0 : i32
    %dma_start3A_5 = arith.constant 0 : i32
    %dma_start3A_6 = tpu.memref_slice %arg2[%dma_start3A_4, %dma_start3A_5] : memref<10000x8xf32, #tpu.memory_space<hbm>> -> memref<10000x8xf32, #tpu.memory_space<hbm>>
    tpu.enqueue_indirect_dma source(%dma_start3A_6 : memref<10000x8xf32, #tpu.memory_space<hbm>>) target(%arg9 : memref<100x8xf32, #tpu.memory_space<vmem>>) offsets(%dma_start3A_3 : memref<100xi32, #tpu.memory_space<vmem>>) semaphore(%arg20 : memref<!tpu.dma_semaphore, #tpu.memory_space<semaphore_mem>>)
    %dma_start3A_7 = arith.constant 1 : i32
    %dma_start3A_8 = arith.constant 0 : i32
    %dma_start3A_9 = tpu.memref_slice %arg7[%dma_start3A_7, %dma_start3A_8] : memref<100x100xi32, #tpu.memory_space<vmem>> -> memref<1x100xi32, #tpu.memory_space<vmem>>
    %dma_start3A_10 = tpu.memref_squeeze %dma_start3A_9 : memref<1x100xi32, #tpu.memory_space<vmem>> -> memref<100xi32, #tpu.memory_space<vmem>>
    %dma_start3A_11 = arith.constant 0 : i32
    %dma_start3A_12 = arith.constant 0 : i32
    %dma_start3A_13 = tpu.memref_slice %arg2[%dma_start3A_11, %dma_start3A_12] : memref<10000x8xf32, #tpu.memory_space<hbm>> -> memref<10000x8xf32, #tpu.memory_space<hbm>>
    tpu.enqueue_indirect_dma source(%dma_start3A_13 : memref<10000x8xf32, #tpu.memory_space<hbm>>) target(%arg10 : memref<100x8xf32, #tpu.memory_space<vmem>>) offsets(%dma_start3A_10 : memref<100xi32, #tpu.memory_space<vmem>>) semaphore(%arg21 : memref<!tpu.dma_semaphore, #tpu.memory_space<semaphore_mem>>)
    %dma_start3A_14 = arith.constant 2 : i32
    %dma_start3A_15 = arith.constant 0 : i32
    %dma_start3A_16 = tpu.memref_slice %arg7[%dma_start3A_14, %dma_start3A_15] : memref<100x100xi32, #tpu.memory_space<vmem>> -> memref<1x100xi32, #tpu.memory_space<vmem>>
    %dma_start3A_17 = tpu.memref_squeeze %dma_start3A_16 : memref<1x100xi32, #tpu.memory_space<vmem>> -> memref<100xi32, #tpu.memory_space<vmem>>
    %dma_start3A_18 = arith.constant 0 : i32
    %dma_start3A_19 = arith.constant 0 : i32
    %dma_start3A_20 = tpu.memref_slice %arg2[%dma_start3A_18, %dma_start3A_19] : memref<10000x8xf32, #tpu.memory_space<hbm>> -> memref<10000x8xf32, #tpu.memory_space<hbm>>
    tpu.enqueue_indirect_dma source(%dma_start3A_20 : memref<10000x8xf32, #tpu.memory_space<hbm>>) target(%arg11 : memref<100x8xf32, #tpu.memory_space<vmem>>) offsets(%dma_start3A_17 : memref<100xi32, #tpu.memory_space<vmem>>) semaphore(%arg22 : memref<!tpu.dma_semaphore, #tpu.memory_space<semaphore_mem>>)
    %dma_start3A_21 = arith.constant 3 : i32
    %dma_start3A_22 = arith.constant 0 : i32
    %dma_start3A_23 = tpu.memref_slice %arg7[%dma_start3A_21, %dma_start3A_22] : memref<100x100xi32, #tpu.memory_space<vmem>> -> memref<1x100xi32, #tpu.memory_space<vmem>>
    %dma_start3A_24 = tpu.memref_squeeze %dma_start3A_23 : memref<1x100xi32, #tpu.memory_space<vmem>> -> memref<100xi32, #tpu.memory_space<vmem>>
    %dma_start3A_25 = arith.constant 0 : i32
    %dma_start3A_26 = arith.constant 0 : i32
    %dma_start3A_27 = tpu.memref_slice %arg2[%dma_start3A_25, %dma_start3A_26] : memref<10000x8xf32, #tpu.memory_space<hbm>> -> memref<10000x8xf32, #tpu.memory_space<hbm>>
    tpu.enqueue_indirect_dma source(%dma_start3A_27 : memref<10000x8xf32, #tpu.memory_space<hbm>>) target(%arg12 : memref<100x8xf32, #tpu.memory_space<vmem>>) offsets(%dma_start3A_24 : memref<100xi32, #tpu.memory_space<vmem>>) semaphore(%arg23 : memref<!tpu.dma_semaphore, #tpu.memory_space<semaphore_mem>>)
    %dma_start3A_28 = arith.constant 4 : i32
    %dma_start3A_29 = arith.constant 0 : i32
    %dma_start3A_30 = tpu.memref_slice %arg7[%dma_start3A_28, %dma_start3A_29] : memref<100x100xi32, #tpu.memory_space<vmem>> -> memref<1x100xi32, #tpu.memory_space<vmem>>
    %dma_start3A_31 = tpu.memref_squeeze %dma_start3A_30 : memref<1x100xi32, #tpu.memory_space<vmem>> -> memref<100xi32, #tpu.memory_space<vmem>>
    %dma_start3A_32 = arith.constant 0 : i32
    %dma_start3A_33 = arith.constant 0 : i32
    %dma_start3A_34 = tpu.memref_slice %arg2[%dma_start3A_32, %dma_start3A_33] : memref<10000x8xf32, #tpu.memory_space<hbm>> -> memref<10000x8xf32, #tpu.memory_space<hbm>>
    tpu.enqueue_indirect_dma source(%dma_start3A_34 : memref<10000x8xf32, #tpu.memory_space<hbm>>) target(%arg13 : memref<100x8xf32, #tpu.memory_space<vmem>>) offsets(%dma_start3A_31 : memref<100xi32, #tpu.memory_space<vmem>>) semaphore(%arg24 : memref<!tpu.dma_semaphore, #tpu.memory_space<semaphore_mem>>)
    %dma_start3A_35 = arith.constant 5 : i32
    %dma_start3A_36 = arith.constant 0 : i32
    %dma_start3A_37 = tpu.memref_slice %arg7[%dma_start3A_35, %dma_start3A_36] : memref<100x100xi32, #tpu.memory_space<vmem>> -> memref<1x100xi32, #tpu.memory_space<vmem>>
    %dma_start3A_38 = tpu.memref_squeeze %dma_start3A_37 : memref<1x100xi32, #tpu.memory_space<vmem>> -> memref<100xi32, #tpu.memory_space<vmem>>
    %dma_start3A_39 = arith.constant 0 : i32
    %dma_start3A_40 = arith.constant 0 : i32
    %dma_start3A_41 = tpu.memref_slice %arg2[%dma_start3A_39, %dma_start3A_40] : memref<10000x8xf32, #tpu.memory_space<hbm>> -> memref<10000x8xf32, #tpu.memory_space<hbm>>
    tpu.enqueue_indirect_dma source(%dma_start3A_41 : memref<10000x8xf32, #tpu.memory_space<hbm>>) target(%arg14 : memref<100x8xf32, #tpu.memory_space<vmem>>) offsets(%dma_start3A_38 : memref<100xi32, #tpu.memory_space<vmem>>) semaphore(%arg25 : memref<!tpu.dma_semaphore, #tpu.memory_space<semaphore_mem>>)
    %dma_start3A_42 = arith.constant 6 : i32
    %dma_start3A_43 = arith.constant 0 : i32
    %dma_start3A_44 = tpu.memref_slice %arg7[%dma_start3A_42, %dma_start3A_43] : memref<100x100xi32, #tpu.memory_space<vmem>> -> memref<1x100xi32, #tpu.memory_space<vmem>>
    %dma_start3A_45 = tpu.memref_squeeze %dma_start3A_44 : memref<1x100xi32, #tpu.memory_space<vmem>> -> memref<100xi32, #tpu.memory_space<vmem>>
    %dma_start3A_46 = arith.constant 0 : i32
    %dma_start3A_47 = arith.constant 0 : i32
    %dma_start3A_48 = tpu.memref_slice %arg2[%dma_start3A_46, %dma_start3A_47] : memref<10000x8xf32, #tpu.memory_space<hbm>> -> memref<10000x8xf32, #tpu.memory_space<hbm>>
    tpu.enqueue_indirect_dma source(%dma_start3A_48 : memref<10000x8xf32, #tpu.memory_space<hbm>>) target(%arg15 : memref<100x8xf32, #tpu.memory_space<vmem>>) offsets(%dma_start3A_45 : memref<100xi32, #tpu.memory_space<vmem>>) semaphore(%arg26 : memref<!tpu.dma_semaphore, #tpu.memory_space<semaphore_mem>>)
    %dma_start3A_49 = arith.constant 7 : i32
    %dma_start3A_50 = arith.constant 0 : i32
    %dma_start3A_51 = tpu.memref_slice %arg7[%dma_start3A_49, %dma_start3A_50] : memref<100x100xi32, #tpu.memory_space<vmem>> -> memref<1x100xi32, #tpu.memory_space<vmem>>
    %dma_start3A_52 = tpu.memref_squeeze %dma_start3A_51 : memref<1x100xi32, #tpu.memory_space<vmem>> -> memref<100xi32, #tpu.memory_space<vmem>>
    %dma_start3A_53 = arith.constant 0 : i32
    %dma_start3A_54 = arith.constant 0 : i32
    %dma_start3A_55 = tpu.memref_slice %arg2[%dma_start3A_53, %dma_start3A_54] : memref<10000x8xf32, #tpu.memory_space<hbm>> -> memref<10000x8xf32, #tpu.memory_space<hbm>>
    tpu.enqueue_indirect_dma source(%dma_start3A_55 : memref<10000x8xf32, #tpu.memory_space<hbm>>) target(%arg16 : memref<100x8xf32, #tpu.memory_space<vmem>>) offsets(%dma_start3A_52 : memref<100xi32, #tpu.memory_space<vmem>>) semaphore(%arg27 : memref<!tpu.dma_semaphore, #tpu.memory_space<semaphore_mem>>)
    %dma_start3A_56 = arith.constant 8 : i32
    %dma_start3A_57 = arith.constant 0 : i32
    %dma_start3A_58 = tpu.memref_slice %arg7[%dma_start3A_56, %dma_start3A_57] : memref<100x100xi32, #tpu.memory_space<vmem>> -> memref<1x100xi32, #tpu.memory_space<vmem>>
    %dma_start3A_59 = tpu.memref_squeeze %dma_start3A_58 : memref<1x100xi32, #tpu.memory_space<vmem>> -> memref<100xi32, #tpu.memory_space<vmem>>
    %dma_start3A_60 = arith.constant 0 : i32
    %dma_start3A_61 = arith.constant 0 : i32
    %dma_start3A_62 = tpu.memref_slice %arg2[%dma_start3A_60, %dma_start3A_61] : memref<10000x8xf32, #tpu.memory_space<hbm>> -> memref<10000x8xf32, #tpu.memory_space<hbm>>
    tpu.enqueue_indirect_dma source(%dma_start3A_62 : memref<10000x8xf32, #tpu.memory_space<hbm>>) target(%arg17 : memref<100x8xf32, #tpu.memory_space<vmem>>) offsets(%dma_start3A_59 : memref<100xi32, #tpu.memory_space<vmem>>) semaphore(%arg28 : memref<!tpu.dma_semaphore, #tpu.memory_space<semaphore_mem>>)
    %dma_start3A_63 = arith.constant 9 : i32
    %dma_start3A_64 = arith.constant 0 : i32
    %dma_start3A_65 = tpu.memref_slice %arg7[%dma_start3A_63, %dma_start3A_64] : memref<100x100xi32, #tpu.memory_space<vmem>> -> memref<1x100xi32, #tpu.memory_space<vmem>>
    %dma_start3A_66 = tpu.memref_squeeze %dma_start3A_65 : memref<1x100xi32, #tpu.memory_space<vmem>> -> memref<100xi32, #tpu.memory_space<vmem>>
    %dma_start3A_67 = arith.constant 0 : i32
    %dma_start3A_68 = arith.constant 0 : i32
    %dma_start3A_69 = tpu.memref_slice %arg2[%dma_start3A_67, %dma_start3A_68] : memref<10000x8xf32, #tpu.memory_space<hbm>> -> memref<10000x8xf32, #tpu.memory_space<hbm>>
    tpu.enqueue_indirect_dma source(%dma_start3A_69 : memref<10000x8xf32, #tpu.memory_space<hbm>>) target(%arg18 : memref<100x8xf32, #tpu.memory_space<vmem>>) offsets(%dma_start3A_66 : memref<100xi32, #tpu.memory_space<vmem>>) semaphore(%arg29 : memref<!tpu.dma_semaphore, #tpu.memory_space<semaphore_mem>>)
    %mul3A_70 = arith.constant 625 : i32
    %mul3A_71 = arith.muli %arg1, %mul3A_70 : i32
    "tpu.region"() ({
      %run_scoped3A_160 = tpu.sem_alloc : memref<!tpu.dma_semaphore, #tpu.memory_space<semaphore_mem>>
      %dma_start3A_161 = arith.constant 0 : i32
      %dma_start3A_162 = tpu.memref_slice %arg19[%mul3A_71, %dma_start3A_161] : memref<10000x8xf32, #tpu.memory_space<vmem_shared>> -> memref<625x8xf32, #tpu.memory_space<vmem_shared>>
      tpu.enqueue_dma source(%arg5 : memref<625x8xf32, #tpu.memory_space<hbm>>) target(%dma_start3A_162 : memref<625x8xf32, #tpu.memory_space<vmem_shared>>) target_semaphore(%run_scoped3A_160 : memref<!tpu.dma_semaphore, #tpu.memory_space<semaphore_mem>>)
      %dma_wait3A_163 = arith.constant 0 : i32
      %dma_wait3A_164 = tpu.memref_slice %arg19[%mul3A_71, %dma_wait3A_163] : memref<10000x8xf32, #tpu.memory_space<vmem_shared>> -> memref<625x8xf32, #tpu.memory_space<vmem_shared>>
      tpu.wait_dma2 semaphore(%run_scoped3A_160 : memref<!tpu.dma_semaphore, #tpu.memory_space<semaphore_mem>>) src(%arg5 : memref<625x8xf32, #tpu.memory_space<hbm>>) dst(%dma_wait3A_164 : memref<625x8xf32, #tpu.memory_space<vmem_shared>>)
      tpu.yield
    }) : () -> ()
    %barrier3A = arith.constant 0 : index
    tpu.barrier barrier_id(%barrier3A)
    %scan3A = arith.constant 0 : i32
    %scan3A_72 = arith.constant 0 : i32
    %scan3A_73 = arith.constant 9 : i32
    %scan3A_74 = arith.addi %scan3A_72, %scan3A_73 : i32
    %scan3A_75 = arith.constant 1 : i32
    scf.for %scan3A_160 = %scan3A_72 to %scan3A_74 step %scan3A_75  : i32 {
      %mul3A_161 = arith.constant 10 : i32
      %mul3A_162 = arith.muli %scan3A_160, %mul3A_161 : i32
      %add3A_163 = arith.constant 0 : i32
      %add3A_164 = arith.addi %mul3A_162, %add3A_163 : i32
      %dma_wait3A_165 = arith.constant 0 : i32
      %dma_wait3A_166 = tpu.memref_slice %arg7[%add3A_164, %dma_wait3A_165] : memref<100x100xi32, #tpu.memory_space<vmem>> -> memref<1x100xi32, #tpu.memory_space<vmem>>
      %dma_wait3A_167 = tpu.memref_squeeze %dma_wait3A_166 : memref<1x100xi32, #tpu.memory_space<vmem>> -> memref<100xi32, #tpu.memory_space<vmem>>
      %dma_wait3A_168 = arith.constant 0 : i32
      %dma_wait3A_169 = arith.constant 0 : i32
      %dma_wait3A_170 = tpu.memref_slice %arg2[%dma_wait3A_168, %dma_wait3A_169] : memref<10000x8xf32, #tpu.memory_space<hbm>> -> memref<10000x8xf32, #tpu.memory_space<hbm>>
      tpu.wait_indirect_dma semaphore(%arg20 : memref<!tpu.dma_semaphore, #tpu.memory_space<semaphore_mem>>) src(%dma_wait3A_170 : memref<10000x8xf32, #tpu.memory_space<hbm>>) dst(%arg9 : memref<100x8xf32, #tpu.memory_space<vmem>>)
      "tpu.region"() ({
        %run_scoped3A_323 = tpu.sem_alloc : memref<!tpu.dma_semaphore, #tpu.memory_space<semaphore_mem>>
        %dma_start3A_324 = arith.constant 0 : i32
        %dma_start3A_325 = tpu.memref_slice %arg8[%add3A_164, %dma_start3A_324] : memref<100x100xi32, #tpu.memory_space<vmem>> -> memref<1x100xi32, #tpu.memory_space<vmem>>
        %dma_start3A_326 = tpu.memref_squeeze %dma_start3A_325 : memref<1x100xi32, #tpu.memory_space<vmem>> -> memref<100xi32, #tpu.memory_space<vmem>>
        %dma_start3A_327 = arith.constant 0 : i32
        %dma_start3A_328 = arith.constant 0 : i32
        %dma_start3A_329 = tpu.memref_slice %arg19[%dma_start3A_327, %dma_start3A_328] : memref<10000x8xf32, #tpu.memory_space<vmem_shared>> -> memref<10000x8xf32, #tpu.memory_space<vmem_shared>>
        tpu.enqueue_indirect_dma source(%arg9 : memref<100x8xf32, #tpu.memory_space<vmem>>) target(%dma_start3A_329 : memref<10000x8xf32, #tpu.memory_space<vmem_shared>>) offsets(%dma_start3A_326 : memref<100xi32, #tpu.memory_space<vmem>>) semaphore(%run_scoped3A_323 : memref<!tpu.dma_semaphore, #tpu.memory_space<semaphore_mem>>) {add = true}
        %dma_wait3A_330 = arith.constant 0 : i32
        %dma_wait3A_331 = tpu.memref_slice %arg8[%add3A_164, %dma_wait3A_330] : memref<100x100xi32, #tpu.memory_space<vmem>> -> memref<1x100xi32, #tpu.memory_space<vmem>>
        %dma_wait3A_332 = tpu.memref_squeeze %dma_wait3A_331 : memref<1x100xi32, #tpu.memory_space<vmem>> -> memref<100xi32, #tpu.memory_space<vmem>>
        %dma_wait3A_333 = arith.constant 0 : i32
        %dma_wait3A_334 = arith.constant 0 : i32
        %dma_wait3A_335 = tpu.memref_slice %arg19[%dma_wait3A_333, %dma_wait3A_334] : memref<10000x8xf32, #tpu.memory_space<vmem_shared>> -> memref<10000x8xf32, #tpu.memory_space<vmem_shared>>
        tpu.wait_indirect_dma semaphore(%run_scoped3A_323 : memref<!tpu.dma_semaphore, #tpu.memory_space<semaphore_mem>>) src(%arg9 : memref<100x8xf32, #tpu.memory_space<vmem>>) dst(%dma_wait3A_335 : memref<10000x8xf32, #tpu.memory_space<vmem_shared>>)
        tpu.yield
      }) : () -> ()
      %add3A_171 = arith.constant 10 : i32
      %add3A_172 = arith.addi %add3A_164, %add3A_171 : i32
      %dma_start3A_173 = arith.constant 0 : i32
      %dma_start3A_174 = tpu.memref_slice %arg7[%add3A_172, %dma_start3A_173] : memref<100x100xi32, #tpu.memory_space<vmem>> -> memref<1x100xi32, #tpu.memory_space<vmem>>
      %dma_start3A_175 = tpu.memref_squeeze %dma_start3A_174 : memref<1x100xi32, #tpu.memory_space<vmem>> -> memref<100xi32, #tpu.memory_space<vmem>>
      %dma_start3A_176 = arith.constant 0 : i32
      %dma_start3A_177 = arith.constant 0 : i32
      %dma_start3A_178 = tpu.memref_slice %arg2[%dma_start3A_176, %dma_start3A_177] : memref<10000x8xf32, #tpu.memory_space<hbm>> -> memref<10000x8xf32, #tpu.memory_space<hbm>>
      tpu.enqueue_indirect_dma source(%dma_start3A_178 : memref<10000x8xf32, #tpu.memory_space<hbm>>) target(%arg9 : memref<100x8xf32, #tpu.memory_space<vmem>>) offsets(%dma_start3A_175 : memref<100xi32, #tpu.memory_space<vmem>>) semaphore(%arg20 : memref<!tpu.dma_semaphore, #tpu.memory_space<semaphore_mem>>)
      %add3A_179 = arith.constant 1 : i32
      %add3A_180 = arith.addi %mul3A_162, %add3A_179 : i32
      %dma_wait3A_181 = arith.constant 0 : i32
      %dma_wait3A_182 = tpu.memref_slice %arg7[%add3A_180, %dma_wait3A_181] : memref<100x100xi32, #tpu.memory_space<vmem>> -> memref<1x100xi32, #tpu.memory_space<vmem>>
      %dma_wait3A_183 = tpu.memref_squeeze %dma_wait3A_182 : memref<1x100xi32, #tpu.memory_space<vmem>> -> memref<100xi32, #tpu.memory_space<vmem>>
      %dma_wait3A_184 = arith.constant 0 : i32
      %dma_wait3A_185 = arith.constant 0 : i32
      %dma_wait3A_186 = tpu.memref_slice %arg2[%dma_wait3A_184, %dma_wait3A_185] : memref<10000x8xf32, #tpu.memory_space<hbm>> -> memref<10000x8xf32, #tpu.memory_space<hbm>>
      tpu.wait_indirect_dma semaphore(%arg21 : memref<!tpu.dma_semaphore, #tpu.memory_space<semaphore_mem>>) src(%dma_wait3A_186 : memref<10000x8xf32, #tpu.memory_space<hbm>>) dst(%arg10 : memref<100x8xf32, #tpu.memory_space<vmem>>)
      "tpu.region"() ({
        %run_scoped3A_323 = tpu.sem_alloc : memref<!tpu.dma_semaphore, #tpu.memory_space<semaphore_mem>>
        %dma_start3A_324 = arith.constant 0 : i32
        %dma_start3A_325 = tpu.memref_slice %arg8[%add3A_180, %dma_start3A_324] : memref<100x100xi32, #tpu.memory_space<vmem>> -> memref<1x100xi32, #tpu.memory_space<vmem>>
        %dma_start3A_326 = tpu.memref_squeeze %dma_start3A_325 : memref<1x100xi32, #tpu.memory_space<vmem>> -> memref<100xi32, #tpu.memory_space<vmem>>
        %dma_start3A_327 = arith.constant 0 : i32
        %dma_start3A_328 = arith.constant 0 : i32
        %dma_start3A_329 = tpu.memref_slice %arg19[%dma_start3A_327, %dma_start3A_328] : memref<10000x8xf32, #tpu.memory_space<vmem_shared>> -> memref<10000x8xf32, #tpu.memory_space<vmem_shared>>
        tpu.enqueue_indirect_dma source(%arg10 : memref<100x8xf32, #tpu.memory_space<vmem>>) target(%dma_start3A_329 : memref<10000x8xf32, #tpu.memory_space<vmem_shared>>) offsets(%dma_start3A_326 : memref<100xi32, #tpu.memory_space<vmem>>) semaphore(%run_scoped3A_323 : memref<!tpu.dma_semaphore, #tpu.memory_space<semaphore_mem>>) {add = true}
        %dma_wait3A_330 = arith.constant 0 : i32
        %dma_wait3A_331 = tpu.memref_slice %arg8[%add3A_180, %dma_wait3A_330] : memref<100x100xi32, #tpu.memory_space<vmem>> -> memref<1x100xi32, #tpu.memory_space<vmem>>
        %dma_wait3A_332 = tpu.memref_squeeze %dma_wait3A_331 : memref<1x100xi32, #tpu.memory_space<vmem>> -> memref<100xi32, #tpu.memory_space<vmem>>
        %dma_wait3A_333 = arith.constant 0 : i32
        %dma_wait3A_334 = arith.constant 0 : i32
        %dma_wait3A_335 = tpu.memref_slice %arg19[%dma_wait3A_333, %dma_wait3A_334] : memref<10000x8xf32, #tpu.memory_space<vmem_shared>> -> memref<10000x8xf32, #tpu.memory_space<vmem_shared>>
        tpu.wait_indirect_dma semaphore(%run_scoped3A_323 : memref<!tpu.dma_semaphore, #tpu.memory_space<semaphore_mem>>) src(%arg10 : memref<100x8xf32, #tpu.memory_space<vmem>>) dst(%dma_wait3A_335 : memref<10000x8xf32, #tpu.memory_space<vmem_shared>>)
        tpu.yield
      }) : () -> ()
      %add3A_187 = arith.constant 10 : i32
      %add3A_188 = arith.addi %add3A_180, %add3A_187 : i32
      %dma_start3A_189 = arith.constant 0 : i32
      %dma_start3A_190 = tpu.memref_slice %arg7[%add3A_188, %dma_start3A_189] : memref<100x100xi32, #tpu.memory_space<vmem>> -> memref<1x100xi32, #tpu.memory_space<vmem>>
      %dma_start3A_191 = tpu.memref_squeeze %dma_start3A_190 : memref<1x100xi32, #tpu.memory_space<vmem>> -> memref<100xi32, #tpu.memory_space<vmem>>
      %dma_start3A_192 = arith.constant 0 : i32
      %dma_start3A_193 = arith.constant 0 : i32
      %dma_start3A_194 = tpu.memref_slice %arg2[%dma_start3A_192, %dma_start3A_193] : memref<10000x8xf32, #tpu.memory_space<hbm>> -> memref<10000x8xf32, #tpu.memory_space<hbm>>
      tpu.enqueue_indirect_dma source(%dma_start3A_194 : memref<10000x8xf32, #tpu.memory_space<hbm>>) target(%arg10 : memref<100x8xf32, #tpu.memory_space<vmem>>) offsets(%dma_start3A_191 : memref<100xi32, #tpu.memory_space<vmem>>) semaphore(%arg21 : memref<!tpu.dma_semaphore, #tpu.memory_space<semaphore_mem>>)
      %add3A_195 = arith.constant 2 : i32
      %add3A_196 = arith.addi %mul3A_162, %add3A_195 : i32
      %dma_wait3A_197 = arith.constant 0 : i32
      %dma_wait3A_198 = tpu.memref_slice %arg7[%add3A_196, %dma_wait3A_197] : memref<100x100xi32, #tpu.memory_space<vmem>> -> memref<1x100xi32, #tpu.memory_space<vmem>>
      %dma_wait3A_199 = tpu.memref_squeeze %dma_wait3A_198 : memref<1x100xi32, #tpu.memory_space<vmem>> -> memref<100xi32, #tpu.memory_space<vmem>>
      %dma_wait3A_200 = arith.constant 0 : i32
      %dma_wait3A_201 = arith.constant 0 : i32
      %dma_wait3A_202 = tpu.memref_slice %arg2[%dma_wait3A_200, %dma_wait3A_201] : memref<10000x8xf32, #tpu.memory_space<hbm>> -> memref<10000x8xf32, #tpu.memory_space<hbm>>
      tpu.wait_indirect_dma semaphore(%arg22 : memref<!tpu.dma_semaphore, #tpu.memory_space<semaphore_mem>>) src(%dma_wait3A_202 : memref<10000x8xf32, #tpu.memory_space<hbm>>) dst(%arg11 : memref<100x8xf32, #tpu.memory_space<vmem>>)
      "tpu.region"() ({
        %run_scoped3A_323 = tpu.sem_alloc : memref<!tpu.dma_semaphore, #tpu.memory_space<semaphore_mem>>
        %dma_start3A_324 = arith.constant 0 : i32
        %dma_start3A_325 = tpu.memref_slice %arg8[%add3A_196, %dma_start3A_324] : memref<100x100xi32, #tpu.memory_space<vmem>> -> memref<1x100xi32, #tpu.memory_space<vmem>>
        %dma_start3A_326 = tpu.memref_squeeze %dma_start3A_325 : memref<1x100xi32, #tpu.memory_space<vmem>> -> memref<100xi32, #tpu.memory_space<vmem>>
        %dma_start3A_327 = arith.constant 0 : i32
        %dma_start3A_328 = arith.constant 0 : i32
        %dma_start3A_329 = tpu.memref_slice %arg19[%dma_start3A_327, %dma_start3A_328] : memref<10000x8xf32, #tpu.memory_space<vmem_shared>> -> memref<10000x8xf32, #tpu.memory_space<vmem_shared>>
        tpu.enqueue_indirect_dma source(%arg11 : memref<100x8xf32, #tpu.memory_space<vmem>>) target(%dma_start3A_329 : memref<10000x8xf32, #tpu.memory_space<vmem_shared>>) offsets(%dma_start3A_326 : memref<100xi32, #tpu.memory_space<vmem>>) semaphore(%run_scoped3A_323 : memref<!tpu.dma_semaphore, #tpu.memory_space<semaphore_mem>>) {add = true}
        %dma_wait3A_330 = arith.constant 0 : i32
        %dma_wait3A_331 = tpu.memref_slice %arg8[%add3A_196, %dma_wait3A_330] : memref<100x100xi32, #tpu.memory_space<vmem>> -> memref<1x100xi32, #tpu.memory_space<vmem>>
        %dma_wait3A_332 = tpu.memref_squeeze %dma_wait3A_331 : memref<1x100xi32, #tpu.memory_space<vmem>> -> memref<100xi32, #tpu.memory_space<vmem>>
        %dma_wait3A_333 = arith.constant 0 : i32
        %dma_wait3A_334 = arith.constant 0 : i32
        %dma_wait3A_335 = tpu.memref_slice %arg19[%dma_wait3A_333, %dma_wait3A_334] : memref<10000x8xf32, #tpu.memory_space<vmem_shared>> -> memref<10000x8xf32, #tpu.memory_space<vmem_shared>>
        tpu.wait_indirect_dma semaphore(%run_scoped3A_323 : memref<!tpu.dma_semaphore, #tpu.memory_space<semaphore_mem>>) src(%arg11 : memref<100x8xf32, #tpu.memory_space<vmem>>) dst(%dma_wait3A_335 : memref<10000x8xf32, #tpu.memory_space<vmem_shared>>)
        tpu.yield
      }) : () -> ()
      %add3A_203 = arith.constant 10 : i32
      %add3A_204 = arith.addi %add3A_196, %add3A_203 : i32
      %dma_start3A_205 = arith.constant 0 : i32
      %dma_start3A_206 = tpu.memref_slice %arg7[%add3A_204, %dma_start3A_205] : memref<100x100xi32, #tpu.memory_space<vmem>> -> memref<1x100xi32, #tpu.memory_space<vmem>>
      %dma_start3A_207 = tpu.memref_squeeze %dma_start3A_206 : memref<1x100xi32, #tpu.memory_space<vmem>> -> memref<100xi32, #tpu.memory_space<vmem>>
      %dma_start3A_208 = arith.constant 0 : i32
      %dma_start3A_209 = arith.constant 0 : i32
      %dma_start3A_210 = tpu.memref_slice %arg2[%dma_start3A_208, %dma_start3A_209] : memref<10000x8xf32, #tpu.memory_space<hbm>> -> memref<10000x8xf32, #tpu.memory_space<hbm>>
      tpu.enqueue_indirect_dma source(%dma_start3A_210 : memref<10000x8xf32, #tpu.memory_space<hbm>>) target(%arg11 : memref<100x8xf32, #tpu.memory_space<vmem>>) offsets(%dma_start3A_207 : memref<100xi32, #tpu.memory_space<vmem>>) semaphore(%arg22 : memref<!tpu.dma_semaphore, #tpu.memory_space<semaphore_mem>>)
      %add3A_211 = arith.constant 3 : i32
      %add3A_212 = arith.addi %mul3A_162, %add3A_211 : i32
      %dma_wait3A_213 = arith.constant 0 : i32
      %dma_wait3A_214 = tpu.memref_slice %arg7[%add3A_212, %dma_wait3A_213] : memref<100x100xi32, #tpu.memory_space<vmem>> -> memref<1x100xi32, #tpu.memory_space<vmem>>
      %dma_wait3A_215 = tpu.memref_squeeze %dma_wait3A_214 : memref<1x100xi32, #tpu.memory_space<vmem>> -> memref<100xi32, #tpu.memory_space<vmem>>
      %dma_wait3A_216 = arith.constant 0 : i32
      %dma_wait3A_217 = arith.constant 0 : i32
      %dma_wait3A_218 = tpu.memref_slice %arg2[%dma_wait3A_216, %dma_wait3A_217] : memref<10000x8xf32, #tpu.memory_space<hbm>> -> memref<10000x8xf32, #tpu.memory_space<hbm>>
      tpu.wait_indirect_dma semaphore(%arg23 : memref<!tpu.dma_semaphore, #tpu.memory_space<semaphore_mem>>) src(%dma_wait3A_218 : memref<10000x8xf32, #tpu.memory_space<hbm>>) dst(%arg12 : memref<100x8xf32, #tpu.memory_space<vmem>>)
      "tpu.region"() ({
        %run_scoped3A_323 = tpu.sem_alloc : memref<!tpu.dma_semaphore, #tpu.memory_space<semaphore_mem>>
        %dma_start3A_324 = arith.constant 0 : i32
        %dma_start3A_325 = tpu.memref_slice %arg8[%add3A_212, %dma_start3A_324] : memref<100x100xi32, #tpu.memory_space<vmem>> -> memref<1x100xi32, #tpu.memory_space<vmem>>
        %dma_start3A_326 = tpu.memref_squeeze %dma_start3A_325 : memref<1x100xi32, #tpu.memory_space<vmem>> -> memref<100xi32, #tpu.memory_space<vmem>>
        %dma_start3A_327 = arith.constant 0 : i32
        %dma_start3A_328 = arith.constant 0 : i32
        %dma_start3A_329 = tpu.memref_slice %arg19[%dma_start3A_327, %dma_start3A_328] : memref<10000x8xf32, #tpu.memory_space<vmem_shared>> -> memref<10000x8xf32, #tpu.memory_space<vmem_shared>>
        tpu.enqueue_indirect_dma source(%arg12 : memref<100x8xf32, #tpu.memory_space<vmem>>) target(%dma_start3A_329 : memref<10000x8xf32, #tpu.memory_space<vmem_shared>>) offsets(%dma_start3A_326 : memref<100xi32, #tpu.memory_space<vmem>>) semaphore(%run_scoped3A_323 : memref<!tpu.dma_semaphore, #tpu.memory_space<semaphore_mem>>) {add = true}
        %dma_wait3A_330 = arith.constant 0 : i32
        %dma_wait3A_331 = tpu.memref_slice %arg8[%add3A_212, %dma_wait3A_330] : memref<100x100xi32, #tpu.memory_space<vmem>> -> memref<1x100xi32, #tpu.memory_space<vmem>>
        %dma_wait3A_332 = tpu.memref_squeeze %dma_wait3A_331 : memref<1x100xi32, #tpu.memory_space<vmem>> -> memref<100xi32, #tpu.memory_space<vmem>>
        %dma_wait3A_333 = arith.constant 0 : i32
        %dma_wait3A_334 = arith.constant 0 : i32
        %dma_wait3A_335 = tpu.memref_slice %arg19[%dma_wait3A_333, %dma_wait3A_334] : memref<10000x8xf32, #tpu.memory_space<vmem_shared>> -> memref<10000x8xf32, #tpu.memory_space<vmem_shared>>
        tpu.wait_indirect_dma semaphore(%run_scoped3A_323 : memref<!tpu.dma_semaphore, #tpu.memory_space<semaphore_mem>>) src(%arg12 : memref<100x8xf32, #tpu.memory_space<vmem>>) dst(%dma_wait3A_335 : memref<10000x8xf32, #tpu.memory_space<vmem_shared>>)
        tpu.yield
      }) : () -> ()
      %add3A_219 = arith.constant 10 : i32
      %add3A_220 = arith.addi %add3A_212, %add3A_219 : i32
      %dma_start3A_221 = arith.constant 0 : i32
      %dma_start3A_222 = tpu.memref_slice %arg7[%add3A_220, %dma_start3A_221] : memref<100x100xi32, #tpu.memory_space<vmem>> -> memref<1x100xi32, #tpu.memory_space<vmem>>
      %dma_start3A_223 = tpu.memref_squeeze %dma_start3A_222 : memref<1x100xi32, #tpu.memory_space<vmem>> -> memref<100xi32, #tpu.memory_space<vmem>>
      %dma_start3A_224 = arith.constant 0 : i32
      %dma_start3A_225 = arith.constant 0 : i32
      %dma_start3A_226 = tpu.memref_slice %arg2[%dma_start3A_224, %dma_start3A_225] : memref<10000x8xf32, #tpu.memory_space<hbm>> -> memref<10000x8xf32, #tpu.memory_space<hbm>>
      tpu.enqueue_indirect_dma source(%dma_start3A_226 : memref<10000x8xf32, #tpu.memory_space<hbm>>) target(%arg12 : memref<100x8xf32, #tpu.memory_space<vmem>>) offsets(%dma_start3A_223 : memref<100xi32, #tpu.memory_space<vmem>>) semaphore(%arg23 : memref<!tpu.dma_semaphore, #tpu.memory_space<semaphore_mem>>)
      %add3A_227 = arith.constant 4 : i32
      %add3A_228 = arith.addi %mul3A_162, %add3A_227 : i32
      %dma_wait3A_229 = arith.constant 0 : i32
      %dma_wait3A_230 = tpu.memref_slice %arg7[%add3A_228, %dma_wait3A_229] : memref<100x100xi32, #tpu.memory_space<vmem>> -> memref<1x100xi32, #tpu.memory_space<vmem>>
      %dma_wait3A_231 = tpu.memref_squeeze %dma_wait3A_230 : memref<1x100xi32, #tpu.memory_space<vmem>> -> memref<100xi32, #tpu.memory_space<vmem>>
      %dma_wait3A_232 = arith.constant 0 : i32
      %dma_wait3A_233 = arith.constant 0 : i32
      %dma_wait3A_234 = tpu.memref_slice %arg2[%dma_wait3A_232, %dma_wait3A_233] : memref<10000x8xf32, #tpu.memory_space<hbm>> -> memref<10000x8xf32, #tpu.memory_space<hbm>>
      tpu.wait_indirect_dma semaphore(%arg24 : memref<!tpu.dma_semaphore, #tpu.memory_space<semaphore_mem>>) src(%dma_wait3A_234 : memref<10000x8xf32, #tpu.memory_space<hbm>>) dst(%arg13 : memref<100x8xf32, #tpu.memory_space<vmem>>)
      "tpu.region"() ({
        %run_scoped3A_323 = tpu.sem_alloc : memref<!tpu.dma_semaphore, #tpu.memory_space<semaphore_mem>>
        %dma_start3A_324 = arith.constant 0 : i32
        %dma_start3A_325 = tpu.memref_slice %arg8[%add3A_228, %dma_start3A_324] : memref<100x100xi32, #tpu.memory_space<vmem>> -> memref<1x100xi32, #tpu.memory_space<vmem>>
        %dma_start3A_326 = tpu.memref_squeeze %dma_start3A_325 : memref<1x100xi32, #tpu.memory_space<vmem>> -> memref<100xi32, #tpu.memory_space<vmem>>
        %dma_start3A_327 = arith.constant 0 : i32
        %dma_start3A_328 = arith.constant 0 : i32
        %dma_start3A_329 = tpu.memref_slice %arg19[%dma_start3A_327, %dma_start3A_328] : memref<10000x8xf32, #tpu.memory_space<vmem_shared>> -> memref<10000x8xf32, #tpu.memory_space<vmem_shared>>
        tpu.enqueue_indirect_dma source(%arg13 : memref<100x8xf32, #tpu.memory_space<vmem>>) target(%dma_start3A_329 : memref<10000x8xf32, #tpu.memory_space<vmem_shared>>) offsets(%dma_start3A_326 : memref<100xi32, #tpu.memory_space<vmem>>) semaphore(%run_scoped3A_323 : memref<!tpu.dma_semaphore, #tpu.memory_space<semaphore_mem>>) {add = true}
        %dma_wait3A_330 = arith.constant 0 : i32
        %dma_wait3A_331 = tpu.memref_slice %arg8[%add3A_228, %dma_wait3A_330] : memref<100x100xi32, #tpu.memory_space<vmem>> -> memref<1x100xi32, #tpu.memory_space<vmem>>
        %dma_wait3A_332 = tpu.memref_squeeze %dma_wait3A_331 : memref<1x100xi32, #tpu.memory_space<vmem>> -> memref<100xi32, #tpu.memory_space<vmem>>
        %dma_wait3A_333 = arith.constant 0 : i32
        %dma_wait3A_334 = arith.constant 0 : i32
        %dma_wait3A_335 = tpu.memref_slice %arg19[%dma_wait3A_333, %dma_wait3A_334] : memref<10000x8xf32, #tpu.memory_space<vmem_shared>> -> memref<10000x8xf32, #tpu.memory_space<vmem_shared>>
        tpu.wait_indirect_dma semaphore(%run_scoped3A_323 : memref<!tpu.dma_semaphore, #tpu.memory_space<semaphore_mem>>) src(%arg13 : memref<100x8xf32, #tpu.memory_space<vmem>>) dst(%dma_wait3A_335 : memref<10000x8xf32, #tpu.memory_space<vmem_shared>>)
        tpu.yield
      }) : () -> ()
      %add3A_235 = arith.constant 10 : i32
      %add3A_236 = arith.addi %add3A_228, %add3A_235 : i32
      %dma_start3A_237 = arith.constant 0 : i32
      %dma_start3A_238 = tpu.memref_slice %arg7[%add3A_236, %dma_start3A_237] : memref<100x100xi32, #tpu.memory_space<vmem>> -> memref<1x100xi32, #tpu.memory_space<vmem>>
      %dma_start3A_239 = tpu.memref_squeeze %dma_start3A_238 : memref<1x100xi32, #tpu.memory_space<vmem>> -> memref<100xi32, #tpu.memory_space<vmem>>
      %dma_start3A_240 = arith.constant 0 : i32
      %dma_start3A_241 = arith.constant 0 : i32
      %dma_start3A_242 = tpu.memref_slice %arg2[%dma_start3A_240, %dma_start3A_241] : memref<10000x8xf32, #tpu.memory_space<hbm>> -> memref<10000x8xf32, #tpu.memory_space<hbm>>
      tpu.enqueue_indirect_dma source(%dma_start3A_242 : memref<10000x8xf32, #tpu.memory_space<hbm>>) target(%arg13 : memref<100x8xf32, #tpu.memory_space<vmem>>) offsets(%dma_start3A_239 : memref<100xi32, #tpu.memory_space<vmem>>) semaphore(%arg24 : memref<!tpu.dma_semaphore, #tpu.memory_space<semaphore_mem>>)
      %add3A_243 = arith.constant 5 : i32
      %add3A_244 = arith.addi %mul3A_162, %add3A_243 : i32
      %dma_wait3A_245 = arith.constant 0 : i32
      %dma_wait3A_246 = tpu.memref_slice %arg7[%add3A_244, %dma_wait3A_245] : memref<100x100xi32, #tpu.memory_space<vmem>> -> memref<1x100xi32, #tpu.memory_space<vmem>>
      %dma_wait3A_247 = tpu.memref_squeeze %dma_wait3A_246 : memref<1x100xi32, #tpu.memory_space<vmem>> -> memref<100xi32, #tpu.memory_space<vmem>>
      %dma_wait3A_248 = arith.constant 0 : i32
      %dma_wait3A_249 = arith.constant 0 : i32
      %dma_wait3A_250 = tpu.memref_slice %arg2[%dma_wait3A_248, %dma_wait3A_249] : memref<10000x8xf32, #tpu.memory_space<hbm>> -> memref<10000x8xf32, #tpu.memory_space<hbm>>
      tpu.wait_indirect_dma semaphore(%arg25 : memref<!tpu.dma_semaphore, #tpu.memory_space<semaphore_mem>>) src(%dma_wait3A_250 : memref<10000x8xf32, #tpu.memory_space<hbm>>) dst(%arg14 : memref<100x8xf32, #tpu.memory_space<vmem>>)
      "tpu.region"() ({
        %run_scoped3A_323 = tpu.sem_alloc : memref<!tpu.dma_semaphore, #tpu.memory_space<semaphore_mem>>
        %dma_start3A_324 = arith.constant 0 : i32
        %dma_start3A_325 = tpu.memref_slice %arg8[%add3A_244, %dma_start3A_324] : memref<100x100xi32, #tpu.memory_space<vmem>> -> memref<1x100xi32, #tpu.memory_space<vmem>>
        %dma_start3A_326 = tpu.memref_squeeze %dma_start3A_325 : memref<1x100xi32, #tpu.memory_space<vmem>> -> memref<100xi32, #tpu.memory_space<vmem>>
        %dma_start3A_327 = arith.constant 0 : i32
        %dma_start3A_328 = arith.constant 0 : i32
        %dma_start3A_329 = tpu.memref_slice %arg19[%dma_start3A_327, %dma_start3A_328] : memref<10000x8xf32, #tpu.memory_space<vmem_shared>> -> memref<10000x8xf32, #tpu.memory_space<vmem_shared>>
        tpu.enqueue_indirect_dma source(%arg14 : memref<100x8xf32, #tpu.memory_space<vmem>>) target(%dma_start3A_329 : memref<10000x8xf32, #tpu.memory_space<vmem_shared>>) offsets(%dma_start3A_326 : memref<100xi32, #tpu.memory_space<vmem>>) semaphore(%run_scoped3A_323 : memref<!tpu.dma_semaphore, #tpu.memory_space<semaphore_mem>>) {add = true}
        %dma_wait3A_330 = arith.constant 0 : i32
        %dma_wait3A_331 = tpu.memref_slice %arg8[%add3A_244, %dma_wait3A_330] : memref<100x100xi32, #tpu.memory_space<vmem>> -> memref<1x100xi32, #tpu.memory_space<vmem>>
        %dma_wait3A_332 = tpu.memref_squeeze %dma_wait3A_331 : memref<1x100xi32, #tpu.memory_space<vmem>> -> memref<100xi32, #tpu.memory_space<vmem>>
        %dma_wait3A_333 = arith.constant 0 : i32
        %dma_wait3A_334 = arith.constant 0 : i32
        %dma_wait3A_335 = tpu.memref_slice %arg19[%dma_wait3A_333, %dma_wait3A_334] : memref<10000x8xf32, #tpu.memory_space<vmem_shared>> -> memref<10000x8xf32, #tpu.memory_space<vmem_shared>>
        tpu.wait_indirect_dma semaphore(%run_scoped3A_323 : memref<!tpu.dma_semaphore, #tpu.memory_space<semaphore_mem>>) src(%arg14 : memref<100x8xf32, #tpu.memory_space<vmem>>) dst(%dma_wait3A_335 : memref<10000x8xf32, #tpu.memory_space<vmem_shared>>)
        tpu.yield
      }) : () -> ()
      %add3A_251 = arith.constant 10 : i32
      %add3A_252 = arith.addi %add3A_244, %add3A_251 : i32
      %dma_start3A_253 = arith.constant 0 : i32
      %dma_start3A_254 = tpu.memref_slice %arg7[%add3A_252, %dma_start3A_253] : memref<100x100xi32, #tpu.memory_space<vmem>> -> memref<1x100xi32, #tpu.memory_space<vmem>>
      %dma_start3A_255 = tpu.memref_squeeze %dma_start3A_254 : memref<1x100xi32, #tpu.memory_space<vmem>> -> memref<100xi32, #tpu.memory_space<vmem>>
      %dma_start3A_256 = arith.constant 0 : i32
      %dma_start3A_257 = arith.constant 0 : i32
      %dma_start3A_258 = tpu.memref_slice %arg2[%dma_start3A_256, %dma_start3A_257] : memref<10000x8xf32, #tpu.memory_space<hbm>> -> memref<10000x8xf32, #tpu.memory_space<hbm>>
      tpu.enqueue_indirect_dma source(%dma_start3A_258 : memref<10000x8xf32, #tpu.memory_space<hbm>>) target(%arg14 : memref<100x8xf32, #tpu.memory_space<vmem>>) offsets(%dma_start3A_255 : memref<100xi32, #tpu.memory_space<vmem>>) semaphore(%arg25 : memref<!tpu.dma_semaphore, #tpu.memory_space<semaphore_mem>>)
      %add3A_259 = arith.constant 6 : i32
      %add3A_260 = arith.addi %mul3A_162, %add3A_259 : i32
      %dma_wait3A_261 = arith.constant 0 : i32
      %dma_wait3A_262 = tpu.memref_slice %arg7[%add3A_260, %dma_wait3A_261] : memref<100x100xi32, #tpu.memory_space<vmem>> -> memref<1x100xi32, #tpu.memory_space<vmem>>
      %dma_wait3A_263 = tpu.memref_squeeze %dma_wait3A_262 : memref<1x100xi32, #tpu.memory_space<vmem>> -> memref<100xi32, #tpu.memory_space<vmem>>
      %dma_wait3A_264 = arith.constant 0 : i32
      %dma_wait3A_265 = arith.constant 0 : i32
      %dma_wait3A_266 = tpu.memref_slice %arg2[%dma_wait3A_264, %dma_wait3A_265] : memref<10000x8xf32, #tpu.memory_space<hbm>> -> memref<10000x8xf32, #tpu.memory_space<hbm>>
      tpu.wait_indirect_dma semaphore(%arg26 : memref<!tpu.dma_semaphore, #tpu.memory_space<semaphore_mem>>) src(%dma_wait3A_266 : memref<10000x8xf32, #tpu.memory_space<hbm>>) dst(%arg15 : memref<100x8xf32, #tpu.memory_space<vmem>>)
      "tpu.region"() ({
        %run_scoped3A_323 = tpu.sem_alloc : memref<!tpu.dma_semaphore, #tpu.memory_space<semaphore_mem>>
        %dma_start3A_324 = arith.constant 0 : i32
        %dma_start3A_325 = tpu.memref_slice %arg8[%add3A_260, %dma_start3A_324] : memref<100x100xi32, #tpu.memory_space<vmem>> -> memref<1x100xi32, #tpu.memory_space<vmem>>
        %dma_start3A_326 = tpu.memref_squeeze %dma_start3A_325 : memref<1x100xi32, #tpu.memory_space<vmem>> -> memref<100xi32, #tpu.memory_space<vmem>>
        %dma_start3A_327 = arith.constant 0 : i32
        %dma_start3A_328 = arith.constant 0 : i32
        %dma_start3A_329 = tpu.memref_slice %arg19[%dma_start3A_327, %dma_start3A_328] : memref<10000x8xf32, #tpu.memory_space<vmem_shared>> -> memref<10000x8xf32, #tpu.memory_space<vmem_shared>>
        tpu.enqueue_indirect_dma source(%arg15 : memref<100x8xf32, #tpu.memory_space<vmem>>) target(%dma_start3A_329 : memref<10000x8xf32, #tpu.memory_space<vmem_shared>>) offsets(%dma_start3A_326 : memref<100xi32, #tpu.memory_space<vmem>>) semaphore(%run_scoped3A_323 : memref<!tpu.dma_semaphore, #tpu.memory_space<semaphore_mem>>) {add = true}
        %dma_wait3A_330 = arith.constant 0 : i32
        %dma_wait3A_331 = tpu.memref_slice %arg8[%add3A_260, %dma_wait3A_330] : memref<100x100xi32, #tpu.memory_space<vmem>> -> memref<1x100xi32, #tpu.memory_space<vmem>>
        %dma_wait3A_332 = tpu.memref_squeeze %dma_wait3A_331 : memref<1x100xi32, #tpu.memory_space<vmem>> -> memref<100xi32, #tpu.memory_space<vmem>>
        %dma_wait3A_333 = arith.constant 0 : i32
        %dma_wait3A_334 = arith.constant 0 : i32
        %dma_wait3A_335 = tpu.memref_slice %arg19[%dma_wait3A_333, %dma_wait3A_334] : memref<10000x8xf32, #tpu.memory_space<vmem_shared>> -> memref<10000x8xf32, #tpu.memory_space<vmem_shared>>
        tpu.wait_indirect_dma semaphore(%run_scoped3A_323 : memref<!tpu.dma_semaphore, #tpu.memory_space<semaphore_mem>>) src(%arg15 : memref<100x8xf32, #tpu.memory_space<vmem>>) dst(%dma_wait3A_335 : memref<10000x8xf32, #tpu.memory_space<vmem_shared>>)
        tpu.yield
      }) : () -> ()
      %add3A_267 = arith.constant 10 : i32
      %add3A_268 = arith.addi %add3A_260, %add3A_267 : i32
      %dma_start3A_269 = arith.constant 0 : i32
      %dma_start3A_270 = tpu.memref_slice %arg7[%add3A_268, %dma_start3A_269] : memref<100x100xi32, #tpu.memory_space<vmem>> -> memref<1x100xi32, #tpu.memory_space<vmem>>
      %dma_start3A_271 = tpu.memref_squeeze %dma_start3A_270 : memref<1x100xi32, #tpu.memory_space<vmem>> -> memref<100xi32, #tpu.memory_space<vmem>>
      %dma_start3A_272 = arith.constant 0 : i32
      %dma_start3A_273 = arith.constant 0 : i32
      %dma_start3A_274 = tpu.memref_slice %arg2[%dma_start3A_272, %dma_start3A_273] : memref<10000x8xf32, #tpu.memory_space<hbm>> -> memref<10000x8xf32, #tpu.memory_space<hbm>>
      tpu.enqueue_indirect_dma source(%dma_start3A_274 : memref<10000x8xf32, #tpu.memory_space<hbm>>) target(%arg15 : memref<100x8xf32, #tpu.memory_space<vmem>>) offsets(%dma_start3A_271 : memref<100xi32, #tpu.memory_space<vmem>>) semaphore(%arg26 : memref<!tpu.dma_semaphore, #tpu.memory_space<semaphore_mem>>)
      %add3A_275 = arith.constant 7 : i32
      %add3A_276 = arith.addi %mul3A_162, %add3A_275 : i32
      %dma_wait3A_277 = arith.constant 0 : i32
      %dma_wait3A_278 = tpu.memref_slice %arg7[%add3A_276, %dma_wait3A_277] : memref<100x100xi32, #tpu.memory_space<vmem>> -> memref<1x100xi32, #tpu.memory_space<vmem>>
      %dma_wait3A_279 = tpu.memref_squeeze %dma_wait3A_278 : memref<1x100xi32, #tpu.memory_space<vmem>> -> memref<100xi32, #tpu.memory_space<vmem>>
      %dma_wait3A_280 = arith.constant 0 : i32
      %dma_wait3A_281 = arith.constant 0 : i32
      %dma_wait3A_282 = tpu.memref_slice %arg2[%dma_wait3A_280, %dma_wait3A_281] : memref<10000x8xf32, #tpu.memory_space<hbm>> -> memref<10000x8xf32, #tpu.memory_space<hbm>>
      tpu.wait_indirect_dma semaphore(%arg27 : memref<!tpu.dma_semaphore, #tpu.memory_space<semaphore_mem>>) src(%dma_wait3A_282 : memref<10000x8xf32, #tpu.memory_space<hbm>>) dst(%arg16 : memref<100x8xf32, #tpu.memory_space<vmem>>)
      "tpu.region"() ({
        %run_scoped3A_323 = tpu.sem_alloc : memref<!tpu.dma_semaphore, #tpu.memory_space<semaphore_mem>>
        %dma_start3A_324 = arith.constant 0 : i32
        %dma_start3A_325 = tpu.memref_slice %arg8[%add3A_276, %dma_start3A_324] : memref<100x100xi32, #tpu.memory_space<vmem>> -> memref<1x100xi32, #tpu.memory_space<vmem>>
        %dma_start3A_326 = tpu.memref_squeeze %dma_start3A_325 : memref<1x100xi32, #tpu.memory_space<vmem>> -> memref<100xi32, #tpu.memory_space<vmem>>
        %dma_start3A_327 = arith.constant 0 : i32
        %dma_start3A_328 = arith.constant 0 : i32
        %dma_start3A_329 = tpu.memref_slice %arg19[%dma_start3A_327, %dma_start3A_328] : memref<10000x8xf32, #tpu.memory_space<vmem_shared>> -> memref<10000x8xf32, #tpu.memory_space<vmem_shared>>
        tpu.enqueue_indirect_dma source(%arg16 : memref<100x8xf32, #tpu.memory_space<vmem>>) target(%dma_start3A_329 : memref<10000x8xf32, #tpu.memory_space<vmem_shared>>) offsets(%dma_start3A_326 : memref<100xi32, #tpu.memory_space<vmem>>) semaphore(%run_scoped3A_323 : memref<!tpu.dma_semaphore, #tpu.memory_space<semaphore_mem>>) {add = true}
        %dma_wait3A_330 = arith.constant 0 : i32
        %dma_wait3A_331 = tpu.memref_slice %arg8[%add3A_276, %dma_wait3A_330] : memref<100x100xi32, #tpu.memory_space<vmem>> -> memref<1x100xi32, #tpu.memory_space<vmem>>
        %dma_wait3A_332 = tpu.memref_squeeze %dma_wait3A_331 : memref<1x100xi32, #tpu.memory_space<vmem>> -> memref<100xi32, #tpu.memory_space<vmem>>
        %dma_wait3A_333 = arith.constant 0 : i32
        %dma_wait3A_334 = arith.constant 0 : i32
        %dma_wait3A_335 = tpu.memref_slice %arg19[%dma_wait3A_333, %dma_wait3A_334] : memref<10000x8xf32, #tpu.memory_space<vmem_shared>> -> memref<10000x8xf32, #tpu.memory_space<vmem_shared>>
        tpu.wait_indirect_dma semaphore(%run_scoped3A_323 : memref<!tpu.dma_semaphore, #tpu.memory_space<semaphore_mem>>) src(%arg16 : memref<100x8xf32, #tpu.memory_space<vmem>>) dst(%dma_wait3A_335 : memref<10000x8xf32, #tpu.memory_space<vmem_shared>>)
        tpu.yield
      }) : () -> ()
      %add3A_283 = arith.constant 10 : i32
      %add3A_284 = arith.addi %add3A_276, %add3A_283 : i32
      %dma_start3A_285 = arith.constant 0 : i32
      %dma_start3A_286 = tpu.memref_slice %arg7[%add3A_284, %dma_start3A_285] : memref<100x100xi32, #tpu.memory_space<vmem>> -> memref<1x100xi32, #tpu.memory_space<vmem>>
      %dma_start3A_287 = tpu.memref_squeeze %dma_start3A_286 : memref<1x100xi32, #tpu.memory_space<vmem>> -> memref<100xi32, #tpu.memory_space<vmem>>
      %dma_start3A_288 = arith.constant 0 : i32
      %dma_start3A_289 = arith.constant 0 : i32
      %dma_start3A_290 = tpu.memref_slice %arg2[%dma_start3A_288, %dma_start3A_289] : memref<10000x8xf32, #tpu.memory_space<hbm>> -> memref<10000x8xf32, #tpu.memory_space<hbm>>
      tpu.enqueue_indirect_dma source(%dma_start3A_290 : memref<10000x8xf32, #tpu.memory_space<hbm>>) target(%arg16 : memref<100x8xf32, #tpu.memory_space<vmem>>) offsets(%dma_start3A_287 : memref<100xi32, #tpu.memory_space<vmem>>) semaphore(%arg27 : memref<!tpu.dma_semaphore, #tpu.memory_space<semaphore_mem>>)
      %add3A_291 = arith.constant 8 : i32
      %add3A_292 = arith.addi %mul3A_162, %add3A_291 : i32
      %dma_wait3A_293 = arith.constant 0 : i32
      %dma_wait3A_294 = tpu.memref_slice %arg7[%add3A_292, %dma_wait3A_293] : memref<100x100xi32, #tpu.memory_space<vmem>> -> memref<1x100xi32, #tpu.memory_space<vmem>>
      %dma_wait3A_295 = tpu.memref_squeeze %dma_wait3A_294 : memref<1x100xi32, #tpu.memory_space<vmem>> -> memref<100xi32, #tpu.memory_space<vmem>>
      %dma_wait3A_296 = arith.constant 0 : i32
      %dma_wait3A_297 = arith.constant 0 : i32
      %dma_wait3A_298 = tpu.memref_slice %arg2[%dma_wait3A_296, %dma_wait3A_297] : memref<10000x8xf32, #tpu.memory_space<hbm>> -> memref<10000x8xf32, #tpu.memory_space<hbm>>
      tpu.wait_indirect_dma semaphore(%arg28 : memref<!tpu.dma_semaphore, #tpu.memory_space<semaphore_mem>>) src(%dma_wait3A_298 : memref<10000x8xf32, #tpu.memory_space<hbm>>) dst(%arg17 : memref<100x8xf32, #tpu.memory_space<vmem>>)
      "tpu.region"() ({
        %run_scoped3A_323 = tpu.sem_alloc : memref<!tpu.dma_semaphore, #tpu.memory_space<semaphore_mem>>
        %dma_start3A_324 = arith.constant 0 : i32
        %dma_start3A_325 = tpu.memref_slice %arg8[%add3A_292, %dma_start3A_324] : memref<100x100xi32, #tpu.memory_space<vmem>> -> memref<1x100xi32, #tpu.memory_space<vmem>>
        %dma_start3A_326 = tpu.memref_squeeze %dma_start3A_325 : memref<1x100xi32, #tpu.memory_space<vmem>> -> memref<100xi32, #tpu.memory_space<vmem>>
        %dma_start3A_327 = arith.constant 0 : i32
        %dma_start3A_328 = arith.constant 0 : i32
        %dma_start3A_329 = tpu.memref_slice %arg19[%dma_start3A_327, %dma_start3A_328] : memref<10000x8xf32, #tpu.memory_space<vmem_shared>> -> memref<10000x8xf32, #tpu.memory_space<vmem_shared>>
        tpu.enqueue_indirect_dma source(%arg17 : memref<100x8xf32, #tpu.memory_space<vmem>>) target(%dma_start3A_329 : memref<10000x8xf32, #tpu.memory_space<vmem_shared>>) offsets(%dma_start3A_326 : memref<100xi32, #tpu.memory_space<vmem>>) semaphore(%run_scoped3A_323 : memref<!tpu.dma_semaphore, #tpu.memory_space<semaphore_mem>>) {add = true}
        %dma_wait3A_330 = arith.constant 0 : i32
        %dma_wait3A_331 = tpu.memref_slice %arg8[%add3A_292, %dma_wait3A_330] : memref<100x100xi32, #tpu.memory_space<vmem>> -> memref<1x100xi32, #tpu.memory_space<vmem>>
        %dma_wait3A_332 = tpu.memref_squeeze %dma_wait3A_331 : memref<1x100xi32, #tpu.memory_space<vmem>> -> memref<100xi32, #tpu.memory_space<vmem>>
        %dma_wait3A_333 = arith.constant 0 : i32
        %dma_wait3A_334 = arith.constant 0 : i32
        %dma_wait3A_335 = tpu.memref_slice %arg19[%dma_wait3A_333, %dma_wait3A_334] : memref<10000x8xf32, #tpu.memory_space<vmem_shared>> -> memref<10000x8xf32, #tpu.memory_space<vmem_shared>>
        tpu.wait_indirect_dma semaphore(%run_scoped3A_323 : memref<!tpu.dma_semaphore, #tpu.memory_space<semaphore_mem>>) src(%arg17 : memref<100x8xf32, #tpu.memory_space<vmem>>) dst(%dma_wait3A_335 : memref<10000x8xf32, #tpu.memory_space<vmem_shared>>)
        tpu.yield
      }) : () -> ()
      %add3A_299 = arith.constant 10 : i32
      %add3A_300 = arith.addi %add3A_292, %add3A_299 : i32
      %dma_start3A_301 = arith.constant 0 : i32
      %dma_start3A_302 = tpu.memref_slice %arg7[%add3A_300, %dma_start3A_301] : memref<100x100xi32, #tpu.memory_space<vmem>> -> memref<1x100xi32, #tpu.memory_space<vmem>>
      %dma_start3A_303 = tpu.memref_squeeze %dma_start3A_302 : memref<1x100xi32, #tpu.memory_space<vmem>> -> memref<100xi32, #tpu.memory_space<vmem>>
      %dma_start3A_304 = arith.constant 0 : i32
      %dma_start3A_305 = arith.constant 0 : i32
      %dma_start3A_306 = tpu.memref_slice %arg2[%dma_start3A_304, %dma_start3A_305] : memref<10000x8xf32, #tpu.memory_space<hbm>> -> memref<10000x8xf32, #tpu.memory_space<hbm>>
      tpu.enqueue_indirect_dma source(%dma_start3A_306 : memref<10000x8xf32, #tpu.memory_space<hbm>>) target(%arg17 : memref<100x8xf32, #tpu.memory_space<vmem>>) offsets(%dma_start3A_303 : memref<100xi32, #tpu.memory_space<vmem>>) semaphore(%arg28 : memref<!tpu.dma_semaphore, #tpu.memory_space<semaphore_mem>>)
      %add3A_307 = arith.constant 9 : i32
      %add3A_308 = arith.addi %mul3A_162, %add3A_307 : i32
      %dma_wait3A_309 = arith.constant 0 : i32
      %dma_wait3A_310 = tpu.memref_slice %arg7[%add3A_308, %dma_wait3A_309] : memref<100x100xi32, #tpu.memory_space<vmem>> -> memref<1x100xi32, #tpu.memory_space<vmem>>
      %dma_wait3A_311 = tpu.memref_squeeze %dma_wait3A_310 : memref<1x100xi32, #tpu.memory_space<vmem>> -> memref<100xi32, #tpu.memory_space<vmem>>
      %dma_wait3A_312 = arith.constant 0 : i32
      %dma_wait3A_313 = arith.constant 0 : i32
      %dma_wait3A_314 = tpu.memref_slice %arg2[%dma_wait3A_312, %dma_wait3A_313] : memref<10000x8xf32, #tpu.memory_space<hbm>> -> memref<10000x8xf32, #tpu.memory_space<hbm>>
      tpu.wait_indirect_dma semaphore(%arg29 : memref<!tpu.dma_semaphore, #tpu.memory_space<semaphore_mem>>) src(%dma_wait3A_314 : memref<10000x8xf32, #tpu.memory_space<hbm>>) dst(%arg18 : memref<100x8xf32, #tpu.memory_space<vmem>>)
      "tpu.region"() ({
        %run_scoped3A_323 = tpu.sem_alloc : memref<!tpu.dma_semaphore, #tpu.memory_space<semaphore_mem>>
        %dma_start3A_324 = arith.constant 0 : i32
        %dma_start3A_325 = tpu.memref_slice %arg8[%add3A_308, %dma_start3A_324] : memref<100x100xi32, #tpu.memory_space<vmem>> -> memref<1x100xi32, #tpu.memory_space<vmem>>
        %dma_start3A_326 = tpu.memref_squeeze %dma_start3A_325 : memref<1x100xi32, #tpu.memory_space<vmem>> -> memref<100xi32, #tpu.memory_space<vmem>>
        %dma_start3A_327 = arith.constant 0 : i32
        %dma_start3A_328 = arith.constant 0 : i32
        %dma_start3A_329 = tpu.memref_slice %arg19[%dma_start3A_327, %dma_start3A_328] : memref<10000x8xf32, #tpu.memory_space<vmem_shared>> -> memref<10000x8xf32, #tpu.memory_space<vmem_shared>>
        tpu.enqueue_indirect_dma source(%arg18 : memref<100x8xf32, #tpu.memory_space<vmem>>) target(%dma_start3A_329 : memref<10000x8xf32, #tpu.memory_space<vmem_shared>>) offsets(%dma_start3A_326 : memref<100xi32, #tpu.memory_space<vmem>>) semaphore(%run_scoped3A_323 : memref<!tpu.dma_semaphore, #tpu.memory_space<semaphore_mem>>) {add = true}
        %dma_wait3A_330 = arith.constant 0 : i32
        %dma_wait3A_331 = tpu.memref_slice %arg8[%add3A_308, %dma_wait3A_330] : memref<100x100xi32, #tpu.memory_space<vmem>> -> memref<1x100xi32, #tpu.memory_space<vmem>>
        %dma_wait3A_332 = tpu.memref_squeeze %dma_wait3A_331 : memref<1x100xi32, #tpu.memory_space<vmem>> -> memref<100xi32, #tpu.memory_space<vmem>>
        %dma_wait3A_333 = arith.constant 0 : i32
        %dma_wait3A_334 = arith.constant 0 : i32
        %dma_wait3A_335 = tpu.memref_slice %arg19[%dma_wait3A_333, %dma_wait3A_334] : memref<10000x8xf32, #tpu.memory_space<vmem_shared>> -> memref<10000x8xf32, #tpu.memory_space<vmem_shared>>
        tpu.wait_indirect_dma semaphore(%run_scoped3A_323 : memref<!tpu.dma_semaphore, #tpu.memory_space<semaphore_mem>>) src(%arg18 : memref<100x8xf32, #tpu.memory_space<vmem>>) dst(%dma_wait3A_335 : memref<10000x8xf32, #tpu.memory_space<vmem_shared>>)
        tpu.yield
      }) : () -> ()
      %add3A_315 = arith.constant 10 : i32
      %add3A_316 = arith.addi %add3A_308, %add3A_315 : i32
      %dma_start3A_317 = arith.constant 0 : i32
      %dma_start3A_318 = tpu.memref_slice %arg7[%add3A_316, %dma_start3A_317] : memref<100x100xi32, #tpu.memory_space<vmem>> -> memref<1x100xi32, #tpu.memory_space<vmem>>
      %dma_start3A_319 = tpu.memref_squeeze %dma_start3A_318 : memref<1x100xi32, #tpu.memory_space<vmem>> -> memref<100xi32, #tpu.memory_space<vmem>>
      %dma_start3A_320 = arith.constant 0 : i32
      %dma_start3A_321 = arith.constant 0 : i32
      %dma_start3A_322 = tpu.memref_slice %arg2[%dma_start3A_320, %dma_start3A_321] : memref<10000x8xf32, #tpu.memory_space<hbm>> -> memref<10000x8xf32, #tpu.memory_space<hbm>>
      tpu.enqueue_indirect_dma source(%dma_start3A_322 : memref<10000x8xf32, #tpu.memory_space<hbm>>) target(%arg18 : memref<100x8xf32, #tpu.memory_space<vmem>>) offsets(%dma_start3A_319 : memref<100xi32, #tpu.memory_space<vmem>>) semaphore(%arg29 : memref<!tpu.dma_semaphore, #tpu.memory_space<semaphore_mem>>)
    }
    %scan3A_76 = arith.constant 9 : i32
    %dma_wait3A = arith.constant 90 : i32
    %dma_wait3A_77 = arith.constant 0 : i32
    %dma_wait3A_78 = tpu.memref_slice %arg7[%dma_wait3A, %dma_wait3A_77] : memref<100x100xi32, #tpu.memory_space<vmem>> -> memref<1x100xi32, #tpu.memory_space<vmem>>
    %dma_wait3A_79 = tpu.memref_squeeze %dma_wait3A_78 : memref<1x100xi32, #tpu.memory_space<vmem>> -> memref<100xi32, #tpu.memory_space<vmem>>
    %dma_wait3A_80 = arith.constant 0 : i32
    %dma_wait3A_81 = arith.constant 0 : i32
    %dma_wait3A_82 = tpu.memref_slice %arg2[%dma_wait3A_80, %dma_wait3A_81] : memref<10000x8xf32, #tpu.memory_space<hbm>> -> memref<10000x8xf32, #tpu.memory_space<hbm>>
    tpu.wait_indirect_dma semaphore(%arg20 : memref<!tpu.dma_semaphore, #tpu.memory_space<semaphore_mem>>) src(%dma_wait3A_82 : memref<10000x8xf32, #tpu.memory_space<hbm>>) dst(%arg9 : memref<100x8xf32, #tpu.memory_space<vmem>>)
    %run_scoped3A = arith.constant 90 : i32
    "tpu.region"() ({
      %run_scoped3A_160 = tpu.sem_alloc : memref<!tpu.dma_semaphore, #tpu.memory_space<semaphore_mem>>
      %dma_start3A_161 = arith.constant 0 : i32
      %dma_start3A_162 = tpu.memref_slice %arg8[%run_scoped3A, %dma_start3A_161] : memref<100x100xi32, #tpu.memory_space<vmem>> -> memref<1x100xi32, #tpu.memory_space<vmem>>
      %dma_start3A_163 = tpu.memref_squeeze %dma_start3A_162 : memref<1x100xi32, #tpu.memory_space<vmem>> -> memref<100xi32, #tpu.memory_space<vmem>>
      %dma_start3A_164 = arith.constant 0 : i32
      %dma_start3A_165 = arith.constant 0 : i32
      %dma_start3A_166 = tpu.memref_slice %arg19[%dma_start3A_164, %dma_start3A_165] : memref<10000x8xf32, #tpu.memory_space<vmem_shared>> -> memref<10000x8xf32, #tpu.memory_space<vmem_shared>>
      tpu.enqueue_indirect_dma source(%arg9 : memref<100x8xf32, #tpu.memory_space<vmem>>) target(%dma_start3A_166 : memref<10000x8xf32, #tpu.memory_space<vmem_shared>>) offsets(%dma_start3A_163 : memref<100xi32, #tpu.memory_space<vmem>>) semaphore(%run_scoped3A_160 : memref<!tpu.dma_semaphore, #tpu.memory_space<semaphore_mem>>) {add = true}
      %dma_wait3A_167 = arith.constant 0 : i32
      %dma_wait3A_168 = tpu.memref_slice %arg8[%run_scoped3A, %dma_wait3A_167] : memref<100x100xi32, #tpu.memory_space<vmem>> -> memref<1x100xi32, #tpu.memory_space<vmem>>
      %dma_wait3A_169 = tpu.memref_squeeze %dma_wait3A_168 : memref<1x100xi32, #tpu.memory_space<vmem>> -> memref<100xi32, #tpu.memory_space<vmem>>
      %dma_wait3A_170 = arith.constant 0 : i32
      %dma_wait3A_171 = arith.constant 0 : i32
      %dma_wait3A_172 = tpu.memref_slice %arg19[%dma_wait3A_170, %dma_wait3A_171] : memref<10000x8xf32, #tpu.memory_space<vmem_shared>> -> memref<10000x8xf32, #tpu.memory_space<vmem_shared>>
      tpu.wait_indirect_dma semaphore(%run_scoped3A_160 : memref<!tpu.dma_semaphore, #tpu.memory_space<semaphore_mem>>) src(%arg9 : memref<100x8xf32, #tpu.memory_space<vmem>>) dst(%dma_wait3A_172 : memref<10000x8xf32, #tpu.memory_space<vmem_shared>>)
      tpu.yield
    }) : () -> ()
    %dma_wait3A_83 = arith.constant 91 : i32
    %dma_wait3A_84 = arith.constant 0 : i32
    %dma_wait3A_85 = tpu.memref_slice %arg7[%dma_wait3A_83, %dma_wait3A_84] : memref<100x100xi32, #tpu.memory_space<vmem>> -> memref<1x100xi32, #tpu.memory_space<vmem>>
    %dma_wait3A_86 = tpu.memref_squeeze %dma_wait3A_85 : memref<1x100xi32, #tpu.memory_space<vmem>> -> memref<100xi32, #tpu.memory_space<vmem>>
    %dma_wait3A_87 = arith.constant 0 : i32
    %dma_wait3A_88 = arith.constant 0 : i32
    %dma_wait3A_89 = tpu.memref_slice %arg2[%dma_wait3A_87, %dma_wait3A_88] : memref<10000x8xf32, #tpu.memory_space<hbm>> -> memref<10000x8xf32, #tpu.memory_space<hbm>>
    tpu.wait_indirect_dma semaphore(%arg21 : memref<!tpu.dma_semaphore, #tpu.memory_space<semaphore_mem>>) src(%dma_wait3A_89 : memref<10000x8xf32, #tpu.memory_space<hbm>>) dst(%arg10 : memref<100x8xf32, #tpu.memory_space<vmem>>)
    %run_scoped3A_90 = arith.constant 91 : i32
    "tpu.region"() ({
      %run_scoped3A_160 = tpu.sem_alloc : memref<!tpu.dma_semaphore, #tpu.memory_space<semaphore_mem>>
      %dma_start3A_161 = arith.constant 0 : i32
      %dma_start3A_162 = tpu.memref_slice %arg8[%run_scoped3A_90, %dma_start3A_161] : memref<100x100xi32, #tpu.memory_space<vmem>> -> memref<1x100xi32, #tpu.memory_space<vmem>>
      %dma_start3A_163 = tpu.memref_squeeze %dma_start3A_162 : memref<1x100xi32, #tpu.memory_space<vmem>> -> memref<100xi32, #tpu.memory_space<vmem>>
      %dma_start3A_164 = arith.constant 0 : i32
      %dma_start3A_165 = arith.constant 0 : i32
      %dma_start3A_166 = tpu.memref_slice %arg19[%dma_start3A_164, %dma_start3A_165] : memref<10000x8xf32, #tpu.memory_space<vmem_shared>> -> memref<10000x8xf32, #tpu.memory_space<vmem_shared>>
      tpu.enqueue_indirect_dma source(%arg10 : memref<100x8xf32, #tpu.memory_space<vmem>>) target(%dma_start3A_166 : memref<10000x8xf32, #tpu.memory_space<vmem_shared>>) offsets(%dma_start3A_163 : memref<100xi32, #tpu.memory_space<vmem>>) semaphore(%run_scoped3A_160 : memref<!tpu.dma_semaphore, #tpu.memory_space<semaphore_mem>>) {add = true}
      %dma_wait3A_167 = arith.constant 0 : i32
      %dma_wait3A_168 = tpu.memref_slice %arg8[%run_scoped3A_90, %dma_wait3A_167] : memref<100x100xi32, #tpu.memory_space<vmem>> -> memref<1x100xi32, #tpu.memory_space<vmem>>
      %dma_wait3A_169 = tpu.memref_squeeze %dma_wait3A_168 : memref<1x100xi32, #tpu.memory_space<vmem>> -> memref<100xi32, #tpu.memory_space<vmem>>
      %dma_wait3A_170 = arith.constant 0 : i32
      %dma_wait3A_171 = arith.constant 0 : i32
      %dma_wait3A_172 = tpu.memref_slice %arg19[%dma_wait3A_170, %dma_wait3A_171] : memref<10000x8xf32, #tpu.memory_space<vmem_shared>> -> memref<10000x8xf32, #tpu.memory_space<vmem_shared>>
      tpu.wait_indirect_dma semaphore(%run_scoped3A_160 : memref<!tpu.dma_semaphore, #tpu.memory_space<semaphore_mem>>) src(%arg10 : memref<100x8xf32, #tpu.memory_space<vmem>>) dst(%dma_wait3A_172 : memref<10000x8xf32, #tpu.memory_space<vmem_shared>>)
      tpu.yield
    }) : () -> ()
    %dma_wait3A_91 = arith.constant 92 : i32
    %dma_wait3A_92 = arith.constant 0 : i32
    %dma_wait3A_93 = tpu.memref_slice %arg7[%dma_wait3A_91, %dma_wait3A_92] : memref<100x100xi32, #tpu.memory_space<vmem>> -> memref<1x100xi32, #tpu.memory_space<vmem>>
    %dma_wait3A_94 = tpu.memref_squeeze %dma_wait3A_93 : memref<1x100xi32, #tpu.memory_space<vmem>> -> memref<100xi32, #tpu.memory_space<vmem>>
    %dma_wait3A_95 = arith.constant 0 : i32
    %dma_wait3A_96 = arith.constant 0 : i32
    %dma_wait3A_97 = tpu.memref_slice %arg2[%dma_wait3A_95, %dma_wait3A_96] : memref<10000x8xf32, #tpu.memory_space<hbm>> -> memref<10000x8xf32, #tpu.memory_space<hbm>>
    tpu.wait_indirect_dma semaphore(%arg22 : memref<!tpu.dma_semaphore, #tpu.memory_space<semaphore_mem>>) src(%dma_wait3A_97 : memref<10000x8xf32, #tpu.memory_space<hbm>>) dst(%arg11 : memref<100x8xf32, #tpu.memory_space<vmem>>)
    %run_scoped3A_98 = arith.constant 92 : i32
    "tpu.region"() ({
      %run_scoped3A_160 = tpu.sem_alloc : memref<!tpu.dma_semaphore, #tpu.memory_space<semaphore_mem>>
      %dma_start3A_161 = arith.constant 0 : i32
      %dma_start3A_162 = tpu.memref_slice %arg8[%run_scoped3A_98, %dma_start3A_161] : memref<100x100xi32, #tpu.memory_space<vmem>> -> memref<1x100xi32, #tpu.memory_space<vmem>>
      %dma_start3A_163 = tpu.memref_squeeze %dma_start3A_162 : memref<1x100xi32, #tpu.memory_space<vmem>> -> memref<100xi32, #tpu.memory_space<vmem>>
      %dma_start3A_164 = arith.constant 0 : i32
      %dma_start3A_165 = arith.constant 0 : i32
      %dma_start3A_166 = tpu.memref_slice %arg19[%dma_start3A_164, %dma_start3A_165] : memref<10000x8xf32, #tpu.memory_space<vmem_shared>> -> memref<10000x8xf32, #tpu.memory_space<vmem_shared>>
      tpu.enqueue_indirect_dma source(%arg11 : memref<100x8xf32, #tpu.memory_space<vmem>>) target(%dma_start3A_166 : memref<10000x8xf32, #tpu.memory_space<vmem_shared>>) offsets(%dma_start3A_163 : memref<100xi32, #tpu.memory_space<vmem>>) semaphore(%run_scoped3A_160 : memref<!tpu.dma_semaphore, #tpu.memory_space<semaphore_mem>>) {add = true}
      %dma_wait3A_167 = arith.constant 0 : i32
      %dma_wait3A_168 = tpu.memref_slice %arg8[%run_scoped3A_98, %dma_wait3A_167] : memref<100x100xi32, #tpu.memory_space<vmem>> -> memref<1x100xi32, #tpu.memory_space<vmem>>
      %dma_wait3A_169 = tpu.memref_squeeze %dma_wait3A_168 : memref<1x100xi32, #tpu.memory_space<vmem>> -> memref<100xi32, #tpu.memory_space<vmem>>
      %dma_wait3A_170 = arith.constant 0 : i32
      %dma_wait3A_171 = arith.constant 0 : i32
      %dma_wait3A_172 = tpu.memref_slice %arg19[%dma_wait3A_170, %dma_wait3A_171] : memref<10000x8xf32, #tpu.memory_space<vmem_shared>> -> memref<10000x8xf32, #tpu.memory_space<vmem_shared>>
      tpu.wait_indirect_dma semaphore(%run_scoped3A_160 : memref<!tpu.dma_semaphore, #tpu.memory_space<semaphore_mem>>) src(%arg11 : memref<100x8xf32, #tpu.memory_space<vmem>>) dst(%dma_wait3A_172 : memref<10000x8xf32, #tpu.memory_space<vmem_shared>>)
      tpu.yield
    }) : () -> ()
    %dma_wait3A_99 = arith.constant 93 : i32
    %dma_wait3A_100 = arith.constant 0 : i32
    %dma_wait3A_101 = tpu.memref_slice %arg7[%dma_wait3A_99, %dma_wait3A_100] : memref<100x100xi32, #tpu.memory_space<vmem>> -> memref<1x100xi32, #tpu.memory_space<vmem>>
    %dma_wait3A_102 = tpu.memref_squeeze %dma_wait3A_101 : memref<1x100xi32, #tpu.memory_space<vmem>> -> memref<100xi32, #tpu.memory_space<vmem>>
    %dma_wait3A_103 = arith.constant 0 : i32
    %dma_wait3A_104 = arith.constant 0 : i32
    %dma_wait3A_105 = tpu.memref_slice %arg2[%dma_wait3A_103, %dma_wait3A_104] : memref<10000x8xf32, #tpu.memory_space<hbm>> -> memref<10000x8xf32, #tpu.memory_space<hbm>>
    tpu.wait_indirect_dma semaphore(%arg23 : memref<!tpu.dma_semaphore, #tpu.memory_space<semaphore_mem>>) src(%dma_wait3A_105 : memref<10000x8xf32, #tpu.memory_space<hbm>>) dst(%arg12 : memref<100x8xf32, #tpu.memory_space<vmem>>)
    %run_scoped3A_106 = arith.constant 93 : i32
    "tpu.region"() ({
      %run_scoped3A_160 = tpu.sem_alloc : memref<!tpu.dma_semaphore, #tpu.memory_space<semaphore_mem>>
      %dma_start3A_161 = arith.constant 0 : i32
      %dma_start3A_162 = tpu.memref_slice %arg8[%run_scoped3A_106, %dma_start3A_161] : memref<100x100xi32, #tpu.memory_space<vmem>> -> memref<1x100xi32, #tpu.memory_space<vmem>>
      %dma_start3A_163 = tpu.memref_squeeze %dma_start3A_162 : memref<1x100xi32, #tpu.memory_space<vmem>> -> memref<100xi32, #tpu.memory_space<vmem>>
      %dma_start3A_164 = arith.constant 0 : i32
      %dma_start3A_165 = arith.constant 0 : i32
      %dma_start3A_166 = tpu.memref_slice %arg19[%dma_start3A_164, %dma_start3A_165] : memref<10000x8xf32, #tpu.memory_space<vmem_shared>> -> memref<10000x8xf32, #tpu.memory_space<vmem_shared>>
      tpu.enqueue_indirect_dma source(%arg12 : memref<100x8xf32, #tpu.memory_space<vmem>>) target(%dma_start3A_166 : memref<10000x8xf32, #tpu.memory_space<vmem_shared>>) offsets(%dma_start3A_163 : memref<100xi32, #tpu.memory_space<vmem>>) semaphore(%run_scoped3A_160 : memref<!tpu.dma_semaphore, #tpu.memory_space<semaphore_mem>>) {add = true}
      %dma_wait3A_167 = arith.constant 0 : i32
      %dma_wait3A_168 = tpu.memref_slice %arg8[%run_scoped3A_106, %dma_wait3A_167] : memref<100x100xi32, #tpu.memory_space<vmem>> -> memref<1x100xi32, #tpu.memory_space<vmem>>
      %dma_wait3A_169 = tpu.memref_squeeze %dma_wait3A_168 : memref<1x100xi32, #tpu.memory_space<vmem>> -> memref<100xi32, #tpu.memory_space<vmem>>
      %dma_wait3A_170 = arith.constant 0 : i32
      %dma_wait3A_171 = arith.constant 0 : i32
      %dma_wait3A_172 = tpu.memref_slice %arg19[%dma_wait3A_170, %dma_wait3A_171] : memref<10000x8xf32, #tpu.memory_space<vmem_shared>> -> memref<10000x8xf32, #tpu.memory_space<vmem_shared>>
      tpu.wait_indirect_dma semaphore(%run_scoped3A_160 : memref<!tpu.dma_semaphore, #tpu.memory_space<semaphore_mem>>) src(%arg12 : memref<100x8xf32, #tpu.memory_space<vmem>>) dst(%dma_wait3A_172 : memref<10000x8xf32, #tpu.memory_space<vmem_shared>>)
      tpu.yield
    }) : () -> ()
    %dma_wait3A_107 = arith.constant 94 : i32
    %dma_wait3A_108 = arith.constant 0 : i32
    %dma_wait3A_109 = tpu.memref_slice %arg7[%dma_wait3A_107, %dma_wait3A_108] : memref<100x100xi32, #tpu.memory_space<vmem>> -> memref<1x100xi32, #tpu.memory_space<vmem>>
    %dma_wait3A_110 = tpu.memref_squeeze %dma_wait3A_109 : memref<1x100xi32, #tpu.memory_space<vmem>> -> memref<100xi32, #tpu.memory_space<vmem>>
    %dma_wait3A_111 = arith.constant 0 : i32
    %dma_wait3A_112 = arith.constant 0 : i32
    %dma_wait3A_113 = tpu.memref_slice %arg2[%dma_wait3A_111, %dma_wait3A_112] : memref<10000x8xf32, #tpu.memory_space<hbm>> -> memref<10000x8xf32, #tpu.memory_space<hbm>>
    tpu.wait_indirect_dma semaphore(%arg24 : memref<!tpu.dma_semaphore, #tpu.memory_space<semaphore_mem>>) src(%dma_wait3A_113 : memref<10000x8xf32, #tpu.memory_space<hbm>>) dst(%arg13 : memref<100x8xf32, #tpu.memory_space<vmem>>)
    %run_scoped3A_114 = arith.constant 94 : i32
    "tpu.region"() ({
      %run_scoped3A_160 = tpu.sem_alloc : memref<!tpu.dma_semaphore, #tpu.memory_space<semaphore_mem>>
      %dma_start3A_161 = arith.constant 0 : i32
      %dma_start3A_162 = tpu.memref_slice %arg8[%run_scoped3A_114, %dma_start3A_161] : memref<100x100xi32, #tpu.memory_space<vmem>> -> memref<1x100xi32, #tpu.memory_space<vmem>>
      %dma_start3A_163 = tpu.memref_squeeze %dma_start3A_162 : memref<1x100xi32, #tpu.memory_space<vmem>> -> memref<100xi32, #tpu.memory_space<vmem>>
      %dma_start3A_164 = arith.constant 0 : i32
      %dma_start3A_165 = arith.constant 0 : i32
      %dma_start3A_166 = tpu.memref_slice %arg19[%dma_start3A_164, %dma_start3A_165] : memref<10000x8xf32, #tpu.memory_space<vmem_shared>> -> memref<10000x8xf32, #tpu.memory_space<vmem_shared>>
      tpu.enqueue_indirect_dma source(%arg13 : memref<100x8xf32, #tpu.memory_space<vmem>>) target(%dma_start3A_166 : memref<10000x8xf32, #tpu.memory_space<vmem_shared>>) offsets(%dma_start3A_163 : memref<100xi32, #tpu.memory_space<vmem>>) semaphore(%run_scoped3A_160 : memref<!tpu.dma_semaphore, #tpu.memory_space<semaphore_mem>>) {add = true}
      %dma_wait3A_167 = arith.constant 0 : i32
      %dma_wait3A_168 = tpu.memref_slice %arg8[%run_scoped3A_114, %dma_wait3A_167] : memref<100x100xi32, #tpu.memory_space<vmem>> -> memref<1x100xi32, #tpu.memory_space<vmem>>
      %dma_wait3A_169 = tpu.memref_squeeze %dma_wait3A_168 : memref<1x100xi32, #tpu.memory_space<vmem>> -> memref<100xi32, #tpu.memory_space<vmem>>
      %dma_wait3A_170 = arith.constant 0 : i32
      %dma_wait3A_171 = arith.constant 0 : i32
      %dma_wait3A_172 = tpu.memref_slice %arg19[%dma_wait3A_170, %dma_wait3A_171] : memref<10000x8xf32, #tpu.memory_space<vmem_shared>> -> memref<10000x8xf32, #tpu.memory_space<vmem_shared>>
      tpu.wait_indirect_dma semaphore(%run_scoped3A_160 : memref<!tpu.dma_semaphore, #tpu.memory_space<semaphore_mem>>) src(%arg13 : memref<100x8xf32, #tpu.memory_space<vmem>>) dst(%dma_wait3A_172 : memref<10000x8xf32, #tpu.memory_space<vmem_shared>>)
      tpu.yield
    }) : () -> ()
    %dma_wait3A_115 = arith.constant 95 : i32
    %dma_wait3A_116 = arith.constant 0 : i32
    %dma_wait3A_117 = tpu.memref_slice %arg7[%dma_wait3A_115, %dma_wait3A_116] : memref<100x100xi32, #tpu.memory_space<vmem>> -> memref<1x100xi32, #tpu.memory_space<vmem>>
    %dma_wait3A_118 = tpu.memref_squeeze %dma_wait3A_117 : memref<1x100xi32, #tpu.memory_space<vmem>> -> memref<100xi32, #tpu.memory_space<vmem>>
    %dma_wait3A_119 = arith.constant 0 : i32
    %dma_wait3A_120 = arith.constant 0 : i32
    %dma_wait3A_121 = tpu.memref_slice %arg2[%dma_wait3A_119, %dma_wait3A_120] : memref<10000x8xf32, #tpu.memory_space<hbm>> -> memref<10000x8xf32, #tpu.memory_space<hbm>>
    tpu.wait_indirect_dma semaphore(%arg25 : memref<!tpu.dma_semaphore, #tpu.memory_space<semaphore_mem>>) src(%dma_wait3A_121 : memref<10000x8xf32, #tpu.memory_space<hbm>>) dst(%arg14 : memref<100x8xf32, #tpu.memory_space<vmem>>)
    %run_scoped3A_122 = arith.constant 95 : i32
    "tpu.region"() ({
      %run_scoped3A_160 = tpu.sem_alloc : memref<!tpu.dma_semaphore, #tpu.memory_space<semaphore_mem>>
      %dma_start3A_161 = arith.constant 0 : i32
      %dma_start3A_162 = tpu.memref_slice %arg8[%run_scoped3A_122, %dma_start3A_161] : memref<100x100xi32, #tpu.memory_space<vmem>> -> memref<1x100xi32, #tpu.memory_space<vmem>>
      %dma_start3A_163 = tpu.memref_squeeze %dma_start3A_162 : memref<1x100xi32, #tpu.memory_space<vmem>> -> memref<100xi32, #tpu.memory_space<vmem>>
      %dma_start3A_164 = arith.constant 0 : i32
      %dma_start3A_165 = arith.constant 0 : i32
      %dma_start3A_166 = tpu.memref_slice %arg19[%dma_start3A_164, %dma_start3A_165] : memref<10000x8xf32, #tpu.memory_space<vmem_shared>> -> memref<10000x8xf32, #tpu.memory_space<vmem_shared>>
      tpu.enqueue_indirect_dma source(%arg14 : memref<100x8xf32, #tpu.memory_space<vmem>>) target(%dma_start3A_166 : memref<10000x8xf32, #tpu.memory_space<vmem_shared>>) offsets(%dma_start3A_163 : memref<100xi32, #tpu.memory_space<vmem>>) semaphore(%run_scoped3A_160 : memref<!tpu.dma_semaphore, #tpu.memory_space<semaphore_mem>>) {add = true}
      %dma_wait3A_167 = arith.constant 0 : i32
      %dma_wait3A_168 = tpu.memref_slice %arg8[%run_scoped3A_122, %dma_wait3A_167] : memref<100x100xi32, #tpu.memory_space<vmem>> -> memref<1x100xi32, #tpu.memory_space<vmem>>
      %dma_wait3A_169 = tpu.memref_squeeze %dma_wait3A_168 : memref<1x100xi32, #tpu.memory_space<vmem>> -> memref<100xi32, #tpu.memory_space<vmem>>
      %dma_wait3A_170 = arith.constant 0 : i32
      %dma_wait3A_171 = arith.constant 0 : i32
      %dma_wait3A_172 = tpu.memref_slice %arg19[%dma_wait3A_170, %dma_wait3A_171] : memref<10000x8xf32, #tpu.memory_space<vmem_shared>> -> memref<10000x8xf32, #tpu.memory_space<vmem_shared>>
      tpu.wait_indirect_dma semaphore(%run_scoped3A_160 : memref<!tpu.dma_semaphore, #tpu.memory_space<semaphore_mem>>) src(%arg14 : memref<100x8xf32, #tpu.memory_space<vmem>>) dst(%dma_wait3A_172 : memref<10000x8xf32, #tpu.memory_space<vmem_shared>>)
      tpu.yield
    }) : () -> ()
    %dma_wait3A_123 = arith.constant 96 : i32
    %dma_wait3A_124 = arith.constant 0 : i32
    %dma_wait3A_125 = tpu.memref_slice %arg7[%dma_wait3A_123, %dma_wait3A_124] : memref<100x100xi32, #tpu.memory_space<vmem>> -> memref<1x100xi32, #tpu.memory_space<vmem>>
    %dma_wait3A_126 = tpu.memref_squeeze %dma_wait3A_125 : memref<1x100xi32, #tpu.memory_space<vmem>> -> memref<100xi32, #tpu.memory_space<vmem>>
    %dma_wait3A_127 = arith.constant 0 : i32
    %dma_wait3A_128 = arith.constant 0 : i32
    %dma_wait3A_129 = tpu.memref_slice %arg2[%dma_wait3A_127, %dma_wait3A_128] : memref<10000x8xf32, #tpu.memory_space<hbm>> -> memref<10000x8xf32, #tpu.memory_space<hbm>>
    tpu.wait_indirect_dma semaphore(%arg26 : memref<!tpu.dma_semaphore, #tpu.memory_space<semaphore_mem>>) src(%dma_wait3A_129 : memref<10000x8xf32, #tpu.memory_space<hbm>>) dst(%arg15 : memref<100x8xf32, #tpu.memory_space<vmem>>)
    %run_scoped3A_130 = arith.constant 96 : i32
    "tpu.region"() ({
      %run_scoped3A_160 = tpu.sem_alloc : memref<!tpu.dma_semaphore, #tpu.memory_space<semaphore_mem>>
      %dma_start3A_161 = arith.constant 0 : i32
      %dma_start3A_162 = tpu.memref_slice %arg8[%run_scoped3A_130, %dma_start3A_161] : memref<100x100xi32, #tpu.memory_space<vmem>> -> memref<1x100xi32, #tpu.memory_space<vmem>>
      %dma_start3A_163 = tpu.memref_squeeze %dma_start3A_162 : memref<1x100xi32, #tpu.memory_space<vmem>> -> memref<100xi32, #tpu.memory_space<vmem>>
      %dma_start3A_164 = arith.constant 0 : i32
      %dma_start3A_165 = arith.constant 0 : i32
      %dma_start3A_166 = tpu.memref_slice %arg19[%dma_start3A_164, %dma_start3A_165] : memref<10000x8xf32, #tpu.memory_space<vmem_shared>> -> memref<10000x8xf32, #tpu.memory_space<vmem_shared>>
      tpu.enqueue_indirect_dma source(%arg15 : memref<100x8xf32, #tpu.memory_space<vmem>>) target(%dma_start3A_166 : memref<10000x8xf32, #tpu.memory_space<vmem_shared>>) offsets(%dma_start3A_163 : memref<100xi32, #tpu.memory_space<vmem>>) semaphore(%run_scoped3A_160 : memref<!tpu.dma_semaphore, #tpu.memory_space<semaphore_mem>>) {add = true}
      %dma_wait3A_167 = arith.constant 0 : i32
      %dma_wait3A_168 = tpu.memref_slice %arg8[%run_scoped3A_130, %dma_wait3A_167] : memref<100x100xi32, #tpu.memory_space<vmem>> -> memref<1x100xi32, #tpu.memory_space<vmem>>
      %dma_wait3A_169 = tpu.memref_squeeze %dma_wait3A_168 : memref<1x100xi32, #tpu.memory_space<vmem>> -> memref<100xi32, #tpu.memory_space<vmem>>
      %dma_wait3A_170 = arith.constant 0 : i32
      %dma_wait3A_171 = arith.constant 0 : i32
      %dma_wait3A_172 = tpu.memref_slice %arg19[%dma_wait3A_170, %dma_wait3A_171] : memref<10000x8xf32, #tpu.memory_space<vmem_shared>> -> memref<10000x8xf32, #tpu.memory_space<vmem_shared>>
      tpu.wait_indirect_dma semaphore(%run_scoped3A_160 : memref<!tpu.dma_semaphore, #tpu.memory_space<semaphore_mem>>) src(%arg15 : memref<100x8xf32, #tpu.memory_space<vmem>>) dst(%dma_wait3A_172 : memref<10000x8xf32, #tpu.memory_space<vmem_shared>>)
      tpu.yield
    }) : () -> ()
    %dma_wait3A_131 = arith.constant 97 : i32
    %dma_wait3A_132 = arith.constant 0 : i32
    %dma_wait3A_133 = tpu.memref_slice %arg7[%dma_wait3A_131, %dma_wait3A_132] : memref<100x100xi32, #tpu.memory_space<vmem>> -> memref<1x100xi32, #tpu.memory_space<vmem>>
    %dma_wait3A_134 = tpu.memref_squeeze %dma_wait3A_133 : memref<1x100xi32, #tpu.memory_space<vmem>> -> memref<100xi32, #tpu.memory_space<vmem>>
    %dma_wait3A_135 = arith.constant 0 : i32
    %dma_wait3A_136 = arith.constant 0 : i32
    %dma_wait3A_137 = tpu.memref_slice %arg2[%dma_wait3A_135, %dma_wait3A_136] : memref<10000x8xf32, #tpu.memory_space<hbm>> -> memref<10000x8xf32, #tpu.memory_space<hbm>>
    tpu.wait_indirect_dma semaphore(%arg27 : memref<!tpu.dma_semaphore, #tpu.memory_space<semaphore_mem>>) src(%dma_wait3A_137 : memref<10000x8xf32, #tpu.memory_space<hbm>>) dst(%arg16 : memref<100x8xf32, #tpu.memory_space<vmem>>)
    %run_scoped3A_138 = arith.constant 97 : i32
    "tpu.region"() ({
      %run_scoped3A_160 = tpu.sem_alloc : memref<!tpu.dma_semaphore, #tpu.memory_space<semaphore_mem>>
      %dma_start3A_161 = arith.constant 0 : i32
      %dma_start3A_162 = tpu.memref_slice %arg8[%run_scoped3A_138, %dma_start3A_161] : memref<100x100xi32, #tpu.memory_space<vmem>> -> memref<1x100xi32, #tpu.memory_space<vmem>>
      %dma_start3A_163 = tpu.memref_squeeze %dma_start3A_162 : memref<1x100xi32, #tpu.memory_space<vmem>> -> memref<100xi32, #tpu.memory_space<vmem>>
      %dma_start3A_164 = arith.constant 0 : i32
      %dma_start3A_165 = arith.constant 0 : i32
      %dma_start3A_166 = tpu.memref_slice %arg19[%dma_start3A_164, %dma_start3A_165] : memref<10000x8xf32, #tpu.memory_space<vmem_shared>> -> memref<10000x8xf32, #tpu.memory_space<vmem_shared>>
      tpu.enqueue_indirect_dma source(%arg16 : memref<100x8xf32, #tpu.memory_space<vmem>>) target(%dma_start3A_166 : memref<10000x8xf32, #tpu.memory_space<vmem_shared>>) offsets(%dma_start3A_163 : memref<100xi32, #tpu.memory_space<vmem>>) semaphore(%run_scoped3A_160 : memref<!tpu.dma_semaphore, #tpu.memory_space<semaphore_mem>>) {add = true}
      %dma_wait3A_167 = arith.constant 0 : i32
      %dma_wait3A_168 = tpu.memref_slice %arg8[%run_scoped3A_138, %dma_wait3A_167] : memref<100x100xi32, #tpu.memory_space<vmem>> -> memref<1x100xi32, #tpu.memory_space<vmem>>
      %dma_wait3A_169 = tpu.memref_squeeze %dma_wait3A_168 : memref<1x100xi32, #tpu.memory_space<vmem>> -> memref<100xi32, #tpu.memory_space<vmem>>
      %dma_wait3A_170 = arith.constant 0 : i32
      %dma_wait3A_171 = arith.constant 0 : i32
      %dma_wait3A_172 = tpu.memref_slice %arg19[%dma_wait3A_170, %dma_wait3A_171] : memref<10000x8xf32, #tpu.memory_space<vmem_shared>> -> memref<10000x8xf32, #tpu.memory_space<vmem_shared>>
      tpu.wait_indirect_dma semaphore(%run_scoped3A_160 : memref<!tpu.dma_semaphore, #tpu.memory_space<semaphore_mem>>) src(%arg16 : memref<100x8xf32, #tpu.memory_space<vmem>>) dst(%dma_wait3A_172 : memref<10000x8xf32, #tpu.memory_space<vmem_shared>>)
      tpu.yield
    }) : () -> ()
    %dma_wait3A_139 = arith.constant 98 : i32
    %dma_wait3A_140 = arith.constant 0 : i32
    %dma_wait3A_141 = tpu.memref_slice %arg7[%dma_wait3A_139, %dma_wait3A_140] : memref<100x100xi32, #tpu.memory_space<vmem>> -> memref<1x100xi32, #tpu.memory_space<vmem>>
    %dma_wait3A_142 = tpu.memref_squeeze %dma_wait3A_141 : memref<1x100xi32, #tpu.memory_space<vmem>> -> memref<100xi32, #tpu.memory_space<vmem>>
    %dma_wait3A_143 = arith.constant 0 : i32
    %dma_wait3A_144 = arith.constant 0 : i32
    %dma_wait3A_145 = tpu.memref_slice %arg2[%dma_wait3A_143, %dma_wait3A_144] : memref<10000x8xf32, #tpu.memory_space<hbm>> -> memref<10000x8xf32, #tpu.memory_space<hbm>>
    tpu.wait_indirect_dma semaphore(%arg28 : memref<!tpu.dma_semaphore, #tpu.memory_space<semaphore_mem>>) src(%dma_wait3A_145 : memref<10000x8xf32, #tpu.memory_space<hbm>>) dst(%arg17 : memref<100x8xf32, #tpu.memory_space<vmem>>)
    %run_scoped3A_146 = arith.constant 98 : i32
    "tpu.region"() ({
      %run_scoped3A_160 = tpu.sem_alloc : memref<!tpu.dma_semaphore, #tpu.memory_space<semaphore_mem>>
      %dma_start3A_161 = arith.constant 0 : i32
      %dma_start3A_162 = tpu.memref_slice %arg8[%run_scoped3A_146, %dma_start3A_161] : memref<100x100xi32, #tpu.memory_space<vmem>> -> memref<1x100xi32, #tpu.memory_space<vmem>>
      %dma_start3A_163 = tpu.memref_squeeze %dma_start3A_162 : memref<1x100xi32, #tpu.memory_space<vmem>> -> memref<100xi32, #tpu.memory_space<vmem>>
      %dma_start3A_164 = arith.constant 0 : i32
      %dma_start3A_165 = arith.constant 0 : i32
      %dma_start3A_166 = tpu.memref_slice %arg19[%dma_start3A_164, %dma_start3A_165] : memref<10000x8xf32, #tpu.memory_space<vmem_shared>> -> memref<10000x8xf32, #tpu.memory_space<vmem_shared>>
      tpu.enqueue_indirect_dma source(%arg17 : memref<100x8xf32, #tpu.memory_space<vmem>>) target(%dma_start3A_166 : memref<10000x8xf32, #tpu.memory_space<vmem_shared>>) offsets(%dma_start3A_163 : memref<100xi32, #tpu.memory_space<vmem>>) semaphore(%run_scoped3A_160 : memref<!tpu.dma_semaphore, #tpu.memory_space<semaphore_mem>>) {add = true}
      %dma_wait3A_167 = arith.constant 0 : i32
      %dma_wait3A_168 = tpu.memref_slice %arg8[%run_scoped3A_146, %dma_wait3A_167] : memref<100x100xi32, #tpu.memory_space<vmem>> -> memref<1x100xi32, #tpu.memory_space<vmem>>
      %dma_wait3A_169 = tpu.memref_squeeze %dma_wait3A_168 : memref<1x100xi32, #tpu.memory_space<vmem>> -> memref<100xi32, #tpu.memory_space<vmem>>
      %dma_wait3A_170 = arith.constant 0 : i32
      %dma_wait3A_171 = arith.constant 0 : i32
      %dma_wait3A_172 = tpu.memref_slice %arg19[%dma_wait3A_170, %dma_wait3A_171] : memref<10000x8xf32, #tpu.memory_space<vmem_shared>> -> memref<10000x8xf32, #tpu.memory_space<vmem_shared>>
      tpu.wait_indirect_dma semaphore(%run_scoped3A_160 : memref<!tpu.dma_semaphore, #tpu.memory_space<semaphore_mem>>) src(%arg17 : memref<100x8xf32, #tpu.memory_space<vmem>>) dst(%dma_wait3A_172 : memref<10000x8xf32, #tpu.memory_space<vmem_shared>>)
      tpu.yield
    }) : () -> ()
    %dma_wait3A_147 = arith.constant 99 : i32
    %dma_wait3A_148 = arith.constant 0 : i32
    %dma_wait3A_149 = tpu.memref_slice %arg7[%dma_wait3A_147, %dma_wait3A_148] : memref<100x100xi32, #tpu.memory_space<vmem>> -> memref<1x100xi32, #tpu.memory_space<vmem>>
    %dma_wait3A_150 = tpu.memref_squeeze %dma_wait3A_149 : memref<1x100xi32, #tpu.memory_space<vmem>> -> memref<100xi32, #tpu.memory_space<vmem>>
    %dma_wait3A_151 = arith.constant 0 : i32
    %dma_wait3A_152 = arith.constant 0 : i32
    %dma_wait3A_153 = tpu.memref_slice %arg2[%dma_wait3A_151, %dma_wait3A_152] : memref<10000x8xf32, #tpu.memory_space<hbm>> -> memref<10000x8xf32, #tpu.memory_space<hbm>>
    tpu.wait_indirect_dma semaphore(%arg29 : memref<!tpu.dma_semaphore, #tpu.memory_space<semaphore_mem>>) src(%dma_wait3A_153 : memref<10000x8xf32, #tpu.memory_space<hbm>>) dst(%arg18 : memref<100x8xf32, #tpu.memory_space<vmem>>)
    %run_scoped3A_154 = arith.constant 99 : i32
    "tpu.region"() ({
      %run_scoped3A_160 = tpu.sem_alloc : memref<!tpu.dma_semaphore, #tpu.memory_space<semaphore_mem>>
      %dma_start3A_161 = arith.constant 0 : i32
      %dma_start3A_162 = tpu.memref_slice %arg8[%run_scoped3A_154, %dma_start3A_161] : memref<100x100xi32, #tpu.memory_space<vmem>> -> memref<1x100xi32, #tpu.memory_space<vmem>>
      %dma_start3A_163 = tpu.memref_squeeze %dma_start3A_162 : memref<1x100xi32, #tpu.memory_space<vmem>> -> memref<100xi32, #tpu.memory_space<vmem>>
      %dma_start3A_164 = arith.constant 0 : i32
      %dma_start3A_165 = arith.constant 0 : i32
      %dma_start3A_166 = tpu.memref_slice %arg19[%dma_start3A_164, %dma_start3A_165] : memref<10000x8xf32, #tpu.memory_space<vmem_shared>> -> memref<10000x8xf32, #tpu.memory_space<vmem_shared>>
      tpu.enqueue_indirect_dma source(%arg18 : memref<100x8xf32, #tpu.memory_space<vmem>>) target(%dma_start3A_166 : memref<10000x8xf32, #tpu.memory_space<vmem_shared>>) offsets(%dma_start3A_163 : memref<100xi32, #tpu.memory_space<vmem>>) semaphore(%run_scoped3A_160 : memref<!tpu.dma_semaphore, #tpu.memory_space<semaphore_mem>>) {add = true}
      %dma_wait3A_167 = arith.constant 0 : i32
      %dma_wait3A_168 = tpu.memref_slice %arg8[%run_scoped3A_154, %dma_wait3A_167] : memref<100x100xi32, #tpu.memory_space<vmem>> -> memref<1x100xi32, #tpu.memory_space<vmem>>
      %dma_wait3A_169 = tpu.memref_squeeze %dma_wait3A_168 : memref<1x100xi32, #tpu.memory_space<vmem>> -> memref<100xi32, #tpu.memory_space<vmem>>
      %dma_wait3A_170 = arith.constant 0 : i32
      %dma_wait3A_171 = arith.constant 0 : i32
      %dma_wait3A_172 = tpu.memref_slice %arg19[%dma_wait3A_170, %dma_wait3A_171] : memref<10000x8xf32, #tpu.memory_space<vmem_shared>> -> memref<10000x8xf32, #tpu.memory_space<vmem_shared>>
      tpu.wait_indirect_dma semaphore(%run_scoped3A_160 : memref<!tpu.dma_semaphore, #tpu.memory_space<semaphore_mem>>) src(%arg18 : memref<100x8xf32, #tpu.memory_space<vmem>>) dst(%dma_wait3A_172 : memref<10000x8xf32, #tpu.memory_space<vmem_shared>>)
      tpu.yield
    }) : () -> ()
    %barrier3A_155 = arith.constant 0 : index
    tpu.barrier barrier_id(%barrier3A_155)
    %mul3A_156 = arith.constant 625 : i32
    %mul3A_157 = arith.muli %arg1, %mul3A_156 : i32
    %mul3A_158 = arith.constant 625 : i32
    %mul3A_159 = arith.muli %arg1, %mul3A_158 : i32
    "tpu.region"() ({
      %run_scoped3A_160 = tpu.sem_alloc : memref<!tpu.dma_semaphore, #tpu.memory_space<semaphore_mem>>
      %dma_start3A_161 = arith.constant 0 : i32
      %dma_start3A_162 = arith.constant 0 : i32
      %dma_start3A_163 = tpu.memref_slice %arg6[%arg0, %dma_start3A_161, %dma_start3A_162] : memref<2x10000x8xf32, #tpu.memory_space<hbm>> -> memref<1x10000x8xf32, #tpu.memory_space<hbm>>
      %dma_start3A_164 = tpu.memref_squeeze %dma_start3A_163 : memref<1x10000x8xf32, #tpu.memory_space<hbm>> -> memref<10000x8xf32, #tpu.memory_space<hbm>>
      %dma_start3A_165 = arith.constant 0 : i32
      %dma_start3A_166 = tpu.memref_slice %dma_start3A_164[%mul3A_159, %dma_start3A_165] : memref<10000x8xf32, #tpu.memory_space<hbm>> -> memref<625x8xf32, #tpu.memory_space<hbm>>
      %dma_start3A_167 = arith.constant 0 : i32
      %dma_start3A_168 = tpu.memref_slice %arg19[%mul3A_157, %dma_start3A_167] : memref<10000x8xf32, #tpu.memory_space<vmem_shared>> -> memref<625x8xf32, #tpu.memory_space<vmem_shared>>
      tpu.enqueue_dma source(%dma_start3A_168 : memref<625x8xf32, #tpu.memory_space<vmem_shared>>) target(%dma_start3A_166 : memref<625x8xf32, #tpu.memory_space<hbm>>) target_semaphore(%run_scoped3A_160 : memref<!tpu.dma_semaphore, #tpu.memory_space<semaphore_mem>>)
      %dma_wait3A_169 = arith.constant 0 : i32
      %dma_wait3A_170 = arith.constant 0 : i32
      %dma_wait3A_171 = tpu.memref_slice %arg6[%arg0, %dma_wait3A_169, %dma_wait3A_170] : memref<2x10000x8xf32, #tpu.memory_space<hbm>> -> memref<1x10000x8xf32, #tpu.memory_space<hbm>>
      %dma_wait3A_172 = tpu.memref_squeeze %dma_wait3A_171 : memref<1x10000x8xf32, #tpu.memory_space<hbm>> -> memref<10000x8xf32, #tpu.memory_space<hbm>>
      %dma_wait3A_173 = arith.constant 0 : i32
      %dma_wait3A_174 = tpu.memref_slice %dma_wait3A_172[%mul3A_159, %dma_wait3A_173] : memref<10000x8xf32, #tpu.memory_space<hbm>> -> memref<625x8xf32, #tpu.memory_space<hbm>>
      %dma_wait3A_175 = arith.constant 0 : i32
      %dma_wait3A_176 = tpu.memref_slice %arg19[%mul3A_157, %dma_wait3A_175] : memref<10000x8xf32, #tpu.memory_space<vmem_shared>> -> memref<625x8xf32, #tpu.memory_space<vmem_shared>>
      tpu.wait_dma2 semaphore(%run_scoped3A_160 : memref<!tpu.dma_semaphore, #tpu.memory_space<semaphore_mem>>) src(%dma_wait3A_176 : memref<625x8xf32, #tpu.memory_space<vmem_shared>>) dst(%dma_wait3A_174 : memref<625x8xf32, #tpu.memory_space<hbm>>)
      tpu.yield
    }) : () -> ()
    return
  }
}

#map = affine_map<(d0, d1) -> (0, 0)>
#map1 = affine_map<(d0, d1) -> (0, 0, 0)>
module attributes {stable_mosaic.version = 14 : i64} {
  func.func @seg(%arg0: i32, %arg1: i32, %arg2: memref<10000x128xf32, #tpu.memory_space<hbm>>, %arg3: memref<32x100x100xi32, #tpu.memory_space<hbm>>, %arg4: memref<32x100x100xi32, #tpu.memory_space<hbm>>, %arg5: memref<625x128xf32, #tpu.memory_space<hbm>>, %arg6: memref<2x10000x128xf32, #tpu.memory_space<hbm>>, %arg7: memref<100x100xi32, #tpu.memory_space<vmem>>, %arg8: memref<100x100xi32, #tpu.memory_space<vmem>>, %arg9: memref<100x128xf32, #tpu.memory_space<vmem>>, %arg10: memref<100x128xf32, #tpu.memory_space<vmem>>, %arg11: memref<10000x128xf32, #tpu.memory_space<vmem_shared>>, %arg12: memref<!tpu.dma_semaphore, #tpu.memory_space<semaphore_mem>>, %arg13: memref<!tpu.dma_semaphore, #tpu.memory_space<semaphore_mem>>) attributes {dimension_semantics = [#tpu.dimension_semantics<core_parallel>, #tpu.dimension_semantics<subcore_parallel>], iteration_bounds = array<i64: 2, 16>, scalar_prefetch = 0 : i64, scratch_operands = 7 : i64, tpu.core_type = #tpu.core_type<sc_vector_subcore>, window_params = [{transform_indices = #map}, {transform_indices = #map1}, {transform_indices = #map1}, {transform_indices = #map}, {transform_indices = #map1}]} {
    %mul3A = arith.constant 16 : i32
    %mul3A_0 = arith.muli %arg0, %mul3A : i32
    %add3A = arith.addi %mul3A_0, %arg1 : i32
    "tpu.region"() ({
      %run_scoped3A_40 = tpu.sem_alloc : memref<!tpu.dma_semaphore, #tpu.memory_space<semaphore_mem>>
      %dma_start3A_41 = arith.constant 0 : i32
      %dma_start3A_42 = arith.constant 0 : i32
      %dma_start3A_43 = tpu.memref_slice %arg3[%add3A, %dma_start3A_41, %dma_start3A_42] : memref<32x100x100xi32, #tpu.memory_space<hbm>> -> memref<1x100x100xi32, #tpu.memory_space<hbm>>
      %dma_start3A_44 = tpu.memref_squeeze %dma_start3A_43 : memref<1x100x100xi32, #tpu.memory_space<hbm>> -> memref<100x100xi32, #tpu.memory_space<hbm>>
      %dma_start3A_45 = arith.constant 0 : i32
      %dma_start3A_46 = arith.constant 0 : i32
      %dma_start3A_47 = tpu.memref_slice %arg3[%add3A, %dma_start3A_45, %dma_start3A_46] : memref<32x100x100xi32, #tpu.memory_space<hbm>> -> memref<1x100x100xi32, #tpu.memory_space<hbm>>
      %dma_start3A_48 = tpu.memref_squeeze %dma_start3A_47 : memref<1x100x100xi32, #tpu.memory_space<hbm>> -> memref<100x100xi32, #tpu.memory_space<hbm>>
      tpu.enqueue_dma source(%dma_start3A_48 : memref<100x100xi32, #tpu.memory_space<hbm>>) target(%arg7 : memref<100x100xi32, #tpu.memory_space<vmem>>) target_semaphore(%run_scoped3A_40 : memref<!tpu.dma_semaphore, #tpu.memory_space<semaphore_mem>>)
      %dma_wait3A_49 = arith.constant 0 : i32
      %dma_wait3A_50 = arith.constant 0 : i32
      %dma_wait3A_51 = tpu.memref_slice %arg3[%add3A, %dma_wait3A_49, %dma_wait3A_50] : memref<32x100x100xi32, #tpu.memory_space<hbm>> -> memref<1x100x100xi32, #tpu.memory_space<hbm>>
      %dma_wait3A_52 = tpu.memref_squeeze %dma_wait3A_51 : memref<1x100x100xi32, #tpu.memory_space<hbm>> -> memref<100x100xi32, #tpu.memory_space<hbm>>
      %dma_wait3A_53 = arith.constant 0 : i32
      %dma_wait3A_54 = arith.constant 0 : i32
      %dma_wait3A_55 = tpu.memref_slice %arg3[%add3A, %dma_wait3A_53, %dma_wait3A_54] : memref<32x100x100xi32, #tpu.memory_space<hbm>> -> memref<1x100x100xi32, #tpu.memory_space<hbm>>
      %dma_wait3A_56 = tpu.memref_squeeze %dma_wait3A_55 : memref<1x100x100xi32, #tpu.memory_space<hbm>> -> memref<100x100xi32, #tpu.memory_space<hbm>>
      tpu.wait_dma2 semaphore(%run_scoped3A_40 : memref<!tpu.dma_semaphore, #tpu.memory_space<semaphore_mem>>) src(%dma_wait3A_56 : memref<100x100xi32, #tpu.memory_space<hbm>>) dst(%arg7 : memref<100x100xi32, #tpu.memory_space<vmem>>)
      tpu.yield
    }) : () -> ()
    "tpu.region"() ({
      %run_scoped3A_40 = tpu.sem_alloc : memref<!tpu.dma_semaphore, #tpu.memory_space<semaphore_mem>>
      %dma_start3A_41 = arith.constant 0 : i32
      %dma_start3A_42 = arith.constant 0 : i32
      %dma_start3A_43 = tpu.memref_slice %arg4[%add3A, %dma_start3A_41, %dma_start3A_42] : memref<32x100x100xi32, #tpu.memory_space<hbm>> -> memref<1x100x100xi32, #tpu.memory_space<hbm>>
      %dma_start3A_44 = tpu.memref_squeeze %dma_start3A_43 : memref<1x100x100xi32, #tpu.memory_space<hbm>> -> memref<100x100xi32, #tpu.memory_space<hbm>>
      %dma_start3A_45 = arith.constant 0 : i32
      %dma_start3A_46 = arith.constant 0 : i32
      %dma_start3A_47 = tpu.memref_slice %arg4[%add3A, %dma_start3A_45, %dma_start3A_46] : memref<32x100x100xi32, #tpu.memory_space<hbm>> -> memref<1x100x100xi32, #tpu.memory_space<hbm>>
      %dma_start3A_48 = tpu.memref_squeeze %dma_start3A_47 : memref<1x100x100xi32, #tpu.memory_space<hbm>> -> memref<100x100xi32, #tpu.memory_space<hbm>>
      tpu.enqueue_dma source(%dma_start3A_48 : memref<100x100xi32, #tpu.memory_space<hbm>>) target(%arg8 : memref<100x100xi32, #tpu.memory_space<vmem>>) target_semaphore(%run_scoped3A_40 : memref<!tpu.dma_semaphore, #tpu.memory_space<semaphore_mem>>)
      %dma_wait3A_49 = arith.constant 0 : i32
      %dma_wait3A_50 = arith.constant 0 : i32
      %dma_wait3A_51 = tpu.memref_slice %arg4[%add3A, %dma_wait3A_49, %dma_wait3A_50] : memref<32x100x100xi32, #tpu.memory_space<hbm>> -> memref<1x100x100xi32, #tpu.memory_space<hbm>>
      %dma_wait3A_52 = tpu.memref_squeeze %dma_wait3A_51 : memref<1x100x100xi32, #tpu.memory_space<hbm>> -> memref<100x100xi32, #tpu.memory_space<hbm>>
      %dma_wait3A_53 = arith.constant 0 : i32
      %dma_wait3A_54 = arith.constant 0 : i32
      %dma_wait3A_55 = tpu.memref_slice %arg4[%add3A, %dma_wait3A_53, %dma_wait3A_54] : memref<32x100x100xi32, #tpu.memory_space<hbm>> -> memref<1x100x100xi32, #tpu.memory_space<hbm>>
      %dma_wait3A_56 = tpu.memref_squeeze %dma_wait3A_55 : memref<1x100x100xi32, #tpu.memory_space<hbm>> -> memref<100x100xi32, #tpu.memory_space<hbm>>
      tpu.wait_dma2 semaphore(%run_scoped3A_40 : memref<!tpu.dma_semaphore, #tpu.memory_space<semaphore_mem>>) src(%dma_wait3A_56 : memref<100x100xi32, #tpu.memory_space<hbm>>) dst(%arg8 : memref<100x100xi32, #tpu.memory_space<vmem>>)
      tpu.yield
    }) : () -> ()
    %dma_start3A = arith.constant 0 : i32
    %dma_start3A_1 = arith.constant 0 : i32
    %dma_start3A_2 = tpu.memref_slice %arg7[%dma_start3A, %dma_start3A_1] : memref<100x100xi32, #tpu.memory_space<vmem>> -> memref<1x100xi32, #tpu.memory_space<vmem>>
    %dma_start3A_3 = tpu.memref_squeeze %dma_start3A_2 : memref<1x100xi32, #tpu.memory_space<vmem>> -> memref<100xi32, #tpu.memory_space<vmem>>
    %dma_start3A_4 = arith.constant 0 : i32
    %dma_start3A_5 = arith.constant 0 : i32
    %dma_start3A_6 = tpu.memref_slice %arg2[%dma_start3A_4, %dma_start3A_5] : memref<10000x128xf32, #tpu.memory_space<hbm>> -> memref<10000x128xf32, #tpu.memory_space<hbm>>
    tpu.enqueue_indirect_dma source(%dma_start3A_6 : memref<10000x128xf32, #tpu.memory_space<hbm>>) target(%arg9 : memref<100x128xf32, #tpu.memory_space<vmem>>) offsets(%dma_start3A_3 : memref<100xi32, #tpu.memory_space<vmem>>) semaphore(%arg12 : memref<!tpu.dma_semaphore, #tpu.memory_space<semaphore_mem>>)
    %dma_start3A_7 = arith.constant 1 : i32
    %dma_start3A_8 = arith.constant 0 : i32
    %dma_start3A_9 = tpu.memref_slice %arg7[%dma_start3A_7, %dma_start3A_8] : memref<100x100xi32, #tpu.memory_space<vmem>> -> memref<1x100xi32, #tpu.memory_space<vmem>>
    %dma_start3A_10 = tpu.memref_squeeze %dma_start3A_9 : memref<1x100xi32, #tpu.memory_space<vmem>> -> memref<100xi32, #tpu.memory_space<vmem>>
    %dma_start3A_11 = arith.constant 0 : i32
    %dma_start3A_12 = arith.constant 0 : i32
    %dma_start3A_13 = tpu.memref_slice %arg2[%dma_start3A_11, %dma_start3A_12] : memref<10000x128xf32, #tpu.memory_space<hbm>> -> memref<10000x128xf32, #tpu.memory_space<hbm>>
    tpu.enqueue_indirect_dma source(%dma_start3A_13 : memref<10000x128xf32, #tpu.memory_space<hbm>>) target(%arg10 : memref<100x128xf32, #tpu.memory_space<vmem>>) offsets(%dma_start3A_10 : memref<100xi32, #tpu.memory_space<vmem>>) semaphore(%arg13 : memref<!tpu.dma_semaphore, #tpu.memory_space<semaphore_mem>>)
    %mul3A_14 = arith.constant 625 : i32
    %mul3A_15 = arith.muli %arg1, %mul3A_14 : i32
    "tpu.region"() ({
      %run_scoped3A_40 = tpu.sem_alloc : memref<!tpu.dma_semaphore, #tpu.memory_space<semaphore_mem>>
      %dma_start3A_41 = arith.constant 0 : i32
      %dma_start3A_42 = tpu.memref_slice %arg11[%mul3A_15, %dma_start3A_41] : memref<10000x128xf32, #tpu.memory_space<vmem_shared>> -> memref<625x128xf32, #tpu.memory_space<vmem_shared>>
      tpu.enqueue_dma source(%arg5 : memref<625x128xf32, #tpu.memory_space<hbm>>) target(%dma_start3A_42 : memref<625x128xf32, #tpu.memory_space<vmem_shared>>) target_semaphore(%run_scoped3A_40 : memref<!tpu.dma_semaphore, #tpu.memory_space<semaphore_mem>>)
      %dma_wait3A_43 = arith.constant 0 : i32
      %dma_wait3A_44 = tpu.memref_slice %arg11[%mul3A_15, %dma_wait3A_43] : memref<10000x128xf32, #tpu.memory_space<vmem_shared>> -> memref<625x128xf32, #tpu.memory_space<vmem_shared>>
      tpu.wait_dma2 semaphore(%run_scoped3A_40 : memref<!tpu.dma_semaphore, #tpu.memory_space<semaphore_mem>>) src(%arg5 : memref<625x128xf32, #tpu.memory_space<hbm>>) dst(%dma_wait3A_44 : memref<625x128xf32, #tpu.memory_space<vmem_shared>>)
      tpu.yield
    }) : () -> ()
    %barrier3A = arith.constant 0 : index
    tpu.barrier barrier_id(%barrier3A)
    %scan3A = arith.constant 0 : i32
    %scan3A_16 = arith.constant 0 : i32
    %scan3A_17 = arith.constant 49 : i32
    %scan3A_18 = arith.addi %scan3A_16, %scan3A_17 : i32
    %scan3A_19 = arith.constant 1 : i32
    scf.for %scan3A_40 = %scan3A_16 to %scan3A_18 step %scan3A_19  : i32 {
      %mul3A_41 = arith.constant 2 : i32
      %mul3A_42 = arith.muli %scan3A_40, %mul3A_41 : i32
      %add3A_43 = arith.constant 0 : i32
      %add3A_44 = arith.addi %mul3A_42, %add3A_43 : i32
      %dma_wait3A_45 = arith.constant 0 : i32
      %dma_wait3A_46 = tpu.memref_slice %arg7[%add3A_44, %dma_wait3A_45] : memref<100x100xi32, #tpu.memory_space<vmem>> -> memref<1x100xi32, #tpu.memory_space<vmem>>
      %dma_wait3A_47 = tpu.memref_squeeze %dma_wait3A_46 : memref<1x100xi32, #tpu.memory_space<vmem>> -> memref<100xi32, #tpu.memory_space<vmem>>
      %dma_wait3A_48 = arith.constant 0 : i32
      %dma_wait3A_49 = arith.constant 0 : i32
      %dma_wait3A_50 = tpu.memref_slice %arg2[%dma_wait3A_48, %dma_wait3A_49] : memref<10000x128xf32, #tpu.memory_space<hbm>> -> memref<10000x128xf32, #tpu.memory_space<hbm>>
      tpu.wait_indirect_dma semaphore(%arg12 : memref<!tpu.dma_semaphore, #tpu.memory_space<semaphore_mem>>) src(%dma_wait3A_50 : memref<10000x128xf32, #tpu.memory_space<hbm>>) dst(%arg9 : memref<100x128xf32, #tpu.memory_space<vmem>>)
      "tpu.region"() ({
        %run_scoped3A_75 = tpu.sem_alloc : memref<!tpu.dma_semaphore, #tpu.memory_space<semaphore_mem>>
        %dma_start3A_76 = arith.constant 0 : i32
        %dma_start3A_77 = tpu.memref_slice %arg8[%add3A_44, %dma_start3A_76] : memref<100x100xi32, #tpu.memory_space<vmem>> -> memref<1x100xi32, #tpu.memory_space<vmem>>
        %dma_start3A_78 = tpu.memref_squeeze %dma_start3A_77 : memref<1x100xi32, #tpu.memory_space<vmem>> -> memref<100xi32, #tpu.memory_space<vmem>>
        %dma_start3A_79 = arith.constant 0 : i32
        %dma_start3A_80 = arith.constant 0 : i32
        %dma_start3A_81 = tpu.memref_slice %arg11[%dma_start3A_79, %dma_start3A_80] : memref<10000x128xf32, #tpu.memory_space<vmem_shared>> -> memref<10000x128xf32, #tpu.memory_space<vmem_shared>>
        tpu.enqueue_indirect_dma source(%arg9 : memref<100x128xf32, #tpu.memory_space<vmem>>) target(%dma_start3A_81 : memref<10000x128xf32, #tpu.memory_space<vmem_shared>>) offsets(%dma_start3A_78 : memref<100xi32, #tpu.memory_space<vmem>>) semaphore(%run_scoped3A_75 : memref<!tpu.dma_semaphore, #tpu.memory_space<semaphore_mem>>) {add = true}
        %dma_wait3A_82 = arith.constant 0 : i32
        %dma_wait3A_83 = tpu.memref_slice %arg8[%add3A_44, %dma_wait3A_82] : memref<100x100xi32, #tpu.memory_space<vmem>> -> memref<1x100xi32, #tpu.memory_space<vmem>>
        %dma_wait3A_84 = tpu.memref_squeeze %dma_wait3A_83 : memref<1x100xi32, #tpu.memory_space<vmem>> -> memref<100xi32, #tpu.memory_space<vmem>>
        %dma_wait3A_85 = arith.constant 0 : i32
        %dma_wait3A_86 = arith.constant 0 : i32
        %dma_wait3A_87 = tpu.memref_slice %arg11[%dma_wait3A_85, %dma_wait3A_86] : memref<10000x128xf32, #tpu.memory_space<vmem_shared>> -> memref<10000x128xf32, #tpu.memory_space<vmem_shared>>
        tpu.wait_indirect_dma semaphore(%run_scoped3A_75 : memref<!tpu.dma_semaphore, #tpu.memory_space<semaphore_mem>>) src(%arg9 : memref<100x128xf32, #tpu.memory_space<vmem>>) dst(%dma_wait3A_87 : memref<10000x128xf32, #tpu.memory_space<vmem_shared>>)
        tpu.yield
      }) : () -> ()
      %add3A_51 = arith.constant 2 : i32
      %add3A_52 = arith.addi %add3A_44, %add3A_51 : i32
      %dma_start3A_53 = arith.constant 0 : i32
      %dma_start3A_54 = tpu.memref_slice %arg7[%add3A_52, %dma_start3A_53] : memref<100x100xi32, #tpu.memory_space<vmem>> -> memref<1x100xi32, #tpu.memory_space<vmem>>
      %dma_start3A_55 = tpu.memref_squeeze %dma_start3A_54 : memref<1x100xi32, #tpu.memory_space<vmem>> -> memref<100xi32, #tpu.memory_space<vmem>>
      %dma_start3A_56 = arith.constant 0 : i32
      %dma_start3A_57 = arith.constant 0 : i32
      %dma_start3A_58 = tpu.memref_slice %arg2[%dma_start3A_56, %dma_start3A_57] : memref<10000x128xf32, #tpu.memory_space<hbm>> -> memref<10000x128xf32, #tpu.memory_space<hbm>>
      tpu.enqueue_indirect_dma source(%dma_start3A_58 : memref<10000x128xf32, #tpu.memory_space<hbm>>) target(%arg9 : memref<100x128xf32, #tpu.memory_space<vmem>>) offsets(%dma_start3A_55 : memref<100xi32, #tpu.memory_space<vmem>>) semaphore(%arg12 : memref<!tpu.dma_semaphore, #tpu.memory_space<semaphore_mem>>)
      %add3A_59 = arith.constant 1 : i32
      %add3A_60 = arith.addi %mul3A_42, %add3A_59 : i32
      %dma_wait3A_61 = arith.constant 0 : i32
      %dma_wait3A_62 = tpu.memref_slice %arg7[%add3A_60, %dma_wait3A_61] : memref<100x100xi32, #tpu.memory_space<vmem>> -> memref<1x100xi32, #tpu.memory_space<vmem>>
      %dma_wait3A_63 = tpu.memref_squeeze %dma_wait3A_62 : memref<1x100xi32, #tpu.memory_space<vmem>> -> memref<100xi32, #tpu.memory_space<vmem>>
      %dma_wait3A_64 = arith.constant 0 : i32
      %dma_wait3A_65 = arith.constant 0 : i32
      %dma_wait3A_66 = tpu.memref_slice %arg2[%dma_wait3A_64, %dma_wait3A_65] : memref<10000x128xf32, #tpu.memory_space<hbm>> -> memref<10000x128xf32, #tpu.memory_space<hbm>>
      tpu.wait_indirect_dma semaphore(%arg13 : memref<!tpu.dma_semaphore, #tpu.memory_space<semaphore_mem>>) src(%dma_wait3A_66 : memref<10000x128xf32, #tpu.memory_space<hbm>>) dst(%arg10 : memref<100x128xf32, #tpu.memory_space<vmem>>)
      "tpu.region"() ({
        %run_scoped3A_75 = tpu.sem_alloc : memref<!tpu.dma_semaphore, #tpu.memory_space<semaphore_mem>>
        %dma_start3A_76 = arith.constant 0 : i32
        %dma_start3A_77 = tpu.memref_slice %arg8[%add3A_60, %dma_start3A_76] : memref<100x100xi32, #tpu.memory_space<vmem>> -> memref<1x100xi32, #tpu.memory_space<vmem>>
        %dma_start3A_78 = tpu.memref_squeeze %dma_start3A_77 : memref<1x100xi32, #tpu.memory_space<vmem>> -> memref<100xi32, #tpu.memory_space<vmem>>
        %dma_start3A_79 = arith.constant 0 : i32
        %dma_start3A_80 = arith.constant 0 : i32
        %dma_start3A_81 = tpu.memref_slice %arg11[%dma_start3A_79, %dma_start3A_80] : memref<10000x128xf32, #tpu.memory_space<vmem_shared>> -> memref<10000x128xf32, #tpu.memory_space<vmem_shared>>
        tpu.enqueue_indirect_dma source(%arg10 : memref<100x128xf32, #tpu.memory_space<vmem>>) target(%dma_start3A_81 : memref<10000x128xf32, #tpu.memory_space<vmem_shared>>) offsets(%dma_start3A_78 : memref<100xi32, #tpu.memory_space<vmem>>) semaphore(%run_scoped3A_75 : memref<!tpu.dma_semaphore, #tpu.memory_space<semaphore_mem>>) {add = true}
        %dma_wait3A_82 = arith.constant 0 : i32
        %dma_wait3A_83 = tpu.memref_slice %arg8[%add3A_60, %dma_wait3A_82] : memref<100x100xi32, #tpu.memory_space<vmem>> -> memref<1x100xi32, #tpu.memory_space<vmem>>
        %dma_wait3A_84 = tpu.memref_squeeze %dma_wait3A_83 : memref<1x100xi32, #tpu.memory_space<vmem>> -> memref<100xi32, #tpu.memory_space<vmem>>
        %dma_wait3A_85 = arith.constant 0 : i32
        %dma_wait3A_86 = arith.constant 0 : i32
        %dma_wait3A_87 = tpu.memref_slice %arg11[%dma_wait3A_85, %dma_wait3A_86] : memref<10000x128xf32, #tpu.memory_space<vmem_shared>> -> memref<10000x128xf32, #tpu.memory_space<vmem_shared>>
        tpu.wait_indirect_dma semaphore(%run_scoped3A_75 : memref<!tpu.dma_semaphore, #tpu.memory_space<semaphore_mem>>) src(%arg10 : memref<100x128xf32, #tpu.memory_space<vmem>>) dst(%dma_wait3A_87 : memref<10000x128xf32, #tpu.memory_space<vmem_shared>>)
        tpu.yield
      }) : () -> ()
      %add3A_67 = arith.constant 2 : i32
      %add3A_68 = arith.addi %add3A_60, %add3A_67 : i32
      %dma_start3A_69 = arith.constant 0 : i32
      %dma_start3A_70 = tpu.memref_slice %arg7[%add3A_68, %dma_start3A_69] : memref<100x100xi32, #tpu.memory_space<vmem>> -> memref<1x100xi32, #tpu.memory_space<vmem>>
      %dma_start3A_71 = tpu.memref_squeeze %dma_start3A_70 : memref<1x100xi32, #tpu.memory_space<vmem>> -> memref<100xi32, #tpu.memory_space<vmem>>
      %dma_start3A_72 = arith.constant 0 : i32
      %dma_start3A_73 = arith.constant 0 : i32
      %dma_start3A_74 = tpu.memref_slice %arg2[%dma_start3A_72, %dma_start3A_73] : memref<10000x128xf32, #tpu.memory_space<hbm>> -> memref<10000x128xf32, #tpu.memory_space<hbm>>
      tpu.enqueue_indirect_dma source(%dma_start3A_74 : memref<10000x128xf32, #tpu.memory_space<hbm>>) target(%arg10 : memref<100x128xf32, #tpu.memory_space<vmem>>) offsets(%dma_start3A_71 : memref<100xi32, #tpu.memory_space<vmem>>) semaphore(%arg13 : memref<!tpu.dma_semaphore, #tpu.memory_space<semaphore_mem>>)
    }
    %scan3A_20 = arith.constant 49 : i32
    %dma_wait3A = arith.constant 98 : i32
    %dma_wait3A_21 = arith.constant 0 : i32
    %dma_wait3A_22 = tpu.memref_slice %arg7[%dma_wait3A, %dma_wait3A_21] : memref<100x100xi32, #tpu.memory_space<vmem>> -> memref<1x100xi32, #tpu.memory_space<vmem>>
    %dma_wait3A_23 = tpu.memref_squeeze %dma_wait3A_22 : memref<1x100xi32, #tpu.memory_space<vmem>> -> memref<100xi32, #tpu.memory_space<vmem>>
    %dma_wait3A_24 = arith.constant 0 : i32
    %dma_wait3A_25 = arith.constant 0 : i32
    %dma_wait3A_26 = tpu.memref_slice %arg2[%dma_wait3A_24, %dma_wait3A_25] : memref<10000x128xf32, #tpu.memory_space<hbm>> -> memref<10000x128xf32, #tpu.memory_space<hbm>>
    tpu.wait_indirect_dma semaphore(%arg12 : memref<!tpu.dma_semaphore, #tpu.memory_space<semaphore_mem>>) src(%dma_wait3A_26 : memref<10000x128xf32, #tpu.memory_space<hbm>>) dst(%arg9 : memref<100x128xf32, #tpu.memory_space<vmem>>)
    %run_scoped3A = arith.constant 98 : i32
    "tpu.region"() ({
      %run_scoped3A_40 = tpu.sem_alloc : memref<!tpu.dma_semaphore, #tpu.memory_space<semaphore_mem>>
      %dma_start3A_41 = arith.constant 0 : i32
      %dma_start3A_42 = tpu.memref_slice %arg8[%run_scoped3A, %dma_start3A_41] : memref<100x100xi32, #tpu.memory_space<vmem>> -> memref<1x100xi32, #tpu.memory_space<vmem>>
      %dma_start3A_43 = tpu.memref_squeeze %dma_start3A_42 : memref<1x100xi32, #tpu.memory_space<vmem>> -> memref<100xi32, #tpu.memory_space<vmem>>
      %dma_start3A_44 = arith.constant 0 : i32
      %dma_start3A_45 = arith.constant 0 : i32
      %dma_start3A_46 = tpu.memref_slice %arg11[%dma_start3A_44, %dma_start3A_45] : memref<10000x128xf32, #tpu.memory_space<vmem_shared>> -> memref<10000x128xf32, #tpu.memory_space<vmem_shared>>
      tpu.enqueue_indirect_dma source(%arg9 : memref<100x128xf32, #tpu.memory_space<vmem>>) target(%dma_start3A_46 : memref<10000x128xf32, #tpu.memory_space<vmem_shared>>) offsets(%dma_start3A_43 : memref<100xi32, #tpu.memory_space<vmem>>) semaphore(%run_scoped3A_40 : memref<!tpu.dma_semaphore, #tpu.memory_space<semaphore_mem>>) {add = true}
      %dma_wait3A_47 = arith.constant 0 : i32
      %dma_wait3A_48 = tpu.memref_slice %arg8[%run_scoped3A, %dma_wait3A_47] : memref<100x100xi32, #tpu.memory_space<vmem>> -> memref<1x100xi32, #tpu.memory_space<vmem>>
      %dma_wait3A_49 = tpu.memref_squeeze %dma_wait3A_48 : memref<1x100xi32, #tpu.memory_space<vmem>> -> memref<100xi32, #tpu.memory_space<vmem>>
      %dma_wait3A_50 = arith.constant 0 : i32
      %dma_wait3A_51 = arith.constant 0 : i32
      %dma_wait3A_52 = tpu.memref_slice %arg11[%dma_wait3A_50, %dma_wait3A_51] : memref<10000x128xf32, #tpu.memory_space<vmem_shared>> -> memref<10000x128xf32, #tpu.memory_space<vmem_shared>>
      tpu.wait_indirect_dma semaphore(%run_scoped3A_40 : memref<!tpu.dma_semaphore, #tpu.memory_space<semaphore_mem>>) src(%arg9 : memref<100x128xf32, #tpu.memory_space<vmem>>) dst(%dma_wait3A_52 : memref<10000x128xf32, #tpu.memory_space<vmem_shared>>)
      tpu.yield
    }) : () -> ()
    %dma_wait3A_27 = arith.constant 99 : i32
    %dma_wait3A_28 = arith.constant 0 : i32
    %dma_wait3A_29 = tpu.memref_slice %arg7[%dma_wait3A_27, %dma_wait3A_28] : memref<100x100xi32, #tpu.memory_space<vmem>> -> memref<1x100xi32, #tpu.memory_space<vmem>>
    %dma_wait3A_30 = tpu.memref_squeeze %dma_wait3A_29 : memref<1x100xi32, #tpu.memory_space<vmem>> -> memref<100xi32, #tpu.memory_space<vmem>>
    %dma_wait3A_31 = arith.constant 0 : i32
    %dma_wait3A_32 = arith.constant 0 : i32
    %dma_wait3A_33 = tpu.memref_slice %arg2[%dma_wait3A_31, %dma_wait3A_32] : memref<10000x128xf32, #tpu.memory_space<hbm>> -> memref<10000x128xf32, #tpu.memory_space<hbm>>
    tpu.wait_indirect_dma semaphore(%arg13 : memref<!tpu.dma_semaphore, #tpu.memory_space<semaphore_mem>>) src(%dma_wait3A_33 : memref<10000x128xf32, #tpu.memory_space<hbm>>) dst(%arg10 : memref<100x128xf32, #tpu.memory_space<vmem>>)
    %run_scoped3A_34 = arith.constant 99 : i32
    "tpu.region"() ({
      %run_scoped3A_40 = tpu.sem_alloc : memref<!tpu.dma_semaphore, #tpu.memory_space<semaphore_mem>>
      %dma_start3A_41 = arith.constant 0 : i32
      %dma_start3A_42 = tpu.memref_slice %arg8[%run_scoped3A_34, %dma_start3A_41] : memref<100x100xi32, #tpu.memory_space<vmem>> -> memref<1x100xi32, #tpu.memory_space<vmem>>
      %dma_start3A_43 = tpu.memref_squeeze %dma_start3A_42 : memref<1x100xi32, #tpu.memory_space<vmem>> -> memref<100xi32, #tpu.memory_space<vmem>>
      %dma_start3A_44 = arith.constant 0 : i32
      %dma_start3A_45 = arith.constant 0 : i32
      %dma_start3A_46 = tpu.memref_slice %arg11[%dma_start3A_44, %dma_start3A_45] : memref<10000x128xf32, #tpu.memory_space<vmem_shared>> -> memref<10000x128xf32, #tpu.memory_space<vmem_shared>>
      tpu.enqueue_indirect_dma source(%arg10 : memref<100x128xf32, #tpu.memory_space<vmem>>) target(%dma_start3A_46 : memref<10000x128xf32, #tpu.memory_space<vmem_shared>>) offsets(%dma_start3A_43 : memref<100xi32, #tpu.memory_space<vmem>>) semaphore(%run_scoped3A_40 : memref<!tpu.dma_semaphore, #tpu.memory_space<semaphore_mem>>) {add = true}
      %dma_wait3A_47 = arith.constant 0 : i32
      %dma_wait3A_48 = tpu.memref_slice %arg8[%run_scoped3A_34, %dma_wait3A_47] : memref<100x100xi32, #tpu.memory_space<vmem>> -> memref<1x100xi32, #tpu.memory_space<vmem>>
      %dma_wait3A_49 = tpu.memref_squeeze %dma_wait3A_48 : memref<1x100xi32, #tpu.memory_space<vmem>> -> memref<100xi32, #tpu.memory_space<vmem>>
      %dma_wait3A_50 = arith.constant 0 : i32
      %dma_wait3A_51 = arith.constant 0 : i32
      %dma_wait3A_52 = tpu.memref_slice %arg11[%dma_wait3A_50, %dma_wait3A_51] : memref<10000x128xf32, #tpu.memory_space<vmem_shared>> -> memref<10000x128xf32, #tpu.memory_space<vmem_shared>>
      tpu.wait_indirect_dma semaphore(%run_scoped3A_40 : memref<!tpu.dma_semaphore, #tpu.memory_space<semaphore_mem>>) src(%arg10 : memref<100x128xf32, #tpu.memory_space<vmem>>) dst(%dma_wait3A_52 : memref<10000x128xf32, #tpu.memory_space<vmem_shared>>)
      tpu.yield
    }) : () -> ()
    %barrier3A_35 = arith.constant 0 : index
    tpu.barrier barrier_id(%barrier3A_35)
    %mul3A_36 = arith.constant 625 : i32
    %mul3A_37 = arith.muli %arg1, %mul3A_36 : i32
    %mul3A_38 = arith.constant 625 : i32
    %mul3A_39 = arith.muli %arg1, %mul3A_38 : i32
    "tpu.region"() ({
      %run_scoped3A_40 = tpu.sem_alloc : memref<!tpu.dma_semaphore, #tpu.memory_space<semaphore_mem>>
      %dma_start3A_41 = arith.constant 0 : i32
      %dma_start3A_42 = arith.constant 0 : i32
      %dma_start3A_43 = tpu.memref_slice %arg6[%arg0, %dma_start3A_41, %dma_start3A_42] : memref<2x10000x128xf32, #tpu.memory_space<hbm>> -> memref<1x10000x128xf32, #tpu.memory_space<hbm>>
      %dma_start3A_44 = tpu.memref_squeeze %dma_start3A_43 : memref<1x10000x128xf32, #tpu.memory_space<hbm>> -> memref<10000x128xf32, #tpu.memory_space<hbm>>
      %dma_start3A_45 = arith.constant 0 : i32
      %dma_start3A_46 = tpu.memref_slice %dma_start3A_44[%mul3A_39, %dma_start3A_45] : memref<10000x128xf32, #tpu.memory_space<hbm>> -> memref<625x128xf32, #tpu.memory_space<hbm>>
      %dma_start3A_47 = arith.constant 0 : i32
      %dma_start3A_48 = tpu.memref_slice %arg11[%mul3A_37, %dma_start3A_47] : memref<10000x128xf32, #tpu.memory_space<vmem_shared>> -> memref<625x128xf32, #tpu.memory_space<vmem_shared>>
      tpu.enqueue_dma source(%dma_start3A_48 : memref<625x128xf32, #tpu.memory_space<vmem_shared>>) target(%dma_start3A_46 : memref<625x128xf32, #tpu.memory_space<hbm>>) target_semaphore(%run_scoped3A_40 : memref<!tpu.dma_semaphore, #tpu.memory_space<semaphore_mem>>)
      %dma_wait3A_49 = arith.constant 0 : i32
      %dma_wait3A_50 = arith.constant 0 : i32
      %dma_wait3A_51 = tpu.memref_slice %arg6[%arg0, %dma_wait3A_49, %dma_wait3A_50] : memref<2x10000x128xf32, #tpu.memory_space<hbm>> -> memref<1x10000x128xf32, #tpu.memory_space<hbm>>
      %dma_wait3A_52 = tpu.memref_squeeze %dma_wait3A_51 : memref<1x10000x128xf32, #tpu.memory_space<hbm>> -> memref<10000x128xf32, #tpu.memory_space<hbm>>
      %dma_wait3A_53 = arith.constant 0 : i32
      %dma_wait3A_54 = tpu.memref_slice %dma_wait3A_52[%mul3A_39, %dma_wait3A_53] : memref<10000x128xf32, #tpu.memory_space<hbm>> -> memref<625x128xf32, #tpu.memory_space<hbm>>
      %dma_wait3A_55 = arith.constant 0 : i32
      %dma_wait3A_56 = tpu.memref_slice %arg11[%mul3A_37, %dma_wait3A_55] : memref<10000x128xf32, #tpu.memory_space<vmem_shared>> -> memref<625x128xf32, #tpu.memory_space<vmem_shared>>
      tpu.wait_dma2 semaphore(%run_scoped3A_40 : memref<!tpu.dma_semaphore, #tpu.memory_space<semaphore_mem>>) src(%dma_wait3A_56 : memref<625x128xf32, #tpu.memory_space<vmem_shared>>) dst(%dma_wait3A_54 : memref<625x128xf32, #tpu.memory_space<hbm>>)
      tpu.yield
    }) : () -> ()
    return
  }
}

#map = affine_map<(d0, d1) -> (0, 0)>
#map1 = affine_map<(d0, d1) -> (0, 0, 0)>
module attributes {stable_mosaic.version = 14 : i64} {
  func.func @seg(%arg0: i32, %arg1: i32, %arg2: memref<10000x128xf32, #tpu.memory_space<hbm>>, %arg3: memref<32x100x100xi32, #tpu.memory_space<hbm>>, %arg4: memref<32x100x100xi32, #tpu.memory_space<hbm>>, %arg5: memref<625x128xf32, #tpu.memory_space<hbm>>, %arg6: memref<2x10000x128xf32, #tpu.memory_space<hbm>>, %arg7: memref<100x100xi32, #tpu.memory_space<vmem>>, %arg8: memref<100x100xi32, #tpu.memory_space<vmem>>, %arg9: memref<100x128xf32, #tpu.memory_space<vmem>>, %arg10: memref<100x128xf32, #tpu.memory_space<vmem>>, %arg11: memref<10000x128xf32, #tpu.memory_space<vmem_shared>>, %arg12: memref<!tpu.dma_semaphore, #tpu.memory_space<semaphore_mem>>, %arg13: memref<!tpu.dma_semaphore, #tpu.memory_space<semaphore_mem>>) attributes {dimension_semantics = [#tpu.dimension_semantics<core_parallel>, #tpu.dimension_semantics<subcore_parallel>], iteration_bounds = array<i64: 2, 16>, scalar_prefetch = 0 : i64, scratch_operands = 7 : i64, tpu.core_type = #tpu.core_type<sc_vector_subcore>, window_params = [{transform_indices = #map}, {transform_indices = #map1}, {transform_indices = #map1}, {transform_indices = #map}, {transform_indices = #map1}]} {
    %mul3A = arith.constant 16 : i32
    %mul3A_0 = arith.muli %arg0, %mul3A : i32
    %add3A = arith.addi %mul3A_0, %arg1 : i32
    "tpu.region"() ({
      %run_scoped3A_40 = tpu.sem_alloc : memref<!tpu.dma_semaphore, #tpu.memory_space<semaphore_mem>>
      %dma_start3A_41 = arith.constant 0 : i32
      %dma_start3A_42 = arith.constant 0 : i32
      %dma_start3A_43 = tpu.memref_slice %arg3[%add3A, %dma_start3A_41, %dma_start3A_42] : memref<32x100x100xi32, #tpu.memory_space<hbm>> -> memref<1x100x100xi32, #tpu.memory_space<hbm>>
      %dma_start3A_44 = tpu.memref_squeeze %dma_start3A_43 : memref<1x100x100xi32, #tpu.memory_space<hbm>> -> memref<100x100xi32, #tpu.memory_space<hbm>>
      %dma_start3A_45 = arith.constant 0 : i32
      %dma_start3A_46 = arith.constant 0 : i32
      %dma_start3A_47 = tpu.memref_slice %arg3[%add3A, %dma_start3A_45, %dma_start3A_46] : memref<32x100x100xi32, #tpu.memory_space<hbm>> -> memref<1x100x100xi32, #tpu.memory_space<hbm>>
      %dma_start3A_48 = tpu.memref_squeeze %dma_start3A_47 : memref<1x100x100xi32, #tpu.memory_space<hbm>> -> memref<100x100xi32, #tpu.memory_space<hbm>>
      tpu.enqueue_dma source(%dma_start3A_48 : memref<100x100xi32, #tpu.memory_space<hbm>>) target(%arg7 : memref<100x100xi32, #tpu.memory_space<vmem>>) target_semaphore(%run_scoped3A_40 : memref<!tpu.dma_semaphore, #tpu.memory_space<semaphore_mem>>)
      %dma_wait3A_49 = arith.constant 0 : i32
      %dma_wait3A_50 = arith.constant 0 : i32
      %dma_wait3A_51 = tpu.memref_slice %arg3[%add3A, %dma_wait3A_49, %dma_wait3A_50] : memref<32x100x100xi32, #tpu.memory_space<hbm>> -> memref<1x100x100xi32, #tpu.memory_space<hbm>>
      %dma_wait3A_52 = tpu.memref_squeeze %dma_wait3A_51 : memref<1x100x100xi32, #tpu.memory_space<hbm>> -> memref<100x100xi32, #tpu.memory_space<hbm>>
      %dma_wait3A_53 = arith.constant 0 : i32
      %dma_wait3A_54 = arith.constant 0 : i32
      %dma_wait3A_55 = tpu.memref_slice %arg3[%add3A, %dma_wait3A_53, %dma_wait3A_54] : memref<32x100x100xi32, #tpu.memory_space<hbm>> -> memref<1x100x100xi32, #tpu.memory_space<hbm>>
      %dma_wait3A_56 = tpu.memref_squeeze %dma_wait3A_55 : memref<1x100x100xi32, #tpu.memory_space<hbm>> -> memref<100x100xi32, #tpu.memory_space<hbm>>
      tpu.wait_dma2 semaphore(%run_scoped3A_40 : memref<!tpu.dma_semaphore, #tpu.memory_space<semaphore_mem>>) src(%dma_wait3A_56 : memref<100x100xi32, #tpu.memory_space<hbm>>) dst(%arg7 : memref<100x100xi32, #tpu.memory_space<vmem>>)
      tpu.yield
    }) : () -> ()
    "tpu.region"() ({
      %run_scoped3A_40 = tpu.sem_alloc : memref<!tpu.dma_semaphore, #tpu.memory_space<semaphore_mem>>
      %dma_start3A_41 = arith.constant 0 : i32
      %dma_start3A_42 = arith.constant 0 : i32
      %dma_start3A_43 = tpu.memref_slice %arg4[%add3A, %dma_start3A_41, %dma_start3A_42] : memref<32x100x100xi32, #tpu.memory_space<hbm>> -> memref<1x100x100xi32, #tpu.memory_space<hbm>>
      %dma_start3A_44 = tpu.memref_squeeze %dma_start3A_43 : memref<1x100x100xi32, #tpu.memory_space<hbm>> -> memref<100x100xi32, #tpu.memory_space<hbm>>
      %dma_start3A_45 = arith.constant 0 : i32
      %dma_start3A_46 = arith.constant 0 : i32
      %dma_start3A_47 = tpu.memref_slice %arg4[%add3A, %dma_start3A_45, %dma_start3A_46] : memref<32x100x100xi32, #tpu.memory_space<hbm>> -> memref<1x100x100xi32, #tpu.memory_space<hbm>>
      %dma_start3A_48 = tpu.memref_squeeze %dma_start3A_47 : memref<1x100x100xi32, #tpu.memory_space<hbm>> -> memref<100x100xi32, #tpu.memory_space<hbm>>
      tpu.enqueue_dma source(%dma_start3A_48 : memref<100x100xi32, #tpu.memory_space<hbm>>) target(%arg8 : memref<100x100xi32, #tpu.memory_space<vmem>>) target_semaphore(%run_scoped3A_40 : memref<!tpu.dma_semaphore, #tpu.memory_space<semaphore_mem>>)
      %dma_wait3A_49 = arith.constant 0 : i32
      %dma_wait3A_50 = arith.constant 0 : i32
      %dma_wait3A_51 = tpu.memref_slice %arg4[%add3A, %dma_wait3A_49, %dma_wait3A_50] : memref<32x100x100xi32, #tpu.memory_space<hbm>> -> memref<1x100x100xi32, #tpu.memory_space<hbm>>
      %dma_wait3A_52 = tpu.memref_squeeze %dma_wait3A_51 : memref<1x100x100xi32, #tpu.memory_space<hbm>> -> memref<100x100xi32, #tpu.memory_space<hbm>>
      %dma_wait3A_53 = arith.constant 0 : i32
      %dma_wait3A_54 = arith.constant 0 : i32
      %dma_wait3A_55 = tpu.memref_slice %arg4[%add3A, %dma_wait3A_53, %dma_wait3A_54] : memref<32x100x100xi32, #tpu.memory_space<hbm>> -> memref<1x100x100xi32, #tpu.memory_space<hbm>>
      %dma_wait3A_56 = tpu.memref_squeeze %dma_wait3A_55 : memref<1x100x100xi32, #tpu.memory_space<hbm>> -> memref<100x100xi32, #tpu.memory_space<hbm>>
      tpu.wait_dma2 semaphore(%run_scoped3A_40 : memref<!tpu.dma_semaphore, #tpu.memory_space<semaphore_mem>>) src(%dma_wait3A_56 : memref<100x100xi32, #tpu.memory_space<hbm>>) dst(%arg8 : memref<100x100xi32, #tpu.memory_space<vmem>>)
      tpu.yield
    }) : () -> ()
    %dma_start3A = arith.constant 0 : i32
    %dma_start3A_1 = arith.constant 0 : i32
    %dma_start3A_2 = tpu.memref_slice %arg7[%dma_start3A, %dma_start3A_1] : memref<100x100xi32, #tpu.memory_space<vmem>> -> memref<1x100xi32, #tpu.memory_space<vmem>>
    %dma_start3A_3 = tpu.memref_squeeze %dma_start3A_2 : memref<1x100xi32, #tpu.memory_space<vmem>> -> memref<100xi32, #tpu.memory_space<vmem>>
    %dma_start3A_4 = arith.constant 0 : i32
    %dma_start3A_5 = arith.constant 0 : i32
    %dma_start3A_6 = tpu.memref_slice %arg2[%dma_start3A_4, %dma_start3A_5] : memref<10000x128xf32, #tpu.memory_space<hbm>> -> memref<10000x128xf32, #tpu.memory_space<hbm>>
    tpu.enqueue_indirect_dma source(%dma_start3A_6 : memref<10000x128xf32, #tpu.memory_space<hbm>>) target(%arg9 : memref<100x128xf32, #tpu.memory_space<vmem>>) offsets(%dma_start3A_3 : memref<100xi32, #tpu.memory_space<vmem>>) semaphore(%arg12 : memref<!tpu.dma_semaphore, #tpu.memory_space<semaphore_mem>>)
    %dma_start3A_7 = arith.constant 1 : i32
    %dma_start3A_8 = arith.constant 0 : i32
    %dma_start3A_9 = tpu.memref_slice %arg7[%dma_start3A_7, %dma_start3A_8] : memref<100x100xi32, #tpu.memory_space<vmem>> -> memref<1x100xi32, #tpu.memory_space<vmem>>
    %dma_start3A_10 = tpu.memref_squeeze %dma_start3A_9 : memref<1x100xi32, #tpu.memory_space<vmem>> -> memref<100xi32, #tpu.memory_space<vmem>>
    %dma_start3A_11 = arith.constant 0 : i32
    %dma_start3A_12 = arith.constant 0 : i32
    %dma_start3A_13 = tpu.memref_slice %arg2[%dma_start3A_11, %dma_start3A_12] : memref<10000x128xf32, #tpu.memory_space<hbm>> -> memref<10000x128xf32, #tpu.memory_space<hbm>>
    tpu.enqueue_indirect_dma source(%dma_start3A_13 : memref<10000x128xf32, #tpu.memory_space<hbm>>) target(%arg10 : memref<100x128xf32, #tpu.memory_space<vmem>>) offsets(%dma_start3A_10 : memref<100xi32, #tpu.memory_space<vmem>>) semaphore(%arg13 : memref<!tpu.dma_semaphore, #tpu.memory_space<semaphore_mem>>)
    %mul3A_14 = arith.constant 625 : i32
    %mul3A_15 = arith.muli %arg1, %mul3A_14 : i32
    "tpu.region"() ({
      %run_scoped3A_40 = tpu.sem_alloc : memref<!tpu.dma_semaphore, #tpu.memory_space<semaphore_mem>>
      %dma_start3A_41 = arith.constant 0 : i32
      %dma_start3A_42 = tpu.memref_slice %arg11[%mul3A_15, %dma_start3A_41] : memref<10000x128xf32, #tpu.memory_space<vmem_shared>> -> memref<625x128xf32, #tpu.memory_space<vmem_shared>>
      tpu.enqueue_dma source(%arg5 : memref<625x128xf32, #tpu.memory_space<hbm>>) target(%dma_start3A_42 : memref<625x128xf32, #tpu.memory_space<vmem_shared>>) target_semaphore(%run_scoped3A_40 : memref<!tpu.dma_semaphore, #tpu.memory_space<semaphore_mem>>)
      %dma_wait3A_43 = arith.constant 0 : i32
      %dma_wait3A_44 = tpu.memref_slice %arg11[%mul3A_15, %dma_wait3A_43] : memref<10000x128xf32, #tpu.memory_space<vmem_shared>> -> memref<625x128xf32, #tpu.memory_space<vmem_shared>>
      tpu.wait_dma2 semaphore(%run_scoped3A_40 : memref<!tpu.dma_semaphore, #tpu.memory_space<semaphore_mem>>) src(%arg5 : memref<625x128xf32, #tpu.memory_space<hbm>>) dst(%dma_wait3A_44 : memref<625x128xf32, #tpu.memory_space<vmem_shared>>)
      tpu.yield
    }) : () -> ()
    %barrier3A = arith.constant 0 : index
    tpu.barrier barrier_id(%barrier3A)
    %scan3A = arith.constant 0 : i32
    %scan3A_16 = arith.constant 0 : i32
    %scan3A_17 = arith.constant 49 : i32
    %scan3A_18 = arith.addi %scan3A_16, %scan3A_17 : i32
    %scan3A_19 = arith.constant 1 : i32
    scf.for %scan3A_40 = %scan3A_16 to %scan3A_18 step %scan3A_19  : i32 {
      %mul3A_41 = arith.constant 2 : i32
      %mul3A_42 = arith.muli %scan3A_40, %mul3A_41 : i32
      %add3A_43 = arith.constant 0 : i32
      %add3A_44 = arith.addi %mul3A_42, %add3A_43 : i32
      %dma_wait3A_45 = arith.constant 0 : i32
      %dma_wait3A_46 = tpu.memref_slice %arg7[%add3A_44, %dma_wait3A_45] : memref<100x100xi32, #tpu.memory_space<vmem>> -> memref<1x100xi32, #tpu.memory_space<vmem>>
      %dma_wait3A_47 = tpu.memref_squeeze %dma_wait3A_46 : memref<1x100xi32, #tpu.memory_space<vmem>> -> memref<100xi32, #tpu.memory_space<vmem>>
      %dma_wait3A_48 = arith.constant 0 : i32
      %dma_wait3A_49 = arith.constant 0 : i32
      %dma_wait3A_50 = tpu.memref_slice %arg2[%dma_wait3A_48, %dma_wait3A_49] : memref<10000x128xf32, #tpu.memory_space<hbm>> -> memref<10000x128xf32, #tpu.memory_space<hbm>>
      tpu.wait_indirect_dma semaphore(%arg12 : memref<!tpu.dma_semaphore, #tpu.memory_space<semaphore_mem>>) src(%dma_wait3A_50 : memref<10000x128xf32, #tpu.memory_space<hbm>>) dst(%arg9 : memref<100x128xf32, #tpu.memory_space<vmem>>)
      "tpu.region"() ({
        %run_scoped3A_75 = tpu.sem_alloc : memref<!tpu.dma_semaphore, #tpu.memory_space<semaphore_mem>>
        %dma_start3A_76 = arith.constant 0 : i32
        %dma_start3A_77 = tpu.memref_slice %arg8[%add3A_44, %dma_start3A_76] : memref<100x100xi32, #tpu.memory_space<vmem>> -> memref<1x100xi32, #tpu.memory_space<vmem>>
        %dma_start3A_78 = tpu.memref_squeeze %dma_start3A_77 : memref<1x100xi32, #tpu.memory_space<vmem>> -> memref<100xi32, #tpu.memory_space<vmem>>
        %dma_start3A_79 = arith.constant 0 : i32
        %dma_start3A_80 = arith.constant 0 : i32
        %dma_start3A_81 = tpu.memref_slice %arg11[%dma_start3A_79, %dma_start3A_80] : memref<10000x128xf32, #tpu.memory_space<vmem_shared>> -> memref<10000x128xf32, #tpu.memory_space<vmem_shared>>
        tpu.enqueue_indirect_dma source(%arg9 : memref<100x128xf32, #tpu.memory_space<vmem>>) target(%dma_start3A_81 : memref<10000x128xf32, #tpu.memory_space<vmem_shared>>) offsets(%dma_start3A_78 : memref<100xi32, #tpu.memory_space<vmem>>) semaphore(%run_scoped3A_75 : memref<!tpu.dma_semaphore, #tpu.memory_space<semaphore_mem>>) {add = true}
        %dma_wait3A_82 = arith.constant 0 : i32
        %dma_wait3A_83 = tpu.memref_slice %arg8[%add3A_44, %dma_wait3A_82] : memref<100x100xi32, #tpu.memory_space<vmem>> -> memref<1x100xi32, #tpu.memory_space<vmem>>
        %dma_wait3A_84 = tpu.memref_squeeze %dma_wait3A_83 : memref<1x100xi32, #tpu.memory_space<vmem>> -> memref<100xi32, #tpu.memory_space<vmem>>
        %dma_wait3A_85 = arith.constant 0 : i32
        %dma_wait3A_86 = arith.constant 0 : i32
        %dma_wait3A_87 = tpu.memref_slice %arg11[%dma_wait3A_85, %dma_wait3A_86] : memref<10000x128xf32, #tpu.memory_space<vmem_shared>> -> memref<10000x128xf32, #tpu.memory_space<vmem_shared>>
        tpu.wait_indirect_dma semaphore(%run_scoped3A_75 : memref<!tpu.dma_semaphore, #tpu.memory_space<semaphore_mem>>) src(%arg9 : memref<100x128xf32, #tpu.memory_space<vmem>>) dst(%dma_wait3A_87 : memref<10000x128xf32, #tpu.memory_space<vmem_shared>>)
        tpu.yield
      }) : () -> ()
      %add3A_51 = arith.constant 2 : i32
      %add3A_52 = arith.addi %add3A_44, %add3A_51 : i32
      %dma_start3A_53 = arith.constant 0 : i32
      %dma_start3A_54 = tpu.memref_slice %arg7[%add3A_52, %dma_start3A_53] : memref<100x100xi32, #tpu.memory_space<vmem>> -> memref<1x100xi32, #tpu.memory_space<vmem>>
      %dma_start3A_55 = tpu.memref_squeeze %dma_start3A_54 : memref<1x100xi32, #tpu.memory_space<vmem>> -> memref<100xi32, #tpu.memory_space<vmem>>
      %dma_start3A_56 = arith.constant 0 : i32
      %dma_start3A_57 = arith.constant 0 : i32
      %dma_start3A_58 = tpu.memref_slice %arg2[%dma_start3A_56, %dma_start3A_57] : memref<10000x128xf32, #tpu.memory_space<hbm>> -> memref<10000x128xf32, #tpu.memory_space<hbm>>
      tpu.enqueue_indirect_dma source(%dma_start3A_58 : memref<10000x128xf32, #tpu.memory_space<hbm>>) target(%arg9 : memref<100x128xf32, #tpu.memory_space<vmem>>) offsets(%dma_start3A_55 : memref<100xi32, #tpu.memory_space<vmem>>) semaphore(%arg12 : memref<!tpu.dma_semaphore, #tpu.memory_space<semaphore_mem>>)
      %add3A_59 = arith.constant 1 : i32
      %add3A_60 = arith.addi %mul3A_42, %add3A_59 : i32
      %dma_wait3A_61 = arith.constant 0 : i32
      %dma_wait3A_62 = tpu.memref_slice %arg7[%add3A_60, %dma_wait3A_61] : memref<100x100xi32, #tpu.memory_space<vmem>> -> memref<1x100xi32, #tpu.memory_space<vmem>>
      %dma_wait3A_63 = tpu.memref_squeeze %dma_wait3A_62 : memref<1x100xi32, #tpu.memory_space<vmem>> -> memref<100xi32, #tpu.memory_space<vmem>>
      %dma_wait3A_64 = arith.constant 0 : i32
      %dma_wait3A_65 = arith.constant 0 : i32
      %dma_wait3A_66 = tpu.memref_slice %arg2[%dma_wait3A_64, %dma_wait3A_65] : memref<10000x128xf32, #tpu.memory_space<hbm>> -> memref<10000x128xf32, #tpu.memory_space<hbm>>
      tpu.wait_indirect_dma semaphore(%arg13 : memref<!tpu.dma_semaphore, #tpu.memory_space<semaphore_mem>>) src(%dma_wait3A_66 : memref<10000x128xf32, #tpu.memory_space<hbm>>) dst(%arg10 : memref<100x128xf32, #tpu.memory_space<vmem>>)
      "tpu.region"() ({
        %run_scoped3A_75 = tpu.sem_alloc : memref<!tpu.dma_semaphore, #tpu.memory_space<semaphore_mem>>
        %dma_start3A_76 = arith.constant 0 : i32
        %dma_start3A_77 = tpu.memref_slice %arg8[%add3A_60, %dma_start3A_76] : memref<100x100xi32, #tpu.memory_space<vmem>> -> memref<1x100xi32, #tpu.memory_space<vmem>>
        %dma_start3A_78 = tpu.memref_squeeze %dma_start3A_77 : memref<1x100xi32, #tpu.memory_space<vmem>> -> memref<100xi32, #tpu.memory_space<vmem>>
        %dma_start3A_79 = arith.constant 0 : i32
        %dma_start3A_80 = arith.constant 0 : i32
        %dma_start3A_81 = tpu.memref_slice %arg11[%dma_start3A_79, %dma_start3A_80] : memref<10000x128xf32, #tpu.memory_space<vmem_shared>> -> memref<10000x128xf32, #tpu.memory_space<vmem_shared>>
        tpu.enqueue_indirect_dma source(%arg10 : memref<100x128xf32, #tpu.memory_space<vmem>>) target(%dma_start3A_81 : memref<10000x128xf32, #tpu.memory_space<vmem_shared>>) offsets(%dma_start3A_78 : memref<100xi32, #tpu.memory_space<vmem>>) semaphore(%run_scoped3A_75 : memref<!tpu.dma_semaphore, #tpu.memory_space<semaphore_mem>>) {add = true}
        %dma_wait3A_82 = arith.constant 0 : i32
        %dma_wait3A_83 = tpu.memref_slice %arg8[%add3A_60, %dma_wait3A_82] : memref<100x100xi32, #tpu.memory_space<vmem>> -> memref<1x100xi32, #tpu.memory_space<vmem>>
        %dma_wait3A_84 = tpu.memref_squeeze %dma_wait3A_83 : memref<1x100xi32, #tpu.memory_space<vmem>> -> memref<100xi32, #tpu.memory_space<vmem>>
        %dma_wait3A_85 = arith.constant 0 : i32
        %dma_wait3A_86 = arith.constant 0 : i32
        %dma_wait3A_87 = tpu.memref_slice %arg11[%dma_wait3A_85, %dma_wait3A_86] : memref<10000x128xf32, #tpu.memory_space<vmem_shared>> -> memref<10000x128xf32, #tpu.memory_space<vmem_shared>>
        tpu.wait_indirect_dma semaphore(%run_scoped3A_75 : memref<!tpu.dma_semaphore, #tpu.memory_space<semaphore_mem>>) src(%arg10 : memref<100x128xf32, #tpu.memory_space<vmem>>) dst(%dma_wait3A_87 : memref<10000x128xf32, #tpu.memory_space<vmem_shared>>)
        tpu.yield
      }) : () -> ()
      %add3A_67 = arith.constant 2 : i32
      %add3A_68 = arith.addi %add3A_60, %add3A_67 : i32
      %dma_start3A_69 = arith.constant 0 : i32
      %dma_start3A_70 = tpu.memref_slice %arg7[%add3A_68, %dma_start3A_69] : memref<100x100xi32, #tpu.memory_space<vmem>> -> memref<1x100xi32, #tpu.memory_space<vmem>>
      %dma_start3A_71 = tpu.memref_squeeze %dma_start3A_70 : memref<1x100xi32, #tpu.memory_space<vmem>> -> memref<100xi32, #tpu.memory_space<vmem>>
      %dma_start3A_72 = arith.constant 0 : i32
      %dma_start3A_73 = arith.constant 0 : i32
      %dma_start3A_74 = tpu.memref_slice %arg2[%dma_start3A_72, %dma_start3A_73] : memref<10000x128xf32, #tpu.memory_space<hbm>> -> memref<10000x128xf32, #tpu.memory_space<hbm>>
      tpu.enqueue_indirect_dma source(%dma_start3A_74 : memref<10000x128xf32, #tpu.memory_space<hbm>>) target(%arg10 : memref<100x128xf32, #tpu.memory_space<vmem>>) offsets(%dma_start3A_71 : memref<100xi32, #tpu.memory_space<vmem>>) semaphore(%arg13 : memref<!tpu.dma_semaphore, #tpu.memory_space<semaphore_mem>>)
    }
    %scan3A_20 = arith.constant 49 : i32
    %dma_wait3A = arith.constant 98 : i32
    %dma_wait3A_21 = arith.constant 0 : i32
    %dma_wait3A_22 = tpu.memref_slice %arg7[%dma_wait3A, %dma_wait3A_21] : memref<100x100xi32, #tpu.memory_space<vmem>> -> memref<1x100xi32, #tpu.memory_space<vmem>>
    %dma_wait3A_23 = tpu.memref_squeeze %dma_wait3A_22 : memref<1x100xi32, #tpu.memory_space<vmem>> -> memref<100xi32, #tpu.memory_space<vmem>>
    %dma_wait3A_24 = arith.constant 0 : i32
    %dma_wait3A_25 = arith.constant 0 : i32
    %dma_wait3A_26 = tpu.memref_slice %arg2[%dma_wait3A_24, %dma_wait3A_25] : memref<10000x128xf32, #tpu.memory_space<hbm>> -> memref<10000x128xf32, #tpu.memory_space<hbm>>
    tpu.wait_indirect_dma semaphore(%arg12 : memref<!tpu.dma_semaphore, #tpu.memory_space<semaphore_mem>>) src(%dma_wait3A_26 : memref<10000x128xf32, #tpu.memory_space<hbm>>) dst(%arg9 : memref<100x128xf32, #tpu.memory_space<vmem>>)
    %run_scoped3A = arith.constant 98 : i32
    "tpu.region"() ({
      %run_scoped3A_40 = tpu.sem_alloc : memref<!tpu.dma_semaphore, #tpu.memory_space<semaphore_mem>>
      %dma_start3A_41 = arith.constant 0 : i32
      %dma_start3A_42 = tpu.memref_slice %arg8[%run_scoped3A, %dma_start3A_41] : memref<100x100xi32, #tpu.memory_space<vmem>> -> memref<1x100xi32, #tpu.memory_space<vmem>>
      %dma_start3A_43 = tpu.memref_squeeze %dma_start3A_42 : memref<1x100xi32, #tpu.memory_space<vmem>> -> memref<100xi32, #tpu.memory_space<vmem>>
      %dma_start3A_44 = arith.constant 0 : i32
      %dma_start3A_45 = arith.constant 0 : i32
      %dma_start3A_46 = tpu.memref_slice %arg11[%dma_start3A_44, %dma_start3A_45] : memref<10000x128xf32, #tpu.memory_space<vmem_shared>> -> memref<10000x128xf32, #tpu.memory_space<vmem_shared>>
      tpu.enqueue_indirect_dma source(%arg9 : memref<100x128xf32, #tpu.memory_space<vmem>>) target(%dma_start3A_46 : memref<10000x128xf32, #tpu.memory_space<vmem_shared>>) offsets(%dma_start3A_43 : memref<100xi32, #tpu.memory_space<vmem>>) semaphore(%run_scoped3A_40 : memref<!tpu.dma_semaphore, #tpu.memory_space<semaphore_mem>>) {add = true}
      %dma_wait3A_47 = arith.constant 0 : i32
      %dma_wait3A_48 = tpu.memref_slice %arg8[%run_scoped3A, %dma_wait3A_47] : memref<100x100xi32, #tpu.memory_space<vmem>> -> memref<1x100xi32, #tpu.memory_space<vmem>>
      %dma_wait3A_49 = tpu.memref_squeeze %dma_wait3A_48 : memref<1x100xi32, #tpu.memory_space<vmem>> -> memref<100xi32, #tpu.memory_space<vmem>>
      %dma_wait3A_50 = arith.constant 0 : i32
      %dma_wait3A_51 = arith.constant 0 : i32
      %dma_wait3A_52 = tpu.memref_slice %arg11[%dma_wait3A_50, %dma_wait3A_51] : memref<10000x128xf32, #tpu.memory_space<vmem_shared>> -> memref<10000x128xf32, #tpu.memory_space<vmem_shared>>
      tpu.wait_indirect_dma semaphore(%run_scoped3A_40 : memref<!tpu.dma_semaphore, #tpu.memory_space<semaphore_mem>>) src(%arg9 : memref<100x128xf32, #tpu.memory_space<vmem>>) dst(%dma_wait3A_52 : memref<10000x128xf32, #tpu.memory_space<vmem_shared>>)
      tpu.yield
    }) : () -> ()
    %dma_wait3A_27 = arith.constant 99 : i32
    %dma_wait3A_28 = arith.constant 0 : i32
    %dma_wait3A_29 = tpu.memref_slice %arg7[%dma_wait3A_27, %dma_wait3A_28] : memref<100x100xi32, #tpu.memory_space<vmem>> -> memref<1x100xi32, #tpu.memory_space<vmem>>
    %dma_wait3A_30 = tpu.memref_squeeze %dma_wait3A_29 : memref<1x100xi32, #tpu.memory_space<vmem>> -> memref<100xi32, #tpu.memory_space<vmem>>
    %dma_wait3A_31 = arith.constant 0 : i32
    %dma_wait3A_32 = arith.constant 0 : i32
    %dma_wait3A_33 = tpu.memref_slice %arg2[%dma_wait3A_31, %dma_wait3A_32] : memref<10000x128xf32, #tpu.memory_space<hbm>> -> memref<10000x128xf32, #tpu.memory_space<hbm>>
    tpu.wait_indirect_dma semaphore(%arg13 : memref<!tpu.dma_semaphore, #tpu.memory_space<semaphore_mem>>) src(%dma_wait3A_33 : memref<10000x128xf32, #tpu.memory_space<hbm>>) dst(%arg10 : memref<100x128xf32, #tpu.memory_space<vmem>>)
    %run_scoped3A_34 = arith.constant 99 : i32
    "tpu.region"() ({
      %run_scoped3A_40 = tpu.sem_alloc : memref<!tpu.dma_semaphore, #tpu.memory_space<semaphore_mem>>
      %dma_start3A_41 = arith.constant 0 : i32
      %dma_start3A_42 = tpu.memref_slice %arg8[%run_scoped3A_34, %dma_start3A_41] : memref<100x100xi32, #tpu.memory_space<vmem>> -> memref<1x100xi32, #tpu.memory_space<vmem>>
      %dma_start3A_43 = tpu.memref_squeeze %dma_start3A_42 : memref<1x100xi32, #tpu.memory_space<vmem>> -> memref<100xi32, #tpu.memory_space<vmem>>
      %dma_start3A_44 = arith.constant 0 : i32
      %dma_start3A_45 = arith.constant 0 : i32
      %dma_start3A_46 = tpu.memref_slice %arg11[%dma_start3A_44, %dma_start3A_45] : memref<10000x128xf32, #tpu.memory_space<vmem_shared>> -> memref<10000x128xf32, #tpu.memory_space<vmem_shared>>
      tpu.enqueue_indirect_dma source(%arg10 : memref<100x128xf32, #tpu.memory_space<vmem>>) target(%dma_start3A_46 : memref<10000x128xf32, #tpu.memory_space<vmem_shared>>) offsets(%dma_start3A_43 : memref<100xi32, #tpu.memory_space<vmem>>) semaphore(%run_scoped3A_40 : memref<!tpu.dma_semaphore, #tpu.memory_space<semaphore_mem>>) {add = true}
      %dma_wait3A_47 = arith.constant 0 : i32
      %dma_wait3A_48 = tpu.memref_slice %arg8[%run_scoped3A_34, %dma_wait3A_47] : memref<100x100xi32, #tpu.memory_space<vmem>> -> memref<1x100xi32, #tpu.memory_space<vmem>>
      %dma_wait3A_49 = tpu.memref_squeeze %dma_wait3A_48 : memref<1x100xi32, #tpu.memory_space<vmem>> -> memref<100xi32, #tpu.memory_space<vmem>>
      %dma_wait3A_50 = arith.constant 0 : i32
      %dma_wait3A_51 = arith.constant 0 : i32
      %dma_wait3A_52 = tpu.memref_slice %arg11[%dma_wait3A_50, %dma_wait3A_51] : memref<10000x128xf32, #tpu.memory_space<vmem_shared>> -> memref<10000x128xf32, #tpu.memory_space<vmem_shared>>
      tpu.wait_indirect_dma semaphore(%run_scoped3A_40 : memref<!tpu.dma_semaphore, #tpu.memory_space<semaphore_mem>>) src(%arg10 : memref<100x128xf32, #tpu.memory_space<vmem>>) dst(%dma_wait3A_52 : memref<10000x128xf32, #tpu.memory_space<vmem_shared>>)
      tpu.yield
    }) : () -> ()
    %barrier3A_35 = arith.constant 0 : index
    tpu.barrier barrier_id(%barrier3A_35)
    %mul3A_36 = arith.constant 625 : i32
    %mul3A_37 = arith.muli %arg1, %mul3A_36 : i32
    %mul3A_38 = arith.constant 625 : i32
    %mul3A_39 = arith.muli %arg1, %mul3A_38 : i32
    "tpu.region"() ({
      %run_scoped3A_40 = tpu.sem_alloc : memref<!tpu.dma_semaphore, #tpu.memory_space<semaphore_mem>>
      %dma_start3A_41 = arith.constant 0 : i32
      %dma_start3A_42 = arith.constant 0 : i32
      %dma_start3A_43 = tpu.memref_slice %arg6[%arg0, %dma_start3A_41, %dma_start3A_42] : memref<2x10000x128xf32, #tpu.memory_space<hbm>> -> memref<1x10000x128xf32, #tpu.memory_space<hbm>>
      %dma_start3A_44 = tpu.memref_squeeze %dma_start3A_43 : memref<1x10000x128xf32, #tpu.memory_space<hbm>> -> memref<10000x128xf32, #tpu.memory_space<hbm>>
      %dma_start3A_45 = arith.constant 0 : i32
      %dma_start3A_46 = tpu.memref_slice %dma_start3A_44[%mul3A_39, %dma_start3A_45] : memref<10000x128xf32, #tpu.memory_space<hbm>> -> memref<625x128xf32, #tpu.memory_space<hbm>>
      %dma_start3A_47 = arith.constant 0 : i32
      %dma_start3A_48 = tpu.memref_slice %arg11[%mul3A_37, %dma_start3A_47] : memref<10000x128xf32, #tpu.memory_space<vmem_shared>> -> memref<625x128xf32, #tpu.memory_space<vmem_shared>>
      tpu.enqueue_dma source(%dma_start3A_48 : memref<625x128xf32, #tpu.memory_space<vmem_shared>>) target(%dma_start3A_46 : memref<625x128xf32, #tpu.memory_space<hbm>>) target_semaphore(%run_scoped3A_40 : memref<!tpu.dma_semaphore, #tpu.memory_space<semaphore_mem>>)
      %dma_wait3A_49 = arith.constant 0 : i32
      %dma_wait3A_50 = arith.constant 0 : i32
      %dma_wait3A_51 = tpu.memref_slice %arg6[%arg0, %dma_wait3A_49, %dma_wait3A_50] : memref<2x10000x128xf32, #tpu.memory_space<hbm>> -> memref<1x10000x128xf32, #tpu.memory_space<hbm>>
      %dma_wait3A_52 = tpu.memref_squeeze %dma_wait3A_51 : memref<1x10000x128xf32, #tpu.memory_space<hbm>> -> memref<10000x128xf32, #tpu.memory_space<hbm>>
      %dma_wait3A_53 = arith.constant 0 : i32
      %dma_wait3A_54 = tpu.memref_slice %dma_wait3A_52[%mul3A_39, %dma_wait3A_53] : memref<10000x128xf32, #tpu.memory_space<hbm>> -> memref<625x128xf32, #tpu.memory_space<hbm>>
      %dma_wait3A_55 = arith.constant 0 : i32
      %dma_wait3A_56 = tpu.memref_slice %arg11[%mul3A_37, %dma_wait3A_55] : memref<10000x128xf32, #tpu.memory_space<vmem_shared>> -> memref<625x128xf32, #tpu.memory_space<vmem_shared>>
      tpu.wait_dma2 semaphore(%run_scoped3A_40 : memref<!tpu.dma_semaphore, #tpu.memory_space<semaphore_mem>>) src(%dma_wait3A_56 : memref<625x128xf32, #tpu.memory_space<vmem_shared>>) dst(%dma_wait3A_54 : memref<625x128xf32, #tpu.memory_space<hbm>>)
      tpu.yield
    }) : () -> ()
    return
  }
}

module attributes {stable_mosaic.version = 14 : i64} {
  func.func @_tc1_body(%arg0: i32, %arg1: memref<1000x128xf32, #tpu.memory_space<vmem>>, %arg2: memref<128x128xf32, #tpu.memory_space<vmem>>, %arg3: memref<2x1000x8xf32, #tpu.memory_space<vmem>>, %arg4: memref<1000x128xf32, #tpu.memory_space<vmem>>) attributes {dimension_semantics = [#tpu.dimension_semantics<arbitrary>], iteration_bounds = array<i64: 10>, scalar_prefetch = 0 : i64, scratch_operands = 0 : i64, tpu.core_type = #tpu.core_type<tc>, window_params = [{transform_indices = @transform_0, window_bounds = array<i64: 1000, 128>}, {pipeline_mode = #tpu.pipeline_mode<synchronous>, transform_indices = @transform_1, window_bounds = array<i64: 128, 128>}, {transform_indices = @transform_2, window_bounds = array<i64: 2, 1000, 8>}, {transform_indices = @transform_3, window_bounds = array<i64: 1000, 128>}]} {
    %get3A = arith.constant 0 : index
    %get3A_0 = arith.constant 0 : index
    %get3A_1 = arith.constant 0 : index
    %get3A_2 = vector.load %arg3[%get3A, %get3A_0, %get3A_1] : memref<2x1000x8xf32, #tpu.memory_space<vmem>>, vector<1x1000x8xf32>
    %get3A_3 = vector.shape_cast %get3A_2 : vector<1x1000x8xf32> to vector<1000x8xf32>
    %slice3A = vector.extract_strided_slice %get3A_3 {offsets = [0, 0], sizes = [1000, 1], strides = [1, 1]} : vector<1000x8xf32> to vector<1000x1xf32>
    %get3A_4 = arith.constant 1 : index
    %get3A_5 = arith.constant 0 : index
    %get3A_6 = arith.constant 0 : index
    %get3A_7 = vector.load %arg3[%get3A_4, %get3A_5, %get3A_6] : memref<2x1000x8xf32, #tpu.memory_space<vmem>>, vector<1x1000x8xf32>
    %get3A_8 = vector.shape_cast %get3A_7 : vector<1x1000x8xf32> to vector<1000x8xf32>
    %slice3A_9 = vector.extract_strided_slice %get3A_8 {offsets = [0, 0], sizes = [1000, 1], strides = [1, 1]} : vector<1000x8xf32> to vector<1000x1xf32>
    %add3A = arith.addf %slice3A, %slice3A_9 : vector<1000x1xf32>
    %add3A_10 = arith.constant 1.000000e+00 : f32
    %add3A_11 = vector.broadcast %add3A_10 : f32 to vector<1000x1xf32>
    %add3A_12 = arith.addf %add3A, %add3A_11 : vector<1000x1xf32>
    %max3A = arith.constant 9.99999996E-13 : f32
    %max3A_13 = vector.broadcast %max3A : f32 to vector<1000x1xf32>
    %max3A_14 = arith.maximumf %add3A_12, %max3A_13 : vector<1000x1xf32>
    %rsqrt3A = math.rsqrt %max3A_14 : vector<1000x1xf32>
    %get3A_15 = arith.constant 0 : index
    %get3A_16 = arith.constant 0 : index
    %get3A_17 = vector.load %arg1[%get3A_15, %get3A_16] : memref<1000x128xf32, #tpu.memory_space<vmem>>, vector<1000x128xf32>
    %get3A_18 = arith.constant 0 : index
    %get3A_19 = arith.constant 0 : index
    %get3A_20 = vector.load %arg2[%get3A_18, %get3A_19] : memref<128x128xf32, #tpu.memory_space<vmem>>, vector<128x128xf32>
    %dot_general3A = arith.constant dense<0.000000e+00> : vector<1000x128xf32>
    %dot_general3A_21 = tpu.matmul %get3A_17, %get3A_20, %dot_general3A {dimension_numbers = #tpu.dot_dimension_numbers<[1], [0], [0], [1], [0, 0, 1, 1], [], []>, transpose_lhs_hint = false} : vector<1000x128xf32>, vector<128x128xf32>, vector<1000x128xf32> -> vector<1000x128xf32>
    %mul3A = vector.broadcast %rsqrt3A : vector<1000x1xf32> to vector<1000x128xf32>
    %mul3A_22 = arith.mulf %dot_general3A_21, %mul3A : vector<1000x128xf32>
    %swap3A = arith.constant 0 : index
    %swap3A_23 = arith.constant 0 : index
    %swap3A_24 = vector.load %arg4[%swap3A, %swap3A_23] : memref<1000x128xf32, #tpu.memory_space<vmem>>, vector<1000x128xf32>
    tpu.vector_store %arg4[%swap3A, %swap3A_23], %mul3A_22 {strides = array<i32>} : memref<1000x128xf32, #tpu.memory_space<vmem>>, vector<1000x128xf32>,
    return
  }
  func.func @transform_0(%arg0: i32) -> (i32, i32) {
    %c0_i32 = arith.constant 0 : i32
    %c0_i32_0 = arith.constant 0 : i32
    return %arg0, %c0_i32 : i32, i32
  }
  func.func @transform_1(%arg0: i32) -> (i32, i32) {
    %c0_i32 = arith.constant 0 : i32
    %c0_i32_0 = arith.constant 0 : i32
    %c0_i32_1 = arith.constant 0 : i32
    return %c0_i32, %c0_i32_0 : i32, i32
  }
  func.func @transform_2(%arg0: i32) -> (i32, i32, i32) {
    %c0_i32 = arith.constant 0 : i32
    %c0_i32_0 = arith.constant 0 : i32
    %c0_i32_1 = arith.constant 0 : i32
    return %c0_i32, %arg0, %c0_i32_0 : i32, i32, i32
  }
  func.func @transform_3(%arg0: i32) -> (i32, i32) {
    %c0_i32 = arith.constant 0 : i32
    %c0_i32_0 = arith.constant 0 : i32
    return %arg0, %c0_i32 : i32, i32
  }
}

module attributes {stable_mosaic.version = 14 : i64} {
  func.func @_tc2_body(%arg0: i32, %arg1: memref<2x1000x128xf32, #tpu.memory_space<vmem>>, %arg2: memref<1000x128xf32, #tpu.memory_space<vmem>>, %arg3: memref<2x1000x8xf32, #tpu.memory_space<vmem>>, %arg4: memref<1x128xf32, #tpu.memory_space<vmem>>, %arg5: memref<128x128xf32, #tpu.memory_space<vmem>>, %arg6: memref<1000x128xf32, #tpu.memory_space<vmem>>) attributes {dimension_semantics = [#tpu.dimension_semantics<arbitrary>], iteration_bounds = array<i64: 10>, scalar_prefetch = 0 : i64, scratch_operands = 0 : i64, tpu.core_type = #tpu.core_type<tc>, window_params = [{transform_indices = @transform_0, window_bounds = array<i64: 2, 1000, 128>}, {transform_indices = @transform_1, window_bounds = array<i64: 1000, 128>}, {transform_indices = @transform_2, window_bounds = array<i64: 2, 1000, 8>}, {pipeline_mode = #tpu.pipeline_mode<synchronous>, transform_indices = @transform_3, window_bounds = array<i64: 1, 128>}, {pipeline_mode = #tpu.pipeline_mode<synchronous>, transform_indices = @transform_4, window_bounds = array<i64: 128, 128>}, {transform_indices = @transform_5, window_bounds = array<i64: 1000, 128>}]} {
    %get3A = arith.constant 0 : index
    %get3A_0 = arith.constant 0 : index
    %get3A_1 = arith.constant 0 : index
    %get3A_2 = vector.load %arg3[%get3A, %get3A_0, %get3A_1] : memref<2x1000x8xf32, #tpu.memory_space<vmem>>, vector<1x1000x8xf32>
    %get3A_3 = vector.shape_cast %get3A_2 : vector<1x1000x8xf32> to vector<1000x8xf32>
    %slice3A = vector.extract_strided_slice %get3A_3 {offsets = [0, 0], sizes = [1000, 1], strides = [1, 1]} : vector<1000x8xf32> to vector<1000x1xf32>
    %get3A_4 = arith.constant 1 : index
    %get3A_5 = arith.constant 0 : index
    %get3A_6 = arith.constant 0 : index
    %get3A_7 = vector.load %arg3[%get3A_4, %get3A_5, %get3A_6] : memref<2x1000x8xf32, #tpu.memory_space<vmem>>, vector<1x1000x8xf32>
    %get3A_8 = vector.shape_cast %get3A_7 : vector<1x1000x8xf32> to vector<1000x8xf32>
    %slice3A_9 = vector.extract_strided_slice %get3A_8 {offsets = [0, 0], sizes = [1000, 1], strides = [1, 1]} : vector<1000x8xf32> to vector<1000x1xf32>
    %add3A = arith.addf %slice3A, %slice3A_9 : vector<1000x1xf32>
    %add3A_10 = arith.constant 1.000000e+00 : f32
    %add3A_11 = vector.broadcast %add3A_10 : f32 to vector<1000x1xf32>
    %add3A_12 = arith.addf %add3A, %add3A_11 : vector<1000x1xf32>
    %max3A = arith.constant 9.99999996E-13 : f32
    %max3A_13 = vector.broadcast %max3A : f32 to vector<1000x1xf32>
    %max3A_14 = arith.maximumf %add3A_12, %max3A_13 : vector<1000x1xf32>
    %rsqrt3A = math.rsqrt %max3A_14 : vector<1000x1xf32>
    %get3A_15 = arith.constant 0 : index
    %get3A_16 = arith.constant 0 : index
    %get3A_17 = arith.constant 0 : index
    %get3A_18 = vector.load %arg1[%get3A_15, %get3A_16, %get3A_17] : memref<2x1000x128xf32, #tpu.memory_space<vmem>>, vector<1x1000x128xf32>
    %get3A_19 = vector.shape_cast %get3A_18 : vector<1x1000x128xf32> to vector<1000x128xf32>
    %get3A_20 = arith.constant 1 : index
    %get3A_21 = arith.constant 0 : index
    %get3A_22 = arith.constant 0 : index
    %get3A_23 = vector.load %arg1[%get3A_20, %get3A_21, %get3A_22] : memref<2x1000x128xf32, #tpu.memory_space<vmem>>, vector<1x1000x128xf32>
    %get3A_24 = vector.shape_cast %get3A_23 : vector<1x1000x128xf32> to vector<1000x128xf32>
    %add3A_25 = arith.addf %get3A_19, %get3A_24 : vector<1000x128xf32>
    %get3A_26 = arith.constant 0 : index
    %get3A_27 = arith.constant 0 : index
    %get3A_28 = vector.load %arg2[%get3A_26, %get3A_27] : memref<1000x128xf32, #tpu.memory_space<vmem>>, vector<1000x128xf32>
    %add3A_29 = arith.addf %add3A_25, %get3A_28 : vector<1000x128xf32>
    %mul3A = vector.broadcast %rsqrt3A : vector<1000x1xf32> to vector<1000x128xf32>
    %mul3A_30 = arith.mulf %add3A_29, %mul3A : vector<1000x128xf32>
    %get3A_31 = arith.constant 0 : index
    %get3A_32 = arith.constant 0 : index
    %get3A_33 = vector.load %arg4[%get3A_31, %get3A_32] : memref<1x128xf32, #tpu.memory_space<vmem>>, vector<1x128xf32>
    %add3A_34 = vector.broadcast %get3A_33 : vector<1x128xf32> to vector<1000x128xf32>
    %add3A_35 = arith.addf %mul3A_30, %add3A_34 : vector<1000x128xf32>
    %max3A_36 = arith.constant 0.000000e+00 : f32
    %max3A_37 = vector.broadcast %max3A_36 : f32 to vector<1000x128xf32>
    %max3A_38 = arith.maximumf %add3A_35, %max3A_37 : vector<1000x128xf32>
    %get3A_39 = arith.constant 0 : index
    %get3A_40 = arith.constant 0 : index
    %get3A_41 = vector.load %arg5[%get3A_39, %get3A_40] : memref<128x128xf32, #tpu.memory_space<vmem>>, vector<128x128xf32>
    %dot_general3A = arith.constant dense<0.000000e+00> : vector<1000x128xf32>
    %dot_general3A_42 = tpu.matmul %max3A_38, %get3A_41, %dot_general3A {dimension_numbers = #tpu.dot_dimension_numbers<[1], [0], [0], [1], [0, 0, 1, 1], [], []>, transpose_lhs_hint = false} : vector<1000x128xf32>, vector<128x128xf32>, vector<1000x128xf32> -> vector<1000x128xf32>
    %mul3A_43 = vector.broadcast %rsqrt3A : vector<1000x1xf32> to vector<1000x128xf32>
    %mul3A_44 = arith.mulf %dot_general3A_42, %mul3A_43 : vector<1000x128xf32>
    %swap3A = arith.constant 0 : index
    %swap3A_45 = arith.constant 0 : index
    %swap3A_46 = vector.load %arg6[%swap3A, %swap3A_45] : memref<1000x128xf32, #tpu.memory_space<vmem>>, vector<1000x128xf32>
    tpu.vector_store %arg6[%swap3A, %swap3A_45], %mul3A_44 {strides = array<i32>} : memref<1000x128xf32, #tpu.memory_space<vmem>>, vector<1000x128xf32>,
    return
  }
  func.func @transform_0(%arg0: i32) -> (i32, i32, i32) {
    %c0_i32 = arith.constant 0 : i32
    %c0_i32_0 = arith.constant 0 : i32
    %c0_i32_1 = arith.constant 0 : i32
    return %c0_i32, %arg0, %c0_i32_0 : i32, i32, i32
  }
  func.func @transform_1(%arg0: i32) -> (i32, i32) {
    %c0_i32 = arith.constant 0 : i32
    %c0_i32_0 = arith.constant 0 : i32
    return %arg0, %c0_i32 : i32, i32
  }
  func.func @transform_2(%arg0: i32) -> (i32, i32, i32) {
    %c0_i32 = arith.constant 0 : i32
    %c0_i32_0 = arith.constant 0 : i32
    %c0_i32_1 = arith.constant 0 : i32
    return %c0_i32, %arg0, %c0_i32_0 : i32, i32, i32
  }
  func.func @transform_3(%arg0: i32) -> (i32, i32) {
    %c0_i32 = arith.constant 0 : i32
    %c0_i32_0 = arith.constant 0 : i32
    %c0_i32_1 = arith.constant 0 : i32
    return %c0_i32, %c0_i32_0 : i32, i32
  }
  func.func @transform_4(%arg0: i32) -> (i32, i32) {
    %c0_i32 = arith.constant 0 : i32
    %c0_i32_0 = arith.constant 0 : i32
    %c0_i32_1 = arith.constant 0 : i32
    return %c0_i32, %c0_i32_0 : i32, i32
  }
  func.func @transform_5(%arg0: i32) -> (i32, i32) {
    %c0_i32 = arith.constant 0 : i32
    %c0_i32_0 = arith.constant 0 : i32
    return %arg0, %c0_i32 : i32, i32
  }
}

module attributes {stable_mosaic.version = 14 : i64} {
  func.func @_tc3_body(%arg0: i32, %arg1: memref<2x1000x128xf32, #tpu.memory_space<vmem>>, %arg2: memref<1000x128xf32, #tpu.memory_space<vmem>>, %arg3: memref<2x1000x8xf32, #tpu.memory_space<vmem>>, %arg4: memref<1x128xf32, #tpu.memory_space<vmem>>, %arg5: memref<128x64xf32, #tpu.memory_space<vmem>>, %arg6: memref<1x64xf32, #tpu.memory_space<vmem>>, %arg7: memref<64x8xf32, #tpu.memory_space<vmem>>, %arg8: memref<1x8xf32, #tpu.memory_space<vmem>>, %arg9: memref<1000x8xf32, #tpu.memory_space<vmem>>, %arg10: memref<8x128xf32, #tpu.memory_space<vmem>>) attributes {dimension_semantics = [#tpu.dimension_semantics<arbitrary>], iteration_bounds = array<i64: 10>, scalar_prefetch = 0 : i64, scratch_operands = 0 : i64, tpu.core_type = #tpu.core_type<tc>, window_params = [{transform_indices = @transform_0, window_bounds = array<i64: 2, 1000, 128>}, {transform_indices = @transform_1, window_bounds = array<i64: 1000, 128>}, {transform_indices = @transform_2, window_bounds = array<i64: 2, 1000, 8>}, {pipeline_mode = #tpu.pipeline_mode<synchronous>, transform_indices = @transform_3, window_bounds = array<i64: 1, 128>}, {pipeline_mode = #tpu.pipeline_mode<synchronous>, transform_indices = @transform_4, window_bounds = array<i64: 128, 64>}, {pipeline_mode = #tpu.pipeline_mode<synchronous>, transform_indices = @transform_5, window_bounds = array<i64: 1, 64>}, {pipeline_mode = #tpu.pipeline_mode<synchronous>, transform_indices = @transform_6, window_bounds = array<i64: 64, 8>}, {pipeline_mode = #tpu.pipeline_mode<synchronous>, transform_indices = @transform_7, window_bounds = array<i64: 1, 8>}, {transform_indices = @transform_8, window_bounds = array<i64: 1000, 8>}, {pipeline_mode = #tpu.pipeline_mode<synchronous>, transform_indices = @transform_9, window_bounds = array<i64: 8, 128>}]} {
    %get3A = arith.constant 0 : index
    %get3A_0 = arith.constant 0 : index
    %get3A_1 = arith.constant 0 : index
    %get3A_2 = vector.load %arg3[%get3A, %get3A_0, %get3A_1] : memref<2x1000x8xf32, #tpu.memory_space<vmem>>, vector<1x1000x8xf32>
    %get3A_3 = vector.shape_cast %get3A_2 : vector<1x1000x8xf32> to vector<1000x8xf32>
    %slice3A = vector.extract_strided_slice %get3A_3 {offsets = [0, 0], sizes = [1000, 1], strides = [1, 1]} : vector<1000x8xf32> to vector<1000x1xf32>
    %get3A_4 = arith.constant 1 : index
    %get3A_5 = arith.constant 0 : index
    %get3A_6 = arith.constant 0 : index
    %get3A_7 = vector.load %arg3[%get3A_4, %get3A_5, %get3A_6] : memref<2x1000x8xf32, #tpu.memory_space<vmem>>, vector<1x1000x8xf32>
    %get3A_8 = vector.shape_cast %get3A_7 : vector<1x1000x8xf32> to vector<1000x8xf32>
    %slice3A_9 = vector.extract_strided_slice %get3A_8 {offsets = [0, 0], sizes = [1000, 1], strides = [1, 1]} : vector<1000x8xf32> to vector<1000x1xf32>
    %add3A = arith.addf %slice3A, %slice3A_9 : vector<1000x1xf32>
    %add3A_10 = arith.constant 1.000000e+00 : f32
    %add3A_11 = vector.broadcast %add3A_10 : f32 to vector<1000x1xf32>
    %add3A_12 = arith.addf %add3A, %add3A_11 : vector<1000x1xf32>
    %max3A = arith.constant 9.99999996E-13 : f32
    %max3A_13 = vector.broadcast %max3A : f32 to vector<1000x1xf32>
    %max3A_14 = arith.maximumf %add3A_12, %max3A_13 : vector<1000x1xf32>
    %rsqrt3A = math.rsqrt %max3A_14 : vector<1000x1xf32>
    %get3A_15 = arith.constant 0 : index
    %get3A_16 = arith.constant 0 : index
    %get3A_17 = arith.constant 0 : index
    %get3A_18 = vector.load %arg1[%get3A_15, %get3A_16, %get3A_17] : memref<2x1000x128xf32, #tpu.memory_space<vmem>>, vector<1x1000x128xf32>
    %get3A_19 = vector.shape_cast %get3A_18 : vector<1x1000x128xf32> to vector<1000x128xf32>
    %get3A_20 = arith.constant 1 : index
    %get3A_21 = arith.constant 0 : index
    %get3A_22 = arith.constant 0 : index
    %get3A_23 = vector.load %arg1[%get3A_20, %get3A_21, %get3A_22] : memref<2x1000x128xf32, #tpu.memory_space<vmem>>, vector<1x1000x128xf32>
    %get3A_24 = vector.shape_cast %get3A_23 : vector<1x1000x128xf32> to vector<1000x128xf32>
    %add3A_25 = arith.addf %get3A_19, %get3A_24 : vector<1000x128xf32>
    %get3A_26 = arith.constant 0 : index
    %get3A_27 = arith.constant 0 : index
    %get3A_28 = vector.load %arg2[%get3A_26, %get3A_27] : memref<1000x128xf32, #tpu.memory_space<vmem>>, vector<1000x128xf32>
    %add3A_29 = arith.addf %add3A_25, %get3A_28 : vector<1000x128xf32>
    %mul3A = vector.broadcast %rsqrt3A : vector<1000x1xf32> to vector<1000x128xf32>
    %mul3A_30 = arith.mulf %add3A_29, %mul3A : vector<1000x128xf32>
    %get3A_31 = arith.constant 0 : index
    %get3A_32 = arith.constant 0 : index
    %get3A_33 = vector.load %arg4[%get3A_31, %get3A_32] : memref<1x128xf32, #tpu.memory_space<vmem>>, vector<1x128xf32>
    %add3A_34 = vector.broadcast %get3A_33 : vector<1x128xf32> to vector<1000x128xf32>
    %add3A_35 = arith.addf %mul3A_30, %add3A_34 : vector<1000x128xf32>
    %get3A_36 = arith.constant 0 : index
    %get3A_37 = arith.constant 0 : index
    %get3A_38 = vector.load %arg5[%get3A_36, %get3A_37] : memref<128x64xf32, #tpu.memory_space<vmem>>, vector<128x64xf32>
    %dot_general3A = arith.constant dense<0.000000e+00> : vector<1000x64xf32>
    %dot_general3A_39 = tpu.matmul %add3A_35, %get3A_38, %dot_general3A {dimension_numbers = #tpu.dot_dimension_numbers<[1], [0], [0], [1], [0, 0, 1, 1], [], []>, transpose_lhs_hint = false} : vector<1000x128xf32>, vector<128x64xf32>, vector<1000x64xf32> -> vector<1000x64xf32>
    %get3A_40 = arith.constant 0 : index
    %get3A_41 = arith.constant 0 : index
    %get3A_42 = vector.load %arg6[%get3A_40, %get3A_41] : memref<1x64xf32, #tpu.memory_space<vmem>>, vector<1x64xf32>
    %add3A_43 = vector.broadcast %get3A_42 : vector<1x64xf32> to vector<1000x64xf32>
    %add3A_44 = arith.addf %dot_general3A_39, %add3A_43 : vector<1000x64xf32>
    %tanh3A = math.tanh %add3A_44 : vector<1000x64xf32>
    %get3A_45 = arith.constant 0 : index
    %get3A_46 = arith.constant 0 : index
    %get3A_47 = vector.load %arg7[%get3A_45, %get3A_46] : memref<64x8xf32, #tpu.memory_space<vmem>>, vector<64x8xf32>
    %dot_general3A_48 = arith.constant dense<0.000000e+00> : vector<1000x8xf32>
    %dot_general3A_49 = tpu.matmul %tanh3A, %get3A_47, %dot_general3A_48 {dimension_numbers = #tpu.dot_dimension_numbers<[1], [0], [0], [1], [0, 0, 1, 1], [], []>, transpose_lhs_hint = false} : vector<1000x64xf32>, vector<64x8xf32>, vector<1000x8xf32> -> vector<1000x8xf32>
    %get3A_50 = arith.constant 0 : index
    %get3A_51 = arith.constant 0 : index
    %get3A_52 = vector.load %arg8[%get3A_50, %get3A_51] : memref<1x8xf32, #tpu.memory_space<vmem>>, vector<1x8xf32>
    %add3A_53 = vector.broadcast %get3A_52 : vector<1x8xf32> to vector<1000x8xf32>
    %add3A_54 = arith.addf %dot_general3A_49, %add3A_53 : vector<1000x8xf32>
    %reduce_max3A = arith.constant dense<0xFF800000> : vector<1000xf32>
    %reduce_max3A_55 = vector.multi_reduction <maximumf>, %add3A_54, %reduce_max3A [1] : vector<1000x8xf32> to vector<1000xf32>
    %broadcast_in_dim3A = vector.shape_cast %reduce_max3A_55 : vector<1000xf32> to vector<1000x1xf32>
    %sub3A = vector.broadcast %broadcast_in_dim3A : vector<1000x1xf32> to vector<1000x8xf32>
    %sub3A_56 = arith.subf %add3A_54, %sub3A : vector<1000x8xf32>
    %exp3A = math.exp %sub3A_56 : vector<1000x8xf32>
    %reduce_sum3A = arith.constant dense<0.000000e+00> : vector<1000xf32>
    %reduce_sum3A_57 = vector.multi_reduction <add>, %exp3A, %reduce_sum3A [1] : vector<1000x8xf32> to vector<1000xf32>
    %broadcast_in_dim3A_58 = vector.shape_cast %reduce_sum3A_57 : vector<1000xf32> to vector<1000x1xf32>
    %div3A = vector.broadcast %broadcast_in_dim3A_58 : vector<1000x1xf32> to vector<1000x8xf32>
    %div3A_59 = arith.divf %exp3A, %div3A : vector<1000x8xf32>
    %swap3A = arith.constant 0 : index
    %swap3A_60 = arith.constant 0 : index
    %swap3A_61 = vector.load %arg9[%swap3A, %swap3A_60] : memref<1000x8xf32, #tpu.memory_space<vmem>>, vector<1000x8xf32>
    tpu.vector_store %arg9[%swap3A, %swap3A_60], %div3A_59 {strides = array<i32>} : memref<1000x8xf32, #tpu.memory_space<vmem>>, vector<1000x8xf32>,
    %dot_general3A_62 = arith.constant dense<0.000000e+00> : vector<8x128xf32>
    %dot_general3A_63 = tpu.matmul %div3A_59, %add3A_35, %dot_general3A_62 {dimension_numbers = #tpu.dot_dimension_numbers<[0], [0], [1], [1], [0, 1, 1, 1], [], []>, transpose_lhs_hint = false} : vector<1000x8xf32>, vector<1000x128xf32>, vector<8x128xf32> -> vector<8x128xf32>
    %eq3A = arith.constant 0 : i32
    %eq3A_64 = arith.cmpi eq, %arg0, %eq3A : i32
    %convert_element_type3A = arith.extui %eq3A_64 : i1 to i32
    %cond3A = arith.constant 0 : i32
    %cond3A_65 = arith.cmpi ne, %convert_element_type3A, %cond3A : i32
    scf.if %cond3A_65 {
      %swap3A_70 = arith.constant 0 : index
      %swap3A_71 = arith.constant 0 : index
      %swap3A_72 = vector.load %arg10[%swap3A_70, %swap3A_71] : memref<8x128xf32, #tpu.memory_space<vmem>>, vector<8x128xf32>
      tpu.vector_store %arg10[%swap3A_70, %swap3A_71], %dot_general3A_63 {strides = array<i32>} : memref<8x128xf32, #tpu.memory_space<vmem>>, vector<8x128xf32>,
    } else {
    }
    %gt3A = arith.constant 0 : i32
    %gt3A_66 = arith.cmpi sgt, %arg0, %gt3A : i32
    %convert_element_type3A_67 = arith.extui %gt3A_66 : i1 to i32
    %cond3A_68 = arith.constant 0 : i32
    %cond3A_69 = arith.cmpi ne, %convert_element_type3A_67, %cond3A_68 : i32
    scf.if %cond3A_69 {
      %get3A_70 = arith.constant 0 : index
      %get3A_71 = arith.constant 0 : index
      %get3A_72 = vector.load %arg10[%get3A_70, %get3A_71] : memref<8x128xf32, #tpu.memory_space<vmem>>, vector<8x128xf32>
      %add3A_73 = arith.addf %get3A_72, %dot_general3A_63 : vector<8x128xf32>
      %swap3A_74 = arith.constant 0 : index
      %swap3A_75 = arith.constant 0 : index
      %swap3A_76 = vector.load %arg10[%swap3A_74, %swap3A_75] : memref<8x128xf32, #tpu.memory_space<vmem>>, vector<8x128xf32>
      tpu.vector_store %arg10[%swap3A_74, %swap3A_75], %add3A_73 {strides = array<i32>} : memref<8x128xf32, #tpu.memory_space<vmem>>, vector<8x128xf32>,
    } else {
    }
    return
  }
  func.func @transform_0(%arg0: i32) -> (i32, i32, i32) {
    %c0_i32 = arith.constant 0 : i32
    %c0_i32_0 = arith.constant 0 : i32
    %c0_i32_1 = arith.constant 0 : i32
    return %c0_i32, %arg0, %c0_i32_0 : i32, i32, i32
  }
  func.func @transform_1(%arg0: i32) -> (i32, i32) {
    %c0_i32 = arith.constant 0 : i32
    %c0_i32_0 = arith.constant 0 : i32
    return %arg0, %c0_i32 : i32, i32
  }
  func.func @transform_2(%arg0: i32) -> (i32, i32, i32) {
    %c0_i32 = arith.constant 0 : i32
    %c0_i32_0 = arith.constant 0 : i32
    %c0_i32_1 = arith.constant 0 : i32
    return %c0_i32, %arg0, %c0_i32_0 : i32, i32, i32
  }
  func.func @transform_3(%arg0: i32) -> (i32, i32) {
    %c0_i32 = arith.constant 0 : i32
    %c0_i32_0 = arith.constant 0 : i32
    %c0_i32_1 = arith.constant 0 : i32
    return %c0_i32, %c0_i32_0 : i32, i32
  }
  func.func @transform_4(%arg0: i32) -> (i32, i32) {
    %c0_i32 = arith.constant 0 : i32
    %c0_i32_0 = arith.constant 0 : i32
    %c0_i32_1 = arith.constant 0 : i32
    return %c0_i32, %c0_i32_0 : i32, i32
  }
  func.func @transform_5(%arg0: i32) -> (i32, i32) {
    %c0_i32 = arith.constant 0 : i32
    %c0_i32_0 = arith.constant 0 : i32
    %c0_i32_1 = arith.constant 0 : i32
    return %c0_i32, %c0_i32_0 : i32, i32
  }
  func.func @transform_6(%arg0: i32) -> (i32, i32) {
    %c0_i32 = arith.constant 0 : i32
    %c0_i32_0 = arith.constant 0 : i32
    %c0_i32_1 = arith.constant 0 : i32
    return %c0_i32, %c0_i32_0 : i32, i32
  }
  func.func @transform_7(%arg0: i32) -> (i32, i32) {
    %c0_i32 = arith.constant 0 : i32
    %c0_i32_0 = arith.constant 0 : i32
    %c0_i32_1 = arith.constant 0 : i32
    return %c0_i32, %c0_i32_0 : i32, i32
  }
  func.func @transform_8(%arg0: i32) -> (i32, i32) {
    %c0_i32 = arith.constant 0 : i32
    %c0_i32_0 = arith.constant 0 : i32
    return %arg0, %c0_i32 : i32, i32
  }
  func.func @transform_9(%arg0: i32) -> (i32, i32) {
    %c0_i32 = arith.constant 0 : i32
    %c0_i32_0 = arith.constant 0 : i32
    %c0_i32_1 = arith.constant 0 : i32
    return %c0_i32, %c0_i32_0 : i32, i32
  }
}

module attributes {stable_mosaic.version = 14 : i64} {
  func.func @_tc4_body(%arg0: i32, %arg1: memref<1000x8xf32, #tpu.memory_space<vmem>>, %arg2: memref<2x1000x8xf32, #tpu.memory_space<vmem>>, %arg3: memref<8x128xf32, #tpu.memory_space<vmem>>, %arg4: memref<1x128xf32, #tpu.memory_space<vmem>>, %arg5: memref<1x128xf32, #tpu.memory_space<vmem>>, %arg6: memref<1x128xf32, #tpu.memory_space<vmem>>, %arg7: memref<1x1xf32, #tpu.memory_space<vmem>>, %arg8: memref<8x8xf32, #tpu.memory_space<vmem>>) attributes {dimension_semantics = [#tpu.dimension_semantics<arbitrary>], iteration_bounds = array<i64: 10>, scalar_prefetch = 0 : i64, scratch_operands = 1 : i64, tpu.core_type = #tpu.core_type<tc>, window_params = [{transform_indices = @transform_0, window_bounds = array<i64: 1000, 8>}, {transform_indices = @transform_1, window_bounds = array<i64: 2, 1000, 8>}, {pipeline_mode = #tpu.pipeline_mode<synchronous>, transform_indices = @transform_2, window_bounds = array<i64: 8, 128>}, {pipeline_mode = #tpu.pipeline_mode<synchronous>, transform_indices = @transform_3, window_bounds = array<i64: 1, 128>}, {pipeline_mode = #tpu.pipeline_mode<synchronous>, transform_indices = @transform_4, window_bounds = array<i64: 1, 128>}, {pipeline_mode = #tpu.pipeline_mode<synchronous>, transform_indices = @transform_5, window_bounds = array<i64: 1, 128>}, {pipeline_mode = #tpu.pipeline_mode<synchronous>, transform_indices = @transform_6, window_bounds = array<i64: 1, 1>}]} {
    %eq3A = arith.constant 0 : i32
    %eq3A_0 = arith.cmpi eq, %arg0, %eq3A : i32
    %convert_element_type3A = arith.extui %eq3A_0 : i1 to i32
    %cond3A = arith.constant 0 : i32
    %cond3A_1 = arith.cmpi ne, %convert_element_type3A, %cond3A : i32
    scf.if %cond3A_1 {
      %broadcast_in_dim3A = arith.constant 0.000000e+00 : f32
      %broadcast_in_dim3A_26 = vector.broadcast %broadcast_in_dim3A : f32 to vector<8x8xf32>
      %swap3A_27 = arith.constant 0 : index
      %swap3A_28 = arith.constant 0 : index
      %swap3A_29 = vector.load %arg8[%swap3A_27, %swap3A_28] : memref<8x8xf32, #tpu.memory_space<vmem>>, vector<8x8xf32>
      tpu.vector_store %arg8[%swap3A_27, %swap3A_28], %broadcast_in_dim3A_26 {strides = array<i32>} : memref<8x8xf32, #tpu.memory_space<vmem>>, vector<8x8xf32>,
    } else {
    }
    %get3A = arith.constant 0 : index
    %get3A_2 = arith.constant 0 : index
    %get3A_3 = arith.constant 0 : index
    %get3A_4 = vector.load %arg2[%get3A, %get3A_2, %get3A_3] : memref<2x1000x8xf32, #tpu.memory_space<vmem>>, vector<1x1000x8xf32>
    %get3A_5 = vector.shape_cast %get3A_4 : vector<1x1000x8xf32> to vector<1000x8xf32>
    %get3A_6 = arith.constant 1 : index
    %get3A_7 = arith.constant 0 : index
    %get3A_8 = arith.constant 0 : index
    %get3A_9 = vector.load %arg2[%get3A_6, %get3A_7, %get3A_8] : memref<2x1000x8xf32, #tpu.memory_space<vmem>>, vector<1x1000x8xf32>
    %get3A_10 = vector.shape_cast %get3A_9 : vector<1x1000x8xf32> to vector<1000x8xf32>
    %add3A = arith.addf %get3A_5, %get3A_10 : vector<1000x8xf32>
    %get3A_11 = arith.constant 0 : index
    %get3A_12 = arith.constant 0 : index
    %get3A_13 = vector.load %arg8[%get3A_11, %get3A_12] : memref<8x8xf32, #tpu.memory_space<vmem>>, vector<8x8xf32>
    %get3A_14 = arith.constant 0 : index
    %get3A_15 = arith.constant 0 : index
    %get3A_16 = vector.load %arg1[%get3A_14, %get3A_15] : memref<1000x8xf32, #tpu.memory_space<vmem>>, vector<1000x8xf32>
    %dot_general3A = arith.constant dense<0.000000e+00> : vector<8x8xf32>
    %dot_general3A_17 = tpu.matmul %get3A_16, %add3A, %dot_general3A {dimension_numbers = #tpu.dot_dimension_numbers<[0], [0], [1], [1], [0, 1, 1, 1], [], []>, transpose_lhs_hint = false} : vector<1000x8xf32>, vector<1000x8xf32>, vector<8x8xf32> -> vector<8x8xf32>
    %add3A_18 = arith.addf %get3A_13, %dot_general3A_17 : vector<8x8xf32>
    %swap3A = arith.constant 0 : index
    %swap3A_19 = arith.constant 0 : index
    %swap3A_20 = vector.load %arg8[%swap3A, %swap3A_19] : memref<8x8xf32, #tpu.memory_space<vmem>>, vector<8x8xf32>
    tpu.vector_store %arg8[%swap3A, %swap3A_19], %add3A_18 {strides = array<i32>} : memref<8x8xf32, #tpu.memory_space<vmem>>, vector<8x8xf32>,
    %eq3A_21 = arith.constant 9 : i32
    %eq3A_22 = arith.cmpi eq, %arg0, %eq3A_21 : i32
    %convert_element_type3A_23 = arith.extui %eq3A_22 : i1 to i32
    %cond3A_24 = arith.constant 0 : i32
    %cond3A_25 = arith.cmpi ne, %convert_element_type3A_23, %cond3A_24 : i32
    scf.if %cond3A_25 {
      %get3A_26 = arith.constant 0 : index
      %get3A_27 = arith.constant 0 : index
      %get3A_28 = vector.load %arg8[%get3A_26, %get3A_27] : memref<8x8xf32, #tpu.memory_space<vmem>>, vector<8x8xf32>
      %get3A_29 = arith.constant 0 : index
      %get3A_30 = arith.constant 0 : index
      %get3A_31 = vector.load %arg3[%get3A_29, %get3A_30] : memref<8x128xf32, #tpu.memory_space<vmem>>, vector<8x128xf32>
      %slice3A = vector.extract_strided_slice %get3A_31 {offsets = [0, 0], sizes = [1, 128], strides = [1, 1]} : vector<8x128xf32> to vector<1x128xf32>
      %slice3A_32 = vector.extract_strided_slice %get3A_31 {offsets = [1, 0], sizes = [1, 128], strides = [1, 1]} : vector<8x128xf32> to vector<1x128xf32>
      %add3A_33 = arith.addf %slice3A, %slice3A_32 : vector<1x128xf32>
      %mul3A = arith.constant 5.000000e-01 : f32
      %mul3A_34 = vector.broadcast %mul3A : f32 to vector<1x128xf32>
      %mul3A_35 = arith.mulf %add3A_33, %mul3A_34 : vector<1x128xf32>
      %swap3A_36 = arith.constant 0 : index
      %swap3A_37 = arith.constant 0 : index
      %swap3A_38 = vector.load %arg4[%swap3A_36, %swap3A_37] : memref<1x128xf32, #tpu.memory_space<vmem>>, vector<1x128xf32>
      tpu.vector_store %arg4[%swap3A_36, %swap3A_37], %mul3A_35 {strides = array<i32>} : memref<1x128xf32, #tpu.memory_space<vmem>>, vector<1x128xf32>,
      %slice3A_39 = vector.extract_strided_slice %get3A_31 {offsets = [0, 0], sizes = [1, 128], strides = [1, 1]} : vector<8x128xf32> to vector<1x128xf32>
      %jit3A = arith.constant -1.000000e+02 : f32
      %jit3A_40 = arith.constant 1.000000e+02 : f32
      %max3A = vector.broadcast %jit3A : f32 to vector<1x128xf32>
      %max3A_41 = arith.maximumf %max3A, %slice3A_39 : vector<1x128xf32>
      %min3A = vector.broadcast %jit3A_40 : f32 to vector<1x128xf32>
      %min3A_42 = arith.minimumf %min3A, %max3A_41 : vector<1x128xf32>
      %swap3A_43 = arith.constant 0 : index
      %swap3A_44 = arith.constant 0 : index
      %swap3A_45 = vector.load %arg5[%swap3A_43, %swap3A_44] : memref<1x128xf32, #tpu.memory_space<vmem>>, vector<1x128xf32>
      tpu.vector_store %arg5[%swap3A_43, %swap3A_44], %min3A_42 {strides = array<i32>} : memref<1x128xf32, #tpu.memory_space<vmem>>, vector<1x128xf32>,
      %slice3A_46 = vector.extract_strided_slice %get3A_31 {offsets = [1, 0], sizes = [1, 128], strides = [1, 1]} : vector<8x128xf32> to vector<1x128xf32>
      %jit3A_47 = arith.constant -1.000000e+02 : f32
      %jit3A_48 = arith.constant 1.000000e+02 : f32
      %max3A_49 = vector.broadcast %jit3A_47 : f32 to vector<1x128xf32>
      %max3A_50 = arith.maximumf %max3A_49, %slice3A_46 : vector<1x128xf32>
      %min3A_51 = vector.broadcast %jit3A_48 : f32 to vector<1x128xf32>
      %min3A_52 = arith.minimumf %min3A_51, %max3A_50 : vector<1x128xf32>
      %swap3A_53 = arith.constant 0 : index
      %swap3A_54 = arith.constant 0 : index
      %swap3A_55 = vector.load %arg6[%swap3A_53, %swap3A_54] : memref<1x128xf32, #tpu.memory_space<vmem>>, vector<1x128xf32>
      tpu.vector_store %arg6[%swap3A_53, %swap3A_54], %min3A_52 {strides = array<i32>} : memref<1x128xf32, #tpu.memory_space<vmem>>, vector<1x128xf32>,
      %abs3A = math.absf %get3A_28 : vector<8x8xf32>
      %reduce_sum3A = arith.constant dense<0.000000e+00> : vector<8xf32>
      %reduce_sum3A_56 = vector.multi_reduction <add>, %abs3A, %reduce_sum3A [1] : vector<8x8xf32> to vector<8xf32>
      %broadcast_in_dim3A = vector.shape_cast %reduce_sum3A_56 : vector<8xf32> to vector<8x1xf32>
      %max3A_57 = arith.constant 9.99999996E-13 : f32
      %max3A_58 = vector.broadcast %max3A_57 : f32 to vector<8x1xf32>
      %max3A_59 = arith.maximumf %broadcast_in_dim3A, %max3A_58 : vector<8x1xf32>
      %iota3A = tpu.iota {dimensions = array<i32: 0>} : vector<8x8xi32>
      %iota3A_60 = tpu.iota {dimensions = array<i32: 1>} : vector<8x8xi32>
      %eq3A_61 = arith.cmpi eq, %iota3A, %iota3A_60 : vector<8x8xi32>
      %div3A = vector.broadcast %max3A_59 : vector<8x1xf32> to vector<8x8xf32>
      %div3A_62 = arith.divf %get3A_28, %div3A : vector<8x8xf32>
      %jit3A_63 = arith.constant 0.000000e+00 : f32
      %broadcast_in_dim3A_64 = vector.broadcast %jit3A_63 : f32 to vector<8x8xf32>
      %select_n3A = arith.select %eq3A_61, %div3A_62, %broadcast_in_dim3A_64 : vector<8x8xi1>, vector<8x8xf32>
      %reduce_sum3A_65 = arith.constant dense<0.000000e+00> : vector<8xf32>
      %reduce_sum3A_66 = vector.multi_reduction <add>, %select_n3A, %reduce_sum3A_65 [1] : vector<8x8xf32> to vector<8xf32>
      %broadcast_in_dim3A_67 = vector.shape_cast %reduce_sum3A_66 : vector<8xf32> to vector<8x1xf32>
      %iota3A_68 = tpu.iota {dimensions = array<i32: 0>} : vector<8x1xi32>
      %lt3A = arith.constant 2 : i32
      %lt3A_69 = vector.broadcast %lt3A : i32 to vector<8x1xi32>
      %lt3A_70 = arith.cmpi slt, %iota3A_68, %lt3A_69 : vector<8x1xi32>
      %sub3A = arith.constant 1.000000e+00 : f32
      %sub3A_71 = vector.broadcast %sub3A : f32 to vector<8x1xf32>
      %sub3A_72 = arith.subf %broadcast_in_dim3A_67, %sub3A_71 : vector<8x1xf32>
      %integer_pow3A = arith.mulf %sub3A_72, %sub3A_72 : vector<8x1xf32>
      %jit3A_73 = arith.constant 0.000000e+00 : f32
      %broadcast_in_dim3A_74 = vector.broadcast %jit3A_73 : f32 to vector<8x1xf32>
      %select_n3A_75 = arith.select %lt3A_70, %integer_pow3A, %broadcast_in_dim3A_74 : vector<8x1xi1>, vector<8x1xf32>
      %reduce_sum3A_76 = vector.shape_cast %select_n3A_75 : vector<8x1xf32> to vector<1x8x1xf32>
      %reduce_sum3A_77 = arith.constant dense<0.000000e+00> : vector<1xf32>
      %reduce_sum3A_78 = vector.multi_reduction <add>, %reduce_sum3A_76, %reduce_sum3A_77 [1, 2] : vector<1x8x1xf32> to vector<1xf32>
      %reduce_sum3A_79 = vector.shape_cast %reduce_sum3A_78 : vector<1xf32> to vector<1x1x1xf32>
      %reduce_sum3A_80 = vector.extract %reduce_sum3A_79[0, 0, 0] : f32 from vector<1x1x1xf32>
      %mul3A_81 = arith.constant 5.000000e-01 : f32
      %mul3A_82 = arith.mulf %reduce_sum3A_80, %mul3A_81 : f32
      %broadcast_in_dim3A_83 = vector.broadcast %mul3A_82 : f32 to vector<1x1xf32>
      %swap3A_84 = arith.constant 0 : index
      %swap3A_85 = arith.constant 0 : index
      %swap3A_86 = vector.load %arg7[%swap3A_84, %swap3A_85] : memref<1x1xf32, #tpu.memory_space<vmem>>, vector<1x1xf32>
      tpu.vector_store %arg7[%swap3A_84, %swap3A_85], %broadcast_in_dim3A_83 {strides = array<i32>} : memref<1x1xf32, #tpu.memory_space<vmem>>, vector<1x1xf32>,
    } else {
    }
    return
  }
  func.func @transform_0(%arg0: i32) -> (i32, i32) {
    %c0_i32 = arith.constant 0 : i32
    %c0_i32_0 = arith.constant 0 : i32
    return %arg0, %c0_i32 : i32, i32
  }
  func.func @transform_1(%arg0: i32) -> (i32, i32, i32) {
    %c0_i32 = arith.constant 0 : i32
    %c0_i32_0 = arith.constant 0 : i32
    %c0_i32_1 = arith.constant 0 : i32
    return %c0_i32, %arg0, %c0_i32_0 : i32, i32, i32
  }
  func.func @transform_2(%arg0: i32) -> (i32, i32) {
    %c0_i32 = arith.constant 0 : i32
    %c0_i32_0 = arith.constant 0 : i32
    %c0_i32_1 = arith.constant 0 : i32
    return %c0_i32, %c0_i32_0 : i32, i32
  }
  func.func @transform_3(%arg0: i32) -> (i32, i32) {
    %c0_i32 = arith.constant 0 : i32
    %c0_i32_0 = arith.constant 0 : i32
    %c0_i32_1 = arith.constant 0 : i32
    return %c0_i32, %c0_i32_0 : i32, i32
  }
  func.func @transform_4(%arg0: i32) -> (i32, i32) {
    %c0_i32 = arith.constant 0 : i32
    %c0_i32_0 = arith.constant 0 : i32
    %c0_i32_1 = arith.constant 0 : i32
    return %c0_i32, %c0_i32_0 : i32, i32
  }
  func.func @transform_5(%arg0: i32) -> (i32, i32) {
    %c0_i32 = arith.constant 0 : i32
    %c0_i32_0 = arith.constant 0 : i32
    %c0_i32_1 = arith.constant 0 : i32
    return %c0_i32, %c0_i32_0 : i32, i32
  }
  func.func @transform_6(%arg0: i32) -> (i32, i32) {
    %c0_i32 = arith.constant 0 : i32
    %c0_i32_0 = arith.constant 0 : i32
    %c0_i32_1 = arith.constant 0 : i32
    return %c0_i32, %c0_i32_0 : i32, i32
  }
}

</mosaic_0001>

<sc_bundles>
// kernel: kernel.10.cloned.1.call-start
scs
__scs_entry_jumppad:
0x0: {  	(pc) =	sbr.rel $0x88, $3  }
0x1: {  	(tag) =	ssettag $0x0;
	lr =	simm.s32 $0x1  }
0x2: {  	[smem:$0x3F97] =	sst lr;
	_ =	strace $0xD0000000  }
0x3: {  	_ = 	snop  }
0x4: {  	_ = 	snop  }
0x5: {  	_ = 	snop  }
0x6: {  	_ = 	snop  }
0x7: {  	_ = 	snop  }
__scs_overlays_trampoline_lowered:
0x8: {  	[smem:$0x3FA6] =	sst s0  }
0x9: {  	[smem:$0x3FA7] =	sst s1  }
0xa: {  	[smem:$0x3FA8] =	sst s2  }
0xb: {  	[smem:$0x3FA9] =	sst s3  }
0xc: {  	[smem:$0x3FAA] =	sst s4  }
0xd: {  	[smem:$0x3FAB] =	sst s5  }
0xe: {  	[smem:$0x3FAC] =	sst s6  }
0xf: {  	[smem:$0x3FAD] =	sst s7  }
0x10: {  	[smem:$0x3FAE] =	sst s8  }
0x11: {  	[smem:$0x3FAF] =	sst s9;
	s0 =	simm.s32 @!p0 $0x0  }
0x12: {  	s1 =	sld [smem:$0x3F95];
	s0 =	simm.s32 @p0 $0x1  }
0x13: {  	[smem:$0x3FB0] =	sst s0;
	s0 =	simm.s32 @!p1 $0x0  }
0x14: {  	s2 =	sld [smem:$0x3F94];
	s0 =	simm.s32 @p1 $0x1  }
0x15: {  	[smem:$0x3FB1] =	sst s0;
	s0 =	simm.s32 @!p2 $0x0  }
0x16: {  	s3 =	sld [smem:$0x3FDB];
	s0 =	simm.s32 @p2 $0x1  }
0x17: {  	s4 =	simm.s32 $0x1BF5;
	[smem:$0x3FB3] =	sst s0  }
0x18: {  	s0 =	sld [smem:$0x3F96];
	_ =	swait.ge [sflag:s4], $0x0  }
0x19: {  	s7 =	sld [smem:$0x3F97]  }
0x1a: {  	s8 =	sadd.s32 $0xFFFFE003, lr  }
0x1b: {  	s9 =	sadd.s32 $0xFFFFFEF7, lr;
	s5 =	simm.s32 $0xFFFFFFFF;
	p2 =	slt.u32 s8, $0xFFFFF086  }
0x1c: {  	p1 =	slt.u32 s9, $0xF7A;
	s5 =	simm.s32 @!p2 $0x0  }
0x1d: {  	s5 =	simm.s32 @p1 $0x1;
	p0 =	seq.s32 s7, s2  }
0x1e: {  	s7 =	smul.u32 @!p0 $0xF7A, s2;
	p2 =	seq.s32 @!p0 s5, $0x0  }
0x1f: {  	s9 =	smul.u32 $0xF7A, s1;
	s8 =	simm.s32 @!p0 $0x1BF5;
	p2 =	por !p2, p0  }
0x20: {  	[sflag:s8] =	ssyncset.s32 @!p0 $0xFFFFF086;
	s6 =	sadd.s32 @!p0 s3, s7;
	s7 =	simm.s32 @!p0 $0x108  }
0x21: {  	s3 =	sadd.s32 s3, s9;
	s6 =	sadd.s32 @!p0 $0x88, s6;
	s7 =	simm.s32 @p2 $0x1082  }
0x22: {  	[simem:s7], [sflag:s8] =	dma.local @!p0 [hbm:s6], $0xF7A  }
0x23: {  	s9 =	sor.u32 $0xD0000000, s2;
	s6 =	simm.s32 $0x108;
	_ =	swait.ge @!p0 [sflag:s8], $0x0  }
0x24: {  	s3 =	sadd.s32 $0x88, s3;
	s6 =	simm.s32 @!p1 $0x1082;
	[sflag:s4] =	ssyncset.s32 $0xFFFFF086  }
0x25: {  	[simem:s6], [sflag:s4] =	dma.local [hbm:s3], $0xF7A  }
0x26: {  	[smem:$0x3F97] =	sst s1;
	(tag) =	ssettag s2;
	_ =	strace s9  }
0x27: {  	s1 =	sld [smem:$0x3FA7]  }
0x28: {  	s2 =	sld [smem:$0x3FA8]  }
0x29: {  	s4 =	sld [smem:$0x3FAA]  }
0x2a: {  	p0 =	seq.s32 s5, $0x0;
	s5 =	sld [smem:$0x3FAB]  }
0x2b: {  	s6 =	sld [smem:$0x3FAC]  }
0x2c: {  	s7 =	sld [smem:$0x3FAD]  }
0x2d: {  	s3 =	simm.s32 $0x108;
	s8 =	sld [smem:$0x3FAE]  }
0x2e: {  	s3 =	simm.s32 @!p0 $0x1082;
	s9 =	sld [smem:$0x3FAF]  }
0x2f: {  	lr =	sadd.s32 s0, s3;
	s0 =	sld [smem:$0x3FA6]  }
0x30: {  	s3 =	sld [smem:$0x3FA9]  }
0x31: {  	[smem:$0x3FB2] =	sst s10  }
0x32: {  	s10 =	sld [smem:$0x3FB0];
	_ =	sdelay $0x3  }
0x33: {  	p0 =	seq.s32 s10, $0x1;
	s10 =	sld [smem:$0x3FB2];
	_ =	sdelay $0x3  }
0x34: {  	[smem:$0x3FB2] =	sst s10  }
0x35: {  	s10 =	sld [smem:$0x3FB1];
	_ =	sdelay $0x3  }
0x36: {  	p1 =	seq.s32 s10, $0x1;
	s10 =	sld [smem:$0x3FB2];
	_ =	sdelay $0x3  }
0x37: {  	[smem:$0x3FB2] =	sst s10  }
0x38: {  	s10 =	sld [smem:$0x3FB3]  }
0x39: {  	_ = 	snop;
	(pc) =	sbr.ind lr, $3  }
0x3a: {  	_ = 	snop  }
0x3b: {  	_ = 	snop  }
0x3c: {  	p2 =	seq.s32 s10, $0x1;
	s10 =	sld [smem:$0x3FB2]  }
0x3d: {  	_ =	shalt  }
0x3e: {  	_ =	shalt  }
0x3f: {  	_ =	shalt  }
0x40: {  	_ =	shalt  }
0x41: {  	_ =	shalt  }
0x42: {  	_ =	shalt  }
0x43: {  	_ =	shalt  }
0x44: {  	_ =	shalt  }
0x45: {  	_ =	shalt  }
0x46: {  	_ =	shalt  }
0x47: {  	_ =	shalt  }
0x48: {  	_ =	shalt  }
0x49: {  	_ =	shalt  }
0x4a: {  	_ =	shalt  }
0x4b: {  	_ =	shalt  }
0x4c: {  	_ =	shalt  }
0x4d: {  	_ =	shalt  }
0x4e: {  	_ =	shalt  }
0x4f: {  	_ =	shalt  }
0x50: {  	_ =	shalt  }
0x51: {  	_ =	shalt  }
0x52: {  	_ =	shalt  }
0x53: {  	_ =	shalt  }
0x54: {  	_ =	shalt  }
0x55: {  	_ =	shalt  }
0x56: {  	_ =	shalt  }
0x57: {  	_ =	shalt  }
0x58: {  	_ =	shalt  }
0x59: {  	_ =	shalt  }
0x5a: {  	_ =	shalt  }
0x5b: {  	_ =	shalt  }
0x5c: {  	_ =	shalt  }
0x5d: {  	_ =	shalt  }
0x5e: {  	_ =	shalt  }
0x5f: {  	_ =	shalt  }
0x60: {  	_ =	shalt  }
0x61: {  	_ =	shalt  }
0x62: {  	_ =	shalt  }
0x63: {  	_ =	shalt  }
0x64: {  	_ =	shalt  }
0x65: {  	_ =	shalt  }
0x66: {  	_ =	shalt  }
0x67: {  	_ =	shalt  }
0x68: {  	_ =	shalt  }
0x69: {  	_ =	shalt  }
0x6a: {  	_ =	shalt  }
0x6b: {  	_ =	shalt  }
0x6c: {  	_ =	shalt  }
0x6d: {  	_ =	shalt  }
0x6e: {  	_ =	shalt  }
0x6f: {  	_ =	shalt  }
0x70: {  	_ =	shalt  }
0x71: {  	_ =	shalt  }
0x72: {  	_ =	shalt  }
0x73: {  	_ =	shalt  }
0x74: {  	_ =	shalt  }
0x75: {  	_ =	shalt  }
0x76: {  	_ =	shalt  }
0x77: {  	_ =	shalt  }
0x78: {  	_ =	shalt  }
0x79: {  	_ =	shalt  }
0x7a: {  	_ =	shalt  }
0x7b: {  	_ =	shalt  }
0x7c: {  	_ =	shalt  }
0x7d: {  	_ =	shalt  }
0x7e: {  	_ =	shalt  }
0x7f: {  	_ =	shalt  }
0x80: {  	_ =	shalt  }
0x81: {  	_ =	shalt  }
0x82: {  	_ =	shalt  }
0x83: {  	_ =	shalt  }
0x84: {  	_ =	shalt  }
0x85: {  	_ =	shalt  }
0x86: {  	_ =	shalt  }
0x87: {  	_ =	shalt  }
.Lfunc_end0:
.L_simem_size_0:
called_computation_lowered:
.L_overlay_start_0:
0x88: {  	s2 =	sld [smem:$0x3FD9]  }
0x89: {  	s3 =	sld [smem:$0x3FFE];
	_ =	sdelay $0x1  }
0x8a: {  	s1 =	srdreg.scid  }
0x8b: {  	s0 =	sand.u32 $0x1, s1  }
0x8c: {  	s16 =	sshll.u32 s0, $0xA;
	s2 =	sadd.s32 s3, s2  }
0x8d: {  	s2 =	sadd.s32 s2, s16  }
0x8e: {  	[smem:$0x3FBE] =	sst s2  }
0x8f: {  	_ = 	snop  }
0x90: {  	(tm) =	ssettm $0x1  }
0x91: {  	s17 =	sld [smem:$0x3FFB];
	_ =	sdelay $0x3  }
0x92: {  	_ =	strace s17  }
0x93: {  	s2 =	sld [smem:$0x3FFC];
	_ =	sdelay $0x3  }
0x94: {  	_ =	strace s2  }
0x95: {  	s2 =	sld [smem:$0x3FFD];
	_ =	sdelay $0x3  }
0x96: {  	_ =	strace s2  }
0x97: {  	_ =	strace $0x8FFFFFFF  }
0x98: {  	s18 =	sld [smem:$0x3FDB];
	_ =	sdelay $0x1  }
0x99: {  	s19 =	simm.s32 $_scs_section_size  }
0x9a: {  	s4 =	simm.s32 $_size__tile_overlayer_lowered;
	s5 =	simm.s32 $_tile_overlayer_lowered  }
0x9b: {  	s22 =	simm.s32 $0x1BFF;
	s21 =	sshll.u32 s5, $0x1;
	s2 =	sadd.s32 s19, s18  }
0x9c: {  	s6 =	simm.s32 $0x0;
	s20 =	sshll.u32 s4, $0x1;
	s4 =	sadd.s32 s21, s2  }
0x9d: {  	[timem:s6], [sflag:s22] =	dma.local [hbm:s4], s20  }
0x9e: {  	_ =	swait.ge [sflag:s22], s20  }
0x9f: {  	s3 =	ssub.s32 $0x0, s20;
	[sflag:s22] =	ssyncset.done $0x0  }
0xa0: {  	[sflag:s22] =	ssyncadd.s32 s3;
	_ =	sdelay $0x1  }
0xa1: {  	s23 =	simm.s32 $0x1B8B  }
0xa2: {  	_ =	swait.ge [sflag:s23], $0x1  }
0xa3: {  	[sflag:s23] =	ssyncset.done $0x0  }
0xa4: {  	s25 =	simm.s32 $0x1B8E;
	s24 =	sld [smem:$0x3FFE];
	[sflag:s23] =	ssyncadd.s32 $0xFFFFFFFF  }
0xa5: {  	s26 =	simm.s32 $execute0_lowered;
	[smem:$0x3FD2] =	sst s25  }
0xa6: {  	s4 =	sshll.u32 s26, $0x1;
	_ =	strace $0x80000046;
	[dreg:$0x1] =	wrdreg $0xFFFFFFFF  }
0xa7: {  	s28 =	simm.s32 $_size_execute0_lowered;
	s2 =	sadd.s32 s2, s4;
	[dreg:$0x0] =	wrdreg $0x0  }
0xa8: {  	s4 =	sshll.u32 s28, $0x1;
	[dreg:$0x2] =	wrdreg s2  }
0xa9: {  	[dreg:$0x3] =	wrdreg s4  }
0xaa: {  	[dreg:$0x4] =	wrdreg $0xC0  }
0xab: {  	_ =	task [dreg:s6], $0x5FFFF  }
0xac: {  	[dreg:$0x1] =	wrdreg $0xFFFFFFFF  }
0xad: {  	[dreg:$0x0] =	wrdreg $0x60  }
0xae: {  	[dreg:$0x2] =	wrdreg s24  }
0xaf: {  	[dreg:$0x3] =	wrdreg $0x54600  }
0xb0: {  	[dreg:$0x4] =	wrdreg $0x9  }
0xb1: {  	_ =	task.clear_ibuf [dreg:s6], $0x5FFFF;
	_ =	strace $0x90000046  }
0xb2: {  	s29 =	simm.s32 $0x9;
	_ =	strace $0x80000048  }
0xb3: {  	_ =	swait.ge [sflag:s29], $0x1  }
0xb4: {  	[sflag:s29] =	ssyncadd.s32 $0xFFFFFFFF  }
0xb5: {  	_ =	strace $0x90000048  }
0xb6: {  	_ =	sfence  }
0xb7: {  	s30 =	sld [smem:$0x0];
	_ =	sdelay $0x2  }
0xb8: {  	s31 =	sshll.u32 s1, $0xD;
	s1 =	sshrl.u32 s1, $0x2  }
0xb9: {  	s3 =	sand.u32 $0x4000, s31;
	s1 =	sadd.s32 s1, s30  }
0xba: {  	s0 =	sor.u32 s3, s0;
	s1 =	sshll.u32 s1, $0x11  }
0xbb: {  	s0 =	sor.u32 s1, s0  }
0xbc: {  	s0 =	sadd.s32 $0x8F2B, s0  }
0xbd: {  	[sflag:s0] =	ssyncadd.remote.s32 $0x1  }
0xbe: {  	_ =	sfence.sel $0xFFFF  }
0xbf: {  	[dreg:$0x0] =	wrdreg $0xFFFFFFFF;
	(pc) =	sbr.abs _section_cstart, $3  }
0xc0: {  	[dreg:$0x1] =	wrdreg $0xFFFFFFFF  }
0xc1: {  	_ =	task.clear_ibuf [dreg:s6], $0x2FFFF;
	_ =	strace $0x9FFFFFFF  }
0xc2: {  	(tm) =	ssettm $0x7FFFFFFF  }
0xc3: {  	_ =	shalt  }
tec
execute0_lowered:
.L_overlay_start_1:
0x0: {  	(tag) =	ssettag $0x1  }
0x1: {  	s0 =	srdreg.scid;
	s6 =	rddreg [dreg:$0x0]  }
0x2: {  	s2 =	rddreg [dreg:$0x1];
	s1 =	stileid.u32;
	s3 =	simm.s32 $0x0  }
0x3: {  	s12 =	simm.s32 $0x5140;
	s7 =	sand.u32 $0x1, s0;
	s0 =	rddreg [dreg:$0x2]  }
0x4: {  	s15 =	simm.s32 $0x1;
	s16 =	simm.s32 $0x2;
	[smem:$0x7FF] =	sst s3  }
0x5: {  	s10 =	smul.u32 $0x1388, s1;
	s13 =	sshll.u32 s1, $0x6;
	s4 =	sshll.u32 s7, $0x4  }
0x6: {  	_ =	strace $0x80000047;
	s8 =	smul.u32 $0x2710, s7;
	s7 =	ssub.s32 $0x2, s7  }
0x7: {  	s13 =	sor.u32 $0x1C03, s13;
	s4 =	sor.u32 s1, s4;
	s31 =	sshrl.u32 s7, $0x1  }
0x8: {  	s14 =	sadd.s32 s10, s2;
	s18 =	sshrl.u32 s10, $0x3;
	s10 =	simm.s32 $0x28A0  }
0x9: {  	s5 =	smul.u32 $0x514, s4;
	s4 =	sadd.s32 $0x18A00, s6;
	s8 =	sadd.s32 s8, s6  }
0xa: {  	s11 =	ssub.s32 s7, s31;
	s14 =	sshrl.u32 s14, $0x3;
	s17 =	sadd.s32 $0x1B200, s8  }
0xb: {  	s8 =	smax.u32 s11, $0x1;
	s11 =	simm.s32 $0x64;
	s9 =	sadd.s32 s5, s6  }
0xc: {  	s5 =	sadd.s32 $0x18600, s6;
	s17 =	sadd.s32 s18, s17;
	s18 =	simm.s32 $0x0  }
0xd: {  	s6 =	sadd.s32 $0xE200, s9;
	s7 =	sadd.s32 $0x3E00, s9;
	s9 =	simm.s32 $0x3  }
.LBB2_1:
0xe: {  	[tilespmem:s3], [sflag:$0x3] =	stream.linear.gather [hbm4b:s6+s3], $0x28A0, $0x38;
	[tilespmem:$0x67E8] =	vst v63  }
0xf: {  	_ =	swait.ge [sflag:s9], $0x28A0  }
0x10: {  	[sflag:s9] =	ssyncset.done $0x0  }
0x11: {  	[sflag:s9] =	ssyncadd.s32 $0xFFFFD760  }
0x12: {  	[tilespmem:s10], [sflag:$0x3] =	stream.linear.gather [hbm4b:s7+s3], $0x28A0, $0x38;
	[tilespmem:$0x67E8] =	vst v63  }
0x13: {  	_ =	swait.ge [sflag:s9], $0x28A0  }
0x14: {  	[sflag:s9] =	ssyncset.done $0x0  }
0x15: {  	[sflag:s9] =	ssyncadd.s32 $0xFFFFD760  }
0x16: {  	[tilespmem:s12], [sflag:$0x1] =	stream.indirect.gather [hbm4b:s4+s11], $0x8, s3, s11, $0xb8;
	[tilespmem:$0x67E8] =	vst v63  }
0x17: {  	[spmem:s14], [sflag:s13] =	dma.local [hbm:s5], $0x271  }
0x18: {  	_ =	swait.ge [sflag:s9], $0x271  }
0x19: {  	[sflag:s9] =	ssyncset.done $0x0  }
0x1a: {  	[sflag:s9] =	ssyncadd.s32 $0xFFFFFD8F  }
0x1b: {  	[bflag:$0x0] =	sbarrier.arrive $0xFFFF  }
0x1c: {  	_ =	swait.ge [sflag:s15], $0x320  }
0x1d: {  	[sflag:s15] =	ssyncset.done $0x0  }
0x1e: {  	s19 =	simm.s32 $0x28A0;
	[sflag:s15] =	ssyncadd.s32 $0xFFFFFCE0  }
0x1f: {  	[spmem:s2] =	stream.indirect.scatter.add.f32 [tilespmem:s12], [sflag:$0x2], $0x8, s19, s11, $0xb8;
	[tilespmem:$0x67E8] =	vst v63  }
0x20: {  	s22 =	simm.s32 $0x2908  }
0x21: {  	[spmem:s2] =	stream.indirect.scatter.add.f32 [tilespmem:s12], [sflag:$0x2], $0x8, s22, s11, $0xb8;
	[tilespmem:$0x67E8] =	vst v63  }
0x22: {  	s23 =	simm.s32 $0x2970  }
0x23: {  	[spmem:s2] =	stream.indirect.scatter.add.f32 [tilespmem:s12], [sflag:$0x2], $0x8, s23, s11, $0xb8;
	[tilespmem:$0x67E8] =	vst v63  }
0x24: {  	s24 =	simm.s32 $0x29D8  }
0x25: {  	[spmem:s2] =	stream.indirect.scatter.add.f32 [tilespmem:s12], [sflag:$0x2], $0x8, s24, s11, $0xb8;
	[tilespmem:$0x67E8] =	vst v63  }
0x26: {  	s25 =	simm.s32 $0x2A40  }
0x27: {  	[spmem:s2] =	stream.indirect.scatter.add.f32 [tilespmem:s12], [sflag:$0x2], $0x8, s25, s11, $0xb8;
	[tilespmem:$0x67E8] =	vst v63  }
0x28: {  	s26 =	simm.s32 $0x2AA8  }
0x29: {  	[spmem:s2] =	stream.indirect.scatter.add.f32 [tilespmem:s12], [sflag:$0x2], $0x8, s26, s11, $0xb8;
	[tilespmem:$0x67E8] =	vst v63  }
0x2a: {  	s28 =	simm.s32 $0x2B10  }
0x2b: {  	[spmem:s2] =	stream.indirect.scatter.add.f32 [tilespmem:s12], [sflag:$0x2], $0x8, s28, s11, $0xb8;
	[tilespmem:$0x67E8] =	vst v63  }
0x2c: {  	s29 =	simm.s32 $0x2B78  }
0x2d: {  	[spmem:s2] =	stream.indirect.scatter.add.f32 [tilespmem:s12], [sflag:$0x2], $0x8, s29, s11, $0xb8;
	[tilespmem:$0x67E8] =	vst v63  }
0x2e: {  	s30 =	simm.s32 $0x2BE0  }
0x2f: {  	[spmem:s2] =	stream.indirect.scatter.add.f32 [tilespmem:s12], [sflag:$0x2], $0x8, s30, s11, $0xb8;
	[tilespmem:$0x67E8] =	vst v63  }
0x30: {  	s31 =	simm.s32 $0x2C48  }
0x31: {  	[spmem:s2] =	stream.indirect.scatter.add.f32 [tilespmem:s12], [sflag:$0x2], $0x8, s31, s11, $0xb8;
	[tilespmem:$0x67E8] =	vst v63  }
0x32: {  	_ =	swait.ge [sflag:s16], $0x320  }
0x33: {  	[sflag:s16] =	ssyncset.done $0x0  }
0x34: {  	[sflag:s16] =	ssyncadd.s32 $0xFFFFFCE0  }
0x35: {  	_ =	swait.ge [sflag:s16], $0x320  }
0x36: {  	[sflag:s16] =	ssyncset.done $0x0  }
0x37: {  	[sflag:s16] =	ssyncadd.s32 $0xFFFFFCE0  }
0x38: {  	_ =	swait.ge [sflag:s16], $0x320  }
0x39: {  	[sflag:s16] =	ssyncset.done $0x0  }
0x3a: {  	[sflag:s16] =	ssyncadd.s32 $0xFFFFFCE0  }
0x3b: {  	_ =	swait.ge [sflag:s16], $0x320  }
0x3c: {  	[sflag:s16] =	ssyncset.done $0x0  }
0x3d: {  	[sflag:s16] =	ssyncadd.s32 $0xFFFFFCE0  }
0x3e: {  	_ =	swait.ge [sflag:s16], $0x320  }
0x3f: {  	[sflag:s16] =	ssyncset.done $0x0  }
0x40: {  	[sflag:s16] =	ssyncadd.s32 $0xFFFFFCE0  }
0x41: {  	_ =	swait.ge [sflag:s16], $0x320  }
0x42: {  	[sflag:s16] =	ssyncset.done $0x0  }
0x43: {  	[sflag:s16] =	ssyncadd.s32 $0xFFFFFCE0  }
0x44: {  	_ =	swait.ge [sflag:s16], $0x320  }
0x45: {  	[sflag:s16] =	ssyncset.done $0x0  }
0x46: {  	[sflag:s16] =	ssyncadd.s32 $0xFFFFFCE0  }
0x47: {  	_ =	swait.ge [sflag:s16], $0x320  }
0x48: {  	[sflag:s16] =	ssyncset.done $0x0  }
0x49: {  	[sflag:s16] =	ssyncadd.s32 $0xFFFFFCE0  }
0x4a: {  	_ =	swait.ge [sflag:s16], $0x320  }
0x4b: {  	[sflag:s16] =	ssyncset.done $0x0  }
0x4c: {  	[sflag:s16] =	ssyncadd.s32 $0xFFFFFCE0  }
0x4d: {  	_ =	swait.ge [sflag:s16], $0x320  }
0x4e: {  	s21 =	simm.s32 $0x410;
	s22 =	simm.s32 $0x2080;
	[sflag:s16] =	ssyncset.done $0x0  }
.LBB2_2:
0x4f: {  	s23 =	sadd.s32 $0x28A0, s21  }
0x50: {  	[sflag:s16] =	ssyncadd.s32 $0xFFFFFCE0;
	s20 =	smov.u32 s22;
	s19 =	sadd.s32 $0x1040, s22  }
0x51: {  	[spmem:s2] =	stream.indirect.scatter.add.f32 [tilespmem:s12], [sflag:$0x2], $0x8, s23, s11, $0xb8;
	[tilespmem:$0x67E8] =	vst v63  }
0x52: {  	p0 =	sne.s32 s22, $0x9240;
	s22 =	sadd.s32 $0x2908, s21  }
0x53: {  	[spmem:s2] =	stream.indirect.scatter.add.f32 [tilespmem:s12], [sflag:$0x2], $0x8, s22, s11, $0xb8;
	[tilespmem:$0x67E8] =	vst v63  }
0x54: {  	s22 =	sadd.s32 $0x2970, s21  }
0x55: {  	[spmem:s2] =	stream.indirect.scatter.add.f32 [tilespmem:s12], [sflag:$0x2], $0x8, s22, s11, $0xb8;
	[tilespmem:$0x67E8] =	vst v63  }
0x56: {  	s22 =	sadd.s32 $0x29D8, s21  }
0x57: {  	[spmem:s2] =	stream.indirect.scatter.add.f32 [tilespmem:s12], [sflag:$0x2], $0x8, s22, s11, $0xb8;
	[tilespmem:$0x67E8] =	vst v63  }
0x58: {  	s22 =	sadd.s32 $0x2A40, s21  }
0x59: {  	[spmem:s2] =	stream.indirect.scatter.add.f32 [tilespmem:s12], [sflag:$0x2], $0x8, s22, s11, $0xb8;
	[tilespmem:$0x67E8] =	vst v63  }
0x5a: {  	s22 =	sadd.s32 $0x2AA8, s21  }
0x5b: {  	[spmem:s2] =	stream.indirect.scatter.add.f32 [tilespmem:s12], [sflag:$0x2], $0x8, s22, s11, $0xb8;
	[tilespmem:$0x67E8] =	vst v63  }
0x5c: {  	s22 =	sadd.s32 $0x2B10, s21  }
0x5d: {  	[spmem:s2] =	stream.indirect.scatter.add.f32 [tilespmem:s12], [sflag:$0x2], $0x8, s22, s11, $0xb8;
	[tilespmem:$0x67E8] =	vst v63  }
0x5e: {  	s22 =	sadd.s32 $0x2B78, s21  }
0x5f: {  	[spmem:s2] =	stream.indirect.scatter.add.f32 [tilespmem:s12], [sflag:$0x2], $0x8, s22, s11, $0xb8;
	[tilespmem:$0x67E8] =	vst v63  }
0x60: {  	s22 =	sadd.s32 $0x2BE0, s21  }
0x61: {  	[spmem:s2] =	stream.indirect.scatter.add.f32 [tilespmem:s12], [sflag:$0x2], $0x8, s22, s11, $0xb8;
	[tilespmem:$0x67E8] =	vst v63  }
0x62: {  	s21 =	sadd.s32 $0x2C48, s21  }
0x63: {  	[spmem:s2] =	stream.indirect.scatter.add.f32 [tilespmem:s12], [sflag:$0x2], $0x8, s21, s11, $0xb8;
	[tilespmem:$0x67E8] =	vst v63  }
0x64: {  	_ =	swait.ge [sflag:s16], $0x320  }
0x65: {  	[sflag:s16] =	ssyncset.done $0x0  }
0x66: {  	[sflag:s16] =	ssyncadd.s32 $0xFFFFFCE0  }
0x67: {  	_ =	swait.ge [sflag:s16], $0x320  }
0x68: {  	[sflag:s16] =	ssyncset.done $0x0  }
0x69: {  	[sflag:s16] =	ssyncadd.s32 $0xFFFFFCE0  }
0x6a: {  	_ =	swait.ge [sflag:s16], $0x320  }
0x6b: {  	[sflag:s16] =	ssyncset.done $0x0  }
0x6c: {  	[sflag:s16] =	ssyncadd.s32 $0xFFFFFCE0  }
0x6d: {  	_ =	swait.ge [sflag:s16], $0x320  }
0x6e: {  	[sflag:s16] =	ssyncset.done $0x0  }
0x6f: {  	[sflag:s16] =	ssyncadd.s32 $0xFFFFFCE0  }
0x70: {  	_ =	swait.ge [sflag:s16], $0x320  }
0x71: {  	[sflag:s16] =	ssyncset.done $0x0  }
0x72: {  	[sflag:s16] =	ssyncadd.s32 $0xFFFFFCE0  }
0x73: {  	_ =	swait.ge [sflag:s16], $0x320  }
0x74: {  	[sflag:s16] =	ssyncset.done $0x0  }
0x75: {  	[sflag:s16] =	ssyncadd.s32 $0xFFFFFCE0  }
0x76: {  	_ =	swait.ge [sflag:s16], $0x320  }
0x77: {  	[sflag:s16] =	ssyncset.done $0x0  }
0x78: {  	[sflag:s16] =	ssyncadd.s32 $0xFFFFFCE0  }
0x79: {  	_ =	swait.ge [sflag:s16], $0x320  }
0x7a: {  	[sflag:s16] =	ssyncset.done $0x0  }
0x7b: {  	[sflag:s16] =	ssyncadd.s32 $0xFFFFFCE0  }
.Ltmp0:
0x7c: {  	_ =	swait.ge [sflag:s16], $0x320;
	(pc) =	sbr.rel @p0 .LBB2_2-.Ltmp0, $4  }
0x7d: {  	[sflag:s16] =	ssyncset.done $0x0  }
0x7e: {  	[sflag:s16] =	ssyncadd.s32 $0xFFFFFCE0  }
0x7f: {  	_ =	swait.ge [sflag:s16], $0x320  }
0x80: {  	s22 =	smov.u32 s19;
	s21 =	sshra.s32 s20, $0x2;
	[sflag:s16] =	ssyncset.done $0x0  }
0x81: {  	s19 =	sadd.s32 $0x28A0, s21;
	[sflag:s16] =	ssyncadd.s32 $0xFFFFFCE0  }
0x82: {  	[spmem:s2] =	stream.indirect.scatter.add.f32 [tilespmem:s12], [sflag:$0x2], $0x8, s19, s11, $0xb8;
	[tilespmem:$0x67E8] =	vst v63  }
0x83: {  	s22 =	sadd.s32 $0x2908, s21  }
0x84: {  	[spmem:s2] =	stream.indirect.scatter.add.f32 [tilespmem:s12], [sflag:$0x2], $0x8, s22, s11, $0xb8;
	[tilespmem:$0x67E8] =	vst v63  }
0x85: {  	s23 =	sadd.s32 $0x2970, s21  }
0x86: {  	[spmem:s2] =	stream.indirect.scatter.add.f32 [tilespmem:s12], [sflag:$0x2], $0x8, s23, s11, $0xb8;
	[tilespmem:$0x67E8] =	vst v63  }
0x87: {  	s24 =	sadd.s32 $0x29D8, s21  }
0x88: {  	[spmem:s2] =	stream.indirect.scatter.add.f32 [tilespmem:s12], [sflag:$0x2], $0x8, s24, s11, $0xb8;
	[tilespmem:$0x67E8] =	vst v63  }
0x89: {  	s25 =	sadd.s32 $0x2A40, s21  }
0x8a: {  	[spmem:s2] =	stream.indirect.scatter.add.f32 [tilespmem:s12], [sflag:$0x2], $0x8, s25, s11, $0xb8;
	[tilespmem:$0x67E8] =	vst v63  }
0x8b: {  	s26 =	sadd.s32 $0x2AA8, s21  }
0x8c: {  	[spmem:s2] =	stream.indirect.scatter.add.f32 [tilespmem:s12], [sflag:$0x2], $0x8, s26, s11, $0xb8;
	[tilespmem:$0x67E8] =	vst v63  }
0x8d: {  	s28 =	sadd.s32 $0x2B10, s21  }
0x8e: {  	[spmem:s2] =	stream.indirect.scatter.add.f32 [tilespmem:s12], [sflag:$0x2], $0x8, s28, s11, $0xb8;
	[tilespmem:$0x67E8] =	vst v63  }
0x8f: {  	s29 =	sadd.s32 $0x2B78, s21  }
0x90: {  	[spmem:s2] =	stream.indirect.scatter.add.f32 [tilespmem:s12], [sflag:$0x2], $0x8, s29, s11, $0xb8;
	[tilespmem:$0x67E8] =	vst v63  }
0x91: {  	s30 =	sadd.s32 $0x2BE0, s21  }
0x92: {  	[spmem:s2] =	stream.indirect.scatter.add.f32 [tilespmem:s12], [sflag:$0x2], $0x8, s30, s11, $0xb8;
	[tilespmem:$0x67E8] =	vst v63  }
0x93: {  	s31 =	sadd.s32 $0x2C48, s21  }
0x94: {  	[spmem:s2] =	stream.indirect.scatter.add.f32 [tilespmem:s12], [sflag:$0x2], $0x8, s31, s11, $0xb8;
	[tilespmem:$0x67E8] =	vst v63  }
0x95: {  	_ =	swait.ge [sflag:s16], $0x320  }
0x96: {  	[sflag:s16] =	ssyncset.done $0x0  }
0x97: {  	[sflag:s16] =	ssyncadd.s32 $0xFFFFFCE0  }
0x98: {  	_ =	swait.ge [sflag:s16], $0x320  }
0x99: {  	[sflag:s16] =	ssyncset.done $0x0  }
0x9a: {  	[sflag:s16] =	ssyncadd.s32 $0xFFFFFCE0  }
0x9b: {  	_ =	swait.ge [sflag:s16], $0x320  }
0x9c: {  	[sflag:s16] =	ssyncset.done $0x0  }
0x9d: {  	[sflag:s16] =	ssyncadd.s32 $0xFFFFFCE0  }
0x9e: {  	_ =	swait.ge [sflag:s16], $0x320  }
0x9f: {  	[sflag:s16] =	ssyncset.done $0x0  }
0xa0: {  	[sflag:s16] =	ssyncadd.s32 $0xFFFFFCE0  }
0xa1: {  	_ =	swait.ge [sflag:s16], $0x320  }
0xa2: {  	[sflag:s16] =	ssyncset.done $0x0  }
0xa3: {  	[sflag:s16] =	ssyncadd.s32 $0xFFFFFCE0  }
0xa4: {  	_ =	swait.ge [sflag:s16], $0x320  }
0xa5: {  	[sflag:s16] =	ssyncset.done $0x0  }
0xa6: {  	[sflag:s16] =	ssyncadd.s32 $0xFFFFFCE0  }
0xa7: {  	_ =	swait.ge [sflag:s16], $0x320  }
0xa8: {  	[sflag:s16] =	ssyncset.done $0x0  }
0xa9: {  	[sflag:s16] =	ssyncadd.s32 $0xFFFFFCE0  }
0xaa: {  	_ =	swait.ge [sflag:s16], $0x320  }
0xab: {  	[sflag:s16] =	ssyncset.done $0x0  }
0xac: {  	[sflag:s16] =	ssyncadd.s32 $0xFFFFFCE0  }
0xad: {  	_ =	swait.ge [sflag:s16], $0x320  }
0xae: {  	[sflag:s16] =	ssyncset.done $0x0  }
0xaf: {  	[sflag:s16] =	ssyncadd.s32 $0xFFFFFCE0  }
0xb0: {  	_ =	swait.ge [sflag:s16], $0x320  }
0xb1: {  	s18 =	sadd.s32 $0x1, s18;
	[sflag:s16] =	ssyncset.done $0x0  }
0xb2: {  	p0 =	sne.s32 s18, s8;
	[sflag:s16] =	ssyncadd.s32 $0xFFFFFCE0  }
.Ltmp1:
0xb3: {  	[bflag:$0x0] =	sbarrier.arrive $0xFFFF;
	(pc) =	sbr.rel @p0 .LBB2_1-.Ltmp1, $4  }
0xb4: {  	[hbm:s17], [sflag:s13] =	dma.local [spmem:s14], $0x271  }
0xb5: {  	_ =	swait.ge [sflag:s9], $0x271  }
0xb6: {  	[sflag:s9] =	ssyncset.done $0x0  }
0xb7: {  	[sflag:s9] =	ssyncadd.s32 $0xFFFFFD8F  }
0xb8: {  	_ =	sfence.sel $0x180000  }
0xb9: {  	[bflag:$0x0] =	sbarrier.arrive $0xFFFF  }
0xba: {  	p0 =	sne.s32 s1, $0x0;
	_ =	strace $0x90000047  }
0xbb: {  	s0 =	sadd.s32 @!p0 $0x100000, s0;
	[bflag:$0x2] =	sbarrier.arrive $0xFFFF  }
0xbc: {  	[sflag:s0] =	ssyncadd.tile.s32 @!p0 $0x1;
	_ =	shalt  }
.Lfunc_end2:
_tile_overlayer_lowered:
.L_overlay_start_2:
0xbd: {  	(tag) =	ssettag $0x2  }
0xbe: {  	s0 =	rddreg [dreg:$0x0];
	s2 =	stileid.u32  }
0xbf: {  	s1 =	rddreg [dreg:$0x1];
	p0 =	sne.s32 s2, $0x0  }
0xc0: {  	s3 =	rddreg [dreg:$0x2];
	[bflag:$0x3] =	sbarrier.arrive $0xFFFF;
	s2 =	simm.s32 @!p0 $0x1C03  }
0xc1: {  	[timem:s3], [sflag:s2] =	dma.local @!p0 [hbm:s0], s1  }
0xc2: {  	s0 =	simm.s32 @!p0 $0x3  }
0xc3: {  	_ =	swait.ge @!p0 [sflag:s0], s1  }
0xc4: {  	s1 =	ssub.s32 @!p0 $0x0, s1;
	[sflag:s0] =	ssyncset.done @!p0 $0x0  }
0xc5: {  	[sflag:s0] =	ssyncadd.s32 @!p0 s1  }
0xc6: {  	[bflag:$0x3] =	sbarrier.arrive $0xFFFF  }
0xc7: {  	_ =	shalt  }

// kernel: kernel.13.cloned.1.call-start
scs
__scs_entry_jumppad:
0x0: {  	(pc) =	sbr.rel $0x88, $3  }
0x1: {  	(tag) =	ssettag $0x0;
	lr =	simm.s32 $0x1  }
0x2: {  	[smem:$0x3F97] =	sst lr;
	_ =	strace $0xD0000000  }
0x3: {  	_ = 	snop  }
0x4: {  	_ = 	snop  }
0x5: {  	_ = 	snop  }
0x6: {  	_ = 	snop  }
0x7: {  	_ = 	snop  }
__scs_overlays_trampoline_lowered:
0x8: {  	[smem:$0x3FA6] =	sst s0  }
0x9: {  	[smem:$0x3FA7] =	sst s1  }
0xa: {  	[smem:$0x3FA8] =	sst s2  }
0xb: {  	[smem:$0x3FA9] =	sst s3  }
0xc: {  	[smem:$0x3FAA] =	sst s4  }
0xd: {  	[smem:$0x3FAB] =	sst s5  }
0xe: {  	[smem:$0x3FAC] =	sst s6  }
0xf: {  	[smem:$0x3FAD] =	sst s7  }
0x10: {  	[smem:$0x3FAE] =	sst s8  }
0x11: {  	[smem:$0x3FAF] =	sst s9;
	s0 =	simm.s32 @!p0 $0x0  }
0x12: {  	s1 =	sld [smem:$0x3F95];
	s0 =	simm.s32 @p0 $0x1  }
0x13: {  	[smem:$0x3FB0] =	sst s0;
	s0 =	simm.s32 @!p1 $0x0  }
0x14: {  	s2 =	sld [smem:$0x3F94];
	s0 =	simm.s32 @p1 $0x1  }
0x15: {  	[smem:$0x3FB1] =	sst s0;
	s0 =	simm.s32 @!p2 $0x0  }
0x16: {  	s3 =	sld [smem:$0x3FDB];
	s0 =	simm.s32 @p2 $0x1  }
0x17: {  	s4 =	simm.s32 $0x1BF5;
	[smem:$0x3FB3] =	sst s0  }
0x18: {  	s0 =	sld [smem:$0x3F96];
	_ =	swait.ge [sflag:s4], $0x0  }
0x19: {  	s7 =	sld [smem:$0x3F97]  }
0x1a: {  	s8 =	sadd.s32 $0xFFFFE003, lr  }
0x1b: {  	s9 =	sadd.s32 $0xFFFFFEF7, lr;
	s5 =	simm.s32 $0xFFFFFFFF;
	p2 =	slt.u32 s8, $0xFFFFF086  }
0x1c: {  	p1 =	slt.u32 s9, $0xF7A;
	s5 =	simm.s32 @!p2 $0x0  }
0x1d: {  	s5 =	simm.s32 @p1 $0x1;
	p0 =	seq.s32 s7, s2  }
0x1e: {  	s7 =	smul.u32 @!p0 $0xF7A, s2;
	p2 =	seq.s32 @!p0 s5, $0x0  }
0x1f: {  	s9 =	smul.u32 $0xF7A, s1;
	s8 =	simm.s32 @!p0 $0x1BF5;
	p2 =	por !p2, p0  }
0x20: {  	[sflag:s8] =	ssyncset.s32 @!p0 $0xFFFFF086;
	s6 =	sadd.s32 @!p0 s3, s7;
	s7 =	simm.s32 @!p0 $0x108  }
0x21: {  	s3 =	sadd.s32 s3, s9;
	s6 =	sadd.s32 @!p0 $0x88, s6;
	s7 =	simm.s32 @p2 $0x1082  }
0x22: {  	[simem:s7], [sflag:s8] =	dma.local @!p0 [hbm:s6], $0xF7A  }
0x23: {  	s9 =	sor.u32 $0xD0000000, s2;
	s6 =	simm.s32 $0x108;
	_ =	swait.ge @!p0 [sflag:s8], $0x0  }
0x24: {  	s3 =	sadd.s32 $0x88, s3;
	s6 =	simm.s32 @!p1 $0x1082;
	[sflag:s4] =	ssyncset.s32 $0xFFFFF086  }
0x25: {  	[simem:s6], [sflag:s4] =	dma.local [hbm:s3], $0xF7A  }
0x26: {  	[smem:$0x3F97] =	sst s1;
	(tag) =	ssettag s2;
	_ =	strace s9  }
0x27: {  	s1 =	sld [smem:$0x3FA7]  }
0x28: {  	s2 =	sld [smem:$0x3FA8]  }
0x29: {  	s4 =	sld [smem:$0x3FAA]  }
0x2a: {  	p0 =	seq.s32 s5, $0x0;
	s5 =	sld [smem:$0x3FAB]  }
0x2b: {  	s6 =	sld [smem:$0x3FAC]  }
0x2c: {  	s7 =	sld [smem:$0x3FAD]  }
0x2d: {  	s3 =	simm.s32 $0x108;
	s8 =	sld [smem:$0x3FAE]  }
0x2e: {  	s3 =	simm.s32 @!p0 $0x1082;
	s9 =	sld [smem:$0x3FAF]  }
0x2f: {  	lr =	sadd.s32 s0, s3;
	s0 =	sld [smem:$0x3FA6]  }
0x30: {  	s3 =	sld [smem:$0x3FA9]  }
0x31: {  	[smem:$0x3FB2] =	sst s10  }
0x32: {  	s10 =	sld [smem:$0x3FB0];
	_ =	sdelay $0x3  }
0x33: {  	p0 =	seq.s32 s10, $0x1;
	s10 =	sld [smem:$0x3FB2];
	_ =	sdelay $0x3  }
0x34: {  	[smem:$0x3FB2] =	sst s10  }
0x35: {  	s10 =	sld [smem:$0x3FB1];
	_ =	sdelay $0x3  }
0x36: {  	p1 =	seq.s32 s10, $0x1;
	s10 =	sld [smem:$0x3FB2];
	_ =	sdelay $0x3  }
0x37: {  	[smem:$0x3FB2] =	sst s10  }
0x38: {  	s10 =	sld [smem:$0x3FB3]  }
0x39: {  	_ = 	snop;
	(pc) =	sbr.ind lr, $3  }
0x3a: {  	_ = 	snop  }
0x3b: {  	_ = 	snop  }
0x3c: {  	p2 =	seq.s32 s10, $0x1;
	s10 =	sld [smem:$0x3FB2]  }
0x3d: {  	_ =	shalt  }
0x3e: {  	_ =	shalt  }
0x3f: {  	_ =	shalt  }
0x40: {  	_ =	shalt  }
0x41: {  	_ =	shalt  }
0x42: {  	_ =	shalt  }
0x43: {  	_ =	shalt  }
0x44: {  	_ =	shalt  }
0x45: {  	_ =	shalt  }
0x46: {  	_ =	shalt  }
0x47: {  	_ =	shalt  }
0x48: {  	_ =	shalt  }
0x49: {  	_ =	shalt  }
0x4a: {  	_ =	shalt  }
0x4b: {  	_ =	shalt  }
0x4c: {  	_ =	shalt  }
0x4d: {  	_ =	shalt  }
0x4e: {  	_ =	shalt  }
0x4f: {  	_ =	shalt  }
0x50: {  	_ =	shalt  }
0x51: {  	_ =	shalt  }
0x52: {  	_ =	shalt  }
0x53: {  	_ =	shalt  }
0x54: {  	_ =	shalt  }
0x55: {  	_ =	shalt  }
0x56: {  	_ =	shalt  }
0x57: {  	_ =	shalt  }
0x58: {  	_ =	shalt  }
0x59: {  	_ =	shalt  }
0x5a: {  	_ =	shalt  }
0x5b: {  	_ =	shalt  }
0x5c: {  	_ =	shalt  }
0x5d: {  	_ =	shalt  }
0x5e: {  	_ =	shalt  }
0x5f: {  	_ =	shalt  }
0x60: {  	_ =	shalt  }
0x61: {  	_ =	shalt  }
0x62: {  	_ =	shalt  }
0x63: {  	_ =	shalt  }
0x64: {  	_ =	shalt  }
0x65: {  	_ =	shalt  }
0x66: {  	_ =	shalt  }
0x67: {  	_ =	shalt  }
0x68: {  	_ =	shalt  }
0x69: {  	_ =	shalt  }
0x6a: {  	_ =	shalt  }
0x6b: {  	_ =	shalt  }
0x6c: {  	_ =	shalt  }
0x6d: {  	_ =	shalt  }
0x6e: {  	_ =	shalt  }
0x6f: {  	_ =	shalt  }
0x70: {  	_ =	shalt  }
0x71: {  	_ =	shalt  }
0x72: {  	_ =	shalt  }
0x73: {  	_ =	shalt  }
0x74: {  	_ =	shalt  }
0x75: {  	_ =	shalt  }
0x76: {  	_ =	shalt  }
0x77: {  	_ =	shalt  }
0x78: {  	_ =	shalt  }
0x79: {  	_ =	shalt  }
0x7a: {  	_ =	shalt  }
0x7b: {  	_ =	shalt  }
0x7c: {  	_ =	shalt  }
0x7d: {  	_ =	shalt  }
0x7e: {  	_ =	shalt  }
0x7f: {  	_ =	shalt  }
0x80: {  	_ =	shalt  }
0x81: {  	_ =	shalt  }
0x82: {  	_ =	shalt  }
0x83: {  	_ =	shalt  }
0x84: {  	_ =	shalt  }
0x85: {  	_ =	shalt  }
0x86: {  	_ =	shalt  }
0x87: {  	_ =	shalt  }
.Lfunc_end0:
.L_simem_size_0:
called_computation.1_lowered:
.L_overlay_start_0:
0x88: {  	s2 =	sld [smem:$0x3FD9]  }
0x89: {  	s3 =	sld [smem:$0x3FFE];
	_ =	sdelay $0x1  }
0x8a: {  	s1 =	srdreg.scid  }
0x8b: {  	s0 =	sand.u32 $0x1, s1  }
0x8c: {  	s16 =	sshll.u32 s0, $0xA;
	s2 =	sadd.s32 s3, s2  }
0x8d: {  	s2 =	sadd.s32 s2, s16  }
0x8e: {  	[smem:$0x3FBE] =	sst s2  }
0x8f: {  	_ = 	snop  }
0x90: {  	(tm) =	ssettm $0x1  }
0x91: {  	s17 =	sld [smem:$0x3FFB];
	_ =	sdelay $0x3  }
0x92: {  	_ =	strace s17  }
0x93: {  	s2 =	sld [smem:$0x3FFC];
	_ =	sdelay $0x3  }
0x94: {  	_ =	strace s2  }
0x95: {  	s2 =	sld [smem:$0x3FFD];
	_ =	sdelay $0x3  }
0x96: {  	_ =	strace s2  }
0x97: {  	_ =	strace $0x8FFFFFFF  }
0x98: {  	s18 =	sld [smem:$0x3FDB];
	_ =	sdelay $0x1  }
0x99: {  	s19 =	simm.s32 $_scs_section_size  }
0x9a: {  	s4 =	simm.s32 $_size__tile_overlayer_lowered;
	s5 =	simm.s32 $_tile_overlayer_lowered  }
0x9b: {  	s22 =	simm.s32 $0x1BFF;
	s21 =	sshll.u32 s5, $0x1;
	s2 =	sadd.s32 s19, s18  }
0x9c: {  	s6 =	simm.s32 $0x0;
	s20 =	sshll.u32 s4, $0x1;
	s4 =	sadd.s32 s21, s2  }
0x9d: {  	[timem:s6], [sflag:s22] =	dma.local [hbm:s4], s20  }
0x9e: {  	_ =	swait.ge [sflag:s22], s20  }
0x9f: {  	s3 =	ssub.s32 $0x0, s20;
	[sflag:s22] =	ssyncset.done $0x0  }
0xa0: {  	[sflag:s22] =	ssyncadd.s32 s3;
	_ =	sdelay $0x1  }
0xa1: {  	s23 =	simm.s32 $0x1B8B  }
0xa2: {  	_ =	swait.ge [sflag:s23], $0x1  }
0xa3: {  	[sflag:s23] =	ssyncset.done $0x0  }
0xa4: {  	s25 =	simm.s32 $0x1B8E;
	s24 =	sld [smem:$0x3FFE];
	[sflag:s23] =	ssyncadd.s32 $0xFFFFFFFF  }
0xa5: {  	s26 =	simm.s32 $execute0_lowered;
	[smem:$0x3FD2] =	sst s25  }
0xa6: {  	s4 =	sshll.u32 s26, $0x1;
	_ =	strace $0x80000049;
	[dreg:$0x1] =	wrdreg $0xFFFFFFFF  }
0xa7: {  	s28 =	simm.s32 $_size_execute0_lowered;
	s2 =	sadd.s32 s2, s4;
	[dreg:$0x0] =	wrdreg $0x0  }
0xa8: {  	s4 =	sshll.u32 s28, $0x1;
	[dreg:$0x2] =	wrdreg s2  }
0xa9: {  	[dreg:$0x3] =	wrdreg s4  }
0xaa: {  	[dreg:$0x4] =	wrdreg $0xC0  }
0xab: {  	_ =	task [dreg:s6], $0x5FFFF  }
0xac: {  	[dreg:$0x1] =	wrdreg $0xFFFFFFFF  }
0xad: {  	[dreg:$0x0] =	wrdreg $0x60  }
0xae: {  	[dreg:$0x2] =	wrdreg s24  }
0xaf: {  	[dreg:$0x3] =	wrdreg $0xB5400  }
0xb0: {  	[dreg:$0x4] =	wrdreg $0x9  }
0xb1: {  	_ =	task.clear_ibuf [dreg:s6], $0x5FFFF;
	_ =	strace $0x90000049  }
0xb2: {  	s29 =	simm.s32 $0x9;
	_ =	strace $0x8000004B  }
0xb3: {  	_ =	swait.ge [sflag:s29], $0x1  }
0xb4: {  	[sflag:s29] =	ssyncadd.s32 $0xFFFFFFFF  }
0xb5: {  	_ =	strace $0x9000004B  }
0xb6: {  	_ =	sfence  }
0xb7: {  	s30 =	sld [smem:$0x0];
	_ =	sdelay $0x2  }
0xb8: {  	s31 =	sshll.u32 s1, $0xD;
	s1 =	sshrl.u32 s1, $0x2  }
0xb9: {  	s3 =	sand.u32 $0x4000, s31;
	s1 =	sadd.s32 s1, s30  }
0xba: {  	s0 =	sor.u32 s3, s0;
	s1 =	sshll.u32 s1, $0x11  }
0xbb: {  	s0 =	sor.u32 s1, s0  }
0xbc: {  	s0 =	sadd.s32 $0x8F2B, s0  }
0xbd: {  	[sflag:s0] =	ssyncadd.remote.s32 $0x1  }
0xbe: {  	_ =	sfence.sel $0xFFFF  }
0xbf: {  	[dreg:$0x0] =	wrdreg $0xFFFFFFFF;
	(pc) =	sbr.abs _section_cstart, $3  }
0xc0: {  	[dreg:$0x1] =	wrdreg $0xFFFFFFFF  }
0xc1: {  	_ =	task.clear_ibuf [dreg:s6], $0x2FFFF;
	_ =	strace $0x9FFFFFFF  }
0xc2: {  	(tm) =	ssettm $0x7FFFFFFF  }
0xc3: {  	_ =	shalt  }
tec
execute0_lowered:
.L_overlay_start_1:
0x0: {  	(tag) =	ssettag $0x1  }
0x1: {  	s6 =	rddreg [dreg:$0x0]  }
0x2: {  	s1 =	rddreg [dreg:$0x1];
	s2 =	srdreg.scid  }
0x3: {  	s0 =	rddreg [dreg:$0x2];
	s3 =	simm.s32 $0x0;
	s12 =	simm.s32 $0x5140  }
0x4: {  	s13 =	simm.s32 $0x68;
	s14 =	simm.s32 $0x8340;
	s17 =	simm.s32 $0x1  }
0x5: {  	s18 =	simm.s32 $0x2;
	s19 =	simm.s32 $0x5070;
	s20 =	simm.s32 $0x50D8  }
0x6: {  	s5 =	sand.u32 $0x1, s2;
	s2 =	stileid.u32;
	[smem:$0x7FF] =	sst s3  }
0x7: {  	s4 =	sshll.u32 s5, $0x4;
	_ =	strace $0x8000004A;
	s8 =	smul.u32 $0x27100, s5  }
0x8: {  	s9 =	ssub.s32 $0x2, s5;
	s11 =	smul.u32 $0x13880, s2;
	s5 =	sadd.s32 $0x8DE00, s6  }
0x9: {  	s15 =	sshll.u32 s2, $0x6;
	s4 =	sor.u32 s2, s4;
	s10 =	sshrl.u32 s9, $0x1  }
0xa: {  	s15 =	sor.u32 $0x1C03, s15;
	s7 =	smul.u32 $0x514, s4;
	s4 =	sadd.s32 $0x66C00, s6  }
0xb: {  	s8 =	sadd.s32 s8, s6;
	s9 =	ssub.s32 s9, s10;
	s16 =	sadd.s32 s11, s1  }
0xc: {  	s22 =	sshrl.u32 s11, $0x3;
	s10 =	simm.s32 $0x28A0;
	s11 =	simm.s32 $0x64  }
0xd: {  	s21 =	sadd.s32 $0x90600, s8;
	s8 =	smax.u32 s9, $0x1;
	s9 =	simm.s32 $0x3  }
0xe: {  	s16 =	sshrl.u32 s16, $0x3;
	s7 =	sadd.s32 s7, s6;
	s21 =	sadd.s32 s22, s21  }
0xf: {  	s22 =	simm.s32 $0x0;
	s6 =	sadd.s32 $0xE200, s7;
	s7 =	sadd.s32 $0x3E00, s7  }
.LBB2_1:
0x10: {  	[tilespmem:s3], [sflag:$0x3] =	stream.linear.gather [hbm4b:s6+s3], $0x28A0, $0x38;
	[tilespmem:$0x1EDC0] =	vst v63  }
0x11: {  	_ =	swait.ge [sflag:s9], $0x28A0  }
0x12: {  	[sflag:s9] =	ssyncset.done $0x0  }
0x13: {  	[sflag:s9] =	ssyncadd.s32 $0xFFFFD760  }
0x14: {  	[tilespmem:s10], [sflag:$0x3] =	stream.linear.gather [hbm4b:s7+s3], $0x28A0, $0x38;
	[tilespmem:$0x1EDC0] =	vst v63  }
0x15: {  	_ =	swait.ge [sflag:s9], $0x28A0  }
0x16: {  	[sflag:s9] =	ssyncset.done $0x0  }
0x17: {  	[sflag:s9] =	ssyncadd.s32 $0xFFFFD760  }
0x18: {  	[tilespmem:s12], [sflag:$0x1] =	stream.indirect.gather [hbm4b:s4+s11], $0x80, s3, s11, $0xb8;
	[tilespmem:$0x1EDC0] =	vst v63  }
0x19: {  	_ = 	snop  }
0x1a: {  	[tilespmem:s14], [sflag:$0x2] =	stream.indirect.gather [hbm4b:s4+s11], $0x80, s13, s11, $0xb8;
	[tilespmem:$0x1EDC0] =	vst v63  }
0x1b: {  	[spmem:s16], [sflag:s15] =	dma.local [hbm:s5], $0x2710  }
0x1c: {  	_ =	swait.ge [sflag:s9], $0x2710  }
0x1d: {  	[sflag:s9] =	ssyncset.done $0x0  }
0x1e: {  	[sflag:s9] =	ssyncadd.s32 $0xFFFFD8F0  }
0x1f: {  	[bflag:$0x0] =	sbarrier.arrive $0xFFFF  }
0x20: {  	_ =	swait.ge [sflag:s17], $0x3200  }
0x21: {  	[sflag:s17] =	ssyncset.done $0x0  }
0x22: {  	s23 =	simm.s32 $0x28A0;
	[sflag:s17] =	ssyncadd.s32 $0xFFFFCE00  }
0x23: {  	[spmem:s1] =	stream.indirect.scatter.add.f32 [tilespmem:s12], [sflag:$0x3], $0x80, s23, s11, $0xb8;
	[tilespmem:$0x1EDC0] =	vst v63  }
0x24: {  	_ =	swait.ge [sflag:s9], $0x3200  }
0x25: {  	[sflag:s9] =	ssyncset.done $0x0  }
0x26: {  	s30 =	simm.s32 $0xD0;
	[sflag:s9] =	ssyncadd.s32 $0xFFFFCE00  }
0x27: {  	[tilespmem:s12], [sflag:$0x1] =	stream.indirect.gather [hbm4b:s4+s11], $0x80, s30, s11, $0xb8;
	[tilespmem:$0x1EDC0] =	vst v63  }
0x28: {  	_ =	swait.ge [sflag:s18], $0x3200  }
0x29: {  	[sflag:s18] =	ssyncset.done $0x0  }
0x2a: {  	s31 =	simm.s32 $0x2908;
	[sflag:s18] =	ssyncadd.s32 $0xFFFFCE00  }
0x2b: {  	[spmem:s1] =	stream.indirect.scatter.add.f32 [tilespmem:s14], [sflag:$0x3], $0x80, s31, s11, $0xb8;
	[tilespmem:$0x1EDC0] =	vst v63  }
0x2c: {  	_ =	swait.ge [sflag:s9], $0x3200  }
0x2d: {  	[sflag:s9] =	ssyncset.done $0x0  }
0x2e: {  	s24 =	simm.s32 $0x138;
	s23 =	simm.s32 $0x340;
	[sflag:s9] =	ssyncadd.s32 $0xFFFFCE00  }
.LBB2_2:
0x2f: {  	[tilespmem:s14], [sflag:$0x2] =	stream.indirect.gather [hbm4b:s4+s11], $0x80, s24, s11, $0xb8;
	[tilespmem:$0x1EDC0] =	vst v63  }
0x30: {  	s24 =	smov.u32 s23  }
0x31: {  	p0 =	sne.s32 s23, $0x9C00;
	s23 =	sadd.s32 $0x340, s23;
	_ =	swait.ge [sflag:s17], $0x3200  }
0x32: {  	s24 =	sshra.s32 s24, $0x2;
	[sflag:s17] =	ssyncset.done $0x0  }
0x33: {  	s25 =	sadd.s32 $0x28A0, s24;
	[sflag:s17] =	ssyncadd.s32 $0xFFFFCE00  }
0x34: {  	[spmem:s1] =	stream.indirect.scatter.add.f32 [tilespmem:s12], [sflag:$0x3], $0x80, s25, s11, $0xb8;
	[tilespmem:$0x1EDC0] =	vst v63  }
0x35: {  	_ =	swait.ge [sflag:s9], $0x3200  }
0x36: {  	[sflag:s9] =	ssyncset.done $0x0  }
0x37: {  	s25 =	sadd.s32 $0xD0, s24;
	[sflag:s9] =	ssyncadd.s32 $0xFFFFCE00  }
0x38: {  	[tilespmem:s12], [sflag:$0x1] =	stream.indirect.gather [hbm4b:s4+s11], $0x80, s25, s11, $0xb8;
	[tilespmem:$0x1EDC0] =	vst v63  }
0x39: {  	_ =	swait.ge [sflag:s18], $0x3200  }
0x3a: {  	[sflag:s18] =	ssyncset.done $0x0  }
.Ltmp0:
0x3b: {  	s25 =	sadd.s32 $0x2908, s24;
	[sflag:s18] =	ssyncadd.s32 $0xFFFFCE00;
	(pc) =	sbr.rel @p0 .LBB2_2-.Ltmp0, $4  }
0x3c: {  	[spmem:s1] =	stream.indirect.scatter.add.f32 [tilespmem:s14], [sflag:$0x3], $0x80, s25, s11, $0xb8;
	[tilespmem:$0x1EDC0] =	vst v63  }
0x3d: {  	_ =	swait.ge [sflag:s9], $0x3200  }
0x3e: {  	[sflag:s9] =	ssyncset.done $0x0  }
0x3f: {  	s24 =	sadd.s32 $0x138, s24;
	[sflag:s9] =	ssyncadd.s32 $0xFFFFCE00  }
0x40: {  	[tilespmem:s14], [sflag:$0x2] =	stream.indirect.gather [hbm4b:s4+s11], $0x80, s24, s11, $0xb8;
	[tilespmem:$0x1EDC0] =	vst v63  }
0x41: {  	_ =	swait.ge [sflag:s17], $0x3200  }
0x42: {  	[sflag:s17] =	ssyncset.done $0x0  }
0x43: {  	[sflag:s17] =	ssyncadd.s32 $0xFFFFCE00  }
0x44: {  	[spmem:s1] =	stream.indirect.scatter.add.f32 [tilespmem:s12], [sflag:$0x3], $0x80, s19, s11, $0xb8;
	[tilespmem:$0x1EDC0] =	vst v63  }
0x45: {  	_ =	swait.ge [sflag:s9], $0x3200  }
0x46: {  	[sflag:s9] =	ssyncset.done $0x0  }
0x47: {  	[sflag:s9] =	ssyncadd.s32 $0xFFFFCE00  }
0x48: {  	_ =	swait.ge [sflag:s18], $0x3200  }
0x49: {  	[sflag:s18] =	ssyncset.done $0x0  }
0x4a: {  	[sflag:s18] =	ssyncadd.s32 $0xFFFFCE00  }
0x4b: {  	[spmem:s1] =	stream.indirect.scatter.add.f32 [tilespmem:s14], [sflag:$0x3], $0x80, s20, s11, $0xb8;
	[tilespmem:$0x1EDC0] =	vst v63  }
0x4c: {  	_ =	swait.ge [sflag:s9], $0x3200  }
0x4d: {  	s22 =	sadd.s32 $0x1, s22;
	[sflag:s9] =	ssyncset.done $0x0  }
0x4e: {  	p0 =	sne.s32 s22, s8;
	[sflag:s9] =	ssyncadd.s32 $0xFFFFCE00  }
.Ltmp1:
0x4f: {  	[bflag:$0x0] =	sbarrier.arrive $0xFFFF;
	(pc) =	sbr.rel @p0 .LBB2_1-.Ltmp1, $4  }
0x50: {  	[hbm:s21], [sflag:s15] =	dma.local [spmem:s16], $0x2710  }
0x51: {  	_ =	swait.ge [sflag:s9], $0x2710  }
0x52: {  	[sflag:s9] =	ssyncset.done $0x0  }
0x53: {  	[sflag:s9] =	ssyncadd.s32 $0xFFFFD8F0  }
0x54: {  	_ =	sfence.sel $0x180000  }
0x55: {  	[bflag:$0x0] =	sbarrier.arrive $0xFFFF  }
0x56: {  	p0 =	sne.s32 s2, $0x0;
	_ =	strace $0x9000004A  }
0x57: {  	s0 =	sadd.s32 @!p0 $0x100000, s0;
	[bflag:$0x2] =	sbarrier.arrive $0xFFFF  }
0x58: {  	[sflag:s0] =	ssyncadd.tile.s32 @!p0 $0x1;
	_ =	shalt  }
.Lfunc_end2:
_tile_overlayer_lowered:
.L_overlay_start_2:
0x59: {  	(tag) =	ssettag $0x2  }
0x5a: {  	s0 =	rddreg [dreg:$0x0];
	s2 =	stileid.u32  }
0x5b: {  	s1 =	rddreg [dreg:$0x1];
	p0 =	sne.s32 s2, $0x0  }
0x5c: {  	s3 =	rddreg [dreg:$0x2];
	[bflag:$0x3] =	sbarrier.arrive $0xFFFF;
	s2 =	simm.s32 @!p0 $0x1C03  }
0x5d: {  	[timem:s3], [sflag:s2] =	dma.local @!p0 [hbm:s0], s1  }
0x5e: {  	s0 =	simm.s32 @!p0 $0x3  }
0x5f: {  	_ =	swait.ge @!p0 [sflag:s0], s1  }
0x60: {  	s1 =	ssub.s32 @!p0 $0x0, s1;
	[sflag:s0] =	ssyncset.done @!p0 $0x0  }
0x61: {  	[sflag:s0] =	ssyncadd.s32 @!p0 s1  }
0x62: {  	[bflag:$0x3] =	sbarrier.arrive $0xFFFF  }
0x63: {  	_ =	shalt  }

// kernel: kernel.16.cloned.1.call-start
scs
__scs_entry_jumppad:
0x0: {  	(pc) =	sbr.rel $0x88, $3  }
0x1: {  	(tag) =	ssettag $0x0;
	lr =	simm.s32 $0x1  }
0x2: {  	[smem:$0x3F97] =	sst lr;
	_ =	strace $0xD0000000  }
0x3: {  	_ = 	snop  }
0x4: {  	_ = 	snop  }
0x5: {  	_ = 	snop  }
0x6: {  	_ = 	snop  }
0x7: {  	_ = 	snop  }
__scs_overlays_trampoline_lowered:
0x8: {  	[smem:$0x3FA6] =	sst s0  }
0x9: {  	[smem:$0x3FA7] =	sst s1  }
0xa: {  	[smem:$0x3FA8] =	sst s2  }
0xb: {  	[smem:$0x3FA9] =	sst s3  }
0xc: {  	[smem:$0x3FAA] =	sst s4  }
0xd: {  	[smem:$0x3FAB] =	sst s5  }
0xe: {  	[smem:$0x3FAC] =	sst s6  }
0xf: {  	[smem:$0x3FAD] =	sst s7  }
0x10: {  	[smem:$0x3FAE] =	sst s8  }
0x11: {  	[smem:$0x3FAF] =	sst s9;
	s0 =	simm.s32 @!p0 $0x0  }
0x12: {  	s1 =	sld [smem:$0x3F95];
	s0 =	simm.s32 @p0 $0x1  }
0x13: {  	[smem:$0x3FB0] =	sst s0;
	s0 =	simm.s32 @!p1 $0x0  }
0x14: {  	s2 =	sld [smem:$0x3F94];
	s0 =	simm.s32 @p1 $0x1  }
0x15: {  	[smem:$0x3FB1] =	sst s0;
	s0 =	simm.s32 @!p2 $0x0  }
0x16: {  	s3 =	sld [smem:$0x3FDB];
	s0 =	simm.s32 @p2 $0x1  }
0x17: {  	s4 =	simm.s32 $0x1BF5;
	[smem:$0x3FB3] =	sst s0  }
0x18: {  	s0 =	sld [smem:$0x3F96];
	_ =	swait.ge [sflag:s4], $0x0  }
0x19: {  	s7 =	sld [smem:$0x3F97]  }
0x1a: {  	s8 =	sadd.s32 $0xFFFFE003, lr  }
0x1b: {  	s9 =	sadd.s32 $0xFFFFFEF7, lr;
	s5 =	simm.s32 $0xFFFFFFFF;
	p2 =	slt.u32 s8, $0xFFFFF086  }
0x1c: {  	p1 =	slt.u32 s9, $0xF7A;
	s5 =	simm.s32 @!p2 $0x0  }
0x1d: {  	s5 =	simm.s32 @p1 $0x1;
	p0 =	seq.s32 s7, s2  }
0x1e: {  	s7 =	smul.u32 @!p0 $0xF7A, s2;
	p2 =	seq.s32 @!p0 s5, $0x0  }
0x1f: {  	s9 =	smul.u32 $0xF7A, s1;
	s8 =	simm.s32 @!p0 $0x1BF5;
	p2 =	por !p2, p0  }
0x20: {  	[sflag:s8] =	ssyncset.s32 @!p0 $0xFFFFF086;
	s6 =	sadd.s32 @!p0 s3, s7;
	s7 =	simm.s32 @!p0 $0x108  }
0x21: {  	s3 =	sadd.s32 s3, s9;
	s6 =	sadd.s32 @!p0 $0x88, s6;
	s7 =	simm.s32 @p2 $0x1082  }
0x22: {  	[simem:s7], [sflag:s8] =	dma.local @!p0 [hbm:s6], $0xF7A  }
0x23: {  	s9 =	sor.u32 $0xD0000000, s2;
	s6 =	simm.s32 $0x108;
	_ =	swait.ge @!p0 [sflag:s8], $0x0  }
0x24: {  	s3 =	sadd.s32 $0x88, s3;
	s6 =	simm.s32 @!p1 $0x1082;
	[sflag:s4] =	ssyncset.s32 $0xFFFFF086  }
0x25: {  	[simem:s6], [sflag:s4] =	dma.local [hbm:s3], $0xF7A  }
0x26: {  	[smem:$0x3F97] =	sst s1;
	(tag) =	ssettag s2;
	_ =	strace s9  }
0x27: {  	s1 =	sld [smem:$0x3FA7]  }
0x28: {  	s2 =	sld [smem:$0x3FA8]  }
0x29: {  	s4 =	sld [smem:$0x3FAA]  }
0x2a: {  	p0 =	seq.s32 s5, $0x0;
	s5 =	sld [smem:$0x3FAB]  }
0x2b: {  	s6 =	sld [smem:$0x3FAC]  }
0x2c: {  	s7 =	sld [smem:$0x3FAD]  }
0x2d: {  	s3 =	simm.s32 $0x108;
	s8 =	sld [smem:$0x3FAE]  }
0x2e: {  	s3 =	simm.s32 @!p0 $0x1082;
	s9 =	sld [smem:$0x3FAF]  }
0x2f: {  	lr =	sadd.s32 s0, s3;
	s0 =	sld [smem:$0x3FA6]  }
0x30: {  	s3 =	sld [smem:$0x3FA9]  }
0x31: {  	[smem:$0x3FB2] =	sst s10  }
0x32: {  	s10 =	sld [smem:$0x3FB0];
	_ =	sdelay $0x3  }
0x33: {  	p0 =	seq.s32 s10, $0x1;
	s10 =	sld [smem:$0x3FB2];
	_ =	sdelay $0x3  }
0x34: {  	[smem:$0x3FB2] =	sst s10  }
0x35: {  	s10 =	sld [smem:$0x3FB1];
	_ =	sdelay $0x3  }
0x36: {  	p1 =	seq.s32 s10, $0x1;
	s10 =	sld [smem:$0x3FB2];
	_ =	sdelay $0x3  }
0x37: {  	[smem:$0x3FB2] =	sst s10  }
0x38: {  	s10 =	sld [smem:$0x3FB3]  }
0x39: {  	_ = 	snop;
	(pc) =	sbr.ind lr, $3  }
0x3a: {  	_ = 	snop  }
0x3b: {  	_ = 	snop  }
0x3c: {  	p2 =	seq.s32 s10, $0x1;
	s10 =	sld [smem:$0x3FB2]  }
0x3d: {  	_ =	shalt  }
0x3e: {  	_ =	shalt  }
0x3f: {  	_ =	shalt  }
0x40: {  	_ =	shalt  }
0x41: {  	_ =	shalt  }
0x42: {  	_ =	shalt  }
0x43: {  	_ =	shalt  }
0x44: {  	_ =	shalt  }
0x45: {  	_ =	shalt  }
0x46: {  	_ =	shalt  }
0x47: {  	_ =	shalt  }
0x48: {  	_ =	shalt  }
0x49: {  	_ =	shalt  }
0x4a: {  	_ =	shalt  }
0x4b: {  	_ =	shalt  }
0x4c: {  	_ =	shalt  }
0x4d: {  	_ =	shalt  }
0x4e: {  	_ =	shalt  }
0x4f: {  	_ =	shalt  }
0x50: {  	_ =	shalt  }
0x51: {  	_ =	shalt  }
0x52: {  	_ =	shalt  }
0x53: {  	_ =	shalt  }
0x54: {  	_ =	shalt  }
0x55: {  	_ =	shalt  }
0x56: {  	_ =	shalt  }
0x57: {  	_ =	shalt  }
0x58: {  	_ =	shalt  }
0x59: {  	_ =	shalt  }
0x5a: {  	_ =	shalt  }
0x5b: {  	_ =	shalt  }
0x5c: {  	_ =	shalt  }
0x5d: {  	_ =	shalt  }
0x5e: {  	_ =	shalt  }
0x5f: {  	_ =	shalt  }
0x60: {  	_ =	shalt  }
0x61: {  	_ =	shalt  }
0x62: {  	_ =	shalt  }
0x63: {  	_ =	shalt  }
0x64: {  	_ =	shalt  }
0x65: {  	_ =	shalt  }
0x66: {  	_ =	shalt  }
0x67: {  	_ =	shalt  }
0x68: {  	_ =	shalt  }
0x69: {  	_ =	shalt  }
0x6a: {  	_ =	shalt  }
0x6b: {  	_ =	shalt  }
0x6c: {  	_ =	shalt  }
0x6d: {  	_ =	shalt  }
0x6e: {  	_ =	shalt  }
0x6f: {  	_ =	shalt  }
0x70: {  	_ =	shalt  }
0x71: {  	_ =	shalt  }
0x72: {  	_ =	shalt  }
0x73: {  	_ =	shalt  }
0x74: {  	_ =	shalt  }
0x75: {  	_ =	shalt  }
0x76: {  	_ =	shalt  }
0x77: {  	_ =	shalt  }
0x78: {  	_ =	shalt  }
0x79: {  	_ =	shalt  }
0x7a: {  	_ =	shalt  }
0x7b: {  	_ =	shalt  }
0x7c: {  	_ =	shalt  }
0x7d: {  	_ =	shalt  }
0x7e: {  	_ =	shalt  }
0x7f: {  	_ =	shalt  }
0x80: {  	_ =	shalt  }
0x81: {  	_ =	shalt  }
0x82: {  	_ =	shalt  }
0x83: {  	_ =	shalt  }
0x84: {  	_ =	shalt  }
0x85: {  	_ =	shalt  }
0x86: {  	_ =	shalt  }
0x87: {  	_ =	shalt  }
.Lfunc_end0:
.L_simem_size_0:
called_computation.2_lowered:
.L_overlay_start_0:
0x88: {  	s2 =	sld [smem:$0x3FD9]  }
0x89: {  	s3 =	sld [smem:$0x3FFE];
	_ =	sdelay $0x1  }
0x8a: {  	s1 =	srdreg.scid  }
0x8b: {  	s0 =	sand.u32 $0x1, s1  }
0x8c: {  	s16 =	sshll.u32 s0, $0xA;
	s2 =	sadd.s32 s3, s2  }
0x8d: {  	s2 =	sadd.s32 s2, s16  }
0x8e: {  	[smem:$0x3FBE] =	sst s2  }
0x8f: {  	_ = 	snop  }
0x90: {  	(tm) =	ssettm $0x1  }
0x91: {  	s17 =	sld [smem:$0x3FFB];
	_ =	sdelay $0x3  }
0x92: {  	_ =	strace s17  }
0x93: {  	s2 =	sld [smem:$0x3FFC];
	_ =	sdelay $0x3  }
0x94: {  	_ =	strace s2  }
0x95: {  	s2 =	sld [smem:$0x3FFD];
	_ =	sdelay $0x3  }
0x96: {  	_ =	strace s2  }
0x97: {  	_ =	strace $0x8FFFFFFF  }
0x98: {  	s18 =	sld [smem:$0x3FDB];
	_ =	sdelay $0x1  }
0x99: {  	s19 =	simm.s32 $_scs_section_size  }
0x9a: {  	s4 =	simm.s32 $_size__tile_overlayer_lowered;
	s5 =	simm.s32 $_tile_overlayer_lowered  }
0x9b: {  	s22 =	simm.s32 $0x1BFF;
	s21 =	sshll.u32 s5, $0x1;
	s2 =	sadd.s32 s19, s18  }
0x9c: {  	s6 =	simm.s32 $0x0;
	s20 =	sshll.u32 s4, $0x1;
	s4 =	sadd.s32 s21, s2  }
0x9d: {  	[timem:s6], [sflag:s22] =	dma.local [hbm:s4], s20  }
0x9e: {  	_ =	swait.ge [sflag:s22], s20  }
0x9f: {  	s3 =	ssub.s32 $0x0, s20;
	[sflag:s22] =	ssyncset.done $0x0  }
0xa0: {  	[sflag:s22] =	ssyncadd.s32 s3;
	_ =	sdelay $0x1  }
0xa1: {  	s23 =	simm.s32 $0x1B8B  }
0xa2: {  	_ =	swait.ge [sflag:s23], $0x1  }
0xa3: {  	[sflag:s23] =	ssyncset.done $0x0  }
0xa4: {  	s25 =	simm.s32 $0x1B8E;
	s24 =	sld [smem:$0x3FFE];
	[sflag:s23] =	ssyncadd.s32 $0xFFFFFFFF  }
0xa5: {  	s26 =	simm.s32 $execute0_lowered;
	[smem:$0x3FD2] =	sst s25  }
0xa6: {  	s4 =	sshll.u32 s26, $0x1;
	_ =	strace $0x8000004C;
	[dreg:$0x1] =	wrdreg $0xFFFFFFFF  }
0xa7: {  	s28 =	simm.s32 $_size_execute0_lowered;
	s2 =	sadd.s32 s2, s4;
	[dreg:$0x0] =	wrdreg $0x0  }
0xa8: {  	s4 =	sshll.u32 s28, $0x1;
	[dreg:$0x2] =	wrdreg s2  }
0xa9: {  	[dreg:$0x3] =	wrdreg s4  }
0xaa: {  	[dreg:$0x4] =	wrdreg $0xC0  }
0xab: {  	_ =	task [dreg:s6], $0x5FFFF  }
0xac: {  	[dreg:$0x1] =	wrdreg $0xFFFFFFFF  }
0xad: {  	[dreg:$0x0] =	wrdreg $0x60  }
0xae: {  	[dreg:$0x2] =	wrdreg s24  }
0xaf: {  	[dreg:$0x3] =	wrdreg $0xB5400  }
0xb0: {  	[dreg:$0x4] =	wrdreg $0x9  }
0xb1: {  	_ =	task.clear_ibuf [dreg:s6], $0x5FFFF;
	_ =	strace $0x9000004C  }
0xb2: {  	s29 =	simm.s32 $0x9;
	_ =	strace $0x8000004E  }
0xb3: {  	_ =	swait.ge [sflag:s29], $0x1  }
0xb4: {  	[sflag:s29] =	ssyncadd.s32 $0xFFFFFFFF  }
0xb5: {  	_ =	strace $0x9000004E  }
0xb6: {  	_ =	sfence  }
0xb7: {  	s30 =	sld [smem:$0x0];
	_ =	sdelay $0x2  }
0xb8: {  	s31 =	sshll.u32 s1, $0xD;
	s1 =	sshrl.u32 s1, $0x2  }
0xb9: {  	s3 =	sand.u32 $0x4000, s31;
	s1 =	sadd.s32 s1, s30  }
0xba: {  	s0 =	sor.u32 s3, s0;
	s1 =	sshll.u32 s1, $0x11  }
0xbb: {  	s0 =	sor.u32 s1, s0  }
0xbc: {  	s0 =	sadd.s32 $0x8F2B, s0  }
0xbd: {  	[sflag:s0] =	ssyncadd.remote.s32 $0x1  }
0xbe: {  	_ =	sfence.sel $0xFFFF  }
0xbf: {  	[dreg:$0x0] =	wrdreg $0xFFFFFFFF;
	(pc) =	sbr.abs _section_cstart, $3  }
0xc0: {  	[dreg:$0x1] =	wrdreg $0xFFFFFFFF  }
0xc1: {  	_ =	task.clear_ibuf [dreg:s6], $0x2FFFF;
	_ =	strace $0x9FFFFFFF  }
0xc2: {  	(tm) =	ssettm $0x7FFFFFFF  }
0xc3: {  	_ =	shalt  }
tec
execute0_lowered:
.L_overlay_start_1:
0x0: {  	(tag) =	ssettag $0x1  }
0x1: {  	s6 =	rddreg [dreg:$0x0]  }
0x2: {  	s1 =	rddreg [dreg:$0x1];
	s2 =	srdreg.scid  }
0x3: {  	s0 =	rddreg [dreg:$0x2];
	s3 =	simm.s32 $0x0;
	s12 =	simm.s32 $0x5140  }
0x4: {  	s13 =	simm.s32 $0x68;
	s14 =	simm.s32 $0x8340;
	s17 =	simm.s32 $0x1  }
0x5: {  	s18 =	simm.s32 $0x2;
	s19 =	simm.s32 $0x5070;
	s20 =	simm.s32 $0x50D8  }
0x6: {  	s5 =	sand.u32 $0x1, s2;
	s2 =	stileid.u32;
	[smem:$0x7FF] =	sst s3  }
0x7: {  	s4 =	sshll.u32 s5, $0x4;
	_ =	strace $0x8000004D;
	s8 =	smul.u32 $0x27100, s5  }
0x8: {  	s9 =	ssub.s32 $0x2, s5;
	s11 =	smul.u32 $0x13880, s2;
	s5 =	sadd.s32 $0x8DE00, s6  }
0x9: {  	s15 =	sshll.u32 s2, $0x6;
	s4 =	sor.u32 s2, s4;
	s10 =	sshrl.u32 s9, $0x1  }
0xa: {  	s15 =	sor.u32 $0x1C03, s15;
	s7 =	smul.u32 $0x514, s4;
	s4 =	sadd.s32 $0x66C00, s6  }
0xb: {  	s8 =	sadd.s32 s8, s6;
	s9 =	ssub.s32 s9, s10;
	s16 =	sadd.s32 s11, s1  }
0xc: {  	s22 =	sshrl.u32 s11, $0x3;
	s10 =	simm.s32 $0x28A0;
	s11 =	simm.s32 $0x64  }
0xd: {  	s21 =	sadd.s32 $0x90600, s8;
	s8 =	smax.u32 s9, $0x1;
	s9 =	simm.s32 $0x3  }
0xe: {  	s16 =	sshrl.u32 s16, $0x3;
	s7 =	sadd.s32 s7, s6;
	s21 =	sadd.s32 s22, s21  }
0xf: {  	s22 =	simm.s32 $0x0;
	s6 =	sadd.s32 $0xE200, s7;
	s7 =	sadd.s32 $0x3E00, s7  }
.LBB2_1:
0x10: {  	[tilespmem:s3], [sflag:$0x3] =	stream.linear.gather [hbm4b:s6+s3], $0x28A0, $0x38;
	[tilespmem:$0x1EDC0] =	vst v63  }
0x11: {  	_ =	swait.ge [sflag:s9], $0x28A0  }
0x12: {  	[sflag:s9] =	ssyncset.done $0x0  }
0x13: {  	[sflag:s9] =	ssyncadd.s32 $0xFFFFD760  }
0x14: {  	[tilespmem:s10], [sflag:$0x3] =	stream.linear.gather [hbm4b:s7+s3], $0x28A0, $0x38;
	[tilespmem:$0x1EDC0] =	vst v63  }
0x15: {  	_ =	swait.ge [sflag:s9], $0x28A0  }
0x16: {  	[sflag:s9] =	ssyncset.done $0x0  }
0x17: {  	[sflag:s9] =	ssyncadd.s32 $0xFFFFD760  }
0x18: {  	[tilespmem:s12], [sflag:$0x1] =	stream.indirect.gather [hbm4b:s4+s11], $0x80, s3, s11, $0xb8;
	[tilespmem:$0x1EDC0] =	vst v63  }
0x19: {  	_ = 	snop  }
0x1a: {  	[tilespmem:s14], [sflag:$0x2] =	stream.indirect.gather [hbm4b:s4+s11], $0x80, s13, s11, $0xb8;
	[tilespmem:$0x1EDC0] =	vst v63  }
0x1b: {  	[spmem:s16], [sflag:s15] =	dma.local [hbm:s5], $0x2710  }
0x1c: {  	_ =	swait.ge [sflag:s9], $0x2710  }
0x1d: {  	[sflag:s9] =	ssyncset.done $0x0  }
0x1e: {  	[sflag:s9] =	ssyncadd.s32 $0xFFFFD8F0  }
0x1f: {  	[bflag:$0x0] =	sbarrier.arrive $0xFFFF  }
0x20: {  	_ =	swait.ge [sflag:s17], $0x3200  }
0x21: {  	[sflag:s17] =	ssyncset.done $0x0  }
0x22: {  	s23 =	simm.s32 $0x28A0;
	[sflag:s17] =	ssyncadd.s32 $0xFFFFCE00  }
0x23: {  	[spmem:s1] =	stream.indirect.scatter.add.f32 [tilespmem:s12], [sflag:$0x3], $0x80, s23, s11, $0xb8;
	[tilespmem:$0x1EDC0] =	vst v63  }
0x24: {  	_ =	swait.ge [sflag:s9], $0x3200  }
0x25: {  	[sflag:s9] =	ssyncset.done $0x0  }
0x26: {  	s30 =	simm.s32 $0xD0;
	[sflag:s9] =	ssyncadd.s32 $0xFFFFCE00  }
0x27: {  	[tilespmem:s12], [sflag:$0x1] =	stream.indirect.gather [hbm4b:s4+s11], $0x80, s30, s11, $0xb8;
	[tilespmem:$0x1EDC0] =	vst v63  }
0x28: {  	_ =	swait.ge [sflag:s18], $0x3200  }
0x29: {  	[sflag:s18] =	ssyncset.done $0x0  }
0x2a: {  	s31 =	simm.s32 $0x2908;
	[sflag:s18] =	ssyncadd.s32 $0xFFFFCE00  }
0x2b: {  	[spmem:s1] =	stream.indirect.scatter.add.f32 [tilespmem:s14], [sflag:$0x3], $0x80, s31, s11, $0xb8;
	[tilespmem:$0x1EDC0] =	vst v63  }
0x2c: {  	_ =	swait.ge [sflag:s9], $0x3200  }
0x2d: {  	[sflag:s9] =	ssyncset.done $0x0  }
0x2e: {  	s24 =	simm.s32 $0x138;
	s23 =	simm.s32 $0x340;
	[sflag:s9] =	ssyncadd.s32 $0xFFFFCE00  }
.LBB2_2:
0x2f: {  	[tilespmem:s14], [sflag:$0x2] =	stream.indirect.gather [hbm4b:s4+s11], $0x80, s24, s11, $0xb8;
	[tilespmem:$0x1EDC0] =	vst v63  }
0x30: {  	s24 =	smov.u32 s23  }
0x31: {  	p0 =	sne.s32 s23, $0x9C00;
	s23 =	sadd.s32 $0x340, s23;
	_ =	swait.ge [sflag:s17], $0x3200  }
0x32: {  	s24 =	sshra.s32 s24, $0x2;
	[sflag:s17] =	ssyncset.done $0x0  }
0x33: {  	s25 =	sadd.s32 $0x28A0, s24;
	[sflag:s17] =	ssyncadd.s32 $0xFFFFCE00  }
0x34: {  	[spmem:s1] =	stream.indirect.scatter.add.f32 [tilespmem:s12], [sflag:$0x3], $0x80, s25, s11, $0xb8;
	[tilespmem:$0x1EDC0] =	vst v63  }
0x35: {  	_ =	swait.ge [sflag:s9], $0x3200  }
0x36: {  	[sflag:s9] =	ssyncset.done $0x0  }
0x37: {  	s25 =	sadd.s32 $0xD0, s24;
	[sflag:s9] =	ssyncadd.s32 $0xFFFFCE00  }
0x38: {  	[tilespmem:s12], [sflag:$0x1] =	stream.indirect.gather [hbm4b:s4+s11], $0x80, s25, s11, $0xb8;
	[tilespmem:$0x1EDC0] =	vst v63  }
0x39: {  	_ =	swait.ge [sflag:s18], $0x3200  }
0x3a: {  	[sflag:s18] =	ssyncset.done $0x0  }
.Ltmp0:
0x3b: {  	s25 =	sadd.s32 $0x2908, s24;
	[sflag:s18] =	ssyncadd.s32 $0xFFFFCE00;
	(pc) =	sbr.rel @p0 .LBB2_2-.Ltmp0, $4  }
0x3c: {  	[spmem:s1] =	stream.indirect.scatter.add.f32 [tilespmem:s14], [sflag:$0x3], $0x80, s25, s11, $0xb8;
	[tilespmem:$0x1EDC0] =	vst v63  }
0x3d: {  	_ =	swait.ge [sflag:s9], $0x3200  }
0x3e: {  	[sflag:s9] =	ssyncset.done $0x0  }
0x3f: {  	s24 =	sadd.s32 $0x138, s24;
	[sflag:s9] =	ssyncadd.s32 $0xFFFFCE00  }
0x40: {  	[tilespmem:s14], [sflag:$0x2] =	stream.indirect.gather [hbm4b:s4+s11], $0x80, s24, s11, $0xb8;
	[tilespmem:$0x1EDC0] =	vst v63  }
0x41: {  	_ =	swait.ge [sflag:s17], $0x3200  }
0x42: {  	[sflag:s17] =	ssyncset.done $0x0  }
0x43: {  	[sflag:s17] =	ssyncadd.s32 $0xFFFFCE00  }
0x44: {  	[spmem:s1] =	stream.indirect.scatter.add.f32 [tilespmem:s12], [sflag:$0x3], $0x80, s19, s11, $0xb8;
	[tilespmem:$0x1EDC0] =	vst v63  }
0x45: {  	_ =	swait.ge [sflag:s9], $0x3200  }
0x46: {  	[sflag:s9] =	ssyncset.done $0x0  }
0x47: {  	[sflag:s9] =	ssyncadd.s32 $0xFFFFCE00  }
0x48: {  	_ =	swait.ge [sflag:s18], $0x3200  }
0x49: {  	[sflag:s18] =	ssyncset.done $0x0  }
0x4a: {  	[sflag:s18] =	ssyncadd.s32 $0xFFFFCE00  }
0x4b: {  	[spmem:s1] =	stream.indirect.scatter.add.f32 [tilespmem:s14], [sflag:$0x3], $0x80, s20, s11, $0xb8;
	[tilespmem:$0x1EDC0] =	vst v63  }
0x4c: {  	_ =	swait.ge [sflag:s9], $0x3200  }
0x4d: {  	s22 =	sadd.s32 $0x1, s22;
	[sflag:s9] =	ssyncset.done $0x0  }
0x4e: {  	p0 =	sne.s32 s22, s8;
	[sflag:s9] =	ssyncadd.s32 $0xFFFFCE00  }
.Ltmp1:
0x4f: {  	[bflag:$0x0] =	sbarrier.arrive $0xFFFF;
	(pc) =	sbr.rel @p0 .LBB2_1-.Ltmp1, $4  }
0x50: {  	[hbm:s21], [sflag:s15] =	dma.local [spmem:s16], $0x2710  }
0x51: {  	_ =	swait.ge [sflag:s9], $0x2710  }
0x52: {  	[sflag:s9] =	ssyncset.done $0x0  }
0x53: {  	[sflag:s9] =	ssyncadd.s32 $0xFFFFD8F0  }
0x54: {  	_ =	sfence.sel $0x180000  }
0x55: {  	[bflag:$0x0] =	sbarrier.arrive $0xFFFF  }
0x56: {  	p0 =	sne.s32 s2, $0x0;
	_ =	strace $0x9000004D  }
0x57: {  	s0 =	sadd.s32 @!p0 $0x100000, s0;
	[bflag:$0x2] =	sbarrier.arrive $0xFFFF  }
0x58: {  	[sflag:s0] =	ssyncadd.tile.s32 @!p0 $0x1;
	_ =	shalt  }
.Lfunc_end2:
_tile_overlayer_lowered:
.L_overlay_start_2:
0x59: {  	(tag) =	ssettag $0x2  }
0x5a: {  	s0 =	rddreg [dreg:$0x0];
	s2 =	stileid.u32  }
0x5b: {  	s1 =	rddreg [dreg:$0x1];
	p0 =	sne.s32 s2, $0x0  }
0x5c: {  	s3 =	rddreg [dreg:$0x2];
	[bflag:$0x3] =	sbarrier.arrive $0xFFFF;
	s2 =	simm.s32 @!p0 $0x1C03  }
0x5d: {  	[timem:s3], [sflag:s2] =	dma.local @!p0 [hbm:s0], s1  }
0x5e: {  	s0 =	simm.s32 @!p0 $0x3  }
0x5f: {  	_ =	swait.ge @!p0 [sflag:s0], s1  }
0x60: {  	s1 =	ssub.s32 @!p0 $0x0, s1;
	[sflag:s0] =	ssyncset.done @!p0 $0x0  }
0x61: {  	[sflag:s0] =	ssyncadd.s32 @!p0 s1  }
0x62: {  	[bflag:$0x3] =	sbarrier.arrive $0xFFFF  }
0x63: {  	_ =	shalt  }

// kernel: kernel.19.cloned.1.call-start
scs
__scs_entry_jumppad:
0x0: {  	(pc) =	sbr.rel $0x88, $3  }
0x1: {  	(tag) =	ssettag $0x0;
	lr =	simm.s32 $0x1  }
0x2: {  	[smem:$0x3F97] =	sst lr;
	_ =	strace $0xD0000000  }
0x3: {  	_ = 	snop  }
0x4: {  	_ = 	snop  }
0x5: {  	_ = 	snop  }
0x6: {  	_ = 	snop  }
0x7: {  	_ = 	snop  }
__scs_overlays_trampoline_lowered:
0x8: {  	[smem:$0x3FA6] =	sst s0  }
0x9: {  	[smem:$0x3FA7] =	sst s1  }
0xa: {  	[smem:$0x3FA8] =	sst s2  }
0xb: {  	[smem:$0x3FA9] =	sst s3  }
0xc: {  	[smem:$0x3FAA] =	sst s4  }
0xd: {  	[smem:$0x3FAB] =	sst s5  }
0xe: {  	[smem:$0x3FAC] =	sst s6  }
0xf: {  	[smem:$0x3FAD] =	sst s7  }
0x10: {  	[smem:$0x3FAE] =	sst s8  }
0x11: {  	[smem:$0x3FAF] =	sst s9;
	s0 =	simm.s32 @!p0 $0x0  }
0x12: {  	s1 =	sld [smem:$0x3F95];
	s0 =	simm.s32 @p0 $0x1  }
0x13: {  	[smem:$0x3FB0] =	sst s0;
	s0 =	simm.s32 @!p1 $0x0  }
0x14: {  	s2 =	sld [smem:$0x3F94];
	s0 =	simm.s32 @p1 $0x1  }
0x15: {  	[smem:$0x3FB1] =	sst s0;
	s0 =	simm.s32 @!p2 $0x0  }
0x16: {  	s3 =	sld [smem:$0x3FDB];
	s0 =	simm.s32 @p2 $0x1  }
0x17: {  	s4 =	simm.s32 $0x1BF5;
	[smem:$0x3FB3] =	sst s0  }
0x18: {  	s0 =	sld [smem:$0x3F96];
	_ =	swait.ge [sflag:s4], $0x0  }
0x19: {  	s7 =	sld [smem:$0x3F97]  }
0x1a: {  	s8 =	sadd.s32 $0xFFFFE003, lr  }
0x1b: {  	s9 =	sadd.s32 $0xFFFFFEF7, lr;
	s5 =	simm.s32 $0xFFFFFFFF;
	p2 =	slt.u32 s8, $0xFFFFF086  }
0x1c: {  	p1 =	slt.u32 s9, $0xF7A;
	s5 =	simm.s32 @!p2 $0x0  }
0x1d: {  	s5 =	simm.s32 @p1 $0x1;
	p0 =	seq.s32 s7, s2  }
0x1e: {  	s7 =	smul.u32 @!p0 $0xF7A, s2;
	p2 =	seq.s32 @!p0 s5, $0x0  }
0x1f: {  	s9 =	smul.u32 $0xF7A, s1;
	s8 =	simm.s32 @!p0 $0x1BF5;
	p2 =	por !p2, p0  }
0x20: {  	[sflag:s8] =	ssyncset.s32 @!p0 $0xFFFFF086;
	s6 =	sadd.s32 @!p0 s3, s7;
	s7 =	simm.s32 @!p0 $0x108  }
0x21: {  	s3 =	sadd.s32 s3, s9;
	s6 =	sadd.s32 @!p0 $0x88, s6;
	s7 =	simm.s32 @p2 $0x1082  }
0x22: {  	[simem:s7], [sflag:s8] =	dma.local @!p0 [hbm:s6], $0xF7A  }
0x23: {  	s9 =	sor.u32 $0xD0000000, s2;
	s6 =	simm.s32 $0x108;
	_ =	swait.ge @!p0 [sflag:s8], $0x0  }
0x24: {  	s3 =	sadd.s32 $0x88, s3;
	s6 =	simm.s32 @!p1 $0x1082;
	[sflag:s4] =	ssyncset.s32 $0xFFFFF086  }
0x25: {  	[simem:s6], [sflag:s4] =	dma.local [hbm:s3], $0xF7A  }
0x26: {  	[smem:$0x3F97] =	sst s1;
	(tag) =	ssettag s2;
	_ =	strace s9  }
0x27: {  	s1 =	sld [smem:$0x3FA7]  }
0x28: {  	s2 =	sld [smem:$0x3FA8]  }
0x29: {  	s4 =	sld [smem:$0x3FAA]  }
0x2a: {  	p0 =	seq.s32 s5, $0x0;
	s5 =	sld [smem:$0x3FAB]  }
0x2b: {  	s6 =	sld [smem:$0x3FAC]  }
0x2c: {  	s7 =	sld [smem:$0x3FAD]  }
0x2d: {  	s3 =	simm.s32 $0x108;
	s8 =	sld [smem:$0x3FAE]  }
0x2e: {  	s3 =	simm.s32 @!p0 $0x1082;
	s9 =	sld [smem:$0x3FAF]  }
0x2f: {  	lr =	sadd.s32 s0, s3;
	s0 =	sld [smem:$0x3FA6]  }
0x30: {  	s3 =	sld [smem:$0x3FA9]  }
0x31: {  	[smem:$0x3FB2] =	sst s10  }
0x32: {  	s10 =	sld [smem:$0x3FB0];
	_ =	sdelay $0x3  }
0x33: {  	p0 =	seq.s32 s10, $0x1;
	s10 =	sld [smem:$0x3FB2];
	_ =	sdelay $0x3  }
0x34: {  	[smem:$0x3FB2] =	sst s10  }
0x35: {  	s10 =	sld [smem:$0x3FB1];
	_ =	sdelay $0x3  }
0x36: {  	p1 =	seq.s32 s10, $0x1;
	s10 =	sld [smem:$0x3FB2];
	_ =	sdelay $0x3  }
0x37: {  	[smem:$0x3FB2] =	sst s10  }
0x38: {  	s10 =	sld [smem:$0x3FB3]  }
0x39: {  	_ = 	snop;
	(pc) =	sbr.ind lr, $3  }
0x3a: {  	_ = 	snop  }
0x3b: {  	_ = 	snop  }
0x3c: {  	p2 =	seq.s32 s10, $0x1;
	s10 =	sld [smem:$0x3FB2]  }
0x3d: {  	_ =	shalt  }
0x3e: {  	_ =	shalt  }
0x3f: {  	_ =	shalt  }
0x40: {  	_ =	shalt  }
0x41: {  	_ =	shalt  }
0x42: {  	_ =	shalt  }
0x43: {  	_ =	shalt  }
0x44: {  	_ =	shalt  }
0x45: {  	_ =	shalt  }
0x46: {  	_ =	shalt  }
0x47: {  	_ =	shalt  }
0x48: {  	_ =	shalt  }
0x49: {  	_ =	shalt  }
0x4a: {  	_ =	shalt  }
0x4b: {  	_ =	shalt  }
0x4c: {  	_ =	shalt  }
0x4d: {  	_ =	shalt  }
0x4e: {  	_ =	shalt  }
0x4f: {  	_ =	shalt  }
0x50: {  	_ =	shalt  }
0x51: {  	_ =	shalt  }
0x52: {  	_ =	shalt  }
0x53: {  	_ =	shalt  }
0x54: {  	_ =	shalt  }
0x55: {  	_ =	shalt  }
0x56: {  	_ =	shalt  }
0x57: {  	_ =	shalt  }
0x58: {  	_ =	shalt  }
0x59: {  	_ =	shalt  }
0x5a: {  	_ =	shalt  }
0x5b: {  	_ =	shalt  }
0x5c: {  	_ =	shalt  }
0x5d: {  	_ =	shalt  }
0x5e: {  	_ =	shalt  }
0x5f: {  	_ =	shalt  }
0x60: {  	_ =	shalt  }
0x61: {  	_ =	shalt  }
0x62: {  	_ =	shalt  }
0x63: {  	_ =	shalt  }
0x64: {  	_ =	shalt  }
0x65: {  	_ =	shalt  }
0x66: {  	_ =	shalt  }
0x67: {  	_ =	shalt  }
0x68: {  	_ =	shalt  }
0x69: {  	_ =	shalt  }
0x6a: {  	_ =	shalt  }
0x6b: {  	_ =	shalt  }
0x6c: {  	_ =	shalt  }
0x6d: {  	_ =	shalt  }
0x6e: {  	_ =	shalt  }
0x6f: {  	_ =	shalt  }
0x70: {  	_ =	shalt  }
0x71: {  	_ =	shalt  }
0x72: {  	_ =	shalt  }
0x73: {  	_ =	shalt  }
0x74: {  	_ =	shalt  }
0x75: {  	_ =	shalt  }
0x76: {  	_ =	shalt  }
0x77: {  	_ =	shalt  }
0x78: {  	_ =	shalt  }
0x79: {  	_ =	shalt  }
0x7a: {  	_ =	shalt  }
0x7b: {  	_ =	shalt  }
0x7c: {  	_ =	shalt  }
0x7d: {  	_ =	shalt  }
0x7e: {  	_ =	shalt  }
0x7f: {  	_ =	shalt  }
0x80: {  	_ =	shalt  }
0x81: {  	_ =	shalt  }
0x82: {  	_ =	shalt  }
0x83: {  	_ =	shalt  }
0x84: {  	_ =	shalt  }
0x85: {  	_ =	shalt  }
0x86: {  	_ =	shalt  }
0x87: {  	_ =	shalt  }
.Lfunc_end0:
.L_simem_size_0:
called_computation.3_lowered:
.L_overlay_start_0:
0x88: {  	s2 =	sld [smem:$0x3FD9]  }
0x89: {  	s3 =	sld [smem:$0x3FFE];
	_ =	sdelay $0x1  }
0x8a: {  	s1 =	srdreg.scid  }
0x8b: {  	s0 =	sand.u32 $0x1, s1  }
0x8c: {  	s16 =	sshll.u32 s0, $0xA;
	s2 =	sadd.s32 s3, s2  }
0x8d: {  	s2 =	sadd.s32 s2, s16  }
0x8e: {  	[smem:$0x3FBE] =	sst s2  }
0x8f: {  	_ = 	snop  }
0x90: {  	(tm) =	ssettm $0x1  }
0x91: {  	s17 =	sld [smem:$0x3FFB];
	_ =	sdelay $0x3  }
0x92: {  	_ =	strace s17  }
0x93: {  	s2 =	sld [smem:$0x3FFC];
	_ =	sdelay $0x3  }
0x94: {  	_ =	strace s2  }
0x95: {  	s2 =	sld [smem:$0x3FFD];
	_ =	sdelay $0x3  }
0x96: {  	_ =	strace s2  }
0x97: {  	_ =	strace $0x8FFFFFFF  }
0x98: {  	s18 =	sld [smem:$0x3FDB];
	_ =	sdelay $0x1  }
0x99: {  	s19 =	simm.s32 $_scs_section_size  }
0x9a: {  	s4 =	simm.s32 $_size__tile_overlayer_lowered;
	s5 =	simm.s32 $_tile_overlayer_lowered  }
0x9b: {  	s22 =	simm.s32 $0x1BFF;
	s21 =	sshll.u32 s5, $0x1;
	s2 =	sadd.s32 s19, s18  }
0x9c: {  	s6 =	simm.s32 $0x0;
	s20 =	sshll.u32 s4, $0x1;
	s4 =	sadd.s32 s21, s2  }
0x9d: {  	[timem:s6], [sflag:s22] =	dma.local [hbm:s4], s20  }
0x9e: {  	_ =	swait.ge [sflag:s22], s20  }
0x9f: {  	s3 =	ssub.s32 $0x0, s20;
	[sflag:s22] =	ssyncset.done $0x0  }
0xa0: {  	[sflag:s22] =	ssyncadd.s32 s3;
	_ =	sdelay $0x1  }
0xa1: {  	s23 =	simm.s32 $0x1B8B  }
0xa2: {  	_ =	swait.ge [sflag:s23], $0x1  }
0xa3: {  	[sflag:s23] =	ssyncset.done $0x0  }
0xa4: {  	s25 =	simm.s32 $0x1B8E;
	s24 =	sld [smem:$0x3FFE];
	[sflag:s23] =	ssyncadd.s32 $0xFFFFFFFF  }
0xa5: {  	s26 =	simm.s32 $execute0_lowered;
	[smem:$0x3FD2] =	sst s25  }
0xa6: {  	s4 =	sshll.u32 s26, $0x1;
	_ =	strace $0x8000004F;
	[dreg:$0x1] =	wrdreg $0xFFFFFFFF  }
0xa7: {  	s28 =	simm.s32 $_size_execute0_lowered;
	s2 =	sadd.s32 s2, s4;
	[dreg:$0x0] =	wrdreg $0x0  }
0xa8: {  	s4 =	sshll.u32 s28, $0x1;
	[dreg:$0x2] =	wrdreg s2  }
0xa9: {  	[dreg:$0x3] =	wrdreg s4  }
0xaa: {  	[dreg:$0x4] =	wrdreg $0xC0  }
0xab: {  	_ =	task [dreg:s6], $0x5FFFF  }
0xac: {  	[dreg:$0x1] =	wrdreg $0xFFFFFFFF  }
0xad: {  	[dreg:$0x0] =	wrdreg $0x60  }
0xae: {  	[dreg:$0x2] =	wrdreg s24  }
0xaf: {  	[dreg:$0x3] =	wrdreg $0x70800  }
0xb0: {  	[dreg:$0x4] =	wrdreg $0x9  }
0xb1: {  	_ =	task.clear_ibuf [dreg:s6], $0x5FFFF;
	_ =	strace $0x9000004F  }
0xb2: {  	s29 =	simm.s32 $0x9;
	_ =	strace $0x80000051  }
0xb3: {  	_ =	swait.ge [sflag:s29], $0x1  }
0xb4: {  	[sflag:s29] =	ssyncadd.s32 $0xFFFFFFFF  }
0xb5: {  	_ =	strace $0x90000051  }
0xb6: {  	_ =	sfence  }
0xb7: {  	s30 =	sld [smem:$0x0];
	_ =	sdelay $0x2  }
0xb8: {  	s31 =	sshll.u32 s1, $0xD;
	s1 =	sshrl.u32 s1, $0x2  }
0xb9: {  	s3 =	sand.u32 $0x4000, s31;
	s1 =	sadd.s32 s1, s30  }
0xba: {  	s0 =	sor.u32 s3, s0;
	s1 =	sshll.u32 s1, $0x11  }
0xbb: {  	s0 =	sor.u32 s1, s0  }
0xbc: {  	s0 =	sadd.s32 $0x8F2B, s0  }
0xbd: {  	[sflag:s0] =	ssyncadd.remote.s32 $0x1  }
0xbe: {  	_ =	sfence.sel $0xFFFF  }
0xbf: {  	[dreg:$0x0] =	wrdreg $0xFFFFFFFF;
	(pc) =	sbr.abs _section_cstart, $3  }
0xc0: {  	[dreg:$0x1] =	wrdreg $0xFFFFFFFF  }
0xc1: {  	_ =	task.clear_ibuf [dreg:s6], $0x2FFFF;
	_ =	strace $0x9FFFFFFF  }
0xc2: {  	(tm) =	ssettm $0x7FFFFFFF  }
0xc3: {  	_ =	shalt  }
tec
execute0_lowered:
.L_overlay_start_1:
0x0: {  	(tag) =	ssettag $0x1  }
0x1: {  	s0 =	srdreg.scid;
	s1 =	rddreg [dreg:$0x0]  }
0x2: {  	s2 =	rddreg [dreg:$0x1];
	s7 =	stileid.u32;
	s3 =	simm.s32 $0x0  }
0x3: {  	s10 =	simm.s32 $0xB;
	s12 =	simm.s32 $0x64;
	s13 =	simm.s32 $0x5140  }
0x4: {  	s15 =	simm.s32 $0x5460;
	s17 =	simm.s32 $0x5780;
	s19 =	simm.s32 $0x5AA0  }
0x5: {  	s21 =	simm.s32 $0x5DC0;
	s29 =	simm.s32 $0x6720;
	s31 =	simm.s32 $0x6A40  }
0x6: {  	s11 =	simm.s32 $0x6D60;
	s14 =	simm.s32 $0x1;
	s16 =	simm.s32 $0x2  }
0x7: {  	s18 =	simm.s32 $0x3;
	s20 =	simm.s32 $0x4;
	s28 =	simm.s32 $0x8  }
0x8: {  	s30 =	simm.s32 $0x9;
	s0 =	sand.u32 $0x1, s0;
	[smem:$0x7FF] =	sst s3  }
0x9: {  	s8 =	sadd.s32 $0x18600, s1;
	s4 =	sshll.u32 s0, $0x4;
	_ =	strace $0x80000050  }
0xa: {  	s6 =	smul.u32 $0x2710, s0;
	[dreg:$0x3] =	wrdreg s8;
	s0 =	ssub.s32 $0x2, s0  }
0xb: {  	s4 =	sor.u32 s7, s4;
	s22 =	sshrl.u32 s0, $0x1;
	s7 =	smul.u32 $0x1388, s7  }
0xc: {  	s5 =	smul.u32 $0x514, s4;
	s4 =	sadd.s32 $0x18A00, s1;
	s0 =	ssub.s32 s0, s22  }
0xd: {  	s22 =	simm.s32 $0x5;
	s24 =	sadd.s32 s7, s2;
	s25 =	sshrl.u32 s7, $0x3  }
0xe: {  	s0 =	smax.u32 s0, $0x1;
	s5 =	sadd.s32 s5, s1;
	[dreg:$0x6] =	wrdreg s24  }
0xf: {  	s1 =	sadd.s32 s6, s1;
	[dreg:$0x7] =	wrdreg s0;
	s23 =	sadd.s32 $0x3E00, s5  }
0x10: {  	s0 =	simm.s32 $0xA;
	s5 =	sadd.s32 $0xE200, s5;
	[dreg:$0x4] =	wrdreg s23  }
0x11: {  	s1 =	sadd.s32 $0x1B200, s1;
	[dreg:$0x5] =	wrdreg s5;
	s23 =	simm.s32 $0x60E0  }
0x12: {  	s26 =	sadd.s32 s25, s1;
	s1 =	simm.s32 $0x6;
	s25 =	simm.s32 $0x7  }
0x13: {  	s5 =	simm.s32 $0x0;
	[dreg:$0x8] =	wrdreg s26;
	s26 =	simm.s32 $0x6400  }
.LBB2_1:
0x14: {  	s6 =	rddreg [dreg:$0x4]  }
0x15: {  	[tilespmem:s3], [sflag:$0xB] =	stream.linear.gather [hbm4b:s6+s3], $0x28A0, $0x38;
	[tilespmem:$0x8408] =	vst v63  }
0x16: {  	_ =	swait.ge [sflag:s10], $0x28A0  }
0x17: {  	[sflag:s10] =	ssyncset.done $0x0  }
0x18: {  	s7 =	simm.s32 $0x28A0;
	s24 =	rddreg [dreg:$0x5];
	[sflag:s10] =	ssyncadd.s32 $0xFFFFD760  }
0x19: {  	[tilespmem:s7], [sflag:$0xB] =	stream.linear.gather [hbm4b:s24+s3], $0x28A0, $0x38;
	[tilespmem:$0x8408] =	vst v63  }
0x1a: {  	_ =	swait.ge [sflag:s10], $0x28A0  }
0x1b: {  	[sflag:s10] =	ssyncset.done $0x0  }
0x1c: {  	[sflag:s10] =	ssyncadd.s32 $0xFFFFD760  }
0x1d: {  	[tilespmem:s13], [sflag:$0x1] =	stream.indirect.gather [hbm4b:s4+s12], $0x8, s3, s12, $0xb8;
	[tilespmem:$0x8408] =	vst v63  }
0x1e: {  	s7 =	simm.s32 $0x68  }
0x1f: {  	[tilespmem:s15], [sflag:$0x2] =	stream.indirect.gather [hbm4b:s4+s12], $0x8, s7, s12, $0xb8;
	[tilespmem:$0x8408] =	vst v63  }
0x20: {  	s8 =	simm.s32 $0xD0  }
0x21: {  	[tilespmem:s17], [sflag:$0x3] =	stream.indirect.gather [hbm4b:s4+s12], $0x8, s8, s12, $0xb8;
	[tilespmem:$0x8408] =	vst v63  }
0x22: {  	s9 =	simm.s32 $0x138  }
0x23: {  	[tilespmem:s19], [sflag:$0x4] =	stream.indirect.gather [hbm4b:s4+s12], $0x8, s9, s12, $0xb8;
	[tilespmem:$0x8408] =	vst v63  }
0x24: {  	s24 =	simm.s32 $0x1A0  }
0x25: {  	[tilespmem:s21], [sflag:$0x5] =	stream.indirect.gather [hbm4b:s4+s12], $0x8, s24, s12, $0xb8;
	[tilespmem:$0x8408] =	vst v63  }
0x26: {  	s7 =	simm.s32 $0x208  }
0x27: {  	[tilespmem:s23], [sflag:$0x6] =	stream.indirect.gather [hbm4b:s4+s12], $0x8, s7, s12, $0xb8;
	[tilespmem:$0x8408] =	vst v63  }
0x28: {  	s8 =	simm.s32 $0x270  }
0x29: {  	[tilespmem:s26], [sflag:$0x7] =	stream.indirect.gather [hbm4b:s4+s12], $0x8, s8, s12, $0xb8;
	[tilespmem:$0x8408] =	vst v63  }
0x2a: {  	s9 =	simm.s32 $0x2D8  }
0x2b: {  	[tilespmem:s29], [sflag:$0x8] =	stream.indirect.gather [hbm4b:s4+s12], $0x8, s9, s12, $0xb8;
	[tilespmem:$0x8408] =	vst v63  }
0x2c: {  	s24 =	simm.s32 $0x340;
	s8 =	stileid.u32  }
0x2d: {  	[tilespmem:s31], [sflag:$0x9] =	stream.indirect.gather [hbm4b:s4+s12], $0x8, s24, s12, $0xb8;
	[tilespmem:$0x8408] =	vst v63  }
0x2e: {  	s7 =	simm.s32 $0x3A8;
	s6 =	sshll.u32 s8, $0x6;
	s9 =	rddreg [dreg:$0x6]  }
0x2f: {  	[tilespmem:s11], [sflag:$0xA] =	stream.indirect.gather [hbm4b:s4+s12], $0x8, s7, s12, $0xb8;
	[tilespmem:$0x8408] =	vst v63  }
0x30: {  	s8 =	rddreg [dreg:$0x3];
	s6 =	sor.u32 $0x1C0B, s6;
	s7 =	sshrl.u32 s9, $0x3  }
0x31: {  	[spmem:s7], [sflag:s6] =	dma.local [hbm:s8], $0x271  }
0x32: {  	_ =	swait.ge [sflag:s10], $0x271  }
0x33: {  	[sflag:s10] =	ssyncset.done $0x0  }
0x34: {  	[sflag:s10] =	ssyncadd.s32 $0xFFFFFD8F  }
0x35: {  	[bflag:$0x0] =	sbarrier.arrive $0xFFFF  }
0x36: {  	_ =	swait.ge [sflag:s14], $0x320  }
0x37: {  	[sflag:s14] =	ssyncset.done $0x0  }
0x38: {  	s24 =	simm.s32 $0x28A0;
	[sflag:s14] =	ssyncadd.s32 $0xFFFFFCE0  }
0x39: {  	[spmem:s2] =	stream.indirect.scatter.add.f32 [tilespmem:s13], [sflag:$0xB], $0x8, s24, s12, $0xb8;
	[tilespmem:$0x8408] =	vst v63  }
0x3a: {  	_ =	swait.ge [sflag:s10], $0x320  }
0x3b: {  	[sflag:s10] =	ssyncset.done $0x0  }
0x3c: {  	s9 =	simm.s32 $0x410;
	[sflag:s10] =	ssyncadd.s32 $0xFFFFFCE0  }
0x3d: {  	[tilespmem:s13], [sflag:$0x1] =	stream.indirect.gather [hbm4b:s4+s12], $0x8, s9, s12, $0xb8;
	[tilespmem:$0x8408] =	vst v63  }
0x3e: {  	_ =	swait.ge [sflag:s16], $0x320  }
0x3f: {  	[sflag:s16] =	ssyncset.done $0x0  }
0x40: {  	s24 =	simm.s32 $0x2908;
	[sflag:s16] =	ssyncadd.s32 $0xFFFFFCE0  }
0x41: {  	[spmem:s2] =	stream.indirect.scatter.add.f32 [tilespmem:s15], [sflag:$0xB], $0x8, s24, s12, $0xb8;
	[tilespmem:$0x8408] =	vst v63  }
0x42: {  	_ =	swait.ge [sflag:s10], $0x320  }
0x43: {  	[sflag:s10] =	ssyncset.done $0x0  }
0x44: {  	s9 =	simm.s32 $0x478;
	[sflag:s10] =	ssyncadd.s32 $0xFFFFFCE0  }
0x45: {  	[tilespmem:s15], [sflag:$0x2] =	stream.indirect.gather [hbm4b:s4+s12], $0x8, s9, s12, $0xb8;
	[tilespmem:$0x8408] =	vst v63  }
0x46: {  	_ =	swait.ge [sflag:s18], $0x320  }
0x47: {  	[sflag:s18] =	ssyncset.done $0x0  }
0x48: {  	s24 =	simm.s32 $0x2970;
	[sflag:s18] =	ssyncadd.s32 $0xFFFFFCE0  }
0x49: {  	[spmem:s2] =	stream.indirect.scatter.add.f32 [tilespmem:s17], [sflag:$0xB], $0x8, s24, s12, $0xb8;
	[tilespmem:$0x8408] =	vst v63  }
0x4a: {  	_ =	swait.ge [sflag:s10], $0x320  }
0x4b: {  	[sflag:s10] =	ssyncset.done $0x0  }
0x4c: {  	s9 =	simm.s32 $0x4E0;
	[sflag:s10] =	ssyncadd.s32 $0xFFFFFCE0  }
0x4d: {  	[tilespmem:s17], [sflag:$0x3] =	stream.indirect.gather [hbm4b:s4+s12], $0x8, s9, s12, $0xb8;
	[tilespmem:$0x8408] =	vst v63  }
0x4e: {  	_ =	swait.ge [sflag:s20], $0x320  }
0x4f: {  	[sflag:s20] =	ssyncset.done $0x0  }
0x50: {  	s24 =	simm.s32 $0x29D8;
	[sflag:s20] =	ssyncadd.s32 $0xFFFFFCE0  }
0x51: {  	[spmem:s2] =	stream.indirect.scatter.add.f32 [tilespmem:s19], [sflag:$0xB], $0x8, s24, s12, $0xb8;
	[tilespmem:$0x8408] =	vst v63  }
0x52: {  	_ =	swait.ge [sflag:s10], $0x320  }
0x53: {  	[sflag:s10] =	ssyncset.done $0x0  }
0x54: {  	s9 =	simm.s32 $0x548;
	[sflag:s10] =	ssyncadd.s32 $0xFFFFFCE0  }
0x55: {  	[tilespmem:s19], [sflag:$0x4] =	stream.indirect.gather [hbm4b:s4+s12], $0x8, s9, s12, $0xb8;
	[tilespmem:$0x8408] =	vst v63  }
0x56: {  	_ =	swait.ge [sflag:s22], $0x320  }
0x57: {  	[sflag:s22] =	ssyncset.done $0x0  }
0x58: {  	s24 =	simm.s32 $0x2A40;
	[sflag:s22] =	ssyncadd.s32 $0xFFFFFCE0  }
0x59: {  	[spmem:s2] =	stream.indirect.scatter.add.f32 [tilespmem:s21], [sflag:$0xB], $0x8, s24, s12, $0xb8;
	[tilespmem:$0x8408] =	vst v63  }
0x5a: {  	_ =	swait.ge [sflag:s10], $0x320  }
0x5b: {  	[sflag:s10] =	ssyncset.done $0x0  }
0x5c: {  	s9 =	simm.s32 $0x5B0;
	[sflag:s10] =	ssyncadd.s32 $0xFFFFFCE0  }
0x5d: {  	[tilespmem:s21], [sflag:$0x5] =	stream.indirect.gather [hbm4b:s4+s12], $0x8, s9, s12, $0xb8;
	[tilespmem:$0x8408] =	vst v63  }
0x5e: {  	_ =	swait.ge [sflag:s1], $0x320  }
0x5f: {  	[sflag:s1] =	ssyncset.done $0x0  }
0x60: {  	s24 =	simm.s32 $0x2AA8;
	[sflag:s1] =	ssyncadd.s32 $0xFFFFFCE0  }
0x61: {  	[spmem:s2] =	stream.indirect.scatter.add.f32 [tilespmem:s23], [sflag:$0xB], $0x8, s24, s12, $0xb8;
	[tilespmem:$0x8408] =	vst v63  }
0x62: {  	_ =	swait.ge [sflag:s10], $0x320  }
0x63: {  	[sflag:s10] =	ssyncset.done $0x0  }
0x64: {  	s9 =	simm.s32 $0x618;
	[sflag:s10] =	ssyncadd.s32 $0xFFFFFCE0  }
0x65: {  	[tilespmem:s23], [sflag:$0x6] =	stream.indirect.gather [hbm4b:s4+s12], $0x8, s9, s12, $0xb8;
	[tilespmem:$0x8408] =	vst v63  }
0x66: {  	_ =	swait.ge [sflag:s25], $0x320  }
0x67: {  	[sflag:s25] =	ssyncset.done $0x0  }
0x68: {  	s24 =	simm.s32 $0x2B10;
	[sflag:s25] =	ssyncadd.s32 $0xFFFFFCE0  }
0x69: {  	[spmem:s2] =	stream.indirect.scatter.add.f32 [tilespmem:s26], [sflag:$0xB], $0x8, s24, s12, $0xb8;
	[tilespmem:$0x8408] =	vst v63  }
0x6a: {  	_ =	swait.ge [sflag:s10], $0x320  }
0x6b: {  	[sflag:s10] =	ssyncset.done $0x0  }
0x6c: {  	s9 =	simm.s32 $0x680;
	[sflag:s10] =	ssyncadd.s32 $0xFFFFFCE0  }
0x6d: {  	[tilespmem:s26], [sflag:$0x7] =	stream.indirect.gather [hbm4b:s4+s12], $0x8, s9, s12, $0xb8;
	[tilespmem:$0x8408] =	vst v63  }
0x6e: {  	_ =	swait.ge [sflag:s28], $0x320  }
0x6f: {  	[sflag:s28] =	ssyncset.done $0x0  }
0x70: {  	s24 =	simm.s32 $0x2B78;
	[sflag:s28] =	ssyncadd.s32 $0xFFFFFCE0  }
0x71: {  	[spmem:s2] =	stream.indirect.scatter.add.f32 [tilespmem:s29], [sflag:$0xB], $0x8, s24, s12, $0xb8;
	[tilespmem:$0x8408] =	vst v63  }
0x72: {  	_ =	swait.ge [sflag:s10], $0x320  }
0x73: {  	[sflag:s10] =	ssyncset.done $0x0  }
0x74: {  	s9 =	simm.s32 $0x6E8;
	[sflag:s10] =	ssyncadd.s32 $0xFFFFFCE0  }
0x75: {  	[tilespmem:s29], [sflag:$0x8] =	stream.indirect.gather [hbm4b:s4+s12], $0x8, s9, s12, $0xb8;
	[tilespmem:$0x8408] =	vst v63  }
0x76: {  	_ =	swait.ge [sflag:s30], $0x320  }
0x77: {  	[sflag:s30] =	ssyncset.done $0x0  }
0x78: {  	s24 =	simm.s32 $0x2BE0;
	[sflag:s30] =	ssyncadd.s32 $0xFFFFFCE0  }
0x79: {  	[spmem:s2] =	stream.indirect.scatter.add.f32 [tilespmem:s31], [sflag:$0xB], $0x8, s24, s12, $0xb8;
	[tilespmem:$0x8408] =	vst v63  }
0x7a: {  	_ =	swait.ge [sflag:s10], $0x320  }
0x7b: {  	[sflag:s10] =	ssyncset.done $0x0  }
0x7c: {  	s9 =	simm.s32 $0x750;
	[sflag:s10] =	ssyncadd.s32 $0xFFFFFCE0  }
0x7d: {  	[tilespmem:s31], [sflag:$0x9] =	stream.indirect.gather [hbm4b:s4+s12], $0x8, s9, s12, $0xb8;
	[tilespmem:$0x8408] =	vst v63  }
0x7e: {  	_ =	swait.ge [sflag:s0], $0x320  }
0x7f: {  	[sflag:s0] =	ssyncset.done $0x0  }
0x80: {  	s24 =	simm.s32 $0x2C48;
	[sflag:s0] =	ssyncadd.s32 $0xFFFFFCE0  }
0x81: {  	[spmem:s2] =	stream.indirect.scatter.add.f32 [tilespmem:s11], [sflag:$0xB], $0x8, s24, s12, $0xb8;
	[tilespmem:$0x8408] =	vst v63  }
0x82: {  	_ =	swait.ge [sflag:s10], $0x320  }
0x83: {  	[sflag:s10] =	ssyncset.done $0x0  }
0x84: {  	s8 =	simm.s32 $0x1040;
	s9 =	simm.s32 $0x7B8;
	[sflag:s10] =	ssyncadd.s32 $0xFFFFFCE0  }
.LBB2_2:
0x85: {  	[tilespmem:s11], [sflag:$0xA] =	stream.indirect.gather [hbm4b:s4+s12], $0x8, s9, s12, $0xb8;
	[tilespmem:$0x8408] =	vst v63  }
0x86: {  	s9 =	smov.u32 s8  }
0x87: {  	p0 =	sne.s32 s8, $0x8200;
	s8 =	sadd.s32 $0x1040, s8;
	_ =	swait.ge [sflag:s14], $0x320  }
0x88: {  	s9 =	sshra.s32 s9, $0x2;
	[sflag:s14] =	ssyncset.done $0x0  }
0x89: {  	s24 =	sadd.s32 $0x28A0, s9;
	[sflag:s14] =	ssyncadd.s32 $0xFFFFFCE0  }
0x8a: {  	[spmem:s2] =	stream.indirect.scatter.add.f32 [tilespmem:s13], [sflag:$0xB], $0x8, s24, s12, $0xb8;
	[tilespmem:$0x8408] =	vst v63  }
0x8b: {  	_ =	swait.ge [sflag:s10], $0x320  }
0x8c: {  	[sflag:s10] =	ssyncset.done $0x0  }
0x8d: {  	s24 =	sadd.s32 $0x410, s9;
	[sflag:s10] =	ssyncadd.s32 $0xFFFFFCE0  }
0x8e: {  	[tilespmem:s13], [sflag:$0x1] =	stream.indirect.gather [hbm4b:s4+s12], $0x8, s24, s12, $0xb8;
	[tilespmem:$0x8408] =	vst v63  }
0x8f: {  	_ =	swait.ge [sflag:s16], $0x320  }
0x90: {  	[sflag:s16] =	ssyncset.done $0x0  }
0x91: {  	s24 =	sadd.s32 $0x2908, s9;
	[sflag:s16] =	ssyncadd.s32 $0xFFFFFCE0  }
0x92: {  	[spmem:s2] =	stream.indirect.scatter.add.f32 [tilespmem:s15], [sflag:$0xB], $0x8, s24, s12, $0xb8;
	[tilespmem:$0x8408] =	vst v63  }
0x93: {  	_ =	swait.ge [sflag:s10], $0x320  }
0x94: {  	[sflag:s10] =	ssyncset.done $0x0  }
0x95: {  	s24 =	sadd.s32 $0x478, s9;
	[sflag:s10] =	ssyncadd.s32 $0xFFFFFCE0  }
0x96: {  	[tilespmem:s15], [sflag:$0x2] =	stream.indirect.gather [hbm4b:s4+s12], $0x8, s24, s12, $0xb8;
	[tilespmem:$0x8408] =	vst v63  }
0x97: {  	_ =	swait.ge [sflag:s18], $0x320  }
0x98: {  	[sflag:s18] =	ssyncset.done $0x0  }
0x99: {  	s24 =	sadd.s32 $0x2970, s9;
	[sflag:s18] =	ssyncadd.s32 $0xFFFFFCE0  }
0x9a: {  	[spmem:s2] =	stream.indirect.scatter.add.f32 [tilespmem:s17], [sflag:$0xB], $0x8, s24, s12, $0xb8;
	[tilespmem:$0x8408] =	vst v63  }
0x9b: {  	_ =	swait.ge [sflag:s10], $0x320  }
0x9c: {  	[sflag:s10] =	ssyncset.done $0x0  }
0x9d: {  	s24 =	sadd.s32 $0x4E0, s9;
	[sflag:s10] =	ssyncadd.s32 $0xFFFFFCE0  }
0x9e: {  	[tilespmem:s17], [sflag:$0x3] =	stream.indirect.gather [hbm4b:s4+s12], $0x8, s24, s12, $0xb8;
	[tilespmem:$0x8408] =	vst v63  }
0x9f: {  	_ =	swait.ge [sflag:s20], $0x320  }
0xa0: {  	[sflag:s20] =	ssyncset.done $0x0  }
0xa1: {  	s24 =	sadd.s32 $0x29D8, s9;
	[sflag:s20] =	ssyncadd.s32 $0xFFFFFCE0  }
0xa2: {  	[spmem:s2] =	stream.indirect.scatter.add.f32 [tilespmem:s19], [sflag:$0xB], $0x8, s24, s12, $0xb8;
	[tilespmem:$0x8408] =	vst v63  }
0xa3: {  	_ =	swait.ge [sflag:s10], $0x320  }
0xa4: {  	[sflag:s10] =	ssyncset.done $0x0  }
0xa5: {  	s24 =	sadd.s32 $0x548, s9;
	[sflag:s10] =	ssyncadd.s32 $0xFFFFFCE0  }
0xa6: {  	[tilespmem:s19], [sflag:$0x4] =	stream.indirect.gather [hbm4b:s4+s12], $0x8, s24, s12, $0xb8;
	[tilespmem:$0x8408] =	vst v63  }
0xa7: {  	_ =	swait.ge [sflag:s22], $0x320  }
0xa8: {  	[sflag:s22] =	ssyncset.done $0x0  }
0xa9: {  	s24 =	sadd.s32 $0x2A40, s9;
	[sflag:s22] =	ssyncadd.s32 $0xFFFFFCE0  }
0xaa: {  	[spmem:s2] =	stream.indirect.scatter.add.f32 [tilespmem:s21], [sflag:$0xB], $0x8, s24, s12, $0xb8;
	[tilespmem:$0x8408] =	vst v63  }
0xab: {  	_ =	swait.ge [sflag:s10], $0x320  }
0xac: {  	[sflag:s10] =	ssyncset.done $0x0  }
0xad: {  	s24 =	sadd.s32 $0x5B0, s9;
	[sflag:s10] =	ssyncadd.s32 $0xFFFFFCE0  }
0xae: {  	[tilespmem:s21], [sflag:$0x5] =	stream.indirect.gather [hbm4b:s4+s12], $0x8, s24, s12, $0xb8;
	[tilespmem:$0x8408] =	vst v63  }
0xaf: {  	_ =	swait.ge [sflag:s1], $0x320  }
0xb0: {  	[sflag:s1] =	ssyncset.done $0x0  }
0xb1: {  	s24 =	sadd.s32 $0x2AA8, s9;
	[sflag:s1] =	ssyncadd.s32 $0xFFFFFCE0  }
0xb2: {  	[spmem:s2] =	stream.indirect.scatter.add.f32 [tilespmem:s23], [sflag:$0xB], $0x8, s24, s12, $0xb8;
	[tilespmem:$0x8408] =	vst v63  }
0xb3: {  	_ =	swait.ge [sflag:s10], $0x320  }
0xb4: {  	[sflag:s10] =	ssyncset.done $0x0  }
0xb5: {  	s24 =	sadd.s32 $0x618, s9;
	[sflag:s10] =	ssyncadd.s32 $0xFFFFFCE0  }
0xb6: {  	[tilespmem:s23], [sflag:$0x6] =	stream.indirect.gather [hbm4b:s4+s12], $0x8, s24, s12, $0xb8;
	[tilespmem:$0x8408] =	vst v63  }
0xb7: {  	_ =	swait.ge [sflag:s25], $0x320  }
0xb8: {  	[sflag:s25] =	ssyncset.done $0x0  }
0xb9: {  	s24 =	sadd.s32 $0x2B10, s9;
	[sflag:s25] =	ssyncadd.s32 $0xFFFFFCE0  }
0xba: {  	[spmem:s2] =	stream.indirect.scatter.add.f32 [tilespmem:s26], [sflag:$0xB], $0x8, s24, s12, $0xb8;
	[tilespmem:$0x8408] =	vst v63  }
0xbb: {  	_ =	swait.ge [sflag:s10], $0x320  }
0xbc: {  	[sflag:s10] =	ssyncset.done $0x0  }
0xbd: {  	s24 =	sadd.s32 $0x680, s9;
	[sflag:s10] =	ssyncadd.s32 $0xFFFFFCE0  }
0xbe: {  	[tilespmem:s26], [sflag:$0x7] =	stream.indirect.gather [hbm4b:s4+s12], $0x8, s24, s12, $0xb8;
	[tilespmem:$0x8408] =	vst v63  }
0xbf: {  	_ =	swait.ge [sflag:s28], $0x320  }
0xc0: {  	[sflag:s28] =	ssyncset.done $0x0  }
0xc1: {  	s24 =	sadd.s32 $0x2B78, s9;
	[sflag:s28] =	ssyncadd.s32 $0xFFFFFCE0  }
0xc2: {  	[spmem:s2] =	stream.indirect.scatter.add.f32 [tilespmem:s29], [sflag:$0xB], $0x8, s24, s12, $0xb8;
	[tilespmem:$0x8408] =	vst v63  }
0xc3: {  	_ =	swait.ge [sflag:s10], $0x320  }
0xc4: {  	[sflag:s10] =	ssyncset.done $0x0  }
0xc5: {  	s24 =	sadd.s32 $0x6E8, s9;
	[sflag:s10] =	ssyncadd.s32 $0xFFFFFCE0  }
0xc6: {  	[tilespmem:s29], [sflag:$0x8] =	stream.indirect.gather [hbm4b:s4+s12], $0x8, s24, s12, $0xb8;
	[tilespmem:$0x8408] =	vst v63  }
0xc7: {  	_ =	swait.ge [sflag:s30], $0x320  }
0xc8: {  	[sflag:s30] =	ssyncset.done $0x0  }
0xc9: {  	s24 =	sadd.s32 $0x2BE0, s9;
	[sflag:s30] =	ssyncadd.s32 $0xFFFFFCE0  }
0xca: {  	[spmem:s2] =	stream.indirect.scatter.add.f32 [tilespmem:s31], [sflag:$0xB], $0x8, s24, s12, $0xb8;
	[tilespmem:$0x8408] =	vst v63  }
0xcb: {  	_ =	swait.ge [sflag:s10], $0x320  }
0xcc: {  	[sflag:s10] =	ssyncset.done $0x0  }
0xcd: {  	s24 =	sadd.s32 $0x750, s9;
	[sflag:s10] =	ssyncadd.s32 $0xFFFFFCE0  }
0xce: {  	[tilespmem:s31], [sflag:$0x9] =	stream.indirect.gather [hbm4b:s4+s12], $0x8, s24, s12, $0xb8;
	[tilespmem:$0x8408] =	vst v63  }
0xcf: {  	_ =	swait.ge [sflag:s0], $0x320  }
0xd0: {  	[sflag:s0] =	ssyncset.done $0x0  }
.Ltmp0:
0xd1: {  	s24 =	sadd.s32 $0x2C48, s9;
	[sflag:s0] =	ssyncadd.s32 $0xFFFFFCE0;
	(pc) =	sbr.rel @p0 .LBB2_2-.Ltmp0, $4  }
0xd2: {  	[spmem:s2] =	stream.indirect.scatter.add.f32 [tilespmem:s11], [sflag:$0xB], $0x8, s24, s12, $0xb8;
	[tilespmem:$0x8408] =	vst v63  }
0xd3: {  	_ =	swait.ge [sflag:s10], $0x320  }
0xd4: {  	[sflag:s10] =	ssyncset.done $0x0  }
0xd5: {  	s9 =	sadd.s32 $0x7B8, s9;
	[sflag:s10] =	ssyncadd.s32 $0xFFFFFCE0  }
0xd6: {  	[tilespmem:s11], [sflag:$0xA] =	stream.indirect.gather [hbm4b:s4+s12], $0x8, s9, s12, $0xb8;
	[tilespmem:$0x8408] =	vst v63  }
0xd7: {  	_ =	swait.ge [sflag:s14], $0x320  }
0xd8: {  	[sflag:s14] =	ssyncset.done $0x0  }
0xd9: {  	s8 =	simm.s32 $0x4D30;
	[sflag:s14] =	ssyncadd.s32 $0xFFFFFCE0  }
0xda: {  	[spmem:s2] =	stream.indirect.scatter.add.f32 [tilespmem:s13], [sflag:$0xB], $0x8, s8, s12, $0xb8;
	[tilespmem:$0x8408] =	vst v63  }
0xdb: {  	_ =	swait.ge [sflag:s10], $0x320  }
0xdc: {  	[sflag:s10] =	ssyncset.done $0x0  }
0xdd: {  	[sflag:s10] =	ssyncadd.s32 $0xFFFFFCE0  }
0xde: {  	_ =	swait.ge [sflag:s16], $0x320  }
0xdf: {  	[sflag:s16] =	ssyncset.done $0x0  }
0xe0: {  	s24 =	simm.s32 $0x4D98;
	[sflag:s16] =	ssyncadd.s32 $0xFFFFFCE0  }
0xe1: {  	[spmem:s2] =	stream.indirect.scatter.add.f32 [tilespmem:s15], [sflag:$0xB], $0x8, s24, s12, $0xb8;
	[tilespmem:$0x8408] =	vst v63  }
0xe2: {  	_ =	swait.ge [sflag:s10], $0x320  }
0xe3: {  	[sflag:s10] =	ssyncset.done $0x0  }
0xe4: {  	[sflag:s10] =	ssyncadd.s32 $0xFFFFFCE0  }
0xe5: {  	_ =	swait.ge [sflag:s18], $0x320  }
0xe6: {  	[sflag:s18] =	ssyncset.done $0x0  }
0xe7: {  	s9 =	simm.s32 $0x4E00;
	[sflag:s18] =	ssyncadd.s32 $0xFFFFFCE0  }
0xe8: {  	[spmem:s2] =	stream.indirect.scatter.add.f32 [tilespmem:s17], [sflag:$0xB], $0x8, s9, s12, $0xb8;
	[tilespmem:$0x8408] =	vst v63  }
0xe9: {  	_ =	swait.ge [sflag:s10], $0x320  }
0xea: {  	[sflag:s10] =	ssyncset.done $0x0  }
0xeb: {  	[sflag:s10] =	ssyncadd.s32 $0xFFFFFCE0  }
0xec: {  	_ =	swait.ge [sflag:s20], $0x320  }
0xed: {  	[sflag:s20] =	ssyncset.done $0x0  }
0xee: {  	s24 =	simm.s32 $0x4E68;
	[sflag:s20] =	ssyncadd.s32 $0xFFFFFCE0  }
0xef: {  	[spmem:s2] =	stream.indirect.scatter.add.f32 [tilespmem:s19], [sflag:$0xB], $0x8, s24, s12, $0xb8;
	[tilespmem:$0x8408] =	vst v63  }
0xf0: {  	_ =	swait.ge [sflag:s10], $0x320  }
0xf1: {  	[sflag:s10] =	ssyncset.done $0x0  }
0xf2: {  	[sflag:s10] =	ssyncadd.s32 $0xFFFFFCE0  }
0xf3: {  	_ =	swait.ge [sflag:s22], $0x320  }
0xf4: {  	[sflag:s22] =	ssyncset.done $0x0  }
0xf5: {  	s9 =	simm.s32 $0x4ED0;
	[sflag:s22] =	ssyncadd.s32 $0xFFFFFCE0  }
0xf6: {  	[spmem:s2] =	stream.indirect.scatter.add.f32 [tilespmem:s21], [sflag:$0xB], $0x8, s9, s12, $0xb8;
	[tilespmem:$0x8408] =	vst v63  }
0xf7: {  	_ =	swait.ge [sflag:s10], $0x320  }
0xf8: {  	[sflag:s10] =	ssyncset.done $0x0  }
0xf9: {  	[sflag:s10] =	ssyncadd.s32 $0xFFFFFCE0  }
0xfa: {  	_ =	swait.ge [sflag:s1], $0x320  }
0xfb: {  	[sflag:s1] =	ssyncset.done $0x0  }
0xfc: {  	s24 =	simm.s32 $0x4F38;
	[sflag:s1] =	ssyncadd.s32 $0xFFFFFCE0  }
0xfd: {  	[spmem:s2] =	stream.indirect.scatter.add.f32 [tilespmem:s23], [sflag:$0xB], $0x8, s24, s12, $0xb8;
	[tilespmem:$0x8408] =	vst v63  }
0xfe: {  	_ =	swait.ge [sflag:s10], $0x320  }
0xff: {  	[sflag:s10] =	ssyncset.done $0x0  }
0x100: {  	[sflag:s10] =	ssyncadd.s32 $0xFFFFFCE0  }
0x101: {  	_ =	swait.ge [sflag:s25], $0x320  }
0x102: {  	[sflag:s25] =	ssyncset.done $0x0  }
0x103: {  	s9 =	simm.s32 $0x4FA0;
	[sflag:s25] =	ssyncadd.s32 $0xFFFFFCE0  }
0x104: {  	[spmem:s2] =	stream.indirect.scatter.add.f32 [tilespmem:s26], [sflag:$0xB], $0x8, s9, s12, $0xb8;
	[tilespmem:$0x8408] =	vst v63  }
0x105: {  	_ =	swait.ge [sflag:s10], $0x320  }
0x106: {  	[sflag:s10] =	ssyncset.done $0x0  }
0x107: {  	[sflag:s10] =	ssyncadd.s32 $0xFFFFFCE0  }
0x108: {  	_ =	swait.ge [sflag:s28], $0x320  }
0x109: {  	[sflag:s28] =	ssyncset.done $0x0  }
0x10a: {  	s24 =	simm.s32 $0x5008;
	[sflag:s28] =	ssyncadd.s32 $0xFFFFFCE0  }
0x10b: {  	[spmem:s2] =	stream.indirect.scatter.add.f32 [tilespmem:s29], [sflag:$0xB], $0x8, s24, s12, $0xb8;
	[tilespmem:$0x8408] =	vst v63  }
0x10c: {  	_ =	swait.ge [sflag:s10], $0x320  }
0x10d: {  	[sflag:s10] =	ssyncset.done $0x0  }
0x10e: {  	[sflag:s10] =	ssyncadd.s32 $0xFFFFFCE0  }
0x10f: {  	_ =	swait.ge [sflag:s30], $0x320  }
0x110: {  	[sflag:s30] =	ssyncset.done $0x0  }
0x111: {  	s9 =	simm.s32 $0x5070;
	[sflag:s30] =	ssyncadd.s32 $0xFFFFFCE0  }
0x112: {  	[spmem:s2] =	stream.indirect.scatter.add.f32 [tilespmem:s31], [sflag:$0xB], $0x8, s9, s12, $0xb8;
	[tilespmem:$0x8408] =	vst v63  }
0x113: {  	_ =	swait.ge [sflag:s10], $0x320  }
0x114: {  	[sflag:s10] =	ssyncset.done $0x0  }
0x115: {  	[sflag:s10] =	ssyncadd.s32 $0xFFFFFCE0  }
0x116: {  	_ =	swait.ge [sflag:s0], $0x320  }
0x117: {  	[sflag:s0] =	ssyncset.done $0x0  }
0x118: {  	s24 =	simm.s32 $0x50D8;
	[sflag:s0] =	ssyncadd.s32 $0xFFFFFCE0  }
0x119: {  	[spmem:s2] =	stream.indirect.scatter.add.f32 [tilespmem:s11], [sflag:$0xB], $0x8, s24, s12, $0xb8;
	[tilespmem:$0x8408] =	vst v63  }
0x11a: {  	_ =	swait.ge [sflag:s10], $0x320  }
0x11b: {  	[sflag:s10] =	ssyncset.done $0x0  }
0x11c: {  	[sflag:s10] =	ssyncadd.s32 $0xFFFFFCE0  }
0x11d: {  	[bflag:$0x0] =	sbarrier.arrive $0xFFFF  }
0x11e: {  	s9 =	rddreg [dreg:$0x8]  }
0x11f: {  	[hbm:s9], [sflag:s6] =	dma.local [spmem:s7], $0x271  }
0x120: {  	_ =	swait.ge [sflag:s10], $0x271  }
0x121: {  	s5 =	sadd.s32 $0x1, s5;
	s24 =	rddreg [dreg:$0x7]  }
0x122: {  	p0 =	sne.s32 s5, s24  }
.Ltmp1:
0x123: {  	_ = 	snop;
	(pc) =	sbr.rel @p0 .LBB2_1-.Ltmp1, $3  }
0x124: {  	_ =	sdelay $0x1  }
0x125: {  	[sflag:s10] =	ssyncset.done $0x0  }
0x126: {  	[sflag:s10] =	ssyncadd.s32 $0xFFFFFD8F  }
0x127: {  	_ =	sfence.sel $0x180000  }
0x128: {  	[bflag:$0x0] =	sbarrier.arrive $0xFFFF  }
0x129: {  	_ =	strace $0x90000050  }
0x12a: {  	s0 =	stileid.u32;
	[bflag:$0x2] =	sbarrier.arrive $0xFFFF  }
0x12b: {  	p0 =	sne.s32 s0, $0x0;
	s0 =	rddreg [dreg:$0x2]  }
0x12c: {  	s0 =	sadd.s32 @!p0 $0x100000, s0  }
0x12d: {  	[sflag:s0] =	ssyncadd.tile.s32 @!p0 $0x1;
	_ =	shalt  }
.Lfunc_end2:
_tile_overlayer_lowered:
.L_overlay_start_2:
0x12e: {  	(tag) =	ssettag $0x2  }
0x12f: {  	s0 =	rddreg [dreg:$0x0];
	s2 =	stileid.u32  }
0x130: {  	s1 =	rddreg [dreg:$0x1];
	p0 =	sne.s32 s2, $0x0  }
0x131: {  	s3 =	rddreg [dreg:$0x2];
	[bflag:$0x3] =	sbarrier.arrive $0xFFFF;
	s2 =	simm.s32 @!p0 $0x1C0B  }
0x132: {  	[timem:s3], [sflag:s2] =	dma.local @!p0 [hbm:s0], s1  }
0x133: {  	s0 =	simm.s32 @!p0 $0xB  }
0x134: {  	_ =	swait.ge @!p0 [sflag:s0], s1  }
0x135: {  	s1 =	ssub.s32 @!p0 $0x0, s1;
	[sflag:s0] =	ssyncset.done @!p0 $0x0  }
0x136: {  	[sflag:s0] =	ssyncadd.s32 @!p0 s1  }
0x137: {  	[bflag:$0x3] =	sbarrier.arrive $0xFFFF  }
0x138: {  	_ =	shalt  }

</sc_bundles>
